<compile_context>
chip_gen: v7x
topology: tpu7x:2x2x1
jax: 0.10.2.dev20260603
libtpu: 0.0.44.dev20260713+nightly
codegen_flags: <defaults>
</compile_context>

<pallas_src>
import functools

import jax
import jax.numpy as jnp
from jax import lax
from jax.experimental import pallas as pl
from jax.experimental.pallas import tpu as pltpu
from jax.experimental.pallas import tpu_sc as plsc

NC = 2
NS = 16
NW = NC * NS
L = 16



def _mm2_body(x_ref, ws_ref, wn_ref, w2s_ref, w2n_ref, b2_ref, wc_ref, bc_ref,
              z_ref, m_ref, p_ref):
  x = x_ref[...]
  n = x.shape[0]
  z_ref[0:n] = jnp.dot(x, ws_ref[...], preferred_element_type=jnp.float32)
  z_ref[n:] = jnp.zeros((z_ref.shape[0] - n, z_ref.shape[1]), jnp.float32)
  m_ref[...] = jnp.dot(x, wn_ref[...], preferred_element_type=jnp.float32)
  wct = wc_ref[...].reshape(2, 128)
  w2s = w2s_ref[...]
  w2n = w2n_ref[...]
  psu = jnp.dot(w2s, wct[0], preferred_element_type=jnp.float32)
  psv = jnp.dot(w2s, wct[1], preferred_element_type=jnp.float32)
  pnu = jnp.dot(w2n, wct[0], preferred_element_type=jnp.float32)
  pnv = jnp.dot(w2n, wct[1], preferred_element_type=jnp.float32)
  k = jnp.sum(b2_ref[0] * (wct[0] + wct[1])) + bc_ref[0, 0]

  def spl(vec):
    return jnp.broadcast_to(vec[:, None], (16, 16))
  p_ref[...] = jnp.concatenate(
      [spl(psu), spl(psv), spl(pnu), spl(pnv),
       jnp.full((1, 16), 1.0, jnp.float32) * k,
       jnp.zeros((7, 16), jnp.float32)], axis=0)



def _edge_pass(ei3, n_pad, table=None, x1_in=None, with_deg=False):
  ch_r, ch_c = ei3.shape[2], ei3.shape[3]
  stripe = n_pad // NS
  mesh = plsc.VectorSubcoreMesh(core_axis_name="c", subcore_axis_name="s")

  nb = 10
  lag = 5
  assert ch_r % nb == 0 and ch_r >= nb

  out_type = [jax.ShapeDtypeStruct((NC, n_pad, L), jnp.float32)]
  scratch = [
      pltpu.VMEM((ch_r, ch_c), jnp.int32),
      pltpu.VMEM((ch_r, ch_c), jnp.int32),
      pltpu.VMEM((nb, ch_c, L), jnp.float32),
      pltpu.VMEM((stripe, L), jnp.float32),
      pltpu.VMEM_SHARED((n_pad, L), jnp.float32),
      pltpu.SemaphoreType.DMA((nb,)),
      pltpu.SemaphoreType.DMA((nb,)),
  ]
  if with_deg:
    out_type.append(jax.ShapeDtypeStruct((NC, n_pad, L), jnp.float32))
    scratch.append(pltpu.VMEM((ch_c, L), jnp.float32))
    scratch.append(pltpu.VMEM_SHARED((n_pad, L), jnp.float32))
    scratch.append(pltpu.SemaphoreType.DMA((nb,)))
  if x1_in is not None:
    out_type.append(jax.ShapeDtypeStruct((n_pad, L), jnp.float32))
    scratch.append(pltpu.VMEM((stripe, L), jnp.float32))
    scratch.append(pltpu.VMEM((stripe, L), jnp.float32))
    scratch.append(pltpu.VMEM((stripe, L), jnp.float32))
    scratch.append(pltpu.VMEM((stripe, L), jnp.float32))
    scratch.append(pltpu.VMEM((L,), jnp.float32))
    scratch.append(pltpu.VMEM_SHARED((n_pad, L), jnp.float32))

  def body(*refs):
    it = iter(refs)
    ei_h = next(it)
    if x1_in is not None:
      z_h, s1_h, dg_h, b1_h = next(it), next(it), next(it), next(it)
    else:
      tab_h = next(it)
    sum_h = next(it)
    if with_deg:
      deg_h = next(it)
    if x1_in is not None:
      x1_h = next(it)
    src_v, dst_v, rows_v, stripe_v, acc_s, gsem, ssem = (
        next(it), next(it), next(it), next(it), next(it), next(it), next(it))
    if with_deg:
      ones_v, dacc_s, osem = next(it), next(it), next(it)
    if x1_in is not None:
      abuf, bbuf, dabuf, dbbuf, b1v, tab_s = (
          next(it), next(it), next(it), next(it), next(it), next(it))
    cid = lax.axis_index("c")
    sid = lax.axis_index("s")
    wid = sid * NC + cid
    sl = pl.ds(sid * stripe, stripe)

    def zrow(i, carry):
      stripe_v[i] = jnp.zeros((L,), jnp.float32)
      return carry
    lax.fori_loop(0, stripe, zrow, 0)
    pltpu.sync_copy(stripe_v, acc_s.at[sl])
    if with_deg:
      pltpu.sync_copy(stripe_v, dacc_s.at[sl])

      def orow(i, carry):
        ones_v[i] = jnp.ones((L,), jnp.float32)
        return carry
      lax.fori_loop(0, ch_c, orow, 0)

    pltpu.sync_copy(ei_h.at[0, wid], src_v)
    pltpu.sync_copy(ei_h.at[1, wid], dst_v)

    if x1_in is not None:
      pltpu.sync_copy(z_h.at[sl], stripe_v)
      pltpu.sync_copy(s1_h.at[0, sl], abuf)
      pltpu.sync_copy(s1_h.at[1, sl], bbuf)
      pltpu.sync_copy(dg_h.at[0, sl], dabuf)
      pltpu.sync_copy(dg_h.at[1, sl], dbbuf)
      pltpu.sync_copy(b1_h, b1v)
      b1vec = b1v[...]

      def xrow(i, carry):
        s = abuf[i] + bbuf[i]
        d = jnp.maximum(dabuf[i] + dbbuf[i], 1.0)
        stripe_v[i] = jnp.maximum(stripe_v[i] + s / d + b1vec, 0.0)
        return carry
      lax.fori_loop(0, stripe, xrow, 0)
      pltpu.sync_copy(stripe_v, tab_s.at[sl])

      @pl.when(cid == 0)
      def _():
        pltpu.sync_copy(stripe_v, x1_h.at[sl])
      plsc.subcore_barrier()
      tab = tab_s
    else:
      tab = tab_h

    for b in range(nb):
      pltpu.async_copy(tab.at[src_v.at[b]], rows_v.at[b], gsem.at[b])
    if x1_in is None:
      plsc.subcore_barrier()

    def group(g, carry):
      for b in range(nb):
        j = g * nb + b
        pltpu.make_async_copy(tab.at[src_v.at[j]], rows_v.at[b],
                              gsem.at[b]).wait()
        pltpu.async_copy(rows_v.at[b], acc_s.at[dst_v.at[j]], ssem.at[b],
                         add=True)
        if with_deg:
          pltpu.async_copy(ones_v, dacc_s.at[dst_v.at[j]], osem.at[b],
                           add=True)
        sd = j - lag
        bd = (b - lag) % nb

        @pl.when(sd >= 0)
        def _():
          pltpu.make_async_copy(rows_v.at[bd], acc_s.at[dst_v.at[0]],
                                ssem.at[bd]).wait()
          if with_deg:
            pltpu.make_async_copy(ones_v, dacc_s.at[dst_v.at[0]],
                                  osem.at[bd]).wait()
          jg = sd + nb

          @pl.when(jg < ch_r)
          def _():
            pltpu.async_copy(tab.at[src_v.at[jg]], rows_v.at[bd],
                             gsem.at[bd])
      return carry
    lax.fori_loop(0, ch_r // nb, group, 0)

    for t in range(lag):
      bd = (ch_r - lag + t) % nb
      pltpu.make_async_copy(rows_v.at[bd], acc_s.at[dst_v.at[0]],
                            ssem.at[bd]).wait()
      if with_deg:
        pltpu.make_async_copy(ones_v, dacc_s.at[dst_v.at[0]],
                              osem.at[bd]).wait()

    plsc.subcore_barrier()
    pltpu.sync_copy(acc_s.at[sl], stripe_v)
    pltpu.sync_copy(stripe_v, sum_h.at[cid, sl])
    if with_deg:
      pltpu.sync_copy(dacc_s.at[sl], stripe_v)
      pltpu.sync_copy(stripe_v, deg_h.at[cid, sl])

  run = pl.kernel(body, out_type=out_type, mesh=mesh, scratch_types=scratch,
                  compiler_params=pltpu.CompilerParams(
                      use_tc_tiling_on_sc=False))
  if x1_in is not None:
    return run(ei3, *x1_in)
  return run(ei3, table)


def _uv_body(x1_ref, s_ref, d_ref, ws_ref, wn_ref, b2_ref, wc_ref, bc_ref,
             o_ref):
  n = o_ref.shape[0]
  x1 = x1_ref[0:n]
  deg = jnp.maximum(d_ref[0, :n] + d_ref[1, :n], 1.0)
  agg = (s_ref[0, :n] + s_ref[1, :n]) / deg
  wct = wc_ref[...].reshape(2, 128).T
  ps = jnp.dot(ws_ref[...], wct, preferred_element_type=jnp.float32)
  pn = jnp.dot(wn_ref[...], wct, preferred_element_type=jnp.float32)
  base = jnp.dot(b2_ref[...], wct, preferred_element_type=jnp.float32)
  base = base + jnp.concatenate([bc_ref[...], jnp.zeros((1, 1), jnp.float32)],
                                axis=1)
  o_ref[...] = (jnp.dot(x1, ps, preferred_element_type=jnp.float32)
                + jnp.dot(agg, pn, preferred_element_type=jnp.float32)
                + base)


def _pair_gather(uv, a1, a2, b):
  n = uv.shape[0]
  bw = b // NW
  mesh = plsc.VectorSubcoreMesh(core_axis_name="c", subcore_axis_name="s")

  def body(uv_h, a1_h, a2_h, out_h, uv_v, a1_v, a2_v, res_v):
    cid = lax.axis_index("c")
    sid = lax.axis_index("s")
    wid = sid * NC + cid
    base = wid * bw
    pltpu.sync_copy(uv_h, uv_v)
    pltpu.sync_copy(a1_h.at[pl.ds(base, bw)], a1_v)
    pltpu.sync_copy(a2_h.at[pl.ds(base, bw)], a2_v)
    col0 = jnp.zeros((L,), jnp.int32)
    col1 = col0 + 1

    def step(j, carry):
      i1 = a1_v[pl.ds(j * L, L)]
      i2 = a2_v[pl.ds(j * L, L)]
      g1 = plsc.load_gather(uv_v, [i1, col0])
      g2 = plsc.load_gather(uv_v, [i2, col1])
      res_v[pl.ds(j * L, L)] = g1 + g2
      return carry
    lax.fori_loop(0, bw // L, step, 0)
    pltpu.sync_copy(res_v, out_h.at[pl.ds(base, bw)])

  run = pl.kernel(
      body,
      out_type=[jax.ShapeDtypeStruct((b,), jnp.float32)],
      mesh=mesh,
      scratch_types=[
          pltpu.VMEM((n, 2), jnp.float32),
          pltpu.VMEM((bw,), jnp.int32),
          pltpu.VMEM((bw,), jnp.int32),
          pltpu.VMEM((bw,), jnp.float32),
      ],
      compiler_params=pltpu.CompilerParams(use_tc_tiling_on_sc=False,
                                           needs_layout_passes=False),
  )
  (out,) = run(uv, a1, a2)
  return out



def kernel(vector_tensor, edge_index_tensor, article1_idx, article2_idx,
           W1_self, W1_neigh, b1, W2_self, W2_neigh, b2, Wc, bc):
  n, d = vector_tensor.shape
  e = edge_index_tensor.shape[1]
  h = W1_self.shape[1]
  b = article1_idx.shape[0]
  ew = e // NW
  ch_c = 100
  ch_r = ew // ch_c
  n_pad = ((n + 16 * NS - 1) // (16 * NS)) * (16 * NS)

  ei3 = edge_index_tensor.astype(jnp.int32).reshape(2, NW, ch_r, ch_c)
  a1 = article1_idx.astype(jnp.int32)
  a2 = article2_idx.astype(jnp.int32)

  z, m1, pmat = pl.pallas_call(
      _mm2_body,
      out_shape=[jax.ShapeDtypeStruct((n_pad, h), jnp.float32),
                 jax.ShapeDtypeStruct((n, h), jnp.float32),
                 jax.ShapeDtypeStruct((72, h), jnp.float32)],
  )(vector_tensor, W1_self, W1_neigh, W2_self, W2_neigh,
    b2.reshape(1, d), Wc, bc.reshape(1, 1))

  s1, degp = _edge_pass(ei3, n_pad, table=m1, with_deg=True)

  s2, x1 = _edge_pass(ei3, n_pad, x1_in=(z, s1, degp, b1), with_deg=False)

  uv = pl.pallas_call(
      _uv_body,
      out_shape=jax.ShapeDtypeStruct((n, 2), jnp.float32),
  )(x1, s2, degp, W2_self, W2_neigh, b2.reshape(1, d), Wc,
    bc.reshape(1, 1))

  logits = _pair_gather(uv, a1, a2, b)
  return logits.reshape(b, 1)

# --- scband reference (transcript-rebuilt; emitter-appended) ---
"""Pipeline reference for scband-no-cross-sageencoder-model-44504451121589 (READ-ONLY COPY).

The authoritative reference and input builder live on the scoring server;
editing this copy changes nothing except your own understanding.
"""

import jax, jax.numpy as jnp
import numpy as np

N = 10000
E = 320000
D = 128
H = 16
B = 4096


def setup_inputs(seed: int = 0) -> dict:
    key = jax.random.key(seed)
    ks = jax.random.split(key, 12)
    vector_tensor = jax.random.normal(ks[0], (N, D), dtype=jnp.float32)
    edge_index_tensor = jax.random.randint(ks[1], (2, E), 0, N, dtype=jnp.int64)
    article1_idx = jax.random.randint(ks[2], (B,), 0, N, dtype=jnp.int64)
    article2_idx = jax.random.randint(ks[3], (B,), 0, N, dtype=jnp.int64)
    # SAGEConv1: in=D, out=H ; SAGEConv2: in=H, out=D ; classifier: 2*D -> 1
    W1_self = jax.random.normal(ks[4], (D, H), dtype=jnp.float32) * (1.0 / np.sqrt(D))
    W1_neigh = jax.random.normal(ks[5], (D, H), dtype=jnp.float32) * (1.0 / np.sqrt(D))
    b1 = jnp.zeros((H,), dtype=jnp.float32)
    W2_self = jax.random.normal(ks[6], (H, D), dtype=jnp.float32) * (1.0 / np.sqrt(H))
    W2_neigh = jax.random.normal(ks[7], (H, D), dtype=jnp.float32) * (1.0 / np.sqrt(H))
    b2 = jnp.zeros((D,), dtype=jnp.float32)
    Wc = jax.random.normal(ks[8], (2 * D, 1), dtype=jnp.float32) * (1.0 / np.sqrt(2 * D))
    bc = jnp.zeros((1,), dtype=jnp.float32)
    return {
        "vector_tensor": vector_tensor,
        "edge_index_tensor": edge_index_tensor,
        "article1_idx": article1_idx,
        "article2_idx": article2_idx,
        "W1_self": W1_self, "W1_neigh": W1_neigh, "b1": b1,
        "W2_self": W2_self, "W2_neigh": W2_neigh, "b2": b2,
        "Wc": Wc, "bc": bc,
    }


def _sage_conv(x, edge_index, W_self, W_neigh, b):
    # PyG SAGEConv with mean aggregation: out_i = W_self x_i + W_neigh * mean_{j->i} x_j + b
    src = edge_index[0]
    dst = edge_index[1]
    n = x.shape[0]
    msg = jnp.take(x, src, axis=0)
    agg = jax.ops.segment_sum(msg, dst, num_segments=n)
    deg = jax.ops.segment_sum(jnp.ones((src.shape[0],), dtype=x.dtype), dst, num_segments=n)
    agg = agg / jnp.maximum(deg, 1.0)[:, None]
    return x @ W_self + agg @ W_neigh + b


def reference(vector_tensor, edge_index_tensor, article1_idx, article2_idx,
              W1_self, W1_neigh, b1, W2_self, W2_neigh, b2, Wc, bc):
    x = _sage_conv(vector_tensor, edge_index_tensor, W1_self, W1_neigh, b1)
    x = jax.nn.relu(x)
    x = _sage_conv(x, edge_index_tensor, W2_self, W2_neigh, b2)
    combined = jnp.concatenate([jnp.take(x, article1_idx, axis=0),
                                jnp.take(x, article2_idx, axis=0)], axis=1)
    logits = combined @ Wc + bc
    return logits

if __name__ == "__main__":
    import jax
    _d = setup_inputs()
    print(jax.jit(kernel)(*tuple(_d.values())))

</pallas_src>

<mosaic_0001>
#map = affine_map<(d0, d1) -> (0, 0)>
#map1 = affine_map<(d0, d1) -> (0)>
module attributes {stable_mosaic.version = 14 : i64} {
  func.func @body(%arg0: i32, %arg1: i32, %arg2: memref<10000x2xf32, #tpu.memory_space<hbm>>, %arg3: memref<4096xi32, #tpu.memory_space<hbm>>, %arg4: memref<4096xi32, #tpu.memory_space<hbm>>, %arg5: memref<4096xf32, #tpu.memory_space<hbm>>, %arg6: memref<10000x2xf32, #tpu.memory_space<vmem>>, %arg7: memref<128xi32, #tpu.memory_space<vmem>>, %arg8: memref<128xi32, #tpu.memory_space<vmem>>, %arg9: memref<128xf32, #tpu.memory_space<vmem>>) attributes {dimension_semantics = [#tpu.dimension_semantics<core_parallel>, #tpu.dimension_semantics<subcore_parallel>], iteration_bounds = array<i64: 2, 16>, scalar_prefetch = 0 : i64, scratch_operands = 4 : i64, tpu.core_type = #tpu.core_type<sc_vector_subcore>, window_params = [{transform_indices = #map}, {transform_indices = #map1}, {transform_indices = #map1}, {transform_indices = #map1}]} {
    %mul3A = arith.constant 2 : i32
    %mul3A_0 = arith.muli %arg1, %mul3A : i32
    %add3A = arith.addi %mul3A_0, %arg0 : i32
    %mul3A_1 = arith.constant 128 : i32
    %mul3A_2 = arith.muli %add3A, %mul3A_1 : i32
    "tpu.region"() ({
      %run_scoped3A = tpu.sem_alloc : memref<!tpu.dma_semaphore, #tpu.memory_space<semaphore_mem>>
      tpu.enqueue_dma source(%arg2 : memref<10000x2xf32, #tpu.memory_space<hbm>>) target(%arg6 : memref<10000x2xf32, #tpu.memory_space<vmem>>) target_semaphore(%run_scoped3A : memref<!tpu.dma_semaphore, #tpu.memory_space<semaphore_mem>>)
      tpu.wait_dma2 semaphore(%run_scoped3A : memref<!tpu.dma_semaphore, #tpu.memory_space<semaphore_mem>>) src(%arg2 : memref<10000x2xf32, #tpu.memory_space<hbm>>) dst(%arg6 : memref<10000x2xf32, #tpu.memory_space<vmem>>)
      tpu.yield
    }) : () -> ()
    "tpu.region"() ({
      %run_scoped3A = tpu.sem_alloc : memref<!tpu.dma_semaphore, #tpu.memory_space<semaphore_mem>>
      %dma_start3A = tpu.memref_slice %arg3[%mul3A_2] : memref<4096xi32, #tpu.memory_space<hbm>> -> memref<128xi32, #tpu.memory_space<hbm>>
      %dma_start3A_12 = tpu.memref_slice %arg3[%mul3A_2] : memref<4096xi32, #tpu.memory_space<hbm>> -> memref<128xi32, #tpu.memory_space<hbm>>
      tpu.enqueue_dma source(%dma_start3A_12 : memref<128xi32, #tpu.memory_space<hbm>>) target(%arg7 : memref<128xi32, #tpu.memory_space<vmem>>) target_semaphore(%run_scoped3A : memref<!tpu.dma_semaphore, #tpu.memory_space<semaphore_mem>>)
      %dma_wait3A = tpu.memref_slice %arg3[%mul3A_2] : memref<4096xi32, #tpu.memory_space<hbm>> -> memref<128xi32, #tpu.memory_space<hbm>>
      %dma_wait3A_13 = tpu.memref_slice %arg3[%mul3A_2] : memref<4096xi32, #tpu.memory_space<hbm>> -> memref<128xi32, #tpu.memory_space<hbm>>
      tpu.wait_dma2 semaphore(%run_scoped3A : memref<!tpu.dma_semaphore, #tpu.memory_space<semaphore_mem>>) src(%dma_wait3A_13 : memref<128xi32, #tpu.memory_space<hbm>>) dst(%arg7 : memref<128xi32, #tpu.memory_space<vmem>>)
      tpu.yield
    }) : () -> ()
    "tpu.region"() ({
      %run_scoped3A = tpu.sem_alloc : memref<!tpu.dma_semaphore, #tpu.memory_space<semaphore_mem>>
      %dma_start3A = tpu.memref_slice %arg4[%mul3A_2] : memref<4096xi32, #tpu.memory_space<hbm>> -> memref<128xi32, #tpu.memory_space<hbm>>
      %dma_start3A_12 = tpu.memref_slice %arg4[%mul3A_2] : memref<4096xi32, #tpu.memory_space<hbm>> -> memref<128xi32, #tpu.memory_space<hbm>>
      tpu.enqueue_dma source(%dma_start3A_12 : memref<128xi32, #tpu.memory_space<hbm>>) target(%arg8 : memref<128xi32, #tpu.memory_space<vmem>>) target_semaphore(%run_scoped3A : memref<!tpu.dma_semaphore, #tpu.memory_space<semaphore_mem>>)
      %dma_wait3A = tpu.memref_slice %arg4[%mul3A_2] : memref<4096xi32, #tpu.memory_space<hbm>> -> memref<128xi32, #tpu.memory_space<hbm>>
      %dma_wait3A_13 = tpu.memref_slice %arg4[%mul3A_2] : memref<4096xi32, #tpu.memory_space<hbm>> -> memref<128xi32, #tpu.memory_space<hbm>>
      tpu.wait_dma2 semaphore(%run_scoped3A : memref<!tpu.dma_semaphore, #tpu.memory_space<semaphore_mem>>) src(%dma_wait3A_13 : memref<128xi32, #tpu.memory_space<hbm>>) dst(%arg8 : memref<128xi32, #tpu.memory_space<vmem>>)
      tpu.yield
    }) : () -> ()
    %broadcast_in_dim3A = arith.constant 0 : i32
    %broadcast_in_dim3A_3 = vector.broadcast %broadcast_in_dim3A : i32 to vector<16xi32>
    %add3A_4 = arith.constant 1 : i32
    %add3A_5 = vector.broadcast %add3A_4 : i32 to vector<16xi32>
    %add3A_6 = arith.addi %broadcast_in_dim3A_3, %add3A_5 : vector<16xi32>
    %scan3A = arith.constant 0 : i32
    %scan3A_7 = arith.constant 0 : i32
    %scan3A_8 = arith.constant 8 : i32
    %scan3A_9 = arith.addi %scan3A_7, %scan3A_8 : i32
    %scan3A_10 = arith.constant 1 : i32
    scf.for %scan3A_12 = %scan3A_7 to %scan3A_9 step %scan3A_10  : i32 {
      %mul3A_13 = arith.constant 16 : i32
      %mul3A_14 = arith.muli %scan3A_12, %mul3A_13 : i32
      %get3A = arith.index_cast %mul3A_14 : i32 to index
      %get3A_15 = tpu.vector_load %arg7[%get3A] {strides = array<i32>} : memref<128xi32, #tpu.memory_space<vmem>>, vector<16xi32>,
      %mul3A_16 = arith.constant 16 : i32
      %mul3A_17 = arith.muli %scan3A_12, %mul3A_16 : i32
      %get3A_18 = arith.index_cast %mul3A_17 : i32 to index
      %get3A_19 = tpu.vector_load %arg8[%get3A_18] {strides = array<i32>} : memref<128xi32, #tpu.memory_space<vmem>>, vector<16xi32>,
      %gather3A = tpu.vector_load_idx %arg6[%get3A_15, %broadcast_in_dim3A_3] : memref<10000x2xf32, #tpu.memory_space<vmem>>[vector<16xi32>, vector<16xi32>], vector<16xf32>,
      %gather3A_20 = tpu.vector_load_idx %arg6[%get3A_19, %add3A_6] : memref<10000x2xf32, #tpu.memory_space<vmem>>[vector<16xi32>, vector<16xi32>], vector<16xf32>,
      %add3A_21 = arith.addf %gather3A, %gather3A_20 : vector<16xf32>
      %mul3A_22 = arith.constant 16 : i32
      %mul3A_23 = arith.muli %scan3A_12, %mul3A_22 : i32
      %swap3A = arith.index_cast %mul3A_23 : i32 to index
      %swap3A_24 = tpu.vector_load %arg9[%swap3A] {strides = array<i32>} : memref<128xf32, #tpu.memory_space<vmem>>, vector<16xf32>,
      tpu.vector_store %arg9[%swap3A], %add3A_21 {strides = array<i32>} : memref<128xf32, #tpu.memory_space<vmem>>, vector<16xf32>,
    }
    %scan3A_11 = arith.constant 8 : i32
    "tpu.region"() ({
      %run_scoped3A = tpu.sem_alloc : memref<!tpu.dma_semaphore, #tpu.memory_space<semaphore_mem>>
      %dma_start3A = tpu.memref_slice %arg5[%mul3A_2] : memref<4096xf32, #tpu.memory_space<hbm>> -> memref<128xf32, #tpu.memory_space<hbm>>
      %dma_start3A_12 = tpu.memref_slice %arg5[%mul3A_2] : memref<4096xf32, #tpu.memory_space<hbm>> -> memref<128xf32, #tpu.memory_space<hbm>>
      tpu.enqueue_dma source(%arg9 : memref<128xf32, #tpu.memory_space<vmem>>) target(%dma_start3A_12 : memref<128xf32, #tpu.memory_space<hbm>>) target_semaphore(%run_scoped3A : memref<!tpu.dma_semaphore, #tpu.memory_space<semaphore_mem>>)
      %dma_wait3A = tpu.memref_slice %arg5[%mul3A_2] : memref<4096xf32, #tpu.memory_space<hbm>> -> memref<128xf32, #tpu.memory_space<hbm>>
      %dma_wait3A_13 = tpu.memref_slice %arg5[%mul3A_2] : memref<4096xf32, #tpu.memory_space<hbm>> -> memref<128xf32, #tpu.memory_space<hbm>>
      tpu.wait_dma2 semaphore(%run_scoped3A : memref<!tpu.dma_semaphore, #tpu.memory_space<semaphore_mem>>) src(%arg9 : memref<128xf32, #tpu.memory_space<vmem>>) dst(%dma_wait3A_13 : memref<128xf32, #tpu.memory_space<hbm>>)
      tpu.yield
    }) : () -> ()
    return
  }
}

#map = affine_map<(d0, d1) -> (0, 0, 0, 0)>
#map1 = affine_map<(d0, d1) -> (0, 0)>
#map2 = affine_map<(d0, d1) -> (0, 0, 0)>
module attributes {stable_mosaic.version = 14 : i64} {
  func.func @body(%arg0: i32, %arg1: i32, %arg2: memref<2x32x100x100xi32, #tpu.memory_space<hbm>>, %arg3: memref<10000x16xf32, #tpu.memory_space<hbm>>, %arg4: memref<2x10240x16xf32, #tpu.memory_space<hbm>>, %arg5: memref<2x10240x16xf32, #tpu.memory_space<hbm>>, %arg6: memref<100x100xi32, #tpu.memory_space<vmem>>, %arg7: memref<100x100xi32, #tpu.memory_space<vmem>>, %arg8: memref<10x100x16xf32, #tpu.memory_space<vmem>>, %arg9: memref<640x16xf32, #tpu.memory_space<vmem>>, %arg10: memref<10240x16xf32, #tpu.memory_space<vmem_shared>>, %arg11: memref<10x!tpu.dma_semaphore, #tpu.memory_space<semaphore_mem>>, %arg12: memref<10x!tpu.dma_semaphore, #tpu.memory_space<semaphore_mem>>, %arg13: memref<100x16xf32, #tpu.memory_space<vmem>>, %arg14: memref<10240x16xf32, #tpu.memory_space<vmem_shared>>, %arg15: memref<10x!tpu.dma_semaphore, #tpu.memory_space<semaphore_mem>>) attributes {dimension_semantics = [#tpu.dimension_semantics<core_parallel>, #tpu.dimension_semantics<subcore_parallel>], iteration_bounds = array<i64: 2, 16>, scalar_prefetch = 0 : i64, scratch_operands = 10 : i64, tpu.core_type = #tpu.core_type<sc_vector_subcore>, window_params = [{transform_indices = #map}, {transform_indices = #map1}, {transform_indices = #map2}, {transform_indices = #map2}]} {
    %mul3A = arith.constant 2 : i32
    %mul3A_0 = arith.muli %arg1, %mul3A : i32
    %add3A = arith.addi %mul3A_0, %arg0 : i32
    %mul3A_1 = arith.constant 640 : i32
    %mul3A_2 = arith.muli %arg1, %mul3A_1 : i32
    %scan3A = arith.constant 0 : i32
    %scan3A_3 = arith.constant 0 : i32
    %scan3A_4 = arith.constant 640 : i32
    %scan3A_5 = arith.addi %scan3A_3, %scan3A_4 : i32
    %scan3A_6 = arith.constant 1 : i32
    scf.for %scan3A_295 = %scan3A_3 to %scan3A_5 step %scan3A_6  : i32 {
      %broadcast_in_dim3A = arith.constant 0.000000e+00 : f32
      %broadcast_in_dim3A_296 = vector.broadcast %broadcast_in_dim3A : f32 to vector<16xf32>
      %swap3A = arith.index_cast %scan3A_295 : i32 to index
      %swap3A_297 = arith.constant 0 : index
      %swap3A_298 = tpu.vector_load %arg9[%swap3A, %swap3A_297] {strides = array<i32>} : memref<640x16xf32, #tpu.memory_space<vmem>>, vector<1x16xf32>,
      %swap3A_299 = vector.shape_cast %swap3A_298 : vector<1x16xf32> to vector<16xf32>
      %swap3A_300 = vector.shape_cast %broadcast_in_dim3A_296 : vector<16xf32> to vector<1x16xf32>
      tpu.vector_store %arg9[%swap3A, %swap3A_297], %swap3A_300 {strides = array<i32>} : memref<640x16xf32, #tpu.memory_space<vmem>>, vector<1x16xf32>,
    }
    %scan3A_7 = arith.constant 640 : i32
    "tpu.region"() ({
      %run_scoped3A_295 = tpu.sem_alloc : memref<!tpu.dma_semaphore, #tpu.memory_space<semaphore_mem>>
      %dma_start3A_296 = arith.constant 0 : i32
      %dma_start3A_297 = tpu.memref_slice %arg10[%mul3A_2, %dma_start3A_296] : memref<10240x16xf32, #tpu.memory_space<vmem_shared>> -> memref<640x16xf32, #tpu.memory_space<vmem_shared>>
      %dma_start3A_298 = arith.constant 0 : i32
      %dma_start3A_299 = tpu.memref_slice %arg10[%mul3A_2, %dma_start3A_298] : memref<10240x16xf32, #tpu.memory_space<vmem_shared>> -> memref<640x16xf32, #tpu.memory_space<vmem_shared>>
      tpu.enqueue_dma source(%arg9 : memref<640x16xf32, #tpu.memory_space<vmem>>) target(%dma_start3A_299 : memref<640x16xf32, #tpu.memory_space<vmem_shared>>) target_semaphore(%run_scoped3A_295 : memref<!tpu.dma_semaphore, #tpu.memory_space<semaphore_mem>>)
      %dma_wait3A_300 = arith.constant 0 : i32
      %dma_wait3A_301 = tpu.memref_slice %arg10[%mul3A_2, %dma_wait3A_300] : memref<10240x16xf32, #tpu.memory_space<vmem_shared>> -> memref<640x16xf32, #tpu.memory_space<vmem_shared>>
      %dma_wait3A_302 = arith.constant 0 : i32
      %dma_wait3A_303 = tpu.memref_slice %arg10[%mul3A_2, %dma_wait3A_302] : memref<10240x16xf32, #tpu.memory_space<vmem_shared>> -> memref<640x16xf32, #tpu.memory_space<vmem_shared>>
      tpu.wait_dma2 semaphore(%run_scoped3A_295 : memref<!tpu.dma_semaphore, #tpu.memory_space<semaphore_mem>>) src(%arg9 : memref<640x16xf32, #tpu.memory_space<vmem>>) dst(%dma_wait3A_303 : memref<640x16xf32, #tpu.memory_space<vmem_shared>>)
      tpu.yield
    }) : () -> ()
    "tpu.region"() ({
      %run_scoped3A_295 = tpu.sem_alloc : memref<!tpu.dma_semaphore, #tpu.memory_space<semaphore_mem>>
      %dma_start3A_296 = arith.constant 0 : i32
      %dma_start3A_297 = tpu.memref_slice %arg14[%mul3A_2, %dma_start3A_296] : memref<10240x16xf32, #tpu.memory_space<vmem_shared>> -> memref<640x16xf32, #tpu.memory_space<vmem_shared>>
      %dma_start3A_298 = arith.constant 0 : i32
      %dma_start3A_299 = tpu.memref_slice %arg14[%mul3A_2, %dma_start3A_298] : memref<10240x16xf32, #tpu.memory_space<vmem_shared>> -> memref<640x16xf32, #tpu.memory_space<vmem_shared>>
      tpu.enqueue_dma source(%arg9 : memref<640x16xf32, #tpu.memory_space<vmem>>) target(%dma_start3A_299 : memref<640x16xf32, #tpu.memory_space<vmem_shared>>) target_semaphore(%run_scoped3A_295 : memref<!tpu.dma_semaphore, #tpu.memory_space<semaphore_mem>>)
      %dma_wait3A_300 = arith.constant 0 : i32
      %dma_wait3A_301 = tpu.memref_slice %arg14[%mul3A_2, %dma_wait3A_300] : memref<10240x16xf32, #tpu.memory_space<vmem_shared>> -> memref<640x16xf32, #tpu.memory_space<vmem_shared>>
      %dma_wait3A_302 = arith.constant 0 : i32
      %dma_wait3A_303 = tpu.memref_slice %arg14[%mul3A_2, %dma_wait3A_302] : memref<10240x16xf32, #tpu.memory_space<vmem_shared>> -> memref<640x16xf32, #tpu.memory_space<vmem_shared>>
      tpu.wait_dma2 semaphore(%run_scoped3A_295 : memref<!tpu.dma_semaphore, #tpu.memory_space<semaphore_mem>>) src(%arg9 : memref<640x16xf32, #tpu.memory_space<vmem>>) dst(%dma_wait3A_303 : memref<640x16xf32, #tpu.memory_space<vmem_shared>>)
      tpu.yield
    }) : () -> ()
    %scan3A_8 = arith.constant 0 : i32
    %scan3A_9 = arith.constant 0 : i32
    %scan3A_10 = arith.constant 100 : i32
    %scan3A_11 = arith.addi %scan3A_9, %scan3A_10 : i32
    %scan3A_12 = arith.constant 1 : i32
    scf.for %scan3A_295 = %scan3A_9 to %scan3A_11 step %scan3A_12  : i32 {
      %broadcast_in_dim3A = arith.constant 1.000000e+00 : f32
      %broadcast_in_dim3A_296 = vector.broadcast %broadcast_in_dim3A : f32 to vector<16xf32>
      %swap3A = arith.index_cast %scan3A_295 : i32 to index
      %swap3A_297 = arith.constant 0 : index
      %swap3A_298 = tpu.vector_load %arg13[%swap3A, %swap3A_297] {strides = array<i32>} : memref<100x16xf32, #tpu.memory_space<vmem>>, vector<1x16xf32>,
      %swap3A_299 = vector.shape_cast %swap3A_298 : vector<1x16xf32> to vector<16xf32>
      %swap3A_300 = vector.shape_cast %broadcast_in_dim3A_296 : vector<16xf32> to vector<1x16xf32>
      tpu.vector_store %arg13[%swap3A, %swap3A_297], %swap3A_300 {strides = array<i32>} : memref<100x16xf32, #tpu.memory_space<vmem>>, vector<1x16xf32>,
    }
    %scan3A_13 = arith.constant 100 : i32
    %run_scoped3A = arith.constant 0 : i32
    "tpu.region"() ({
      %run_scoped3A_295 = tpu.sem_alloc : memref<!tpu.dma_semaphore, #tpu.memory_space<semaphore_mem>>
      %dma_start3A_296 = arith.constant 0 : i32
      %dma_start3A_297 = arith.constant 0 : i32
      %dma_start3A_298 = tpu.memref_slice %arg2[%run_scoped3A, %add3A, %dma_start3A_296, %dma_start3A_297] : memref<2x32x100x100xi32, #tpu.memory_space<hbm>> -> memref<1x1x100x100xi32, #tpu.memory_space<hbm>>
      %dma_start3A_299 = tpu.memref_squeeze %dma_start3A_298 : memref<1x1x100x100xi32, #tpu.memory_space<hbm>> -> memref<100x100xi32, #tpu.memory_space<hbm>>
      %dma_start3A_300 = arith.constant 0 : i32
      %dma_start3A_301 = arith.constant 0 : i32
      %dma_start3A_302 = tpu.memref_slice %arg2[%run_scoped3A, %add3A, %dma_start3A_300, %dma_start3A_301] : memref<2x32x100x100xi32, #tpu.memory_space<hbm>> -> memref<1x1x100x100xi32, #tpu.memory_space<hbm>>
      %dma_start3A_303 = tpu.memref_squeeze %dma_start3A_302 : memref<1x1x100x100xi32, #tpu.memory_space<hbm>> -> memref<100x100xi32, #tpu.memory_space<hbm>>
      tpu.enqueue_dma source(%dma_start3A_303 : memref<100x100xi32, #tpu.memory_space<hbm>>) target(%arg6 : memref<100x100xi32, #tpu.memory_space<vmem>>) target_semaphore(%run_scoped3A_295 : memref<!tpu.dma_semaphore, #tpu.memory_space<semaphore_mem>>)
      %dma_wait3A_304 = arith.constant 0 : i32
      %dma_wait3A_305 = arith.constant 0 : i32
      %dma_wait3A_306 = tpu.memref_slice %arg2[%run_scoped3A, %add3A, %dma_wait3A_304, %dma_wait3A_305] : memref<2x32x100x100xi32, #tpu.memory_space<hbm>> -> memref<1x1x100x100xi32, #tpu.memory_space<hbm>>
      %dma_wait3A_307 = tpu.memref_squeeze %dma_wait3A_306 : memref<1x1x100x100xi32, #tpu.memory_space<hbm>> -> memref<100x100xi32, #tpu.memory_space<hbm>>
      %dma_wait3A_308 = arith.constant 0 : i32
      %dma_wait3A_309 = arith.constant 0 : i32
      %dma_wait3A_310 = tpu.memref_slice %arg2[%run_scoped3A, %add3A, %dma_wait3A_308, %dma_wait3A_309] : memref<2x32x100x100xi32, #tpu.memory_space<hbm>> -> memref<1x1x100x100xi32, #tpu.memory_space<hbm>>
      %dma_wait3A_311 = tpu.memref_squeeze %dma_wait3A_310 : memref<1x1x100x100xi32, #tpu.memory_space<hbm>> -> memref<100x100xi32, #tpu.memory_space<hbm>>
      tpu.wait_dma2 semaphore(%run_scoped3A_295 : memref<!tpu.dma_semaphore, #tpu.memory_space<semaphore_mem>>) src(%dma_wait3A_311 : memref<100x100xi32, #tpu.memory_space<hbm>>) dst(%arg6 : memref<100x100xi32, #tpu.memory_space<vmem>>)
      tpu.yield
    }) : () -> ()
    %run_scoped3A_14 = arith.constant 1 : i32
    "tpu.region"() ({
      %run_scoped3A_295 = tpu.sem_alloc : memref<!tpu.dma_semaphore, #tpu.memory_space<semaphore_mem>>
      %dma_start3A_296 = arith.constant 0 : i32
      %dma_start3A_297 = arith.constant 0 : i32
      %dma_start3A_298 = tpu.memref_slice %arg2[%run_scoped3A_14, %add3A, %dma_start3A_296, %dma_start3A_297] : memref<2x32x100x100xi32, #tpu.memory_space<hbm>> -> memref<1x1x100x100xi32, #tpu.memory_space<hbm>>
      %dma_start3A_299 = tpu.memref_squeeze %dma_start3A_298 : memref<1x1x100x100xi32, #tpu.memory_space<hbm>> -> memref<100x100xi32, #tpu.memory_space<hbm>>
      %dma_start3A_300 = arith.constant 0 : i32
      %dma_start3A_301 = arith.constant 0 : i32
      %dma_start3A_302 = tpu.memref_slice %arg2[%run_scoped3A_14, %add3A, %dma_start3A_300, %dma_start3A_301] : memref<2x32x100x100xi32, #tpu.memory_space<hbm>> -> memref<1x1x100x100xi32, #tpu.memory_space<hbm>>
      %dma_start3A_303 = tpu.memref_squeeze %dma_start3A_302 : memref<1x1x100x100xi32, #tpu.memory_space<hbm>> -> memref<100x100xi32, #tpu.memory_space<hbm>>
      tpu.enqueue_dma source(%dma_start3A_303 : memref<100x100xi32, #tpu.memory_space<hbm>>) target(%arg7 : memref<100x100xi32, #tpu.memory_space<vmem>>) target_semaphore(%run_scoped3A_295 : memref<!tpu.dma_semaphore, #tpu.memory_space<semaphore_mem>>)
      %dma_wait3A_304 = arith.constant 0 : i32
      %dma_wait3A_305 = arith.constant 0 : i32
      %dma_wait3A_306 = tpu.memref_slice %arg2[%run_scoped3A_14, %add3A, %dma_wait3A_304, %dma_wait3A_305] : memref<2x32x100x100xi32, #tpu.memory_space<hbm>> -> memref<1x1x100x100xi32, #tpu.memory_space<hbm>>
      %dma_wait3A_307 = tpu.memref_squeeze %dma_wait3A_306 : memref<1x1x100x100xi32, #tpu.memory_space<hbm>> -> memref<100x100xi32, #tpu.memory_space<hbm>>
      %dma_wait3A_308 = arith.constant 0 : i32
      %dma_wait3A_309 = arith.constant 0 : i32
      %dma_wait3A_310 = tpu.memref_slice %arg2[%run_scoped3A_14, %add3A, %dma_wait3A_308, %dma_wait3A_309] : memref<2x32x100x100xi32, #tpu.memory_space<hbm>> -> memref<1x1x100x100xi32, #tpu.memory_space<hbm>>
      %dma_wait3A_311 = tpu.memref_squeeze %dma_wait3A_310 : memref<1x1x100x100xi32, #tpu.memory_space<hbm>> -> memref<100x100xi32, #tpu.memory_space<hbm>>
      tpu.wait_dma2 semaphore(%run_scoped3A_295 : memref<!tpu.dma_semaphore, #tpu.memory_space<semaphore_mem>>) src(%dma_wait3A_311 : memref<100x100xi32, #tpu.memory_space<hbm>>) dst(%arg7 : memref<100x100xi32, #tpu.memory_space<vmem>>)
      tpu.yield
    }) : () -> ()
    %dma_start3A = arith.constant 0 : i32
    %dma_start3A_15 = arith.constant 0 : i32
    %dma_start3A_16 = arith.constant 0 : i32
    %dma_start3A_17 = arith.constant 0 : i32
    %dma_start3A_18 = arith.constant 0 : i32
    %dma_start3A_19 = tpu.memref_slice %arg8[%dma_start3A_15, %dma_start3A_17, %dma_start3A_18] : memref<10x100x16xf32, #tpu.memory_space<vmem>> -> memref<1x100x16xf32, #tpu.memory_space<vmem>>
    %dma_start3A_20 = tpu.memref_squeeze %dma_start3A_19 : memref<1x100x16xf32, #tpu.memory_space<vmem>> -> memref<100x16xf32, #tpu.memory_space<vmem>>
    %dma_start3A_21 = arith.constant 0 : i32
    %dma_start3A_22 = tpu.memref_slice %arg6[%dma_start3A, %dma_start3A_21] : memref<100x100xi32, #tpu.memory_space<vmem>> -> memref<1x100xi32, #tpu.memory_space<vmem>>
    %dma_start3A_23 = tpu.memref_squeeze %dma_start3A_22 : memref<1x100xi32, #tpu.memory_space<vmem>> -> memref<100xi32, #tpu.memory_space<vmem>>
    %dma_start3A_24 = arith.constant 0 : i32
    %dma_start3A_25 = arith.constant 0 : i32
    %dma_start3A_26 = tpu.memref_slice %arg3[%dma_start3A_24, %dma_start3A_25] : memref<10000x16xf32, #tpu.memory_space<hbm>> -> memref<10000x16xf32, #tpu.memory_space<hbm>>
    %dma_start3A_27 = tpu.memref_slice %arg11[%dma_start3A_16] : memref<10x!tpu.dma_semaphore, #tpu.memory_space<semaphore_mem>> -> memref<1x!tpu.dma_semaphore, #tpu.memory_space<semaphore_mem>>
    %dma_start3A_28 = tpu.memref_squeeze %dma_start3A_27 : memref<1x!tpu.dma_semaphore, #tpu.memory_space<semaphore_mem>> -> memref<!tpu.dma_semaphore, #tpu.memory_space<semaphore_mem>>
    tpu.enqueue_indirect_dma source(%dma_start3A_26 : memref<10000x16xf32, #tpu.memory_space<hbm>>) target(%dma_start3A_20 : memref<100x16xf32, #tpu.memory_space<vmem>>) offsets(%dma_start3A_23 : memref<100xi32, #tpu.memory_space<vmem>>) semaphore(%dma_start3A_28 : memref<!tpu.dma_semaphore, #tpu.memory_space<semaphore_mem>>)
    %dma_start3A_29 = arith.constant 1 : i32
    %dma_start3A_30 = arith.constant 1 : i32
    %dma_start3A_31 = arith.constant 1 : i32
    %dma_start3A_32 = arith.constant 0 : i32
    %dma_start3A_33 = arith.constant 0 : i32
    %dma_start3A_34 = tpu.memref_slice %arg8[%dma_start3A_30, %dma_start3A_32, %dma_start3A_33] : memref<10x100x16xf32, #tpu.memory_space<vmem>> -> memref<1x100x16xf32, #tpu.memory_space<vmem>>
    %dma_start3A_35 = tpu.memref_squeeze %dma_start3A_34 : memref<1x100x16xf32, #tpu.memory_space<vmem>> -> memref<100x16xf32, #tpu.memory_space<vmem>>
    %dma_start3A_36 = arith.constant 0 : i32
    %dma_start3A_37 = tpu.memref_slice %arg6[%dma_start3A_29, %dma_start3A_36] : memref<100x100xi32, #tpu.memory_space<vmem>> -> memref<1x100xi32, #tpu.memory_space<vmem>>
    %dma_start3A_38 = tpu.memref_squeeze %dma_start3A_37 : memref<1x100xi32, #tpu.memory_space<vmem>> -> memref<100xi32, #tpu.memory_space<vmem>>
    %dma_start3A_39 = arith.constant 0 : i32
    %dma_start3A_40 = arith.constant 0 : i32
    %dma_start3A_41 = tpu.memref_slice %arg3[%dma_start3A_39, %dma_start3A_40] : memref<10000x16xf32, #tpu.memory_space<hbm>> -> memref<10000x16xf32, #tpu.memory_space<hbm>>
    %dma_start3A_42 = tpu.memref_slice %arg11[%dma_start3A_31] : memref<10x!tpu.dma_semaphore, #tpu.memory_space<semaphore_mem>> -> memref<1x!tpu.dma_semaphore, #tpu.memory_space<semaphore_mem>>
    %dma_start3A_43 = tpu.memref_squeeze %dma_start3A_42 : memref<1x!tpu.dma_semaphore, #tpu.memory_space<semaphore_mem>> -> memref<!tpu.dma_semaphore, #tpu.memory_space<semaphore_mem>>
    tpu.enqueue_indirect_dma source(%dma_start3A_41 : memref<10000x16xf32, #tpu.memory_space<hbm>>) target(%dma_start3A_35 : memref<100x16xf32, #tpu.memory_space<vmem>>) offsets(%dma_start3A_38 : memref<100xi32, #tpu.memory_space<vmem>>) semaphore(%dma_start3A_43 : memref<!tpu.dma_semaphore, #tpu.memory_space<semaphore_mem>>)
    %dma_start3A_44 = arith.constant 2 : i32
    %dma_start3A_45 = arith.constant 2 : i32
    %dma_start3A_46 = arith.constant 2 : i32
    %dma_start3A_47 = arith.constant 0 : i32
    %dma_start3A_48 = arith.constant 0 : i32
    %dma_start3A_49 = tpu.memref_slice %arg8[%dma_start3A_45, %dma_start3A_47, %dma_start3A_48] : memref<10x100x16xf32, #tpu.memory_space<vmem>> -> memref<1x100x16xf32, #tpu.memory_space<vmem>>
    %dma_start3A_50 = tpu.memref_squeeze %dma_start3A_49 : memref<1x100x16xf32, #tpu.memory_space<vmem>> -> memref<100x16xf32, #tpu.memory_space<vmem>>
    %dma_start3A_51 = arith.constant 0 : i32
    %dma_start3A_52 = tpu.memref_slice %arg6[%dma_start3A_44, %dma_start3A_51] : memref<100x100xi32, #tpu.memory_space<vmem>> -> memref<1x100xi32, #tpu.memory_space<vmem>>
    %dma_start3A_53 = tpu.memref_squeeze %dma_start3A_52 : memref<1x100xi32, #tpu.memory_space<vmem>> -> memref<100xi32, #tpu.memory_space<vmem>>
    %dma_start3A_54 = arith.constant 0 : i32
    %dma_start3A_55 = arith.constant 0 : i32
    %dma_start3A_56 = tpu.memref_slice %arg3[%dma_start3A_54, %dma_start3A_55] : memref<10000x16xf32, #tpu.memory_space<hbm>> -> memref<10000x16xf32, #tpu.memory_space<hbm>>
    %dma_start3A_57 = tpu.memref_slice %arg11[%dma_start3A_46] : memref<10x!tpu.dma_semaphore, #tpu.memory_space<semaphore_mem>> -> memref<1x!tpu.dma_semaphore, #tpu.memory_space<semaphore_mem>>
    %dma_start3A_58 = tpu.memref_squeeze %dma_start3A_57 : memref<1x!tpu.dma_semaphore, #tpu.memory_space<semaphore_mem>> -> memref<!tpu.dma_semaphore, #tpu.memory_space<semaphore_mem>>
    tpu.enqueue_indirect_dma source(%dma_start3A_56 : memref<10000x16xf32, #tpu.memory_space<hbm>>) target(%dma_start3A_50 : memref<100x16xf32, #tpu.memory_space<vmem>>) offsets(%dma_start3A_53 : memref<100xi32, #tpu.memory_space<vmem>>) semaphore(%dma_start3A_58 : memref<!tpu.dma_semaphore, #tpu.memory_space<semaphore_mem>>)
    %dma_start3A_59 = arith.constant 3 : i32
    %dma_start3A_60 = arith.constant 3 : i32
    %dma_start3A_61 = arith.constant 3 : i32
    %dma_start3A_62 = arith.constant 0 : i32
    %dma_start3A_63 = arith.constant 0 : i32
    %dma_start3A_64 = tpu.memref_slice %arg8[%dma_start3A_60, %dma_start3A_62, %dma_start3A_63] : memref<10x100x16xf32, #tpu.memory_space<vmem>> -> memref<1x100x16xf32, #tpu.memory_space<vmem>>
    %dma_start3A_65 = tpu.memref_squeeze %dma_start3A_64 : memref<1x100x16xf32, #tpu.memory_space<vmem>> -> memref<100x16xf32, #tpu.memory_space<vmem>>
    %dma_start3A_66 = arith.constant 0 : i32
    %dma_start3A_67 = tpu.memref_slice %arg6[%dma_start3A_59, %dma_start3A_66] : memref<100x100xi32, #tpu.memory_space<vmem>> -> memref<1x100xi32, #tpu.memory_space<vmem>>
    %dma_start3A_68 = tpu.memref_squeeze %dma_start3A_67 : memref<1x100xi32, #tpu.memory_space<vmem>> -> memref<100xi32, #tpu.memory_space<vmem>>
    %dma_start3A_69 = arith.constant 0 : i32
    %dma_start3A_70 = arith.constant 0 : i32
    %dma_start3A_71 = tpu.memref_slice %arg3[%dma_start3A_69, %dma_start3A_70] : memref<10000x16xf32, #tpu.memory_space<hbm>> -> memref<10000x16xf32, #tpu.memory_space<hbm>>
    %dma_start3A_72 = tpu.memref_slice %arg11[%dma_start3A_61] : memref<10x!tpu.dma_semaphore, #tpu.memory_space<semaphore_mem>> -> memref<1x!tpu.dma_semaphore, #tpu.memory_space<semaphore_mem>>
    %dma_start3A_73 = tpu.memref_squeeze %dma_start3A_72 : memref<1x!tpu.dma_semaphore, #tpu.memory_space<semaphore_mem>> -> memref<!tpu.dma_semaphore, #tpu.memory_space<semaphore_mem>>
    tpu.enqueue_indirect_dma source(%dma_start3A_71 : memref<10000x16xf32, #tpu.memory_space<hbm>>) target(%dma_start3A_65 : memref<100x16xf32, #tpu.memory_space<vmem>>) offsets(%dma_start3A_68 : memref<100xi32, #tpu.memory_space<vmem>>) semaphore(%dma_start3A_73 : memref<!tpu.dma_semaphore, #tpu.memory_space<semaphore_mem>>)
    %dma_start3A_74 = arith.constant 4 : i32
    %dma_start3A_75 = arith.constant 4 : i32
    %dma_start3A_76 = arith.constant 4 : i32
    %dma_start3A_77 = arith.constant 0 : i32
    %dma_start3A_78 = arith.constant 0 : i32
    %dma_start3A_79 = tpu.memref_slice %arg8[%dma_start3A_75, %dma_start3A_77, %dma_start3A_78] : memref<10x100x16xf32, #tpu.memory_space<vmem>> -> memref<1x100x16xf32, #tpu.memory_space<vmem>>
    %dma_start3A_80 = tpu.memref_squeeze %dma_start3A_79 : memref<1x100x16xf32, #tpu.memory_space<vmem>> -> memref<100x16xf32, #tpu.memory_space<vmem>>
    %dma_start3A_81 = arith.constant 0 : i32
    %dma_start3A_82 = tpu.memref_slice %arg6[%dma_start3A_74, %dma_start3A_81] : memref<100x100xi32, #tpu.memory_space<vmem>> -> memref<1x100xi32, #tpu.memory_space<vmem>>
    %dma_start3A_83 = tpu.memref_squeeze %dma_start3A_82 : memref<1x100xi32, #tpu.memory_space<vmem>> -> memref<100xi32, #tpu.memory_space<vmem>>
    %dma_start3A_84 = arith.constant 0 : i32
    %dma_start3A_85 = arith.constant 0 : i32
    %dma_start3A_86 = tpu.memref_slice %arg3[%dma_start3A_84, %dma_start3A_85] : memref<10000x16xf32, #tpu.memory_space<hbm>> -> memref<10000x16xf32, #tpu.memory_space<hbm>>
    %dma_start3A_87 = tpu.memref_slice %arg11[%dma_start3A_76] : memref<10x!tpu.dma_semaphore, #tpu.memory_space<semaphore_mem>> -> memref<1x!tpu.dma_semaphore, #tpu.memory_space<semaphore_mem>>
    %dma_start3A_88 = tpu.memref_squeeze %dma_start3A_87 : memref<1x!tpu.dma_semaphore, #tpu.memory_space<semaphore_mem>> -> memref<!tpu.dma_semaphore, #tpu.memory_space<semaphore_mem>>
    tpu.enqueue_indirect_dma source(%dma_start3A_86 : memref<10000x16xf32, #tpu.memory_space<hbm>>) target(%dma_start3A_80 : memref<100x16xf32, #tpu.memory_space<vmem>>) offsets(%dma_start3A_83 : memref<100xi32, #tpu.memory_space<vmem>>) semaphore(%dma_start3A_88 : memref<!tpu.dma_semaphore, #tpu.memory_space<semaphore_mem>>)
    %dma_start3A_89 = arith.constant 5 : i32
    %dma_start3A_90 = arith.constant 5 : i32
    %dma_start3A_91 = arith.constant 5 : i32
    %dma_start3A_92 = arith.constant 0 : i32
    %dma_start3A_93 = arith.constant 0 : i32
    %dma_start3A_94 = tpu.memref_slice %arg8[%dma_start3A_90, %dma_start3A_92, %dma_start3A_93] : memref<10x100x16xf32, #tpu.memory_space<vmem>> -> memref<1x100x16xf32, #tpu.memory_space<vmem>>
    %dma_start3A_95 = tpu.memref_squeeze %dma_start3A_94 : memref<1x100x16xf32, #tpu.memory_space<vmem>> -> memref<100x16xf32, #tpu.memory_space<vmem>>
    %dma_start3A_96 = arith.constant 0 : i32
    %dma_start3A_97 = tpu.memref_slice %arg6[%dma_start3A_89, %dma_start3A_96] : memref<100x100xi32, #tpu.memory_space<vmem>> -> memref<1x100xi32, #tpu.memory_space<vmem>>
    %dma_start3A_98 = tpu.memref_squeeze %dma_start3A_97 : memref<1x100xi32, #tpu.memory_space<vmem>> -> memref<100xi32, #tpu.memory_space<vmem>>
    %dma_start3A_99 = arith.constant 0 : i32
    %dma_start3A_100 = arith.constant 0 : i32
    %dma_start3A_101 = tpu.memref_slice %arg3[%dma_start3A_99, %dma_start3A_100] : memref<10000x16xf32, #tpu.memory_space<hbm>> -> memref<10000x16xf32, #tpu.memory_space<hbm>>
    %dma_start3A_102 = tpu.memref_slice %arg11[%dma_start3A_91] : memref<10x!tpu.dma_semaphore, #tpu.memory_space<semaphore_mem>> -> memref<1x!tpu.dma_semaphore, #tpu.memory_space<semaphore_mem>>
    %dma_start3A_103 = tpu.memref_squeeze %dma_start3A_102 : memref<1x!tpu.dma_semaphore, #tpu.memory_space<semaphore_mem>> -> memref<!tpu.dma_semaphore, #tpu.memory_space<semaphore_mem>>
    tpu.enqueue_indirect_dma source(%dma_start3A_101 : memref<10000x16xf32, #tpu.memory_space<hbm>>) target(%dma_start3A_95 : memref<100x16xf32, #tpu.memory_space<vmem>>) offsets(%dma_start3A_98 : memref<100xi32, #tpu.memory_space<vmem>>) semaphore(%dma_start3A_103 : memref<!tpu.dma_semaphore, #tpu.memory_space<semaphore_mem>>)
    %dma_start3A_104 = arith.constant 6 : i32
    %dma_start3A_105 = arith.constant 6 : i32
    %dma_start3A_106 = arith.constant 6 : i32
    %dma_start3A_107 = arith.constant 0 : i32
    %dma_start3A_108 = arith.constant 0 : i32
    %dma_start3A_109 = tpu.memref_slice %arg8[%dma_start3A_105, %dma_start3A_107, %dma_start3A_108] : memref<10x100x16xf32, #tpu.memory_space<vmem>> -> memref<1x100x16xf32, #tpu.memory_space<vmem>>
    %dma_start3A_110 = tpu.memref_squeeze %dma_start3A_109 : memref<1x100x16xf32, #tpu.memory_space<vmem>> -> memref<100x16xf32, #tpu.memory_space<vmem>>
    %dma_start3A_111 = arith.constant 0 : i32
    %dma_start3A_112 = tpu.memref_slice %arg6[%dma_start3A_104, %dma_start3A_111] : memref<100x100xi32, #tpu.memory_space<vmem>> -> memref<1x100xi32, #tpu.memory_space<vmem>>
    %dma_start3A_113 = tpu.memref_squeeze %dma_start3A_112 : memref<1x100xi32, #tpu.memory_space<vmem>> -> memref<100xi32, #tpu.memory_space<vmem>>
    %dma_start3A_114 = arith.constant 0 : i32
    %dma_start3A_115 = arith.constant 0 : i32
    %dma_start3A_116 = tpu.memref_slice %arg3[%dma_start3A_114, %dma_start3A_115] : memref<10000x16xf32, #tpu.memory_space<hbm>> -> memref<10000x16xf32, #tpu.memory_space<hbm>>
    %dma_start3A_117 = tpu.memref_slice %arg11[%dma_start3A_106] : memref<10x!tpu.dma_semaphore, #tpu.memory_space<semaphore_mem>> -> memref<1x!tpu.dma_semaphore, #tpu.memory_space<semaphore_mem>>
    %dma_start3A_118 = tpu.memref_squeeze %dma_start3A_117 : memref<1x!tpu.dma_semaphore, #tpu.memory_space<semaphore_mem>> -> memref<!tpu.dma_semaphore, #tpu.memory_space<semaphore_mem>>
    tpu.enqueue_indirect_dma source(%dma_start3A_116 : memref<10000x16xf32, #tpu.memory_space<hbm>>) target(%dma_start3A_110 : memref<100x16xf32, #tpu.memory_space<vmem>>) offsets(%dma_start3A_113 : memref<100xi32, #tpu.memory_space<vmem>>) semaphore(%dma_start3A_118 : memref<!tpu.dma_semaphore, #tpu.memory_space<semaphore_mem>>)
    %dma_start3A_119 = arith.constant 7 : i32
    %dma_start3A_120 = arith.constant 7 : i32
    %dma_start3A_121 = arith.constant 7 : i32
    %dma_start3A_122 = arith.constant 0 : i32
    %dma_start3A_123 = arith.constant 0 : i32
    %dma_start3A_124 = tpu.memref_slice %arg8[%dma_start3A_120, %dma_start3A_122, %dma_start3A_123] : memref<10x100x16xf32, #tpu.memory_space<vmem>> -> memref<1x100x16xf32, #tpu.memory_space<vmem>>
    %dma_start3A_125 = tpu.memref_squeeze %dma_start3A_124 : memref<1x100x16xf32, #tpu.memory_space<vmem>> -> memref<100x16xf32, #tpu.memory_space<vmem>>
    %dma_start3A_126 = arith.constant 0 : i32
    %dma_start3A_127 = tpu.memref_slice %arg6[%dma_start3A_119, %dma_start3A_126] : memref<100x100xi32, #tpu.memory_space<vmem>> -> memref<1x100xi32, #tpu.memory_space<vmem>>
    %dma_start3A_128 = tpu.memref_squeeze %dma_start3A_127 : memref<1x100xi32, #tpu.memory_space<vmem>> -> memref<100xi32, #tpu.memory_space<vmem>>
    %dma_start3A_129 = arith.constant 0 : i32
    %dma_start3A_130 = arith.constant 0 : i32
    %dma_start3A_131 = tpu.memref_slice %arg3[%dma_start3A_129, %dma_start3A_130] : memref<10000x16xf32, #tpu.memory_space<hbm>> -> memref<10000x16xf32, #tpu.memory_space<hbm>>
    %dma_start3A_132 = tpu.memref_slice %arg11[%dma_start3A_121] : memref<10x!tpu.dma_semaphore, #tpu.memory_space<semaphore_mem>> -> memref<1x!tpu.dma_semaphore, #tpu.memory_space<semaphore_mem>>
    %dma_start3A_133 = tpu.memref_squeeze %dma_start3A_132 : memref<1x!tpu.dma_semaphore, #tpu.memory_space<semaphore_mem>> -> memref<!tpu.dma_semaphore, #tpu.memory_space<semaphore_mem>>
    tpu.enqueue_indirect_dma source(%dma_start3A_131 : memref<10000x16xf32, #tpu.memory_space<hbm>>) target(%dma_start3A_125 : memref<100x16xf32, #tpu.memory_space<vmem>>) offsets(%dma_start3A_128 : memref<100xi32, #tpu.memory_space<vmem>>) semaphore(%dma_start3A_133 : memref<!tpu.dma_semaphore, #tpu.memory_space<semaphore_mem>>)
    %dma_start3A_134 = arith.constant 8 : i32
    %dma_start3A_135 = arith.constant 8 : i32
    %dma_start3A_136 = arith.constant 8 : i32
    %dma_start3A_137 = arith.constant 0 : i32
    %dma_start3A_138 = arith.constant 0 : i32
    %dma_start3A_139 = tpu.memref_slice %arg8[%dma_start3A_135, %dma_start3A_137, %dma_start3A_138] : memref<10x100x16xf32, #tpu.memory_space<vmem>> -> memref<1x100x16xf32, #tpu.memory_space<vmem>>
    %dma_start3A_140 = tpu.memref_squeeze %dma_start3A_139 : memref<1x100x16xf32, #tpu.memory_space<vmem>> -> memref<100x16xf32, #tpu.memory_space<vmem>>
    %dma_start3A_141 = arith.constant 0 : i32
    %dma_start3A_142 = tpu.memref_slice %arg6[%dma_start3A_134, %dma_start3A_141] : memref<100x100xi32, #tpu.memory_space<vmem>> -> memref<1x100xi32, #tpu.memory_space<vmem>>
    %dma_start3A_143 = tpu.memref_squeeze %dma_start3A_142 : memref<1x100xi32, #tpu.memory_space<vmem>> -> memref<100xi32, #tpu.memory_space<vmem>>
    %dma_start3A_144 = arith.constant 0 : i32
    %dma_start3A_145 = arith.constant 0 : i32
    %dma_start3A_146 = tpu.memref_slice %arg3[%dma_start3A_144, %dma_start3A_145] : memref<10000x16xf32, #tpu.memory_space<hbm>> -> memref<10000x16xf32, #tpu.memory_space<hbm>>
    %dma_start3A_147 = tpu.memref_slice %arg11[%dma_start3A_136] : memref<10x!tpu.dma_semaphore, #tpu.memory_space<semaphore_mem>> -> memref<1x!tpu.dma_semaphore, #tpu.memory_space<semaphore_mem>>
    %dma_start3A_148 = tpu.memref_squeeze %dma_start3A_147 : memref<1x!tpu.dma_semaphore, #tpu.memory_space<semaphore_mem>> -> memref<!tpu.dma_semaphore, #tpu.memory_space<semaphore_mem>>
    tpu.enqueue_indirect_dma source(%dma_start3A_146 : memref<10000x16xf32, #tpu.memory_space<hbm>>) target(%dma_start3A_140 : memref<100x16xf32, #tpu.memory_space<vmem>>) offsets(%dma_start3A_143 : memref<100xi32, #tpu.memory_space<vmem>>) semaphore(%dma_start3A_148 : memref<!tpu.dma_semaphore, #tpu.memory_space<semaphore_mem>>)
    %dma_start3A_149 = arith.constant 9 : i32
    %dma_start3A_150 = arith.constant 9 : i32
    %dma_start3A_151 = arith.constant 9 : i32
    %dma_start3A_152 = arith.constant 0 : i32
    %dma_start3A_153 = arith.constant 0 : i32
    %dma_start3A_154 = tpu.memref_slice %arg8[%dma_start3A_150, %dma_start3A_152, %dma_start3A_153] : memref<10x100x16xf32, #tpu.memory_space<vmem>> -> memref<1x100x16xf32, #tpu.memory_space<vmem>>
    %dma_start3A_155 = tpu.memref_squeeze %dma_start3A_154 : memref<1x100x16xf32, #tpu.memory_space<vmem>> -> memref<100x16xf32, #tpu.memory_space<vmem>>
    %dma_start3A_156 = arith.constant 0 : i32
    %dma_start3A_157 = tpu.memref_slice %arg6[%dma_start3A_149, %dma_start3A_156] : memref<100x100xi32, #tpu.memory_space<vmem>> -> memref<1x100xi32, #tpu.memory_space<vmem>>
    %dma_start3A_158 = tpu.memref_squeeze %dma_start3A_157 : memref<1x100xi32, #tpu.memory_space<vmem>> -> memref<100xi32, #tpu.memory_space<vmem>>
    %dma_start3A_159 = arith.constant 0 : i32
    %dma_start3A_160 = arith.constant 0 : i32
    %dma_start3A_161 = tpu.memref_slice %arg3[%dma_start3A_159, %dma_start3A_160] : memref<10000x16xf32, #tpu.memory_space<hbm>> -> memref<10000x16xf32, #tpu.memory_space<hbm>>
    %dma_start3A_162 = tpu.memref_slice %arg11[%dma_start3A_151] : memref<10x!tpu.dma_semaphore, #tpu.memory_space<semaphore_mem>> -> memref<1x!tpu.dma_semaphore, #tpu.memory_space<semaphore_mem>>
    %dma_start3A_163 = tpu.memref_squeeze %dma_start3A_162 : memref<1x!tpu.dma_semaphore, #tpu.memory_space<semaphore_mem>> -> memref<!tpu.dma_semaphore, #tpu.memory_space<semaphore_mem>>
    tpu.enqueue_indirect_dma source(%dma_start3A_161 : memref<10000x16xf32, #tpu.memory_space<hbm>>) target(%dma_start3A_155 : memref<100x16xf32, #tpu.memory_space<vmem>>) offsets(%dma_start3A_158 : memref<100xi32, #tpu.memory_space<vmem>>) semaphore(%dma_start3A_163 : memref<!tpu.dma_semaphore, #tpu.memory_space<semaphore_mem>>)
    %barrier3A = arith.constant 0 : index
    tpu.barrier barrier_id(%barrier3A)
    %scan3A_164 = arith.constant 0 : i32
    %scan3A_165 = arith.constant 0 : i32
    %scan3A_166 = arith.constant 10 : i32
    %scan3A_167 = arith.addi %scan3A_165, %scan3A_166 : i32
    %scan3A_168 = arith.constant 1 : i32
    scf.for %scan3A_295 = %scan3A_165 to %scan3A_167 step %scan3A_168  : i32 {
      %mul3A_296 = arith.constant 10 : i32
      %mul3A_297 = arith.muli %scan3A_295, %mul3A_296 : i32
      %add3A_298 = arith.constant 0 : i32
      %add3A_299 = arith.addi %mul3A_297, %add3A_298 : i32
      %dma_wait3A_300 = arith.constant 0 : i32
      %dma_wait3A_301 = arith.constant 0 : i32
      %dma_wait3A_302 = arith.constant 0 : i32
      %dma_wait3A_303 = arith.constant 0 : i32
      %dma_wait3A_304 = tpu.memref_slice %arg8[%dma_wait3A_300, %dma_wait3A_302, %dma_wait3A_303] : memref<10x100x16xf32, #tpu.memory_space<vmem>> -> memref<1x100x16xf32, #tpu.memory_space<vmem>>
      %dma_wait3A_305 = tpu.memref_squeeze %dma_wait3A_304 : memref<1x100x16xf32, #tpu.memory_space<vmem>> -> memref<100x16xf32, #tpu.memory_space<vmem>>
      %dma_wait3A_306 = arith.constant 0 : i32
      %dma_wait3A_307 = tpu.memref_slice %arg6[%add3A_299, %dma_wait3A_306] : memref<100x100xi32, #tpu.memory_space<vmem>> -> memref<1x100xi32, #tpu.memory_space<vmem>>
      %dma_wait3A_308 = tpu.memref_squeeze %dma_wait3A_307 : memref<1x100xi32, #tpu.memory_space<vmem>> -> memref<100xi32, #tpu.memory_space<vmem>>
      %dma_wait3A_309 = arith.constant 0 : i32
      %dma_wait3A_310 = arith.constant 0 : i32
      %dma_wait3A_311 = tpu.memref_slice %arg3[%dma_wait3A_309, %dma_wait3A_310] : memref<10000x16xf32, #tpu.memory_space<hbm>> -> memref<10000x16xf32, #tpu.memory_space<hbm>>
      %dma_wait3A_312 = tpu.memref_slice %arg11[%dma_wait3A_301] : memref<10x!tpu.dma_semaphore, #tpu.memory_space<semaphore_mem>> -> memref<1x!tpu.dma_semaphore, #tpu.memory_space<semaphore_mem>>
      %dma_wait3A_313 = tpu.memref_squeeze %dma_wait3A_312 : memref<1x!tpu.dma_semaphore, #tpu.memory_space<semaphore_mem>> -> memref<!tpu.dma_semaphore, #tpu.memory_space<semaphore_mem>>
      tpu.wait_indirect_dma semaphore(%dma_wait3A_313 : memref<!tpu.dma_semaphore, #tpu.memory_space<semaphore_mem>>) src(%dma_wait3A_311 : memref<10000x16xf32, #tpu.memory_space<hbm>>) dst(%dma_wait3A_305 : memref<100x16xf32, #tpu.memory_space<vmem>>)
      %dma_start3A_314 = arith.constant 0 : i32
      %dma_start3A_315 = arith.constant 0 : i32
      %dma_start3A_316 = arith.constant 0 : i32
      %dma_start3A_317 = arith.constant 0 : i32
      %dma_start3A_318 = tpu.memref_slice %arg8[%dma_start3A_314, %dma_start3A_316, %dma_start3A_317] : memref<10x100x16xf32, #tpu.memory_space<vmem>> -> memref<1x100x16xf32, #tpu.memory_space<vmem>>
      %dma_start3A_319 = tpu.memref_squeeze %dma_start3A_318 : memref<1x100x16xf32, #tpu.memory_space<vmem>> -> memref<100x16xf32, #tpu.memory_space<vmem>>
      %dma_start3A_320 = arith.constant 0 : i32
      %dma_start3A_321 = tpu.memref_slice %arg7[%add3A_299, %dma_start3A_320] : memref<100x100xi32, #tpu.memory_space<vmem>> -> memref<1x100xi32, #tpu.memory_space<vmem>>
      %dma_start3A_322 = tpu.memref_squeeze %dma_start3A_321 : memref<1x100xi32, #tpu.memory_space<vmem>> -> memref<100xi32, #tpu.memory_space<vmem>>
      %dma_start3A_323 = arith.constant 0 : i32
      %dma_start3A_324 = arith.constant 0 : i32
      %dma_start3A_325 = tpu.memref_slice %arg10[%dma_start3A_323, %dma_start3A_324] : memref<10240x16xf32, #tpu.memory_space<vmem_shared>> -> memref<10240x16xf32, #tpu.memory_space<vmem_shared>>
      %dma_start3A_326 = tpu.memref_slice %arg12[%dma_start3A_315] : memref<10x!tpu.dma_semaphore, #tpu.memory_space<semaphore_mem>> -> memref<1x!tpu.dma_semaphore, #tpu.memory_space<semaphore_mem>>
      %dma_start3A_327 = tpu.memref_squeeze %dma_start3A_326 : memref<1x!tpu.dma_semaphore, #tpu.memory_space<semaphore_mem>> -> memref<!tpu.dma_semaphore, #tpu.memory_space<semaphore_mem>>
      tpu.enqueue_indirect_dma source(%dma_start3A_319 : memref<100x16xf32, #tpu.memory_space<vmem>>) target(%dma_start3A_325 : memref<10240x16xf32, #tpu.memory_space<vmem_shared>>) offsets(%dma_start3A_322 : memref<100xi32, #tpu.memory_space<vmem>>) semaphore(%dma_start3A_327 : memref<!tpu.dma_semaphore, #tpu.memory_space<semaphore_mem>>) {add = true}
      %dma_start3A_328 = arith.constant 0 : i32
      %dma_start3A_329 = arith.constant 0 : i32
      %dma_start3A_330 = tpu.memref_slice %arg7[%add3A_299, %dma_start3A_329] : memref<100x100xi32, #tpu.memory_space<vmem>> -> memref<1x100xi32, #tpu.memory_space<vmem>>
      %dma_start3A_331 = tpu.memref_squeeze %dma_start3A_330 : memref<1x100xi32, #tpu.memory_space<vmem>> -> memref<100xi32, #tpu.memory_space<vmem>>
      %dma_start3A_332 = arith.constant 0 : i32
      %dma_start3A_333 = arith.constant 0 : i32
      %dma_start3A_334 = tpu.memref_slice %arg14[%dma_start3A_332, %dma_start3A_333] : memref<10240x16xf32, #tpu.memory_space<vmem_shared>> -> memref<10240x16xf32, #tpu.memory_space<vmem_shared>>
      %dma_start3A_335 = tpu.memref_slice %arg15[%dma_start3A_328] : memref<10x!tpu.dma_semaphore, #tpu.memory_space<semaphore_mem>> -> memref<1x!tpu.dma_semaphore, #tpu.memory_space<semaphore_mem>>
      %dma_start3A_336 = tpu.memref_squeeze %dma_start3A_335 : memref<1x!tpu.dma_semaphore, #tpu.memory_space<semaphore_mem>> -> memref<!tpu.dma_semaphore, #tpu.memory_space<semaphore_mem>>
      tpu.enqueue_indirect_dma source(%arg13 : memref<100x16xf32, #tpu.memory_space<vmem>>) target(%dma_start3A_334 : memref<10240x16xf32, #tpu.memory_space<vmem_shared>>) offsets(%dma_start3A_331 : memref<100xi32, #tpu.memory_space<vmem>>) semaphore(%dma_start3A_336 : memref<!tpu.dma_semaphore, #tpu.memory_space<semaphore_mem>>) {add = true}
      %sub3A = arith.constant 5 : i32
      %sub3A_337 = arith.subi %add3A_299, %sub3A : i32
      %ge3A = arith.constant 0 : i32
      %ge3A_338 = arith.cmpi sge, %sub3A_337, %ge3A : i32
      %convert_element_type3A = arith.extui %ge3A_338 : i1 to i32
      %cond3A = arith.constant 0 : i32
      %cond3A_339 = arith.cmpi ne, %convert_element_type3A, %cond3A : i32
      scf.if %cond3A_339 {
        %dma_wait3A_772 = arith.constant 5 : i32
        %dma_wait3A_773 = arith.constant 0 : i32
        %dma_wait3A_774 = arith.constant 5 : i32
        %dma_wait3A_775 = arith.constant 0 : i32
        %dma_wait3A_776 = arith.constant 0 : i32
        %dma_wait3A_777 = tpu.memref_slice %arg8[%dma_wait3A_772, %dma_wait3A_775, %dma_wait3A_776] : memref<10x100x16xf32, #tpu.memory_space<vmem>> -> memref<1x100x16xf32, #tpu.memory_space<vmem>>
        %dma_wait3A_778 = tpu.memref_squeeze %dma_wait3A_777 : memref<1x100x16xf32, #tpu.memory_space<vmem>> -> memref<100x16xf32, #tpu.memory_space<vmem>>
        %dma_wait3A_779 = arith.constant 0 : i32
        %dma_wait3A_780 = tpu.memref_slice %arg7[%dma_wait3A_773, %dma_wait3A_779] : memref<100x100xi32, #tpu.memory_space<vmem>> -> memref<1x100xi32, #tpu.memory_space<vmem>>
        %dma_wait3A_781 = tpu.memref_squeeze %dma_wait3A_780 : memref<1x100xi32, #tpu.memory_space<vmem>> -> memref<100xi32, #tpu.memory_space<vmem>>
        %dma_wait3A_782 = arith.constant 0 : i32
        %dma_wait3A_783 = arith.constant 0 : i32
        %dma_wait3A_784 = tpu.memref_slice %arg10[%dma_wait3A_782, %dma_wait3A_783] : memref<10240x16xf32, #tpu.memory_space<vmem_shared>> -> memref<10240x16xf32, #tpu.memory_space<vmem_shared>>
        %dma_wait3A_785 = tpu.memref_slice %arg12[%dma_wait3A_774] : memref<10x!tpu.dma_semaphore, #tpu.memory_space<semaphore_mem>> -> memref<1x!tpu.dma_semaphore, #tpu.memory_space<semaphore_mem>>
        %dma_wait3A_786 = tpu.memref_squeeze %dma_wait3A_785 : memref<1x!tpu.dma_semaphore, #tpu.memory_space<semaphore_mem>> -> memref<!tpu.dma_semaphore, #tpu.memory_space<semaphore_mem>>
        tpu.wait_indirect_dma semaphore(%dma_wait3A_786 : memref<!tpu.dma_semaphore, #tpu.memory_space<semaphore_mem>>) src(%dma_wait3A_778 : memref<100x16xf32, #tpu.memory_space<vmem>>) dst(%dma_wait3A_784 : memref<10240x16xf32, #tpu.memory_space<vmem_shared>>)
        %dma_wait3A_787 = arith.constant 0 : i32
        %dma_wait3A_788 = arith.constant 5 : i32
        %dma_wait3A_789 = arith.constant 0 : i32
        %dma_wait3A_790 = tpu.memref_slice %arg7[%dma_wait3A_787, %dma_wait3A_789] : memref<100x100xi32, #tpu.memory_space<vmem>> -> memref<1x100xi32, #tpu.memory_space<vmem>>
        %dma_wait3A_791 = tpu.memref_squeeze %dma_wait3A_790 : memref<1x100xi32, #tpu.memory_space<vmem>> -> memref<100xi32, #tpu.memory_space<vmem>>
        %dma_wait3A_792 = arith.constant 0 : i32
        %dma_wait3A_793 = arith.constant 0 : i32
        %dma_wait3A_794 = tpu.memref_slice %arg14[%dma_wait3A_792, %dma_wait3A_793] : memref<10240x16xf32, #tpu.memory_space<vmem_shared>> -> memref<10240x16xf32, #tpu.memory_space<vmem_shared>>
        %dma_wait3A_795 = tpu.memref_slice %arg15[%dma_wait3A_788] : memref<10x!tpu.dma_semaphore, #tpu.memory_space<semaphore_mem>> -> memref<1x!tpu.dma_semaphore, #tpu.memory_space<semaphore_mem>>
        %dma_wait3A_796 = tpu.memref_squeeze %dma_wait3A_795 : memref<1x!tpu.dma_semaphore, #tpu.memory_space<semaphore_mem>> -> memref<!tpu.dma_semaphore, #tpu.memory_space<semaphore_mem>>
        tpu.wait_indirect_dma semaphore(%dma_wait3A_796 : memref<!tpu.dma_semaphore, #tpu.memory_space<semaphore_mem>>) src(%arg13 : memref<100x16xf32, #tpu.memory_space<vmem>>) dst(%dma_wait3A_794 : memref<10240x16xf32, #tpu.memory_space<vmem_shared>>)
        %add3A_797 = arith.constant 10 : i32
        %add3A_798 = arith.addi %sub3A_337, %add3A_797 : i32
        %lt3A = arith.constant 100 : i32
        %lt3A_799 = arith.cmpi slt, %add3A_798, %lt3A : i32
        %convert_element_type3A_800 = arith.extui %lt3A_799 : i1 to i32
        %cond3A_801 = arith.constant 0 : i32
        %cond3A_802 = arith.cmpi ne, %convert_element_type3A_800, %cond3A_801 : i32
        scf.if %cond3A_802 {
          %dma_start3A_803 = arith.constant 5 : i32
          %dma_start3A_804 = arith.constant 5 : i32
          %dma_start3A_805 = arith.constant 0 : i32
          %dma_start3A_806 = arith.constant 0 : i32
          %dma_start3A_807 = tpu.memref_slice %arg8[%dma_start3A_803, %dma_start3A_805, %dma_start3A_806] : memref<10x100x16xf32, #tpu.memory_space<vmem>> -> memref<1x100x16xf32, #tpu.memory_space<vmem>>
          %dma_start3A_808 = tpu.memref_squeeze %dma_start3A_807 : memref<1x100x16xf32, #tpu.memory_space<vmem>> -> memref<100x16xf32, #tpu.memory_space<vmem>>
          %dma_start3A_809 = arith.constant 0 : i32
          %dma_start3A_810 = tpu.memref_slice %arg6[%add3A_798, %dma_start3A_809] : memref<100x100xi32, #tpu.memory_space<vmem>> -> memref<1x100xi32, #tpu.memory_space<vmem>>
          %dma_start3A_811 = tpu.memref_squeeze %dma_start3A_810 : memref<1x100xi32, #tpu.memory_space<vmem>> -> memref<100xi32, #tpu.memory_space<vmem>>
          %dma_start3A_812 = arith.constant 0 : i32
          %dma_start3A_813 = arith.constant 0 : i32
          %dma_start3A_814 = tpu.memref_slice %arg3[%dma_start3A_812, %dma_start3A_813] : memref<10000x16xf32, #tpu.memory_space<hbm>> -> memref<10000x16xf32, #tpu.memory_space<hbm>>
          %dma_start3A_815 = tpu.memref_slice %arg11[%dma_start3A_804] : memref<10x!tpu.dma_semaphore, #tpu.memory_space<semaphore_mem>> -> memref<1x!tpu.dma_semaphore, #tpu.memory_space<semaphore_mem>>
          %dma_start3A_816 = tpu.memref_squeeze %dma_start3A_815 : memref<1x!tpu.dma_semaphore, #tpu.memory_space<semaphore_mem>> -> memref<!tpu.dma_semaphore, #tpu.memory_space<semaphore_mem>>
          tpu.enqueue_indirect_dma source(%dma_start3A_814 : memref<10000x16xf32, #tpu.memory_space<hbm>>) target(%dma_start3A_808 : memref<100x16xf32, #tpu.memory_space<vmem>>) offsets(%dma_start3A_811 : memref<100xi32, #tpu.memory_space<vmem>>) semaphore(%dma_start3A_816 : memref<!tpu.dma_semaphore, #tpu.memory_space<semaphore_mem>>)
        } else {
        }
      } else {
      }
      %mul3A_340 = arith.constant 10 : i32
      %mul3A_341 = arith.muli %scan3A_295, %mul3A_340 : i32
      %add3A_342 = arith.constant 1 : i32
      %add3A_343 = arith.addi %mul3A_341, %add3A_342 : i32
      %dma_wait3A_344 = arith.constant 1 : i32
      %dma_wait3A_345 = arith.constant 1 : i32
      %dma_wait3A_346 = arith.constant 0 : i32
      %dma_wait3A_347 = arith.constant 0 : i32
      %dma_wait3A_348 = tpu.memref_slice %arg8[%dma_wait3A_344, %dma_wait3A_346, %dma_wait3A_347] : memref<10x100x16xf32, #tpu.memory_space<vmem>> -> memref<1x100x16xf32, #tpu.memory_space<vmem>>
      %dma_wait3A_349 = tpu.memref_squeeze %dma_wait3A_348 : memref<1x100x16xf32, #tpu.memory_space<vmem>> -> memref<100x16xf32, #tpu.memory_space<vmem>>
      %dma_wait3A_350 = arith.constant 0 : i32
      %dma_wait3A_351 = tpu.memref_slice %arg6[%add3A_343, %dma_wait3A_350] : memref<100x100xi32, #tpu.memory_space<vmem>> -> memref<1x100xi32, #tpu.memory_space<vmem>>
      %dma_wait3A_352 = tpu.memref_squeeze %dma_wait3A_351 : memref<1x100xi32, #tpu.memory_space<vmem>> -> memref<100xi32, #tpu.memory_space<vmem>>
      %dma_wait3A_353 = arith.constant 0 : i32
      %dma_wait3A_354 = arith.constant 0 : i32
      %dma_wait3A_355 = tpu.memref_slice %arg3[%dma_wait3A_353, %dma_wait3A_354] : memref<10000x16xf32, #tpu.memory_space<hbm>> -> memref<10000x16xf32, #tpu.memory_space<hbm>>
      %dma_wait3A_356 = tpu.memref_slice %arg11[%dma_wait3A_345] : memref<10x!tpu.dma_semaphore, #tpu.memory_space<semaphore_mem>> -> memref<1x!tpu.dma_semaphore, #tpu.memory_space<semaphore_mem>>
      %dma_wait3A_357 = tpu.memref_squeeze %dma_wait3A_356 : memref<1x!tpu.dma_semaphore, #tpu.memory_space<semaphore_mem>> -> memref<!tpu.dma_semaphore, #tpu.memory_space<semaphore_mem>>
      tpu.wait_indirect_dma semaphore(%dma_wait3A_357 : memref<!tpu.dma_semaphore, #tpu.memory_space<semaphore_mem>>) src(%dma_wait3A_355 : memref<10000x16xf32, #tpu.memory_space<hbm>>) dst(%dma_wait3A_349 : memref<100x16xf32, #tpu.memory_space<vmem>>)
      %dma_start3A_358 = arith.constant 1 : i32
      %dma_start3A_359 = arith.constant 1 : i32
      %dma_start3A_360 = arith.constant 0 : i32
      %dma_start3A_361 = arith.constant 0 : i32
      %dma_start3A_362 = tpu.memref_slice %arg8[%dma_start3A_358, %dma_start3A_360, %dma_start3A_361] : memref<10x100x16xf32, #tpu.memory_space<vmem>> -> memref<1x100x16xf32, #tpu.memory_space<vmem>>
      %dma_start3A_363 = tpu.memref_squeeze %dma_start3A_362 : memref<1x100x16xf32, #tpu.memory_space<vmem>> -> memref<100x16xf32, #tpu.memory_space<vmem>>
      %dma_start3A_364 = arith.constant 0 : i32
      %dma_start3A_365 = tpu.memref_slice %arg7[%add3A_343, %dma_start3A_364] : memref<100x100xi32, #tpu.memory_space<vmem>> -> memref<1x100xi32, #tpu.memory_space<vmem>>
      %dma_start3A_366 = tpu.memref_squeeze %dma_start3A_365 : memref<1x100xi32, #tpu.memory_space<vmem>> -> memref<100xi32, #tpu.memory_space<vmem>>
      %dma_start3A_367 = arith.constant 0 : i32
      %dma_start3A_368 = arith.constant 0 : i32
      %dma_start3A_369 = tpu.memref_slice %arg10[%dma_start3A_367, %dma_start3A_368] : memref<10240x16xf32, #tpu.memory_space<vmem_shared>> -> memref<10240x16xf32, #tpu.memory_space<vmem_shared>>
      %dma_start3A_370 = tpu.memref_slice %arg12[%dma_start3A_359] : memref<10x!tpu.dma_semaphore, #tpu.memory_space<semaphore_mem>> -> memref<1x!tpu.dma_semaphore, #tpu.memory_space<semaphore_mem>>
      %dma_start3A_371 = tpu.memref_squeeze %dma_start3A_370 : memref<1x!tpu.dma_semaphore, #tpu.memory_space<semaphore_mem>> -> memref<!tpu.dma_semaphore, #tpu.memory_space<semaphore_mem>>
      tpu.enqueue_indirect_dma source(%dma_start3A_363 : memref<100x16xf32, #tpu.memory_space<vmem>>) target(%dma_start3A_369 : memref<10240x16xf32, #tpu.memory_space<vmem_shared>>) offsets(%dma_start3A_366 : memref<100xi32, #tpu.memory_space<vmem>>) semaphore(%dma_start3A_371 : memref<!tpu.dma_semaphore, #tpu.memory_space<semaphore_mem>>) {add = true}
      %dma_start3A_372 = arith.constant 1 : i32
      %dma_start3A_373 = arith.constant 0 : i32
      %dma_start3A_374 = tpu.memref_slice %arg7[%add3A_343, %dma_start3A_373] : memref<100x100xi32, #tpu.memory_space<vmem>> -> memref<1x100xi32, #tpu.memory_space<vmem>>
      %dma_start3A_375 = tpu.memref_squeeze %dma_start3A_374 : memref<1x100xi32, #tpu.memory_space<vmem>> -> memref<100xi32, #tpu.memory_space<vmem>>
      %dma_start3A_376 = arith.constant 0 : i32
      %dma_start3A_377 = arith.constant 0 : i32
      %dma_start3A_378 = tpu.memref_slice %arg14[%dma_start3A_376, %dma_start3A_377] : memref<10240x16xf32, #tpu.memory_space<vmem_shared>> -> memref<10240x16xf32, #tpu.memory_space<vmem_shared>>
      %dma_start3A_379 = tpu.memref_slice %arg15[%dma_start3A_372] : memref<10x!tpu.dma_semaphore, #tpu.memory_space<semaphore_mem>> -> memref<1x!tpu.dma_semaphore, #tpu.memory_space<semaphore_mem>>
      %dma_start3A_380 = tpu.memref_squeeze %dma_start3A_379 : memref<1x!tpu.dma_semaphore, #tpu.memory_space<semaphore_mem>> -> memref<!tpu.dma_semaphore, #tpu.memory_space<semaphore_mem>>
      tpu.enqueue_indirect_dma source(%arg13 : memref<100x16xf32, #tpu.memory_space<vmem>>) target(%dma_start3A_378 : memref<10240x16xf32, #tpu.memory_space<vmem_shared>>) offsets(%dma_start3A_375 : memref<100xi32, #tpu.memory_space<vmem>>) semaphore(%dma_start3A_380 : memref<!tpu.dma_semaphore, #tpu.memory_space<semaphore_mem>>) {add = true}
      %sub3A_381 = arith.constant 5 : i32
      %sub3A_382 = arith.subi %add3A_343, %sub3A_381 : i32
      %ge3A_383 = arith.constant 0 : i32
      %ge3A_384 = arith.cmpi sge, %sub3A_382, %ge3A_383 : i32
      %convert_element_type3A_385 = arith.extui %ge3A_384 : i1 to i32
      %cond3A_386 = arith.constant 0 : i32
      %cond3A_387 = arith.cmpi ne, %convert_element_type3A_385, %cond3A_386 : i32
      scf.if %cond3A_387 {
        %dma_wait3A_772 = arith.constant 6 : i32
        %dma_wait3A_773 = arith.constant 0 : i32
        %dma_wait3A_774 = arith.constant 6 : i32
        %dma_wait3A_775 = arith.constant 0 : i32
        %dma_wait3A_776 = arith.constant 0 : i32
        %dma_wait3A_777 = tpu.memref_slice %arg8[%dma_wait3A_772, %dma_wait3A_775, %dma_wait3A_776] : memref<10x100x16xf32, #tpu.memory_space<vmem>> -> memref<1x100x16xf32, #tpu.memory_space<vmem>>
        %dma_wait3A_778 = tpu.memref_squeeze %dma_wait3A_777 : memref<1x100x16xf32, #tpu.memory_space<vmem>> -> memref<100x16xf32, #tpu.memory_space<vmem>>
        %dma_wait3A_779 = arith.constant 0 : i32
        %dma_wait3A_780 = tpu.memref_slice %arg7[%dma_wait3A_773, %dma_wait3A_779] : memref<100x100xi32, #tpu.memory_space<vmem>> -> memref<1x100xi32, #tpu.memory_space<vmem>>
        %dma_wait3A_781 = tpu.memref_squeeze %dma_wait3A_780 : memref<1x100xi32, #tpu.memory_space<vmem>> -> memref<100xi32, #tpu.memory_space<vmem>>
        %dma_wait3A_782 = arith.constant 0 : i32
        %dma_wait3A_783 = arith.constant 0 : i32
        %dma_wait3A_784 = tpu.memref_slice %arg10[%dma_wait3A_782, %dma_wait3A_783] : memref<10240x16xf32, #tpu.memory_space<vmem_shared>> -> memref<10240x16xf32, #tpu.memory_space<vmem_shared>>
        %dma_wait3A_785 = tpu.memref_slice %arg12[%dma_wait3A_774] : memref<10x!tpu.dma_semaphore, #tpu.memory_space<semaphore_mem>> -> memref<1x!tpu.dma_semaphore, #tpu.memory_space<semaphore_mem>>
        %dma_wait3A_786 = tpu.memref_squeeze %dma_wait3A_785 : memref<1x!tpu.dma_semaphore, #tpu.memory_space<semaphore_mem>> -> memref<!tpu.dma_semaphore, #tpu.memory_space<semaphore_mem>>
        tpu.wait_indirect_dma semaphore(%dma_wait3A_786 : memref<!tpu.dma_semaphore, #tpu.memory_space<semaphore_mem>>) src(%dma_wait3A_778 : memref<100x16xf32, #tpu.memory_space<vmem>>) dst(%dma_wait3A_784 : memref<10240x16xf32, #tpu.memory_space<vmem_shared>>)
        %dma_wait3A_787 = arith.constant 0 : i32
        %dma_wait3A_788 = arith.constant 6 : i32
        %dma_wait3A_789 = arith.constant 0 : i32
        %dma_wait3A_790 = tpu.memref_slice %arg7[%dma_wait3A_787, %dma_wait3A_789] : memref<100x100xi32, #tpu.memory_space<vmem>> -> memref<1x100xi32, #tpu.memory_space<vmem>>
        %dma_wait3A_791 = tpu.memref_squeeze %dma_wait3A_790 : memref<1x100xi32, #tpu.memory_space<vmem>> -> memref<100xi32, #tpu.memory_space<vmem>>
        %dma_wait3A_792 = arith.constant 0 : i32
        %dma_wait3A_793 = arith.constant 0 : i32
        %dma_wait3A_794 = tpu.memref_slice %arg14[%dma_wait3A_792, %dma_wait3A_793] : memref<10240x16xf32, #tpu.memory_space<vmem_shared>> -> memref<10240x16xf32, #tpu.memory_space<vmem_shared>>
        %dma_wait3A_795 = tpu.memref_slice %arg15[%dma_wait3A_788] : memref<10x!tpu.dma_semaphore, #tpu.memory_space<semaphore_mem>> -> memref<1x!tpu.dma_semaphore, #tpu.memory_space<semaphore_mem>>
        %dma_wait3A_796 = tpu.memref_squeeze %dma_wait3A_795 : memref<1x!tpu.dma_semaphore, #tpu.memory_space<semaphore_mem>> -> memref<!tpu.dma_semaphore, #tpu.memory_space<semaphore_mem>>
        tpu.wait_indirect_dma semaphore(%dma_wait3A_796 : memref<!tpu.dma_semaphore, #tpu.memory_space<semaphore_mem>>) src(%arg13 : memref<100x16xf32, #tpu.memory_space<vmem>>) dst(%dma_wait3A_794 : memref<10240x16xf32, #tpu.memory_space<vmem_shared>>)
        %add3A_797 = arith.constant 10 : i32
        %add3A_798 = arith.addi %sub3A_382, %add3A_797 : i32
        %lt3A = arith.constant 100 : i32
        %lt3A_799 = arith.cmpi slt, %add3A_798, %lt3A : i32
        %convert_element_type3A_800 = arith.extui %lt3A_799 : i1 to i32
        %cond3A_801 = arith.constant 0 : i32
        %cond3A_802 = arith.cmpi ne, %convert_element_type3A_800, %cond3A_801 : i32
        scf.if %cond3A_802 {
          %dma_start3A_803 = arith.constant 6 : i32
          %dma_start3A_804 = arith.constant 6 : i32
          %dma_start3A_805 = arith.constant 0 : i32
          %dma_start3A_806 = arith.constant 0 : i32
          %dma_start3A_807 = tpu.memref_slice %arg8[%dma_start3A_803, %dma_start3A_805, %dma_start3A_806] : memref<10x100x16xf32, #tpu.memory_space<vmem>> -> memref<1x100x16xf32, #tpu.memory_space<vmem>>
          %dma_start3A_808 = tpu.memref_squeeze %dma_start3A_807 : memref<1x100x16xf32, #tpu.memory_space<vmem>> -> memref<100x16xf32, #tpu.memory_space<vmem>>
          %dma_start3A_809 = arith.constant 0 : i32
          %dma_start3A_810 = tpu.memref_slice %arg6[%add3A_798, %dma_start3A_809] : memref<100x100xi32, #tpu.memory_space<vmem>> -> memref<1x100xi32, #tpu.memory_space<vmem>>
          %dma_start3A_811 = tpu.memref_squeeze %dma_start3A_810 : memref<1x100xi32, #tpu.memory_space<vmem>> -> memref<100xi32, #tpu.memory_space<vmem>>
          %dma_start3A_812 = arith.constant 0 : i32
          %dma_start3A_813 = arith.constant 0 : i32
          %dma_start3A_814 = tpu.memref_slice %arg3[%dma_start3A_812, %dma_start3A_813] : memref<10000x16xf32, #tpu.memory_space<hbm>> -> memref<10000x16xf32, #tpu.memory_space<hbm>>
          %dma_start3A_815 = tpu.memref_slice %arg11[%dma_start3A_804] : memref<10x!tpu.dma_semaphore, #tpu.memory_space<semaphore_mem>> -> memref<1x!tpu.dma_semaphore, #tpu.memory_space<semaphore_mem>>
          %dma_start3A_816 = tpu.memref_squeeze %dma_start3A_815 : memref<1x!tpu.dma_semaphore, #tpu.memory_space<semaphore_mem>> -> memref<!tpu.dma_semaphore, #tpu.memory_space<semaphore_mem>>
          tpu.enqueue_indirect_dma source(%dma_start3A_814 : memref<10000x16xf32, #tpu.memory_space<hbm>>) target(%dma_start3A_808 : memref<100x16xf32, #tpu.memory_space<vmem>>) offsets(%dma_start3A_811 : memref<100xi32, #tpu.memory_space<vmem>>) semaphore(%dma_start3A_816 : memref<!tpu.dma_semaphore, #tpu.memory_space<semaphore_mem>>)
        } else {
        }
      } else {
      }
      %mul3A_388 = arith.constant 10 : i32
      %mul3A_389 = arith.muli %scan3A_295, %mul3A_388 : i32
      %add3A_390 = arith.constant 2 : i32
      %add3A_391 = arith.addi %mul3A_389, %add3A_390 : i32
      %dma_wait3A_392 = arith.constant 2 : i32
      %dma_wait3A_393 = arith.constant 2 : i32
      %dma_wait3A_394 = arith.constant 0 : i32
      %dma_wait3A_395 = arith.constant 0 : i32
      %dma_wait3A_396 = tpu.memref_slice %arg8[%dma_wait3A_392, %dma_wait3A_394, %dma_wait3A_395] : memref<10x100x16xf32, #tpu.memory_space<vmem>> -> memref<1x100x16xf32, #tpu.memory_space<vmem>>
      %dma_wait3A_397 = tpu.memref_squeeze %dma_wait3A_396 : memref<1x100x16xf32, #tpu.memory_space<vmem>> -> memref<100x16xf32, #tpu.memory_space<vmem>>
      %dma_wait3A_398 = arith.constant 0 : i32
      %dma_wait3A_399 = tpu.memref_slice %arg6[%add3A_391, %dma_wait3A_398] : memref<100x100xi32, #tpu.memory_space<vmem>> -> memref<1x100xi32, #tpu.memory_space<vmem>>
      %dma_wait3A_400 = tpu.memref_squeeze %dma_wait3A_399 : memref<1x100xi32, #tpu.memory_space<vmem>> -> memref<100xi32, #tpu.memory_space<vmem>>
      %dma_wait3A_401 = arith.constant 0 : i32
      %dma_wait3A_402 = arith.constant 0 : i32
      %dma_wait3A_403 = tpu.memref_slice %arg3[%dma_wait3A_401, %dma_wait3A_402] : memref<10000x16xf32, #tpu.memory_space<hbm>> -> memref<10000x16xf32, #tpu.memory_space<hbm>>
      %dma_wait3A_404 = tpu.memref_slice %arg11[%dma_wait3A_393] : memref<10x!tpu.dma_semaphore, #tpu.memory_space<semaphore_mem>> -> memref<1x!tpu.dma_semaphore, #tpu.memory_space<semaphore_mem>>
      %dma_wait3A_405 = tpu.memref_squeeze %dma_wait3A_404 : memref<1x!tpu.dma_semaphore, #tpu.memory_space<semaphore_mem>> -> memref<!tpu.dma_semaphore, #tpu.memory_space<semaphore_mem>>
      tpu.wait_indirect_dma semaphore(%dma_wait3A_405 : memref<!tpu.dma_semaphore, #tpu.memory_space<semaphore_mem>>) src(%dma_wait3A_403 : memref<10000x16xf32, #tpu.memory_space<hbm>>) dst(%dma_wait3A_397 : memref<100x16xf32, #tpu.memory_space<vmem>>)
      %dma_start3A_406 = arith.constant 2 : i32
      %dma_start3A_407 = arith.constant 2 : i32
      %dma_start3A_408 = arith.constant 0 : i32
      %dma_start3A_409 = arith.constant 0 : i32
      %dma_start3A_410 = tpu.memref_slice %arg8[%dma_start3A_406, %dma_start3A_408, %dma_start3A_409] : memref<10x100x16xf32, #tpu.memory_space<vmem>> -> memref<1x100x16xf32, #tpu.memory_space<vmem>>
      %dma_start3A_411 = tpu.memref_squeeze %dma_start3A_410 : memref<1x100x16xf32, #tpu.memory_space<vmem>> -> memref<100x16xf32, #tpu.memory_space<vmem>>
      %dma_start3A_412 = arith.constant 0 : i32
      %dma_start3A_413 = tpu.memref_slice %arg7[%add3A_391, %dma_start3A_412] : memref<100x100xi32, #tpu.memory_space<vmem>> -> memref<1x100xi32, #tpu.memory_space<vmem>>
      %dma_start3A_414 = tpu.memref_squeeze %dma_start3A_413 : memref<1x100xi32, #tpu.memory_space<vmem>> -> memref<100xi32, #tpu.memory_space<vmem>>
      %dma_start3A_415 = arith.constant 0 : i32
      %dma_start3A_416 = arith.constant 0 : i32
      %dma_start3A_417 = tpu.memref_slice %arg10[%dma_start3A_415, %dma_start3A_416] : memref<10240x16xf32, #tpu.memory_space<vmem_shared>> -> memref<10240x16xf32, #tpu.memory_space<vmem_shared>>
      %dma_start3A_418 = tpu.memref_slice %arg12[%dma_start3A_407] : memref<10x!tpu.dma_semaphore, #tpu.memory_space<semaphore_mem>> -> memref<1x!tpu.dma_semaphore, #tpu.memory_space<semaphore_mem>>
      %dma_start3A_419 = tpu.memref_squeeze %dma_start3A_418 : memref<1x!tpu.dma_semaphore, #tpu.memory_space<semaphore_mem>> -> memref<!tpu.dma_semaphore, #tpu.memory_space<semaphore_mem>>
      tpu.enqueue_indirect_dma source(%dma_start3A_411 : memref<100x16xf32, #tpu.memory_space<vmem>>) target(%dma_start3A_417 : memref<10240x16xf32, #tpu.memory_space<vmem_shared>>) offsets(%dma_start3A_414 : memref<100xi32, #tpu.memory_space<vmem>>) semaphore(%dma_start3A_419 : memref<!tpu.dma_semaphore, #tpu.memory_space<semaphore_mem>>) {add = true}
      %dma_start3A_420 = arith.constant 2 : i32
      %dma_start3A_421 = arith.constant 0 : i32
      %dma_start3A_422 = tpu.memref_slice %arg7[%add3A_391, %dma_start3A_421] : memref<100x100xi32, #tpu.memory_space<vmem>> -> memref<1x100xi32, #tpu.memory_space<vmem>>
      %dma_start3A_423 = tpu.memref_squeeze %dma_start3A_422 : memref<1x100xi32, #tpu.memory_space<vmem>> -> memref<100xi32, #tpu.memory_space<vmem>>
      %dma_start3A_424 = arith.constant 0 : i32
      %dma_start3A_425 = arith.constant 0 : i32
      %dma_start3A_426 = tpu.memref_slice %arg14[%dma_start3A_424, %dma_start3A_425] : memref<10240x16xf32, #tpu.memory_space<vmem_shared>> -> memref<10240x16xf32, #tpu.memory_space<vmem_shared>>
      %dma_start3A_427 = tpu.memref_slice %arg15[%dma_start3A_420] : memref<10x!tpu.dma_semaphore, #tpu.memory_space<semaphore_mem>> -> memref<1x!tpu.dma_semaphore, #tpu.memory_space<semaphore_mem>>
      %dma_start3A_428 = tpu.memref_squeeze %dma_start3A_427 : memref<1x!tpu.dma_semaphore, #tpu.memory_space<semaphore_mem>> -> memref<!tpu.dma_semaphore, #tpu.memory_space<semaphore_mem>>
      tpu.enqueue_indirect_dma source(%arg13 : memref<100x16xf32, #tpu.memory_space<vmem>>) target(%dma_start3A_426 : memref<10240x16xf32, #tpu.memory_space<vmem_shared>>) offsets(%dma_start3A_423 : memref<100xi32, #tpu.memory_space<vmem>>) semaphore(%dma_start3A_428 : memref<!tpu.dma_semaphore, #tpu.memory_space<semaphore_mem>>) {add = true}
      %sub3A_429 = arith.constant 5 : i32
      %sub3A_430 = arith.subi %add3A_391, %sub3A_429 : i32
      %ge3A_431 = arith.constant 0 : i32
      %ge3A_432 = arith.cmpi sge, %sub3A_430, %ge3A_431 : i32
      %convert_element_type3A_433 = arith.extui %ge3A_432 : i1 to i32
      %cond3A_434 = arith.constant 0 : i32
      %cond3A_435 = arith.cmpi ne, %convert_element_type3A_433, %cond3A_434 : i32
      scf.if %cond3A_435 {
        %dma_wait3A_772 = arith.constant 7 : i32
        %dma_wait3A_773 = arith.constant 0 : i32
        %dma_wait3A_774 = arith.constant 7 : i32
        %dma_wait3A_775 = arith.constant 0 : i32
        %dma_wait3A_776 = arith.constant 0 : i32
        %dma_wait3A_777 = tpu.memref_slice %arg8[%dma_wait3A_772, %dma_wait3A_775, %dma_wait3A_776] : memref<10x100x16xf32, #tpu.memory_space<vmem>> -> memref<1x100x16xf32, #tpu.memory_space<vmem>>
        %dma_wait3A_778 = tpu.memref_squeeze %dma_wait3A_777 : memref<1x100x16xf32, #tpu.memory_space<vmem>> -> memref<100x16xf32, #tpu.memory_space<vmem>>
        %dma_wait3A_779 = arith.constant 0 : i32
        %dma_wait3A_780 = tpu.memref_slice %arg7[%dma_wait3A_773, %dma_wait3A_779] : memref<100x100xi32, #tpu.memory_space<vmem>> -> memref<1x100xi32, #tpu.memory_space<vmem>>
        %dma_wait3A_781 = tpu.memref_squeeze %dma_wait3A_780 : memref<1x100xi32, #tpu.memory_space<vmem>> -> memref<100xi32, #tpu.memory_space<vmem>>
        %dma_wait3A_782 = arith.constant 0 : i32
        %dma_wait3A_783 = arith.constant 0 : i32
        %dma_wait3A_784 = tpu.memref_slice %arg10[%dma_wait3A_782, %dma_wait3A_783] : memref<10240x16xf32, #tpu.memory_space<vmem_shared>> -> memref<10240x16xf32, #tpu.memory_space<vmem_shared>>
        %dma_wait3A_785 = tpu.memref_slice %arg12[%dma_wait3A_774] : memref<10x!tpu.dma_semaphore, #tpu.memory_space<semaphore_mem>> -> memref<1x!tpu.dma_semaphore, #tpu.memory_space<semaphore_mem>>
        %dma_wait3A_786 = tpu.memref_squeeze %dma_wait3A_785 : memref<1x!tpu.dma_semaphore, #tpu.memory_space<semaphore_mem>> -> memref<!tpu.dma_semaphore, #tpu.memory_space<semaphore_mem>>
        tpu.wait_indirect_dma semaphore(%dma_wait3A_786 : memref<!tpu.dma_semaphore, #tpu.memory_space<semaphore_mem>>) src(%dma_wait3A_778 : memref<100x16xf32, #tpu.memory_space<vmem>>) dst(%dma_wait3A_784 : memref<10240x16xf32, #tpu.memory_space<vmem_shared>>)
        %dma_wait3A_787 = arith.constant 0 : i32
        %dma_wait3A_788 = arith.constant 7 : i32
        %dma_wait3A_789 = arith.constant 0 : i32
        %dma_wait3A_790 = tpu.memref_slice %arg7[%dma_wait3A_787, %dma_wait3A_789] : memref<100x100xi32, #tpu.memory_space<vmem>> -> memref<1x100xi32, #tpu.memory_space<vmem>>
        %dma_wait3A_791 = tpu.memref_squeeze %dma_wait3A_790 : memref<1x100xi32, #tpu.memory_space<vmem>> -> memref<100xi32, #tpu.memory_space<vmem>>
        %dma_wait3A_792 = arith.constant 0 : i32
        %dma_wait3A_793 = arith.constant 0 : i32
        %dma_wait3A_794 = tpu.memref_slice %arg14[%dma_wait3A_792, %dma_wait3A_793] : memref<10240x16xf32, #tpu.memory_space<vmem_shared>> -> memref<10240x16xf32, #tpu.memory_space<vmem_shared>>
        %dma_wait3A_795 = tpu.memref_slice %arg15[%dma_wait3A_788] : memref<10x!tpu.dma_semaphore, #tpu.memory_space<semaphore_mem>> -> memref<1x!tpu.dma_semaphore, #tpu.memory_space<semaphore_mem>>
        %dma_wait3A_796 = tpu.memref_squeeze %dma_wait3A_795 : memref<1x!tpu.dma_semaphore, #tpu.memory_space<semaphore_mem>> -> memref<!tpu.dma_semaphore, #tpu.memory_space<semaphore_mem>>
        tpu.wait_indirect_dma semaphore(%dma_wait3A_796 : memref<!tpu.dma_semaphore, #tpu.memory_space<semaphore_mem>>) src(%arg13 : memref<100x16xf32, #tpu.memory_space<vmem>>) dst(%dma_wait3A_794 : memref<10240x16xf32, #tpu.memory_space<vmem_shared>>)
        %add3A_797 = arith.constant 10 : i32
        %add3A_798 = arith.addi %sub3A_430, %add3A_797 : i32
        %lt3A = arith.constant 100 : i32
        %lt3A_799 = arith.cmpi slt, %add3A_798, %lt3A : i32
        %convert_element_type3A_800 = arith.extui %lt3A_799 : i1 to i32
        %cond3A_801 = arith.constant 0 : i32
        %cond3A_802 = arith.cmpi ne, %convert_element_type3A_800, %cond3A_801 : i32
        scf.if %cond3A_802 {
          %dma_start3A_803 = arith.constant 7 : i32
          %dma_start3A_804 = arith.constant 7 : i32
          %dma_start3A_805 = arith.constant 0 : i32
          %dma_start3A_806 = arith.constant 0 : i32
          %dma_start3A_807 = tpu.memref_slice %arg8[%dma_start3A_803, %dma_start3A_805, %dma_start3A_806] : memref<10x100x16xf32, #tpu.memory_space<vmem>> -> memref<1x100x16xf32, #tpu.memory_space<vmem>>
          %dma_start3A_808 = tpu.memref_squeeze %dma_start3A_807 : memref<1x100x16xf32, #tpu.memory_space<vmem>> -> memref<100x16xf32, #tpu.memory_space<vmem>>
          %dma_start3A_809 = arith.constant 0 : i32
          %dma_start3A_810 = tpu.memref_slice %arg6[%add3A_798, %dma_start3A_809] : memref<100x100xi32, #tpu.memory_space<vmem>> -> memref<1x100xi32, #tpu.memory_space<vmem>>
          %dma_start3A_811 = tpu.memref_squeeze %dma_start3A_810 : memref<1x100xi32, #tpu.memory_space<vmem>> -> memref<100xi32, #tpu.memory_space<vmem>>
          %dma_start3A_812 = arith.constant 0 : i32
          %dma_start3A_813 = arith.constant 0 : i32
          %dma_start3A_814 = tpu.memref_slice %arg3[%dma_start3A_812, %dma_start3A_813] : memref<10000x16xf32, #tpu.memory_space<hbm>> -> memref<10000x16xf32, #tpu.memory_space<hbm>>
          %dma_start3A_815 = tpu.memref_slice %arg11[%dma_start3A_804] : memref<10x!tpu.dma_semaphore, #tpu.memory_space<semaphore_mem>> -> memref<1x!tpu.dma_semaphore, #tpu.memory_space<semaphore_mem>>
          %dma_start3A_816 = tpu.memref_squeeze %dma_start3A_815 : memref<1x!tpu.dma_semaphore, #tpu.memory_space<semaphore_mem>> -> memref<!tpu.dma_semaphore, #tpu.memory_space<semaphore_mem>>
          tpu.enqueue_indirect_dma source(%dma_start3A_814 : memref<10000x16xf32, #tpu.memory_space<hbm>>) target(%dma_start3A_808 : memref<100x16xf32, #tpu.memory_space<vmem>>) offsets(%dma_start3A_811 : memref<100xi32, #tpu.memory_space<vmem>>) semaphore(%dma_start3A_816 : memref<!tpu.dma_semaphore, #tpu.memory_space<semaphore_mem>>)
        } else {
        }
      } else {
      }
      %mul3A_436 = arith.constant 10 : i32
      %mul3A_437 = arith.muli %scan3A_295, %mul3A_436 : i32
      %add3A_438 = arith.constant 3 : i32
      %add3A_439 = arith.addi %mul3A_437, %add3A_438 : i32
      %dma_wait3A_440 = arith.constant 3 : i32
      %dma_wait3A_441 = arith.constant 3 : i32
      %dma_wait3A_442 = arith.constant 0 : i32
      %dma_wait3A_443 = arith.constant 0 : i32
      %dma_wait3A_444 = tpu.memref_slice %arg8[%dma_wait3A_440, %dma_wait3A_442, %dma_wait3A_443] : memref<10x100x16xf32, #tpu.memory_space<vmem>> -> memref<1x100x16xf32, #tpu.memory_space<vmem>>
      %dma_wait3A_445 = tpu.memref_squeeze %dma_wait3A_444 : memref<1x100x16xf32, #tpu.memory_space<vmem>> -> memref<100x16xf32, #tpu.memory_space<vmem>>
      %dma_wait3A_446 = arith.constant 0 : i32
      %dma_wait3A_447 = tpu.memref_slice %arg6[%add3A_439, %dma_wait3A_446] : memref<100x100xi32, #tpu.memory_space<vmem>> -> memref<1x100xi32, #tpu.memory_space<vmem>>
      %dma_wait3A_448 = tpu.memref_squeeze %dma_wait3A_447 : memref<1x100xi32, #tpu.memory_space<vmem>> -> memref<100xi32, #tpu.memory_space<vmem>>
      %dma_wait3A_449 = arith.constant 0 : i32
      %dma_wait3A_450 = arith.constant 0 : i32
      %dma_wait3A_451 = tpu.memref_slice %arg3[%dma_wait3A_449, %dma_wait3A_450] : memref<10000x16xf32, #tpu.memory_space<hbm>> -> memref<10000x16xf32, #tpu.memory_space<hbm>>
      %dma_wait3A_452 = tpu.memref_slice %arg11[%dma_wait3A_441] : memref<10x!tpu.dma_semaphore, #tpu.memory_space<semaphore_mem>> -> memref<1x!tpu.dma_semaphore, #tpu.memory_space<semaphore_mem>>
      %dma_wait3A_453 = tpu.memref_squeeze %dma_wait3A_452 : memref<1x!tpu.dma_semaphore, #tpu.memory_space<semaphore_mem>> -> memref<!tpu.dma_semaphore, #tpu.memory_space<semaphore_mem>>
      tpu.wait_indirect_dma semaphore(%dma_wait3A_453 : memref<!tpu.dma_semaphore, #tpu.memory_space<semaphore_mem>>) src(%dma_wait3A_451 : memref<10000x16xf32, #tpu.memory_space<hbm>>) dst(%dma_wait3A_445 : memref<100x16xf32, #tpu.memory_space<vmem>>)
      %dma_start3A_454 = arith.constant 3 : i32
      %dma_start3A_455 = arith.constant 3 : i32
      %dma_start3A_456 = arith.constant 0 : i32
      %dma_start3A_457 = arith.constant 0 : i32
      %dma_start3A_458 = tpu.memref_slice %arg8[%dma_start3A_454, %dma_start3A_456, %dma_start3A_457] : memref<10x100x16xf32, #tpu.memory_space<vmem>> -> memref<1x100x16xf32, #tpu.memory_space<vmem>>
      %dma_start3A_459 = tpu.memref_squeeze %dma_start3A_458 : memref<1x100x16xf32, #tpu.memory_space<vmem>> -> memref<100x16xf32, #tpu.memory_space<vmem>>
      %dma_start3A_460 = arith.constant 0 : i32
      %dma_start3A_461 = tpu.memref_slice %arg7[%add3A_439, %dma_start3A_460] : memref<100x100xi32, #tpu.memory_space<vmem>> -> memref<1x100xi32, #tpu.memory_space<vmem>>
      %dma_start3A_462 = tpu.memref_squeeze %dma_start3A_461 : memref<1x100xi32, #tpu.memory_space<vmem>> -> memref<100xi32, #tpu.memory_space<vmem>>
      %dma_start3A_463 = arith.constant 0 : i32
      %dma_start3A_464 = arith.constant 0 : i32
      %dma_start3A_465 = tpu.memref_slice %arg10[%dma_start3A_463, %dma_start3A_464] : memref<10240x16xf32, #tpu.memory_space<vmem_shared>> -> memref<10240x16xf32, #tpu.memory_space<vmem_shared>>
      %dma_start3A_466 = tpu.memref_slice %arg12[%dma_start3A_455] : memref<10x!tpu.dma_semaphore, #tpu.memory_space<semaphore_mem>> -> memref<1x!tpu.dma_semaphore, #tpu.memory_space<semaphore_mem>>
      %dma_start3A_467 = tpu.memref_squeeze %dma_start3A_466 : memref<1x!tpu.dma_semaphore, #tpu.memory_space<semaphore_mem>> -> memref<!tpu.dma_semaphore, #tpu.memory_space<semaphore_mem>>
      tpu.enqueue_indirect_dma source(%dma_start3A_459 : memref<100x16xf32, #tpu.memory_space<vmem>>) target(%dma_start3A_465 : memref<10240x16xf32, #tpu.memory_space<vmem_shared>>) offsets(%dma_start3A_462 : memref<100xi32, #tpu.memory_space<vmem>>) semaphore(%dma_start3A_467 : memref<!tpu.dma_semaphore, #tpu.memory_space<semaphore_mem>>) {add = true}
      %dma_start3A_468 = arith.constant 3 : i32
      %dma_start3A_469 = arith.constant 0 : i32
      %dma_start3A_470 = tpu.memref_slice %arg7[%add3A_439, %dma_start3A_469] : memref<100x100xi32, #tpu.memory_space<vmem>> -> memref<1x100xi32, #tpu.memory_space<vmem>>
      %dma_start3A_471 = tpu.memref_squeeze %dma_start3A_470 : memref<1x100xi32, #tpu.memory_space<vmem>> -> memref<100xi32, #tpu.memory_space<vmem>>
      %dma_start3A_472 = arith.constant 0 : i32
      %dma_start3A_473 = arith.constant 0 : i32
      %dma_start3A_474 = tpu.memref_slice %arg14[%dma_start3A_472, %dma_start3A_473] : memref<10240x16xf32, #tpu.memory_space<vmem_shared>> -> memref<10240x16xf32, #tpu.memory_space<vmem_shared>>
      %dma_start3A_475 = tpu.memref_slice %arg15[%dma_start3A_468] : memref<10x!tpu.dma_semaphore, #tpu.memory_space<semaphore_mem>> -> memref<1x!tpu.dma_semaphore, #tpu.memory_space<semaphore_mem>>
      %dma_start3A_476 = tpu.memref_squeeze %dma_start3A_475 : memref<1x!tpu.dma_semaphore, #tpu.memory_space<semaphore_mem>> -> memref<!tpu.dma_semaphore, #tpu.memory_space<semaphore_mem>>
      tpu.enqueue_indirect_dma source(%arg13 : memref<100x16xf32, #tpu.memory_space<vmem>>) target(%dma_start3A_474 : memref<10240x16xf32, #tpu.memory_space<vmem_shared>>) offsets(%dma_start3A_471 : memref<100xi32, #tpu.memory_space<vmem>>) semaphore(%dma_start3A_476 : memref<!tpu.dma_semaphore, #tpu.memory_space<semaphore_mem>>) {add = true}
      %sub3A_477 = arith.constant 5 : i32
      %sub3A_478 = arith.subi %add3A_439, %sub3A_477 : i32
      %ge3A_479 = arith.constant 0 : i32
      %ge3A_480 = arith.cmpi sge, %sub3A_478, %ge3A_479 : i32
      %convert_element_type3A_481 = arith.extui %ge3A_480 : i1 to i32
      %cond3A_482 = arith.constant 0 : i32
      %cond3A_483 = arith.cmpi ne, %convert_element_type3A_481, %cond3A_482 : i32
      scf.if %cond3A_483 {
        %dma_wait3A_772 = arith.constant 8 : i32
        %dma_wait3A_773 = arith.constant 0 : i32
        %dma_wait3A_774 = arith.constant 8 : i32
        %dma_wait3A_775 = arith.constant 0 : i32
        %dma_wait3A_776 = arith.constant 0 : i32
        %dma_wait3A_777 = tpu.memref_slice %arg8[%dma_wait3A_772, %dma_wait3A_775, %dma_wait3A_776] : memref<10x100x16xf32, #tpu.memory_space<vmem>> -> memref<1x100x16xf32, #tpu.memory_space<vmem>>
        %dma_wait3A_778 = tpu.memref_squeeze %dma_wait3A_777 : memref<1x100x16xf32, #tpu.memory_space<vmem>> -> memref<100x16xf32, #tpu.memory_space<vmem>>
        %dma_wait3A_779 = arith.constant 0 : i32
        %dma_wait3A_780 = tpu.memref_slice %arg7[%dma_wait3A_773, %dma_wait3A_779] : memref<100x100xi32, #tpu.memory_space<vmem>> -> memref<1x100xi32, #tpu.memory_space<vmem>>
        %dma_wait3A_781 = tpu.memref_squeeze %dma_wait3A_780 : memref<1x100xi32, #tpu.memory_space<vmem>> -> memref<100xi32, #tpu.memory_space<vmem>>
        %dma_wait3A_782 = arith.constant 0 : i32
        %dma_wait3A_783 = arith.constant 0 : i32
        %dma_wait3A_784 = tpu.memref_slice %arg10[%dma_wait3A_782, %dma_wait3A_783] : memref<10240x16xf32, #tpu.memory_space<vmem_shared>> -> memref<10240x16xf32, #tpu.memory_space<vmem_shared>>
        %dma_wait3A_785 = tpu.memref_slice %arg12[%dma_wait3A_774] : memref<10x!tpu.dma_semaphore, #tpu.memory_space<semaphore_mem>> -> memref<1x!tpu.dma_semaphore, #tpu.memory_space<semaphore_mem>>
        %dma_wait3A_786 = tpu.memref_squeeze %dma_wait3A_785 : memref<1x!tpu.dma_semaphore, #tpu.memory_space<semaphore_mem>> -> memref<!tpu.dma_semaphore, #tpu.memory_space<semaphore_mem>>
        tpu.wait_indirect_dma semaphore(%dma_wait3A_786 : memref<!tpu.dma_semaphore, #tpu.memory_space<semaphore_mem>>) src(%dma_wait3A_778 : memref<100x16xf32, #tpu.memory_space<vmem>>) dst(%dma_wait3A_784 : memref<10240x16xf32, #tpu.memory_space<vmem_shared>>)
        %dma_wait3A_787 = arith.constant 0 : i32
        %dma_wait3A_788 = arith.constant 8 : i32
        %dma_wait3A_789 = arith.constant 0 : i32
        %dma_wait3A_790 = tpu.memref_slice %arg7[%dma_wait3A_787, %dma_wait3A_789] : memref<100x100xi32, #tpu.memory_space<vmem>> -> memref<1x100xi32, #tpu.memory_space<vmem>>
        %dma_wait3A_791 = tpu.memref_squeeze %dma_wait3A_790 : memref<1x100xi32, #tpu.memory_space<vmem>> -> memref<100xi32, #tpu.memory_space<vmem>>
        %dma_wait3A_792 = arith.constant 0 : i32
        %dma_wait3A_793 = arith.constant 0 : i32
        %dma_wait3A_794 = tpu.memref_slice %arg14[%dma_wait3A_792, %dma_wait3A_793] : memref<10240x16xf32, #tpu.memory_space<vmem_shared>> -> memref<10240x16xf32, #tpu.memory_space<vmem_shared>>
        %dma_wait3A_795 = tpu.memref_slice %arg15[%dma_wait3A_788] : memref<10x!tpu.dma_semaphore, #tpu.memory_space<semaphore_mem>> -> memref<1x!tpu.dma_semaphore, #tpu.memory_space<semaphore_mem>>
        %dma_wait3A_796 = tpu.memref_squeeze %dma_wait3A_795 : memref<1x!tpu.dma_semaphore, #tpu.memory_space<semaphore_mem>> -> memref<!tpu.dma_semaphore, #tpu.memory_space<semaphore_mem>>
        tpu.wait_indirect_dma semaphore(%dma_wait3A_796 : memref<!tpu.dma_semaphore, #tpu.memory_space<semaphore_mem>>) src(%arg13 : memref<100x16xf32, #tpu.memory_space<vmem>>) dst(%dma_wait3A_794 : memref<10240x16xf32, #tpu.memory_space<vmem_shared>>)
        %add3A_797 = arith.constant 10 : i32
        %add3A_798 = arith.addi %sub3A_478, %add3A_797 : i32
        %lt3A = arith.constant 100 : i32
        %lt3A_799 = arith.cmpi slt, %add3A_798, %lt3A : i32
        %convert_element_type3A_800 = arith.extui %lt3A_799 : i1 to i32
        %cond3A_801 = arith.constant 0 : i32
        %cond3A_802 = arith.cmpi ne, %convert_element_type3A_800, %cond3A_801 : i32
        scf.if %cond3A_802 {
          %dma_start3A_803 = arith.constant 8 : i32
          %dma_start3A_804 = arith.constant 8 : i32
          %dma_start3A_805 = arith.constant 0 : i32
          %dma_start3A_806 = arith.constant 0 : i32
          %dma_start3A_807 = tpu.memref_slice %arg8[%dma_start3A_803, %dma_start3A_805, %dma_start3A_806] : memref<10x100x16xf32, #tpu.memory_space<vmem>> -> memref<1x100x16xf32, #tpu.memory_space<vmem>>
          %dma_start3A_808 = tpu.memref_squeeze %dma_start3A_807 : memref<1x100x16xf32, #tpu.memory_space<vmem>> -> memref<100x16xf32, #tpu.memory_space<vmem>>
          %dma_start3A_809 = arith.constant 0 : i32
          %dma_start3A_810 = tpu.memref_slice %arg6[%add3A_798, %dma_start3A_809] : memref<100x100xi32, #tpu.memory_space<vmem>> -> memref<1x100xi32, #tpu.memory_space<vmem>>
          %dma_start3A_811 = tpu.memref_squeeze %dma_start3A_810 : memref<1x100xi32, #tpu.memory_space<vmem>> -> memref<100xi32, #tpu.memory_space<vmem>>
          %dma_start3A_812 = arith.constant 0 : i32
          %dma_start3A_813 = arith.constant 0 : i32
          %dma_start3A_814 = tpu.memref_slice %arg3[%dma_start3A_812, %dma_start3A_813] : memref<10000x16xf32, #tpu.memory_space<hbm>> -> memref<10000x16xf32, #tpu.memory_space<hbm>>
          %dma_start3A_815 = tpu.memref_slice %arg11[%dma_start3A_804] : memref<10x!tpu.dma_semaphore, #tpu.memory_space<semaphore_mem>> -> memref<1x!tpu.dma_semaphore, #tpu.memory_space<semaphore_mem>>
          %dma_start3A_816 = tpu.memref_squeeze %dma_start3A_815 : memref<1x!tpu.dma_semaphore, #tpu.memory_space<semaphore_mem>> -> memref<!tpu.dma_semaphore, #tpu.memory_space<semaphore_mem>>
          tpu.enqueue_indirect_dma source(%dma_start3A_814 : memref<10000x16xf32, #tpu.memory_space<hbm>>) target(%dma_start3A_808 : memref<100x16xf32, #tpu.memory_space<vmem>>) offsets(%dma_start3A_811 : memref<100xi32, #tpu.memory_space<vmem>>) semaphore(%dma_start3A_816 : memref<!tpu.dma_semaphore, #tpu.memory_space<semaphore_mem>>)
        } else {
        }
      } else {
      }
      %mul3A_484 = arith.constant 10 : i32
      %mul3A_485 = arith.muli %scan3A_295, %mul3A_484 : i32
      %add3A_486 = arith.constant 4 : i32
      %add3A_487 = arith.addi %mul3A_485, %add3A_486 : i32
      %dma_wait3A_488 = arith.constant 4 : i32
      %dma_wait3A_489 = arith.constant 4 : i32
      %dma_wait3A_490 = arith.constant 0 : i32
      %dma_wait3A_491 = arith.constant 0 : i32
      %dma_wait3A_492 = tpu.memref_slice %arg8[%dma_wait3A_488, %dma_wait3A_490, %dma_wait3A_491] : memref<10x100x16xf32, #tpu.memory_space<vmem>> -> memref<1x100x16xf32, #tpu.memory_space<vmem>>
      %dma_wait3A_493 = tpu.memref_squeeze %dma_wait3A_492 : memref<1x100x16xf32, #tpu.memory_space<vmem>> -> memref<100x16xf32, #tpu.memory_space<vmem>>
      %dma_wait3A_494 = arith.constant 0 : i32
      %dma_wait3A_495 = tpu.memref_slice %arg6[%add3A_487, %dma_wait3A_494] : memref<100x100xi32, #tpu.memory_space<vmem>> -> memref<1x100xi32, #tpu.memory_space<vmem>>
      %dma_wait3A_496 = tpu.memref_squeeze %dma_wait3A_495 : memref<1x100xi32, #tpu.memory_space<vmem>> -> memref<100xi32, #tpu.memory_space<vmem>>
      %dma_wait3A_497 = arith.constant 0 : i32
      %dma_wait3A_498 = arith.constant 0 : i32
      %dma_wait3A_499 = tpu.memref_slice %arg3[%dma_wait3A_497, %dma_wait3A_498] : memref<10000x16xf32, #tpu.memory_space<hbm>> -> memref<10000x16xf32, #tpu.memory_space<hbm>>
      %dma_wait3A_500 = tpu.memref_slice %arg11[%dma_wait3A_489] : memref<10x!tpu.dma_semaphore, #tpu.memory_space<semaphore_mem>> -> memref<1x!tpu.dma_semaphore, #tpu.memory_space<semaphore_mem>>
      %dma_wait3A_501 = tpu.memref_squeeze %dma_wait3A_500 : memref<1x!tpu.dma_semaphore, #tpu.memory_space<semaphore_mem>> -> memref<!tpu.dma_semaphore, #tpu.memory_space<semaphore_mem>>
      tpu.wait_indirect_dma semaphore(%dma_wait3A_501 : memref<!tpu.dma_semaphore, #tpu.memory_space<semaphore_mem>>) src(%dma_wait3A_499 : memref<10000x16xf32, #tpu.memory_space<hbm>>) dst(%dma_wait3A_493 : memref<100x16xf32, #tpu.memory_space<vmem>>)
      %dma_start3A_502 = arith.constant 4 : i32
      %dma_start3A_503 = arith.constant 4 : i32
      %dma_start3A_504 = arith.constant 0 : i32
      %dma_start3A_505 = arith.constant 0 : i32
      %dma_start3A_506 = tpu.memref_slice %arg8[%dma_start3A_502, %dma_start3A_504, %dma_start3A_505] : memref<10x100x16xf32, #tpu.memory_space<vmem>> -> memref<1x100x16xf32, #tpu.memory_space<vmem>>
      %dma_start3A_507 = tpu.memref_squeeze %dma_start3A_506 : memref<1x100x16xf32, #tpu.memory_space<vmem>> -> memref<100x16xf32, #tpu.memory_space<vmem>>
      %dma_start3A_508 = arith.constant 0 : i32
      %dma_start3A_509 = tpu.memref_slice %arg7[%add3A_487, %dma_start3A_508] : memref<100x100xi32, #tpu.memory_space<vmem>> -> memref<1x100xi32, #tpu.memory_space<vmem>>
      %dma_start3A_510 = tpu.memref_squeeze %dma_start3A_509 : memref<1x100xi32, #tpu.memory_space<vmem>> -> memref<100xi32, #tpu.memory_space<vmem>>
      %dma_start3A_511 = arith.constant 0 : i32
      %dma_start3A_512 = arith.constant 0 : i32
      %dma_start3A_513 = tpu.memref_slice %arg10[%dma_start3A_511, %dma_start3A_512] : memref<10240x16xf32, #tpu.memory_space<vmem_shared>> -> memref<10240x16xf32, #tpu.memory_space<vmem_shared>>
      %dma_start3A_514 = tpu.memref_slice %arg12[%dma_start3A_503] : memref<10x!tpu.dma_semaphore, #tpu.memory_space<semaphore_mem>> -> memref<1x!tpu.dma_semaphore, #tpu.memory_space<semaphore_mem>>
      %dma_start3A_515 = tpu.memref_squeeze %dma_start3A_514 : memref<1x!tpu.dma_semaphore, #tpu.memory_space<semaphore_mem>> -> memref<!tpu.dma_semaphore, #tpu.memory_space<semaphore_mem>>
      tpu.enqueue_indirect_dma source(%dma_start3A_507 : memref<100x16xf32, #tpu.memory_space<vmem>>) target(%dma_start3A_513 : memref<10240x16xf32, #tpu.memory_space<vmem_shared>>) offsets(%dma_start3A_510 : memref<100xi32, #tpu.memory_space<vmem>>) semaphore(%dma_start3A_515 : memref<!tpu.dma_semaphore, #tpu.memory_space<semaphore_mem>>) {add = true}
      %dma_start3A_516 = arith.constant 4 : i32
      %dma_start3A_517 = arith.constant 0 : i32
      %dma_start3A_518 = tpu.memref_slice %arg7[%add3A_487, %dma_start3A_517] : memref<100x100xi32, #tpu.memory_space<vmem>> -> memref<1x100xi32, #tpu.memory_space<vmem>>
      %dma_start3A_519 = tpu.memref_squeeze %dma_start3A_518 : memref<1x100xi32, #tpu.memory_space<vmem>> -> memref<100xi32, #tpu.memory_space<vmem>>
      %dma_start3A_520 = arith.constant 0 : i32
      %dma_start3A_521 = arith.constant 0 : i32
      %dma_start3A_522 = tpu.memref_slice %arg14[%dma_start3A_520, %dma_start3A_521] : memref<10240x16xf32, #tpu.memory_space<vmem_shared>> -> memref<10240x16xf32, #tpu.memory_space<vmem_shared>>
      %dma_start3A_523 = tpu.memref_slice %arg15[%dma_start3A_516] : memref<10x!tpu.dma_semaphore, #tpu.memory_space<semaphore_mem>> -> memref<1x!tpu.dma_semaphore, #tpu.memory_space<semaphore_mem>>
      %dma_start3A_524 = tpu.memref_squeeze %dma_start3A_523 : memref<1x!tpu.dma_semaphore, #tpu.memory_space<semaphore_mem>> -> memref<!tpu.dma_semaphore, #tpu.memory_space<semaphore_mem>>
      tpu.enqueue_indirect_dma source(%arg13 : memref<100x16xf32, #tpu.memory_space<vmem>>) target(%dma_start3A_522 : memref<10240x16xf32, #tpu.memory_space<vmem_shared>>) offsets(%dma_start3A_519 : memref<100xi32, #tpu.memory_space<vmem>>) semaphore(%dma_start3A_524 : memref<!tpu.dma_semaphore, #tpu.memory_space<semaphore_mem>>) {add = true}
      %sub3A_525 = arith.constant 5 : i32
      %sub3A_526 = arith.subi %add3A_487, %sub3A_525 : i32
      %ge3A_527 = arith.constant 0 : i32
      %ge3A_528 = arith.cmpi sge, %sub3A_526, %ge3A_527 : i32
      %convert_element_type3A_529 = arith.extui %ge3A_528 : i1 to i32
      %cond3A_530 = arith.constant 0 : i32
      %cond3A_531 = arith.cmpi ne, %convert_element_type3A_529, %cond3A_530 : i32
      scf.if %cond3A_531 {
        %dma_wait3A_772 = arith.constant 9 : i32
        %dma_wait3A_773 = arith.constant 0 : i32
        %dma_wait3A_774 = arith.constant 9 : i32
        %dma_wait3A_775 = arith.constant 0 : i32
        %dma_wait3A_776 = arith.constant 0 : i32
        %dma_wait3A_777 = tpu.memref_slice %arg8[%dma_wait3A_772, %dma_wait3A_775, %dma_wait3A_776] : memref<10x100x16xf32, #tpu.memory_space<vmem>> -> memref<1x100x16xf32, #tpu.memory_space<vmem>>
        %dma_wait3A_778 = tpu.memref_squeeze %dma_wait3A_777 : memref<1x100x16xf32, #tpu.memory_space<vmem>> -> memref<100x16xf32, #tpu.memory_space<vmem>>
        %dma_wait3A_779 = arith.constant 0 : i32
        %dma_wait3A_780 = tpu.memref_slice %arg7[%dma_wait3A_773, %dma_wait3A_779] : memref<100x100xi32, #tpu.memory_space<vmem>> -> memref<1x100xi32, #tpu.memory_space<vmem>>
        %dma_wait3A_781 = tpu.memref_squeeze %dma_wait3A_780 : memref<1x100xi32, #tpu.memory_space<vmem>> -> memref<100xi32, #tpu.memory_space<vmem>>
        %dma_wait3A_782 = arith.constant 0 : i32
        %dma_wait3A_783 = arith.constant 0 : i32
        %dma_wait3A_784 = tpu.memref_slice %arg10[%dma_wait3A_782, %dma_wait3A_783] : memref<10240x16xf32, #tpu.memory_space<vmem_shared>> -> memref<10240x16xf32, #tpu.memory_space<vmem_shared>>
        %dma_wait3A_785 = tpu.memref_slice %arg12[%dma_wait3A_774] : memref<10x!tpu.dma_semaphore, #tpu.memory_space<semaphore_mem>> -> memref<1x!tpu.dma_semaphore, #tpu.memory_space<semaphore_mem>>
        %dma_wait3A_786 = tpu.memref_squeeze %dma_wait3A_785 : memref<1x!tpu.dma_semaphore, #tpu.memory_space<semaphore_mem>> -> memref<!tpu.dma_semaphore, #tpu.memory_space<semaphore_mem>>
        tpu.wait_indirect_dma semaphore(%dma_wait3A_786 : memref<!tpu.dma_semaphore, #tpu.memory_space<semaphore_mem>>) src(%dma_wait3A_778 : memref<100x16xf32, #tpu.memory_space<vmem>>) dst(%dma_wait3A_784 : memref<10240x16xf32, #tpu.memory_space<vmem_shared>>)
        %dma_wait3A_787 = arith.constant 0 : i32
        %dma_wait3A_788 = arith.constant 9 : i32
        %dma_wait3A_789 = arith.constant 0 : i32
        %dma_wait3A_790 = tpu.memref_slice %arg7[%dma_wait3A_787, %dma_wait3A_789] : memref<100x100xi32, #tpu.memory_space<vmem>> -> memref<1x100xi32, #tpu.memory_space<vmem>>
        %dma_wait3A_791 = tpu.memref_squeeze %dma_wait3A_790 : memref<1x100xi32, #tpu.memory_space<vmem>> -> memref<100xi32, #tpu.memory_space<vmem>>
        %dma_wait3A_792 = arith.constant 0 : i32
        %dma_wait3A_793 = arith.constant 0 : i32
        %dma_wait3A_794 = tpu.memref_slice %arg14[%dma_wait3A_792, %dma_wait3A_793] : memref<10240x16xf32, #tpu.memory_space<vmem_shared>> -> memref<10240x16xf32, #tpu.memory_space<vmem_shared>>
        %dma_wait3A_795 = tpu.memref_slice %arg15[%dma_wait3A_788] : memref<10x!tpu.dma_semaphore, #tpu.memory_space<semaphore_mem>> -> memref<1x!tpu.dma_semaphore, #tpu.memory_space<semaphore_mem>>
        %dma_wait3A_796 = tpu.memref_squeeze %dma_wait3A_795 : memref<1x!tpu.dma_semaphore, #tpu.memory_space<semaphore_mem>> -> memref<!tpu.dma_semaphore, #tpu.memory_space<semaphore_mem>>
        tpu.wait_indirect_dma semaphore(%dma_wait3A_796 : memref<!tpu.dma_semaphore, #tpu.memory_space<semaphore_mem>>) src(%arg13 : memref<100x16xf32, #tpu.memory_space<vmem>>) dst(%dma_wait3A_794 : memref<10240x16xf32, #tpu.memory_space<vmem_shared>>)
        %add3A_797 = arith.constant 10 : i32
        %add3A_798 = arith.addi %sub3A_526, %add3A_797 : i32
        %lt3A = arith.constant 100 : i32
        %lt3A_799 = arith.cmpi slt, %add3A_798, %lt3A : i32
        %convert_element_type3A_800 = arith.extui %lt3A_799 : i1 to i32
        %cond3A_801 = arith.constant 0 : i32
        %cond3A_802 = arith.cmpi ne, %convert_element_type3A_800, %cond3A_801 : i32
        scf.if %cond3A_802 {
          %dma_start3A_803 = arith.constant 9 : i32
          %dma_start3A_804 = arith.constant 9 : i32
          %dma_start3A_805 = arith.constant 0 : i32
          %dma_start3A_806 = arith.constant 0 : i32
          %dma_start3A_807 = tpu.memref_slice %arg8[%dma_start3A_803, %dma_start3A_805, %dma_start3A_806] : memref<10x100x16xf32, #tpu.memory_space<vmem>> -> memref<1x100x16xf32, #tpu.memory_space<vmem>>
          %dma_start3A_808 = tpu.memref_squeeze %dma_start3A_807 : memref<1x100x16xf32, #tpu.memory_space<vmem>> -> memref<100x16xf32, #tpu.memory_space<vmem>>
          %dma_start3A_809 = arith.constant 0 : i32
          %dma_start3A_810 = tpu.memref_slice %arg6[%add3A_798, %dma_start3A_809] : memref<100x100xi32, #tpu.memory_space<vmem>> -> memref<1x100xi32, #tpu.memory_space<vmem>>
          %dma_start3A_811 = tpu.memref_squeeze %dma_start3A_810 : memref<1x100xi32, #tpu.memory_space<vmem>> -> memref<100xi32, #tpu.memory_space<vmem>>
          %dma_start3A_812 = arith.constant 0 : i32
          %dma_start3A_813 = arith.constant 0 : i32
          %dma_start3A_814 = tpu.memref_slice %arg3[%dma_start3A_812, %dma_start3A_813] : memref<10000x16xf32, #tpu.memory_space<hbm>> -> memref<10000x16xf32, #tpu.memory_space<hbm>>
          %dma_start3A_815 = tpu.memref_slice %arg11[%dma_start3A_804] : memref<10x!tpu.dma_semaphore, #tpu.memory_space<semaphore_mem>> -> memref<1x!tpu.dma_semaphore, #tpu.memory_space<semaphore_mem>>
          %dma_start3A_816 = tpu.memref_squeeze %dma_start3A_815 : memref<1x!tpu.dma_semaphore, #tpu.memory_space<semaphore_mem>> -> memref<!tpu.dma_semaphore, #tpu.memory_space<semaphore_mem>>
          tpu.enqueue_indirect_dma source(%dma_start3A_814 : memref<10000x16xf32, #tpu.memory_space<hbm>>) target(%dma_start3A_808 : memref<100x16xf32, #tpu.memory_space<vmem>>) offsets(%dma_start3A_811 : memref<100xi32, #tpu.memory_space<vmem>>) semaphore(%dma_start3A_816 : memref<!tpu.dma_semaphore, #tpu.memory_space<semaphore_mem>>)
        } else {
        }
      } else {
      }
      %mul3A_532 = arith.constant 10 : i32
      %mul3A_533 = arith.muli %scan3A_295, %mul3A_532 : i32
      %add3A_534 = arith.constant 5 : i32
      %add3A_535 = arith.addi %mul3A_533, %add3A_534 : i32
      %dma_wait3A_536 = arith.constant 5 : i32
      %dma_wait3A_537 = arith.constant 5 : i32
      %dma_wait3A_538 = arith.constant 0 : i32
      %dma_wait3A_539 = arith.constant 0 : i32
      %dma_wait3A_540 = tpu.memref_slice %arg8[%dma_wait3A_536, %dma_wait3A_538, %dma_wait3A_539] : memref<10x100x16xf32, #tpu.memory_space<vmem>> -> memref<1x100x16xf32, #tpu.memory_space<vmem>>
      %dma_wait3A_541 = tpu.memref_squeeze %dma_wait3A_540 : memref<1x100x16xf32, #tpu.memory_space<vmem>> -> memref<100x16xf32, #tpu.memory_space<vmem>>
      %dma_wait3A_542 = arith.constant 0 : i32
      %dma_wait3A_543 = tpu.memref_slice %arg6[%add3A_535, %dma_wait3A_542] : memref<100x100xi32, #tpu.memory_space<vmem>> -> memref<1x100xi32, #tpu.memory_space<vmem>>
      %dma_wait3A_544 = tpu.memref_squeeze %dma_wait3A_543 : memref<1x100xi32, #tpu.memory_space<vmem>> -> memref<100xi32, #tpu.memory_space<vmem>>
      %dma_wait3A_545 = arith.constant 0 : i32
      %dma_wait3A_546 = arith.constant 0 : i32
      %dma_wait3A_547 = tpu.memref_slice %arg3[%dma_wait3A_545, %dma_wait3A_546] : memref<10000x16xf32, #tpu.memory_space<hbm>> -> memref<10000x16xf32, #tpu.memory_space<hbm>>
      %dma_wait3A_548 = tpu.memref_slice %arg11[%dma_wait3A_537] : memref<10x!tpu.dma_semaphore, #tpu.memory_space<semaphore_mem>> -> memref<1x!tpu.dma_semaphore, #tpu.memory_space<semaphore_mem>>
      %dma_wait3A_549 = tpu.memref_squeeze %dma_wait3A_548 : memref<1x!tpu.dma_semaphore, #tpu.memory_space<semaphore_mem>> -> memref<!tpu.dma_semaphore, #tpu.memory_space<semaphore_mem>>
      tpu.wait_indirect_dma semaphore(%dma_wait3A_549 : memref<!tpu.dma_semaphore, #tpu.memory_space<semaphore_mem>>) src(%dma_wait3A_547 : memref<10000x16xf32, #tpu.memory_space<hbm>>) dst(%dma_wait3A_541 : memref<100x16xf32, #tpu.memory_space<vmem>>)
      %dma_start3A_550 = arith.constant 5 : i32
      %dma_start3A_551 = arith.constant 5 : i32
      %dma_start3A_552 = arith.constant 0 : i32
      %dma_start3A_553 = arith.constant 0 : i32
      %dma_start3A_554 = tpu.memref_slice %arg8[%dma_start3A_550, %dma_start3A_552, %dma_start3A_553] : memref<10x100x16xf32, #tpu.memory_space<vmem>> -> memref<1x100x16xf32, #tpu.memory_space<vmem>>
      %dma_start3A_555 = tpu.memref_squeeze %dma_start3A_554 : memref<1x100x16xf32, #tpu.memory_space<vmem>> -> memref<100x16xf32, #tpu.memory_space<vmem>>
      %dma_start3A_556 = arith.constant 0 : i32
      %dma_start3A_557 = tpu.memref_slice %arg7[%add3A_535, %dma_start3A_556] : memref<100x100xi32, #tpu.memory_space<vmem>> -> memref<1x100xi32, #tpu.memory_space<vmem>>
      %dma_start3A_558 = tpu.memref_squeeze %dma_start3A_557 : memref<1x100xi32, #tpu.memory_space<vmem>> -> memref<100xi32, #tpu.memory_space<vmem>>
      %dma_start3A_559 = arith.constant 0 : i32
      %dma_start3A_560 = arith.constant 0 : i32
      %dma_start3A_561 = tpu.memref_slice %arg10[%dma_start3A_559, %dma_start3A_560] : memref<10240x16xf32, #tpu.memory_space<vmem_shared>> -> memref<10240x16xf32, #tpu.memory_space<vmem_shared>>
      %dma_start3A_562 = tpu.memref_slice %arg12[%dma_start3A_551] : memref<10x!tpu.dma_semaphore, #tpu.memory_space<semaphore_mem>> -> memref<1x!tpu.dma_semaphore, #tpu.memory_space<semaphore_mem>>
      %dma_start3A_563 = tpu.memref_squeeze %dma_start3A_562 : memref<1x!tpu.dma_semaphore, #tpu.memory_space<semaphore_mem>> -> memref<!tpu.dma_semaphore, #tpu.memory_space<semaphore_mem>>
      tpu.enqueue_indirect_dma source(%dma_start3A_555 : memref<100x16xf32, #tpu.memory_space<vmem>>) target(%dma_start3A_561 : memref<10240x16xf32, #tpu.memory_space<vmem_shared>>) offsets(%dma_start3A_558 : memref<100xi32, #tpu.memory_space<vmem>>) semaphore(%dma_start3A_563 : memref<!tpu.dma_semaphore, #tpu.memory_space<semaphore_mem>>) {add = true}
      %dma_start3A_564 = arith.constant 5 : i32
      %dma_start3A_565 = arith.constant 0 : i32
      %dma_start3A_566 = tpu.memref_slice %arg7[%add3A_535, %dma_start3A_565] : memref<100x100xi32, #tpu.memory_space<vmem>> -> memref<1x100xi32, #tpu.memory_space<vmem>>
      %dma_start3A_567 = tpu.memref_squeeze %dma_start3A_566 : memref<1x100xi32, #tpu.memory_space<vmem>> -> memref<100xi32, #tpu.memory_space<vmem>>
      %dma_start3A_568 = arith.constant 0 : i32
      %dma_start3A_569 = arith.constant 0 : i32
      %dma_start3A_570 = tpu.memref_slice %arg14[%dma_start3A_568, %dma_start3A_569] : memref<10240x16xf32, #tpu.memory_space<vmem_shared>> -> memref<10240x16xf32, #tpu.memory_space<vmem_shared>>
      %dma_start3A_571 = tpu.memref_slice %arg15[%dma_start3A_564] : memref<10x!tpu.dma_semaphore, #tpu.memory_space<semaphore_mem>> -> memref<1x!tpu.dma_semaphore, #tpu.memory_space<semaphore_mem>>
      %dma_start3A_572 = tpu.memref_squeeze %dma_start3A_571 : memref<1x!tpu.dma_semaphore, #tpu.memory_space<semaphore_mem>> -> memref<!tpu.dma_semaphore, #tpu.memory_space<semaphore_mem>>
      tpu.enqueue_indirect_dma source(%arg13 : memref<100x16xf32, #tpu.memory_space<vmem>>) target(%dma_start3A_570 : memref<10240x16xf32, #tpu.memory_space<vmem_shared>>) offsets(%dma_start3A_567 : memref<100xi32, #tpu.memory_space<vmem>>) semaphore(%dma_start3A_572 : memref<!tpu.dma_semaphore, #tpu.memory_space<semaphore_mem>>) {add = true}
      %sub3A_573 = arith.constant 5 : i32
      %sub3A_574 = arith.subi %add3A_535, %sub3A_573 : i32
      %ge3A_575 = arith.constant 0 : i32
      %ge3A_576 = arith.cmpi sge, %sub3A_574, %ge3A_575 : i32
      %convert_element_type3A_577 = arith.extui %ge3A_576 : i1 to i32
      %cond3A_578 = arith.constant 0 : i32
      %cond3A_579 = arith.cmpi ne, %convert_element_type3A_577, %cond3A_578 : i32
      scf.if %cond3A_579 {
        %dma_wait3A_772 = arith.constant 0 : i32
        %dma_wait3A_773 = arith.constant 0 : i32
        %dma_wait3A_774 = arith.constant 0 : i32
        %dma_wait3A_775 = arith.constant 0 : i32
        %dma_wait3A_776 = arith.constant 0 : i32
        %dma_wait3A_777 = tpu.memref_slice %arg8[%dma_wait3A_772, %dma_wait3A_775, %dma_wait3A_776] : memref<10x100x16xf32, #tpu.memory_space<vmem>> -> memref<1x100x16xf32, #tpu.memory_space<vmem>>
        %dma_wait3A_778 = tpu.memref_squeeze %dma_wait3A_777 : memref<1x100x16xf32, #tpu.memory_space<vmem>> -> memref<100x16xf32, #tpu.memory_space<vmem>>
        %dma_wait3A_779 = arith.constant 0 : i32
        %dma_wait3A_780 = tpu.memref_slice %arg7[%dma_wait3A_773, %dma_wait3A_779] : memref<100x100xi32, #tpu.memory_space<vmem>> -> memref<1x100xi32, #tpu.memory_space<vmem>>
        %dma_wait3A_781 = tpu.memref_squeeze %dma_wait3A_780 : memref<1x100xi32, #tpu.memory_space<vmem>> -> memref<100xi32, #tpu.memory_space<vmem>>
        %dma_wait3A_782 = arith.constant 0 : i32
        %dma_wait3A_783 = arith.constant 0 : i32
        %dma_wait3A_784 = tpu.memref_slice %arg10[%dma_wait3A_782, %dma_wait3A_783] : memref<10240x16xf32, #tpu.memory_space<vmem_shared>> -> memref<10240x16xf32, #tpu.memory_space<vmem_shared>>
        %dma_wait3A_785 = tpu.memref_slice %arg12[%dma_wait3A_774] : memref<10x!tpu.dma_semaphore, #tpu.memory_space<semaphore_mem>> -> memref<1x!tpu.dma_semaphore, #tpu.memory_space<semaphore_mem>>
        %dma_wait3A_786 = tpu.memref_squeeze %dma_wait3A_785 : memref<1x!tpu.dma_semaphore, #tpu.memory_space<semaphore_mem>> -> memref<!tpu.dma_semaphore, #tpu.memory_space<semaphore_mem>>
        tpu.wait_indirect_dma semaphore(%dma_wait3A_786 : memref<!tpu.dma_semaphore, #tpu.memory_space<semaphore_mem>>) src(%dma_wait3A_778 : memref<100x16xf32, #tpu.memory_space<vmem>>) dst(%dma_wait3A_784 : memref<10240x16xf32, #tpu.memory_space<vmem_shared>>)
        %dma_wait3A_787 = arith.constant 0 : i32
        %dma_wait3A_788 = arith.constant 0 : i32
        %dma_wait3A_789 = arith.constant 0 : i32
        %dma_wait3A_790 = tpu.memref_slice %arg7[%dma_wait3A_787, %dma_wait3A_789] : memref<100x100xi32, #tpu.memory_space<vmem>> -> memref<1x100xi32, #tpu.memory_space<vmem>>
        %dma_wait3A_791 = tpu.memref_squeeze %dma_wait3A_790 : memref<1x100xi32, #tpu.memory_space<vmem>> -> memref<100xi32, #tpu.memory_space<vmem>>
        %dma_wait3A_792 = arith.constant 0 : i32
        %dma_wait3A_793 = arith.constant 0 : i32
        %dma_wait3A_794 = tpu.memref_slice %arg14[%dma_wait3A_792, %dma_wait3A_793] : memref<10240x16xf32, #tpu.memory_space<vmem_shared>> -> memref<10240x16xf32, #tpu.memory_space<vmem_shared>>
        %dma_wait3A_795 = tpu.memref_slice %arg15[%dma_wait3A_788] : memref<10x!tpu.dma_semaphore, #tpu.memory_space<semaphore_mem>> -> memref<1x!tpu.dma_semaphore, #tpu.memory_space<semaphore_mem>>
        %dma_wait3A_796 = tpu.memref_squeeze %dma_wait3A_795 : memref<1x!tpu.dma_semaphore, #tpu.memory_space<semaphore_mem>> -> memref<!tpu.dma_semaphore, #tpu.memory_space<semaphore_mem>>
        tpu.wait_indirect_dma semaphore(%dma_wait3A_796 : memref<!tpu.dma_semaphore, #tpu.memory_space<semaphore_mem>>) src(%arg13 : memref<100x16xf32, #tpu.memory_space<vmem>>) dst(%dma_wait3A_794 : memref<10240x16xf32, #tpu.memory_space<vmem_shared>>)
        %add3A_797 = arith.constant 10 : i32
        %add3A_798 = arith.addi %sub3A_574, %add3A_797 : i32
        %lt3A = arith.constant 100 : i32
        %lt3A_799 = arith.cmpi slt, %add3A_798, %lt3A : i32
        %convert_element_type3A_800 = arith.extui %lt3A_799 : i1 to i32
        %cond3A_801 = arith.constant 0 : i32
        %cond3A_802 = arith.cmpi ne, %convert_element_type3A_800, %cond3A_801 : i32
        scf.if %cond3A_802 {
          %dma_start3A_803 = arith.constant 0 : i32
          %dma_start3A_804 = arith.constant 0 : i32
          %dma_start3A_805 = arith.constant 0 : i32
          %dma_start3A_806 = arith.constant 0 : i32
          %dma_start3A_807 = tpu.memref_slice %arg8[%dma_start3A_803, %dma_start3A_805, %dma_start3A_806] : memref<10x100x16xf32, #tpu.memory_space<vmem>> -> memref<1x100x16xf32, #tpu.memory_space<vmem>>
          %dma_start3A_808 = tpu.memref_squeeze %dma_start3A_807 : memref<1x100x16xf32, #tpu.memory_space<vmem>> -> memref<100x16xf32, #tpu.memory_space<vmem>>
          %dma_start3A_809 = arith.constant 0 : i32
          %dma_start3A_810 = tpu.memref_slice %arg6[%add3A_798, %dma_start3A_809] : memref<100x100xi32, #tpu.memory_space<vmem>> -> memref<1x100xi32, #tpu.memory_space<vmem>>
          %dma_start3A_811 = tpu.memref_squeeze %dma_start3A_810 : memref<1x100xi32, #tpu.memory_space<vmem>> -> memref<100xi32, #tpu.memory_space<vmem>>
          %dma_start3A_812 = arith.constant 0 : i32
          %dma_start3A_813 = arith.constant 0 : i32
          %dma_start3A_814 = tpu.memref_slice %arg3[%dma_start3A_812, %dma_start3A_813] : memref<10000x16xf32, #tpu.memory_space<hbm>> -> memref<10000x16xf32, #tpu.memory_space<hbm>>
          %dma_start3A_815 = tpu.memref_slice %arg11[%dma_start3A_804] : memref<10x!tpu.dma_semaphore, #tpu.memory_space<semaphore_mem>> -> memref<1x!tpu.dma_semaphore, #tpu.memory_space<semaphore_mem>>
          %dma_start3A_816 = tpu.memref_squeeze %dma_start3A_815 : memref<1x!tpu.dma_semaphore, #tpu.memory_space<semaphore_mem>> -> memref<!tpu.dma_semaphore, #tpu.memory_space<semaphore_mem>>
          tpu.enqueue_indirect_dma source(%dma_start3A_814 : memref<10000x16xf32, #tpu.memory_space<hbm>>) target(%dma_start3A_808 : memref<100x16xf32, #tpu.memory_space<vmem>>) offsets(%dma_start3A_811 : memref<100xi32, #tpu.memory_space<vmem>>) semaphore(%dma_start3A_816 : memref<!tpu.dma_semaphore, #tpu.memory_space<semaphore_mem>>)
        } else {
        }
      } else {
      }
      %mul3A_580 = arith.constant 10 : i32
      %mul3A_581 = arith.muli %scan3A_295, %mul3A_580 : i32
      %add3A_582 = arith.constant 6 : i32
      %add3A_583 = arith.addi %mul3A_581, %add3A_582 : i32
      %dma_wait3A_584 = arith.constant 6 : i32
      %dma_wait3A_585 = arith.constant 6 : i32
      %dma_wait3A_586 = arith.constant 0 : i32
      %dma_wait3A_587 = arith.constant 0 : i32
      %dma_wait3A_588 = tpu.memref_slice %arg8[%dma_wait3A_584, %dma_wait3A_586, %dma_wait3A_587] : memref<10x100x16xf32, #tpu.memory_space<vmem>> -> memref<1x100x16xf32, #tpu.memory_space<vmem>>
      %dma_wait3A_589 = tpu.memref_squeeze %dma_wait3A_588 : memref<1x100x16xf32, #tpu.memory_space<vmem>> -> memref<100x16xf32, #tpu.memory_space<vmem>>
      %dma_wait3A_590 = arith.constant 0 : i32
      %dma_wait3A_591 = tpu.memref_slice %arg6[%add3A_583, %dma_wait3A_590] : memref<100x100xi32, #tpu.memory_space<vmem>> -> memref<1x100xi32, #tpu.memory_space<vmem>>
      %dma_wait3A_592 = tpu.memref_squeeze %dma_wait3A_591 : memref<1x100xi32, #tpu.memory_space<vmem>> -> memref<100xi32, #tpu.memory_space<vmem>>
      %dma_wait3A_593 = arith.constant 0 : i32
      %dma_wait3A_594 = arith.constant 0 : i32
      %dma_wait3A_595 = tpu.memref_slice %arg3[%dma_wait3A_593, %dma_wait3A_594] : memref<10000x16xf32, #tpu.memory_space<hbm>> -> memref<10000x16xf32, #tpu.memory_space<hbm>>
      %dma_wait3A_596 = tpu.memref_slice %arg11[%dma_wait3A_585] : memref<10x!tpu.dma_semaphore, #tpu.memory_space<semaphore_mem>> -> memref<1x!tpu.dma_semaphore, #tpu.memory_space<semaphore_mem>>
      %dma_wait3A_597 = tpu.memref_squeeze %dma_wait3A_596 : memref<1x!tpu.dma_semaphore, #tpu.memory_space<semaphore_mem>> -> memref<!tpu.dma_semaphore, #tpu.memory_space<semaphore_mem>>
      tpu.wait_indirect_dma semaphore(%dma_wait3A_597 : memref<!tpu.dma_semaphore, #tpu.memory_space<semaphore_mem>>) src(%dma_wait3A_595 : memref<10000x16xf32, #tpu.memory_space<hbm>>) dst(%dma_wait3A_589 : memref<100x16xf32, #tpu.memory_space<vmem>>)
      %dma_start3A_598 = arith.constant 6 : i32
      %dma_start3A_599 = arith.constant 6 : i32
      %dma_start3A_600 = arith.constant 0 : i32
      %dma_start3A_601 = arith.constant 0 : i32
      %dma_start3A_602 = tpu.memref_slice %arg8[%dma_start3A_598, %dma_start3A_600, %dma_start3A_601] : memref<10x100x16xf32, #tpu.memory_space<vmem>> -> memref<1x100x16xf32, #tpu.memory_space<vmem>>
      %dma_start3A_603 = tpu.memref_squeeze %dma_start3A_602 : memref<1x100x16xf32, #tpu.memory_space<vmem>> -> memref<100x16xf32, #tpu.memory_space<vmem>>
      %dma_start3A_604 = arith.constant 0 : i32
      %dma_start3A_605 = tpu.memref_slice %arg7[%add3A_583, %dma_start3A_604] : memref<100x100xi32, #tpu.memory_space<vmem>> -> memref<1x100xi32, #tpu.memory_space<vmem>>
      %dma_start3A_606 = tpu.memref_squeeze %dma_start3A_605 : memref<1x100xi32, #tpu.memory_space<vmem>> -> memref<100xi32, #tpu.memory_space<vmem>>
      %dma_start3A_607 = arith.constant 0 : i32
      %dma_start3A_608 = arith.constant 0 : i32
      %dma_start3A_609 = tpu.memref_slice %arg10[%dma_start3A_607, %dma_start3A_608] : memref<10240x16xf32, #tpu.memory_space<vmem_shared>> -> memref<10240x16xf32, #tpu.memory_space<vmem_shared>>
      %dma_start3A_610 = tpu.memref_slice %arg12[%dma_start3A_599] : memref<10x!tpu.dma_semaphore, #tpu.memory_space<semaphore_mem>> -> memref<1x!tpu.dma_semaphore, #tpu.memory_space<semaphore_mem>>
      %dma_start3A_611 = tpu.memref_squeeze %dma_start3A_610 : memref<1x!tpu.dma_semaphore, #tpu.memory_space<semaphore_mem>> -> memref<!tpu.dma_semaphore, #tpu.memory_space<semaphore_mem>>
      tpu.enqueue_indirect_dma source(%dma_start3A_603 : memref<100x16xf32, #tpu.memory_space<vmem>>) target(%dma_start3A_609 : memref<10240x16xf32, #tpu.memory_space<vmem_shared>>) offsets(%dma_start3A_606 : memref<100xi32, #tpu.memory_space<vmem>>) semaphore(%dma_start3A_611 : memref<!tpu.dma_semaphore, #tpu.memory_space<semaphore_mem>>) {add = true}
      %dma_start3A_612 = arith.constant 6 : i32
      %dma_start3A_613 = arith.constant 0 : i32
      %dma_start3A_614 = tpu.memref_slice %arg7[%add3A_583, %dma_start3A_613] : memref<100x100xi32, #tpu.memory_space<vmem>> -> memref<1x100xi32, #tpu.memory_space<vmem>>
      %dma_start3A_615 = tpu.memref_squeeze %dma_start3A_614 : memref<1x100xi32, #tpu.memory_space<vmem>> -> memref<100xi32, #tpu.memory_space<vmem>>
      %dma_start3A_616 = arith.constant 0 : i32
      %dma_start3A_617 = arith.constant 0 : i32
      %dma_start3A_618 = tpu.memref_slice %arg14[%dma_start3A_616, %dma_start3A_617] : memref<10240x16xf32, #tpu.memory_space<vmem_shared>> -> memref<10240x16xf32, #tpu.memory_space<vmem_shared>>
      %dma_start3A_619 = tpu.memref_slice %arg15[%dma_start3A_612] : memref<10x!tpu.dma_semaphore, #tpu.memory_space<semaphore_mem>> -> memref<1x!tpu.dma_semaphore, #tpu.memory_space<semaphore_mem>>
      %dma_start3A_620 = tpu.memref_squeeze %dma_start3A_619 : memref<1x!tpu.dma_semaphore, #tpu.memory_space<semaphore_mem>> -> memref<!tpu.dma_semaphore, #tpu.memory_space<semaphore_mem>>
      tpu.enqueue_indirect_dma source(%arg13 : memref<100x16xf32, #tpu.memory_space<vmem>>) target(%dma_start3A_618 : memref<10240x16xf32, #tpu.memory_space<vmem_shared>>) offsets(%dma_start3A_615 : memref<100xi32, #tpu.memory_space<vmem>>) semaphore(%dma_start3A_620 : memref<!tpu.dma_semaphore, #tpu.memory_space<semaphore_mem>>) {add = true}
      %sub3A_621 = arith.constant 5 : i32
      %sub3A_622 = arith.subi %add3A_583, %sub3A_621 : i32
      %ge3A_623 = arith.constant 0 : i32
      %ge3A_624 = arith.cmpi sge, %sub3A_622, %ge3A_623 : i32
      %convert_element_type3A_625 = arith.extui %ge3A_624 : i1 to i32
      %cond3A_626 = arith.constant 0 : i32
      %cond3A_627 = arith.cmpi ne, %convert_element_type3A_625, %cond3A_626 : i32
      scf.if %cond3A_627 {
        %dma_wait3A_772 = arith.constant 1 : i32
        %dma_wait3A_773 = arith.constant 0 : i32
        %dma_wait3A_774 = arith.constant 1 : i32
        %dma_wait3A_775 = arith.constant 0 : i32
        %dma_wait3A_776 = arith.constant 0 : i32
        %dma_wait3A_777 = tpu.memref_slice %arg8[%dma_wait3A_772, %dma_wait3A_775, %dma_wait3A_776] : memref<10x100x16xf32, #tpu.memory_space<vmem>> -> memref<1x100x16xf32, #tpu.memory_space<vmem>>
        %dma_wait3A_778 = tpu.memref_squeeze %dma_wait3A_777 : memref<1x100x16xf32, #tpu.memory_space<vmem>> -> memref<100x16xf32, #tpu.memory_space<vmem>>
        %dma_wait3A_779 = arith.constant 0 : i32
        %dma_wait3A_780 = tpu.memref_slice %arg7[%dma_wait3A_773, %dma_wait3A_779] : memref<100x100xi32, #tpu.memory_space<vmem>> -> memref<1x100xi32, #tpu.memory_space<vmem>>
        %dma_wait3A_781 = tpu.memref_squeeze %dma_wait3A_780 : memref<1x100xi32, #tpu.memory_space<vmem>> -> memref<100xi32, #tpu.memory_space<vmem>>
        %dma_wait3A_782 = arith.constant 0 : i32
        %dma_wait3A_783 = arith.constant 0 : i32
        %dma_wait3A_784 = tpu.memref_slice %arg10[%dma_wait3A_782, %dma_wait3A_783] : memref<10240x16xf32, #tpu.memory_space<vmem_shared>> -> memref<10240x16xf32, #tpu.memory_space<vmem_shared>>
        %dma_wait3A_785 = tpu.memref_slice %arg12[%dma_wait3A_774] : memref<10x!tpu.dma_semaphore, #tpu.memory_space<semaphore_mem>> -> memref<1x!tpu.dma_semaphore, #tpu.memory_space<semaphore_mem>>
        %dma_wait3A_786 = tpu.memref_squeeze %dma_wait3A_785 : memref<1x!tpu.dma_semaphore, #tpu.memory_space<semaphore_mem>> -> memref<!tpu.dma_semaphore, #tpu.memory_space<semaphore_mem>>
        tpu.wait_indirect_dma semaphore(%dma_wait3A_786 : memref<!tpu.dma_semaphore, #tpu.memory_space<semaphore_mem>>) src(%dma_wait3A_778 : memref<100x16xf32, #tpu.memory_space<vmem>>) dst(%dma_wait3A_784 : memref<10240x16xf32, #tpu.memory_space<vmem_shared>>)
        %dma_wait3A_787 = arith.constant 0 : i32
        %dma_wait3A_788 = arith.constant 1 : i32
        %dma_wait3A_789 = arith.constant 0 : i32
        %dma_wait3A_790 = tpu.memref_slice %arg7[%dma_wait3A_787, %dma_wait3A_789] : memref<100x100xi32, #tpu.memory_space<vmem>> -> memref<1x100xi32, #tpu.memory_space<vmem>>
        %dma_wait3A_791 = tpu.memref_squeeze %dma_wait3A_790 : memref<1x100xi32, #tpu.memory_space<vmem>> -> memref<100xi32, #tpu.memory_space<vmem>>
        %dma_wait3A_792 = arith.constant 0 : i32
        %dma_wait3A_793 = arith.constant 0 : i32
        %dma_wait3A_794 = tpu.memref_slice %arg14[%dma_wait3A_792, %dma_wait3A_793] : memref<10240x16xf32, #tpu.memory_space<vmem_shared>> -> memref<10240x16xf32, #tpu.memory_space<vmem_shared>>
        %dma_wait3A_795 = tpu.memref_slice %arg15[%dma_wait3A_788] : memref<10x!tpu.dma_semaphore, #tpu.memory_space<semaphore_mem>> -> memref<1x!tpu.dma_semaphore, #tpu.memory_space<semaphore_mem>>
        %dma_wait3A_796 = tpu.memref_squeeze %dma_wait3A_795 : memref<1x!tpu.dma_semaphore, #tpu.memory_space<semaphore_mem>> -> memref<!tpu.dma_semaphore, #tpu.memory_space<semaphore_mem>>
        tpu.wait_indirect_dma semaphore(%dma_wait3A_796 : memref<!tpu.dma_semaphore, #tpu.memory_space<semaphore_mem>>) src(%arg13 : memref<100x16xf32, #tpu.memory_space<vmem>>) dst(%dma_wait3A_794 : memref<10240x16xf32, #tpu.memory_space<vmem_shared>>)
        %add3A_797 = arith.constant 10 : i32
        %add3A_798 = arith.addi %sub3A_622, %add3A_797 : i32
        %lt3A = arith.constant 100 : i32
        %lt3A_799 = arith.cmpi slt, %add3A_798, %lt3A : i32
        %convert_element_type3A_800 = arith.extui %lt3A_799 : i1 to i32
        %cond3A_801 = arith.constant 0 : i32
        %cond3A_802 = arith.cmpi ne, %convert_element_type3A_800, %cond3A_801 : i32
        scf.if %cond3A_802 {
          %dma_start3A_803 = arith.constant 1 : i32
          %dma_start3A_804 = arith.constant 1 : i32
          %dma_start3A_805 = arith.constant 0 : i32
          %dma_start3A_806 = arith.constant 0 : i32
          %dma_start3A_807 = tpu.memref_slice %arg8[%dma_start3A_803, %dma_start3A_805, %dma_start3A_806] : memref<10x100x16xf32, #tpu.memory_space<vmem>> -> memref<1x100x16xf32, #tpu.memory_space<vmem>>
          %dma_start3A_808 = tpu.memref_squeeze %dma_start3A_807 : memref<1x100x16xf32, #tpu.memory_space<vmem>> -> memref<100x16xf32, #tpu.memory_space<vmem>>
          %dma_start3A_809 = arith.constant 0 : i32
          %dma_start3A_810 = tpu.memref_slice %arg6[%add3A_798, %dma_start3A_809] : memref<100x100xi32, #tpu.memory_space<vmem>> -> memref<1x100xi32, #tpu.memory_space<vmem>>
          %dma_start3A_811 = tpu.memref_squeeze %dma_start3A_810 : memref<1x100xi32, #tpu.memory_space<vmem>> -> memref<100xi32, #tpu.memory_space<vmem>>
          %dma_start3A_812 = arith.constant 0 : i32
          %dma_start3A_813 = arith.constant 0 : i32
          %dma_start3A_814 = tpu.memref_slice %arg3[%dma_start3A_812, %dma_start3A_813] : memref<10000x16xf32, #tpu.memory_space<hbm>> -> memref<10000x16xf32, #tpu.memory_space<hbm>>
          %dma_start3A_815 = tpu.memref_slice %arg11[%dma_start3A_804] : memref<10x!tpu.dma_semaphore, #tpu.memory_space<semaphore_mem>> -> memref<1x!tpu.dma_semaphore, #tpu.memory_space<semaphore_mem>>
          %dma_start3A_816 = tpu.memref_squeeze %dma_start3A_815 : memref<1x!tpu.dma_semaphore, #tpu.memory_space<semaphore_mem>> -> memref<!tpu.dma_semaphore, #tpu.memory_space<semaphore_mem>>
          tpu.enqueue_indirect_dma source(%dma_start3A_814 : memref<10000x16xf32, #tpu.memory_space<hbm>>) target(%dma_start3A_808 : memref<100x16xf32, #tpu.memory_space<vmem>>) offsets(%dma_start3A_811 : memref<100xi32, #tpu.memory_space<vmem>>) semaphore(%dma_start3A_816 : memref<!tpu.dma_semaphore, #tpu.memory_space<semaphore_mem>>)
        } else {
        }
      } else {
      }
      %mul3A_628 = arith.constant 10 : i32
      %mul3A_629 = arith.muli %scan3A_295, %mul3A_628 : i32
      %add3A_630 = arith.constant 7 : i32
      %add3A_631 = arith.addi %mul3A_629, %add3A_630 : i32
      %dma_wait3A_632 = arith.constant 7 : i32
      %dma_wait3A_633 = arith.constant 7 : i32
      %dma_wait3A_634 = arith.constant 0 : i32
      %dma_wait3A_635 = arith.constant 0 : i32
      %dma_wait3A_636 = tpu.memref_slice %arg8[%dma_wait3A_632, %dma_wait3A_634, %dma_wait3A_635] : memref<10x100x16xf32, #tpu.memory_space<vmem>> -> memref<1x100x16xf32, #tpu.memory_space<vmem>>
      %dma_wait3A_637 = tpu.memref_squeeze %dma_wait3A_636 : memref<1x100x16xf32, #tpu.memory_space<vmem>> -> memref<100x16xf32, #tpu.memory_space<vmem>>
      %dma_wait3A_638 = arith.constant 0 : i32
      %dma_wait3A_639 = tpu.memref_slice %arg6[%add3A_631, %dma_wait3A_638] : memref<100x100xi32, #tpu.memory_space<vmem>> -> memref<1x100xi32, #tpu.memory_space<vmem>>
      %dma_wait3A_640 = tpu.memref_squeeze %dma_wait3A_639 : memref<1x100xi32, #tpu.memory_space<vmem>> -> memref<100xi32, #tpu.memory_space<vmem>>
      %dma_wait3A_641 = arith.constant 0 : i32
      %dma_wait3A_642 = arith.constant 0 : i32
      %dma_wait3A_643 = tpu.memref_slice %arg3[%dma_wait3A_641, %dma_wait3A_642] : memref<10000x16xf32, #tpu.memory_space<hbm>> -> memref<10000x16xf32, #tpu.memory_space<hbm>>
      %dma_wait3A_644 = tpu.memref_slice %arg11[%dma_wait3A_633] : memref<10x!tpu.dma_semaphore, #tpu.memory_space<semaphore_mem>> -> memref<1x!tpu.dma_semaphore, #tpu.memory_space<semaphore_mem>>
      %dma_wait3A_645 = tpu.memref_squeeze %dma_wait3A_644 : memref<1x!tpu.dma_semaphore, #tpu.memory_space<semaphore_mem>> -> memref<!tpu.dma_semaphore, #tpu.memory_space<semaphore_mem>>
      tpu.wait_indirect_dma semaphore(%dma_wait3A_645 : memref<!tpu.dma_semaphore, #tpu.memory_space<semaphore_mem>>) src(%dma_wait3A_643 : memref<10000x16xf32, #tpu.memory_space<hbm>>) dst(%dma_wait3A_637 : memref<100x16xf32, #tpu.memory_space<vmem>>)
      %dma_start3A_646 = arith.constant 7 : i32
      %dma_start3A_647 = arith.constant 7 : i32
      %dma_start3A_648 = arith.constant 0 : i32
      %dma_start3A_649 = arith.constant 0 : i32
      %dma_start3A_650 = tpu.memref_slice %arg8[%dma_start3A_646, %dma_start3A_648, %dma_start3A_649] : memref<10x100x16xf32, #tpu.memory_space<vmem>> -> memref<1x100x16xf32, #tpu.memory_space<vmem>>
      %dma_start3A_651 = tpu.memref_squeeze %dma_start3A_650 : memref<1x100x16xf32, #tpu.memory_space<vmem>> -> memref<100x16xf32, #tpu.memory_space<vmem>>
      %dma_start3A_652 = arith.constant 0 : i32
      %dma_start3A_653 = tpu.memref_slice %arg7[%add3A_631, %dma_start3A_652] : memref<100x100xi32, #tpu.memory_space<vmem>> -> memref<1x100xi32, #tpu.memory_space<vmem>>
      %dma_start3A_654 = tpu.memref_squeeze %dma_start3A_653 : memref<1x100xi32, #tpu.memory_space<vmem>> -> memref<100xi32, #tpu.memory_space<vmem>>
      %dma_start3A_655 = arith.constant 0 : i32
      %dma_start3A_656 = arith.constant 0 : i32
      %dma_start3A_657 = tpu.memref_slice %arg10[%dma_start3A_655, %dma_start3A_656] : memref<10240x16xf32, #tpu.memory_space<vmem_shared>> -> memref<10240x16xf32, #tpu.memory_space<vmem_shared>>
      %dma_start3A_658 = tpu.memref_slice %arg12[%dma_start3A_647] : memref<10x!tpu.dma_semaphore, #tpu.memory_space<semaphore_mem>> -> memref<1x!tpu.dma_semaphore, #tpu.memory_space<semaphore_mem>>
      %dma_start3A_659 = tpu.memref_squeeze %dma_start3A_658 : memref<1x!tpu.dma_semaphore, #tpu.memory_space<semaphore_mem>> -> memref<!tpu.dma_semaphore, #tpu.memory_space<semaphore_mem>>
      tpu.enqueue_indirect_dma source(%dma_start3A_651 : memref<100x16xf32, #tpu.memory_space<vmem>>) target(%dma_start3A_657 : memref<10240x16xf32, #tpu.memory_space<vmem_shared>>) offsets(%dma_start3A_654 : memref<100xi32, #tpu.memory_space<vmem>>) semaphore(%dma_start3A_659 : memref<!tpu.dma_semaphore, #tpu.memory_space<semaphore_mem>>) {add = true}
      %dma_start3A_660 = arith.constant 7 : i32
      %dma_start3A_661 = arith.constant 0 : i32
      %dma_start3A_662 = tpu.memref_slice %arg7[%add3A_631, %dma_start3A_661] : memref<100x100xi32, #tpu.memory_space<vmem>> -> memref<1x100xi32, #tpu.memory_space<vmem>>
      %dma_start3A_663 = tpu.memref_squeeze %dma_start3A_662 : memref<1x100xi32, #tpu.memory_space<vmem>> -> memref<100xi32, #tpu.memory_space<vmem>>
      %dma_start3A_664 = arith.constant 0 : i32
      %dma_start3A_665 = arith.constant 0 : i32
      %dma_start3A_666 = tpu.memref_slice %arg14[%dma_start3A_664, %dma_start3A_665] : memref<10240x16xf32, #tpu.memory_space<vmem_shared>> -> memref<10240x16xf32, #tpu.memory_space<vmem_shared>>
      %dma_start3A_667 = tpu.memref_slice %arg15[%dma_start3A_660] : memref<10x!tpu.dma_semaphore, #tpu.memory_space<semaphore_mem>> -> memref<1x!tpu.dma_semaphore, #tpu.memory_space<semaphore_mem>>
      %dma_start3A_668 = tpu.memref_squeeze %dma_start3A_667 : memref<1x!tpu.dma_semaphore, #tpu.memory_space<semaphore_mem>> -> memref<!tpu.dma_semaphore, #tpu.memory_space<semaphore_mem>>
      tpu.enqueue_indirect_dma source(%arg13 : memref<100x16xf32, #tpu.memory_space<vmem>>) target(%dma_start3A_666 : memref<10240x16xf32, #tpu.memory_space<vmem_shared>>) offsets(%dma_start3A_663 : memref<100xi32, #tpu.memory_space<vmem>>) semaphore(%dma_start3A_668 : memref<!tpu.dma_semaphore, #tpu.memory_space<semaphore_mem>>) {add = true}
      %sub3A_669 = arith.constant 5 : i32
      %sub3A_670 = arith.subi %add3A_631, %sub3A_669 : i32
      %ge3A_671 = arith.constant 0 : i32
      %ge3A_672 = arith.cmpi sge, %sub3A_670, %ge3A_671 : i32
      %convert_element_type3A_673 = arith.extui %ge3A_672 : i1 to i32
      %cond3A_674 = arith.constant 0 : i32
      %cond3A_675 = arith.cmpi ne, %convert_element_type3A_673, %cond3A_674 : i32
      scf.if %cond3A_675 {
        %dma_wait3A_772 = arith.constant 2 : i32
        %dma_wait3A_773 = arith.constant 0 : i32
        %dma_wait3A_774 = arith.constant 2 : i32
        %dma_wait3A_775 = arith.constant 0 : i32
        %dma_wait3A_776 = arith.constant 0 : i32
        %dma_wait3A_777 = tpu.memref_slice %arg8[%dma_wait3A_772, %dma_wait3A_775, %dma_wait3A_776] : memref<10x100x16xf32, #tpu.memory_space<vmem>> -> memref<1x100x16xf32, #tpu.memory_space<vmem>>
        %dma_wait3A_778 = tpu.memref_squeeze %dma_wait3A_777 : memref<1x100x16xf32, #tpu.memory_space<vmem>> -> memref<100x16xf32, #tpu.memory_space<vmem>>
        %dma_wait3A_779 = arith.constant 0 : i32
        %dma_wait3A_780 = tpu.memref_slice %arg7[%dma_wait3A_773, %dma_wait3A_779] : memref<100x100xi32, #tpu.memory_space<vmem>> -> memref<1x100xi32, #tpu.memory_space<vmem>>
        %dma_wait3A_781 = tpu.memref_squeeze %dma_wait3A_780 : memref<1x100xi32, #tpu.memory_space<vmem>> -> memref<100xi32, #tpu.memory_space<vmem>>
        %dma_wait3A_782 = arith.constant 0 : i32
        %dma_wait3A_783 = arith.constant 0 : i32
        %dma_wait3A_784 = tpu.memref_slice %arg10[%dma_wait3A_782, %dma_wait3A_783] : memref<10240x16xf32, #tpu.memory_space<vmem_shared>> -> memref<10240x16xf32, #tpu.memory_space<vmem_shared>>
        %dma_wait3A_785 = tpu.memref_slice %arg12[%dma_wait3A_774] : memref<10x!tpu.dma_semaphore, #tpu.memory_space<semaphore_mem>> -> memref<1x!tpu.dma_semaphore, #tpu.memory_space<semaphore_mem>>
        %dma_wait3A_786 = tpu.memref_squeeze %dma_wait3A_785 : memref<1x!tpu.dma_semaphore, #tpu.memory_space<semaphore_mem>> -> memref<!tpu.dma_semaphore, #tpu.memory_space<semaphore_mem>>
        tpu.wait_indirect_dma semaphore(%dma_wait3A_786 : memref<!tpu.dma_semaphore, #tpu.memory_space<semaphore_mem>>) src(%dma_wait3A_778 : memref<100x16xf32, #tpu.memory_space<vmem>>) dst(%dma_wait3A_784 : memref<10240x16xf32, #tpu.memory_space<vmem_shared>>)
        %dma_wait3A_787 = arith.constant 0 : i32
        %dma_wait3A_788 = arith.constant 2 : i32
        %dma_wait3A_789 = arith.constant 0 : i32
        %dma_wait3A_790 = tpu.memref_slice %arg7[%dma_wait3A_787, %dma_wait3A_789] : memref<100x100xi32, #tpu.memory_space<vmem>> -> memref<1x100xi32, #tpu.memory_space<vmem>>
        %dma_wait3A_791 = tpu.memref_squeeze %dma_wait3A_790 : memref<1x100xi32, #tpu.memory_space<vmem>> -> memref<100xi32, #tpu.memory_space<vmem>>
        %dma_wait3A_792 = arith.constant 0 : i32
        %dma_wait3A_793 = arith.constant 0 : i32
        %dma_wait3A_794 = tpu.memref_slice %arg14[%dma_wait3A_792, %dma_wait3A_793] : memref<10240x16xf32, #tpu.memory_space<vmem_shared>> -> memref<10240x16xf32, #tpu.memory_space<vmem_shared>>
        %dma_wait3A_795 = tpu.memref_slice %arg15[%dma_wait3A_788] : memref<10x!tpu.dma_semaphore, #tpu.memory_space<semaphore_mem>> -> memref<1x!tpu.dma_semaphore, #tpu.memory_space<semaphore_mem>>
        %dma_wait3A_796 = tpu.memref_squeeze %dma_wait3A_795 : memref<1x!tpu.dma_semaphore, #tpu.memory_space<semaphore_mem>> -> memref<!tpu.dma_semaphore, #tpu.memory_space<semaphore_mem>>
        tpu.wait_indirect_dma semaphore(%dma_wait3A_796 : memref<!tpu.dma_semaphore, #tpu.memory_space<semaphore_mem>>) src(%arg13 : memref<100x16xf32, #tpu.memory_space<vmem>>) dst(%dma_wait3A_794 : memref<10240x16xf32, #tpu.memory_space<vmem_shared>>)
        %add3A_797 = arith.constant 10 : i32
        %add3A_798 = arith.addi %sub3A_670, %add3A_797 : i32
        %lt3A = arith.constant 100 : i32
        %lt3A_799 = arith.cmpi slt, %add3A_798, %lt3A : i32
        %convert_element_type3A_800 = arith.extui %lt3A_799 : i1 to i32
        %cond3A_801 = arith.constant 0 : i32
        %cond3A_802 = arith.cmpi ne, %convert_element_type3A_800, %cond3A_801 : i32
        scf.if %cond3A_802 {
          %dma_start3A_803 = arith.constant 2 : i32
          %dma_start3A_804 = arith.constant 2 : i32
          %dma_start3A_805 = arith.constant 0 : i32
          %dma_start3A_806 = arith.constant 0 : i32
          %dma_start3A_807 = tpu.memref_slice %arg8[%dma_start3A_803, %dma_start3A_805, %dma_start3A_806] : memref<10x100x16xf32, #tpu.memory_space<vmem>> -> memref<1x100x16xf32, #tpu.memory_space<vmem>>
          %dma_start3A_808 = tpu.memref_squeeze %dma_start3A_807 : memref<1x100x16xf32, #tpu.memory_space<vmem>> -> memref<100x16xf32, #tpu.memory_space<vmem>>
          %dma_start3A_809 = arith.constant 0 : i32
          %dma_start3A_810 = tpu.memref_slice %arg6[%add3A_798, %dma_start3A_809] : memref<100x100xi32, #tpu.memory_space<vmem>> -> memref<1x100xi32, #tpu.memory_space<vmem>>
          %dma_start3A_811 = tpu.memref_squeeze %dma_start3A_810 : memref<1x100xi32, #tpu.memory_space<vmem>> -> memref<100xi32, #tpu.memory_space<vmem>>
          %dma_start3A_812 = arith.constant 0 : i32
          %dma_start3A_813 = arith.constant 0 : i32
          %dma_start3A_814 = tpu.memref_slice %arg3[%dma_start3A_812, %dma_start3A_813] : memref<10000x16xf32, #tpu.memory_space<hbm>> -> memref<10000x16xf32, #tpu.memory_space<hbm>>
          %dma_start3A_815 = tpu.memref_slice %arg11[%dma_start3A_804] : memref<10x!tpu.dma_semaphore, #tpu.memory_space<semaphore_mem>> -> memref<1x!tpu.dma_semaphore, #tpu.memory_space<semaphore_mem>>
          %dma_start3A_816 = tpu.memref_squeeze %dma_start3A_815 : memref<1x!tpu.dma_semaphore, #tpu.memory_space<semaphore_mem>> -> memref<!tpu.dma_semaphore, #tpu.memory_space<semaphore_mem>>
          tpu.enqueue_indirect_dma source(%dma_start3A_814 : memref<10000x16xf32, #tpu.memory_space<hbm>>) target(%dma_start3A_808 : memref<100x16xf32, #tpu.memory_space<vmem>>) offsets(%dma_start3A_811 : memref<100xi32, #tpu.memory_space<vmem>>) semaphore(%dma_start3A_816 : memref<!tpu.dma_semaphore, #tpu.memory_space<semaphore_mem>>)
        } else {
        }
      } else {
      }
      %mul3A_676 = arith.constant 10 : i32
      %mul3A_677 = arith.muli %scan3A_295, %mul3A_676 : i32
      %add3A_678 = arith.constant 8 : i32
      %add3A_679 = arith.addi %mul3A_677, %add3A_678 : i32
      %dma_wait3A_680 = arith.constant 8 : i32
      %dma_wait3A_681 = arith.constant 8 : i32
      %dma_wait3A_682 = arith.constant 0 : i32
      %dma_wait3A_683 = arith.constant 0 : i32
      %dma_wait3A_684 = tpu.memref_slice %arg8[%dma_wait3A_680, %dma_wait3A_682, %dma_wait3A_683] : memref<10x100x16xf32, #tpu.memory_space<vmem>> -> memref<1x100x16xf32, #tpu.memory_space<vmem>>
      %dma_wait3A_685 = tpu.memref_squeeze %dma_wait3A_684 : memref<1x100x16xf32, #tpu.memory_space<vmem>> -> memref<100x16xf32, #tpu.memory_space<vmem>>
      %dma_wait3A_686 = arith.constant 0 : i32
      %dma_wait3A_687 = tpu.memref_slice %arg6[%add3A_679, %dma_wait3A_686] : memref<100x100xi32, #tpu.memory_space<vmem>> -> memref<1x100xi32, #tpu.memory_space<vmem>>
      %dma_wait3A_688 = tpu.memref_squeeze %dma_wait3A_687 : memref<1x100xi32, #tpu.memory_space<vmem>> -> memref<100xi32, #tpu.memory_space<vmem>>
      %dma_wait3A_689 = arith.constant 0 : i32
      %dma_wait3A_690 = arith.constant 0 : i32
      %dma_wait3A_691 = tpu.memref_slice %arg3[%dma_wait3A_689, %dma_wait3A_690] : memref<10000x16xf32, #tpu.memory_space<hbm>> -> memref<10000x16xf32, #tpu.memory_space<hbm>>
      %dma_wait3A_692 = tpu.memref_slice %arg11[%dma_wait3A_681] : memref<10x!tpu.dma_semaphore, #tpu.memory_space<semaphore_mem>> -> memref<1x!tpu.dma_semaphore, #tpu.memory_space<semaphore_mem>>
      %dma_wait3A_693 = tpu.memref_squeeze %dma_wait3A_692 : memref<1x!tpu.dma_semaphore, #tpu.memory_space<semaphore_mem>> -> memref<!tpu.dma_semaphore, #tpu.memory_space<semaphore_mem>>
      tpu.wait_indirect_dma semaphore(%dma_wait3A_693 : memref<!tpu.dma_semaphore, #tpu.memory_space<semaphore_mem>>) src(%dma_wait3A_691 : memref<10000x16xf32, #tpu.memory_space<hbm>>) dst(%dma_wait3A_685 : memref<100x16xf32, #tpu.memory_space<vmem>>)
      %dma_start3A_694 = arith.constant 8 : i32
      %dma_start3A_695 = arith.constant 8 : i32
      %dma_start3A_696 = arith.constant 0 : i32
      %dma_start3A_697 = arith.constant 0 : i32
      %dma_start3A_698 = tpu.memref_slice %arg8[%dma_start3A_694, %dma_start3A_696, %dma_start3A_697] : memref<10x100x16xf32, #tpu.memory_space<vmem>> -> memref<1x100x16xf32, #tpu.memory_space<vmem>>
      %dma_start3A_699 = tpu.memref_squeeze %dma_start3A_698 : memref<1x100x16xf32, #tpu.memory_space<vmem>> -> memref<100x16xf32, #tpu.memory_space<vmem>>
      %dma_start3A_700 = arith.constant 0 : i32
      %dma_start3A_701 = tpu.memref_slice %arg7[%add3A_679, %dma_start3A_700] : memref<100x100xi32, #tpu.memory_space<vmem>> -> memref<1x100xi32, #tpu.memory_space<vmem>>
      %dma_start3A_702 = tpu.memref_squeeze %dma_start3A_701 : memref<1x100xi32, #tpu.memory_space<vmem>> -> memref<100xi32, #tpu.memory_space<vmem>>
      %dma_start3A_703 = arith.constant 0 : i32
      %dma_start3A_704 = arith.constant 0 : i32
      %dma_start3A_705 = tpu.memref_slice %arg10[%dma_start3A_703, %dma_start3A_704] : memref<10240x16xf32, #tpu.memory_space<vmem_shared>> -> memref<10240x16xf32, #tpu.memory_space<vmem_shared>>
      %dma_start3A_706 = tpu.memref_slice %arg12[%dma_start3A_695] : memref<10x!tpu.dma_semaphore, #tpu.memory_space<semaphore_mem>> -> memref<1x!tpu.dma_semaphore, #tpu.memory_space<semaphore_mem>>
      %dma_start3A_707 = tpu.memref_squeeze %dma_start3A_706 : memref<1x!tpu.dma_semaphore, #tpu.memory_space<semaphore_mem>> -> memref<!tpu.dma_semaphore, #tpu.memory_space<semaphore_mem>>
      tpu.enqueue_indirect_dma source(%dma_start3A_699 : memref<100x16xf32, #tpu.memory_space<vmem>>) target(%dma_start3A_705 : memref<10240x16xf32, #tpu.memory_space<vmem_shared>>) offsets(%dma_start3A_702 : memref<100xi32, #tpu.memory_space<vmem>>) semaphore(%dma_start3A_707 : memref<!tpu.dma_semaphore, #tpu.memory_space<semaphore_mem>>) {add = true}
      %dma_start3A_708 = arith.constant 8 : i32
      %dma_start3A_709 = arith.constant 0 : i32
      %dma_start3A_710 = tpu.memref_slice %arg7[%add3A_679, %dma_start3A_709] : memref<100x100xi32, #tpu.memory_space<vmem>> -> memref<1x100xi32, #tpu.memory_space<vmem>>
      %dma_start3A_711 = tpu.memref_squeeze %dma_start3A_710 : memref<1x100xi32, #tpu.memory_space<vmem>> -> memref<100xi32, #tpu.memory_space<vmem>>
      %dma_start3A_712 = arith.constant 0 : i32
      %dma_start3A_713 = arith.constant 0 : i32
      %dma_start3A_714 = tpu.memref_slice %arg14[%dma_start3A_712, %dma_start3A_713] : memref<10240x16xf32, #tpu.memory_space<vmem_shared>> -> memref<10240x16xf32, #tpu.memory_space<vmem_shared>>
      %dma_start3A_715 = tpu.memref_slice %arg15[%dma_start3A_708] : memref<10x!tpu.dma_semaphore, #tpu.memory_space<semaphore_mem>> -> memref<1x!tpu.dma_semaphore, #tpu.memory_space<semaphore_mem>>
      %dma_start3A_716 = tpu.memref_squeeze %dma_start3A_715 : memref<1x!tpu.dma_semaphore, #tpu.memory_space<semaphore_mem>> -> memref<!tpu.dma_semaphore, #tpu.memory_space<semaphore_mem>>
      tpu.enqueue_indirect_dma source(%arg13 : memref<100x16xf32, #tpu.memory_space<vmem>>) target(%dma_start3A_714 : memref<10240x16xf32, #tpu.memory_space<vmem_shared>>) offsets(%dma_start3A_711 : memref<100xi32, #tpu.memory_space<vmem>>) semaphore(%dma_start3A_716 : memref<!tpu.dma_semaphore, #tpu.memory_space<semaphore_mem>>) {add = true}
      %sub3A_717 = arith.constant 5 : i32
      %sub3A_718 = arith.subi %add3A_679, %sub3A_717 : i32
      %ge3A_719 = arith.constant 0 : i32
      %ge3A_720 = arith.cmpi sge, %sub3A_718, %ge3A_719 : i32
      %convert_element_type3A_721 = arith.extui %ge3A_720 : i1 to i32
      %cond3A_722 = arith.constant 0 : i32
      %cond3A_723 = arith.cmpi ne, %convert_element_type3A_721, %cond3A_722 : i32
      scf.if %cond3A_723 {
        %dma_wait3A_772 = arith.constant 3 : i32
        %dma_wait3A_773 = arith.constant 0 : i32
        %dma_wait3A_774 = arith.constant 3 : i32
        %dma_wait3A_775 = arith.constant 0 : i32
        %dma_wait3A_776 = arith.constant 0 : i32
        %dma_wait3A_777 = tpu.memref_slice %arg8[%dma_wait3A_772, %dma_wait3A_775, %dma_wait3A_776] : memref<10x100x16xf32, #tpu.memory_space<vmem>> -> memref<1x100x16xf32, #tpu.memory_space<vmem>>
        %dma_wait3A_778 = tpu.memref_squeeze %dma_wait3A_777 : memref<1x100x16xf32, #tpu.memory_space<vmem>> -> memref<100x16xf32, #tpu.memory_space<vmem>>
        %dma_wait3A_779 = arith.constant 0 : i32
        %dma_wait3A_780 = tpu.memref_slice %arg7[%dma_wait3A_773, %dma_wait3A_779] : memref<100x100xi32, #tpu.memory_space<vmem>> -> memref<1x100xi32, #tpu.memory_space<vmem>>
        %dma_wait3A_781 = tpu.memref_squeeze %dma_wait3A_780 : memref<1x100xi32, #tpu.memory_space<vmem>> -> memref<100xi32, #tpu.memory_space<vmem>>
        %dma_wait3A_782 = arith.constant 0 : i32
        %dma_wait3A_783 = arith.constant 0 : i32
        %dma_wait3A_784 = tpu.memref_slice %arg10[%dma_wait3A_782, %dma_wait3A_783] : memref<10240x16xf32, #tpu.memory_space<vmem_shared>> -> memref<10240x16xf32, #tpu.memory_space<vmem_shared>>
        %dma_wait3A_785 = tpu.memref_slice %arg12[%dma_wait3A_774] : memref<10x!tpu.dma_semaphore, #tpu.memory_space<semaphore_mem>> -> memref<1x!tpu.dma_semaphore, #tpu.memory_space<semaphore_mem>>
        %dma_wait3A_786 = tpu.memref_squeeze %dma_wait3A_785 : memref<1x!tpu.dma_semaphore, #tpu.memory_space<semaphore_mem>> -> memref<!tpu.dma_semaphore, #tpu.memory_space<semaphore_mem>>
        tpu.wait_indirect_dma semaphore(%dma_wait3A_786 : memref<!tpu.dma_semaphore, #tpu.memory_space<semaphore_mem>>) src(%dma_wait3A_778 : memref<100x16xf32, #tpu.memory_space<vmem>>) dst(%dma_wait3A_784 : memref<10240x16xf32, #tpu.memory_space<vmem_shared>>)
        %dma_wait3A_787 = arith.constant 0 : i32
        %dma_wait3A_788 = arith.constant 3 : i32
        %dma_wait3A_789 = arith.constant 0 : i32
        %dma_wait3A_790 = tpu.memref_slice %arg7[%dma_wait3A_787, %dma_wait3A_789] : memref<100x100xi32, #tpu.memory_space<vmem>> -> memref<1x100xi32, #tpu.memory_space<vmem>>
        %dma_wait3A_791 = tpu.memref_squeeze %dma_wait3A_790 : memref<1x100xi32, #tpu.memory_space<vmem>> -> memref<100xi32, #tpu.memory_space<vmem>>
        %dma_wait3A_792 = arith.constant 0 : i32
        %dma_wait3A_793 = arith.constant 0 : i32
        %dma_wait3A_794 = tpu.memref_slice %arg14[%dma_wait3A_792, %dma_wait3A_793] : memref<10240x16xf32, #tpu.memory_space<vmem_shared>> -> memref<10240x16xf32, #tpu.memory_space<vmem_shared>>
        %dma_wait3A_795 = tpu.memref_slice %arg15[%dma_wait3A_788] : memref<10x!tpu.dma_semaphore, #tpu.memory_space<semaphore_mem>> -> memref<1x!tpu.dma_semaphore, #tpu.memory_space<semaphore_mem>>
        %dma_wait3A_796 = tpu.memref_squeeze %dma_wait3A_795 : memref<1x!tpu.dma_semaphore, #tpu.memory_space<semaphore_mem>> -> memref<!tpu.dma_semaphore, #tpu.memory_space<semaphore_mem>>
        tpu.wait_indirect_dma semaphore(%dma_wait3A_796 : memref<!tpu.dma_semaphore, #tpu.memory_space<semaphore_mem>>) src(%arg13 : memref<100x16xf32, #tpu.memory_space<vmem>>) dst(%dma_wait3A_794 : memref<10240x16xf32, #tpu.memory_space<vmem_shared>>)
        %add3A_797 = arith.constant 10 : i32
        %add3A_798 = arith.addi %sub3A_718, %add3A_797 : i32
        %lt3A = arith.constant 100 : i32
        %lt3A_799 = arith.cmpi slt, %add3A_798, %lt3A : i32
        %convert_element_type3A_800 = arith.extui %lt3A_799 : i1 to i32
        %cond3A_801 = arith.constant 0 : i32
        %cond3A_802 = arith.cmpi ne, %convert_element_type3A_800, %cond3A_801 : i32
        scf.if %cond3A_802 {
          %dma_start3A_803 = arith.constant 3 : i32
          %dma_start3A_804 = arith.constant 3 : i32
          %dma_start3A_805 = arith.constant 0 : i32
          %dma_start3A_806 = arith.constant 0 : i32
          %dma_start3A_807 = tpu.memref_slice %arg8[%dma_start3A_803, %dma_start3A_805, %dma_start3A_806] : memref<10x100x16xf32, #tpu.memory_space<vmem>> -> memref<1x100x16xf32, #tpu.memory_space<vmem>>
          %dma_start3A_808 = tpu.memref_squeeze %dma_start3A_807 : memref<1x100x16xf32, #tpu.memory_space<vmem>> -> memref<100x16xf32, #tpu.memory_space<vmem>>
          %dma_start3A_809 = arith.constant 0 : i32
          %dma_start3A_810 = tpu.memref_slice %arg6[%add3A_798, %dma_start3A_809] : memref<100x100xi32, #tpu.memory_space<vmem>> -> memref<1x100xi32, #tpu.memory_space<vmem>>
          %dma_start3A_811 = tpu.memref_squeeze %dma_start3A_810 : memref<1x100xi32, #tpu.memory_space<vmem>> -> memref<100xi32, #tpu.memory_space<vmem>>
          %dma_start3A_812 = arith.constant 0 : i32
          %dma_start3A_813 = arith.constant 0 : i32
          %dma_start3A_814 = tpu.memref_slice %arg3[%dma_start3A_812, %dma_start3A_813] : memref<10000x16xf32, #tpu.memory_space<hbm>> -> memref<10000x16xf32, #tpu.memory_space<hbm>>
          %dma_start3A_815 = tpu.memref_slice %arg11[%dma_start3A_804] : memref<10x!tpu.dma_semaphore, #tpu.memory_space<semaphore_mem>> -> memref<1x!tpu.dma_semaphore, #tpu.memory_space<semaphore_mem>>
          %dma_start3A_816 = tpu.memref_squeeze %dma_start3A_815 : memref<1x!tpu.dma_semaphore, #tpu.memory_space<semaphore_mem>> -> memref<!tpu.dma_semaphore, #tpu.memory_space<semaphore_mem>>
          tpu.enqueue_indirect_dma source(%dma_start3A_814 : memref<10000x16xf32, #tpu.memory_space<hbm>>) target(%dma_start3A_808 : memref<100x16xf32, #tpu.memory_space<vmem>>) offsets(%dma_start3A_811 : memref<100xi32, #tpu.memory_space<vmem>>) semaphore(%dma_start3A_816 : memref<!tpu.dma_semaphore, #tpu.memory_space<semaphore_mem>>)
        } else {
        }
      } else {
      }
      %mul3A_724 = arith.constant 10 : i32
      %mul3A_725 = arith.muli %scan3A_295, %mul3A_724 : i32
      %add3A_726 = arith.constant 9 : i32
      %add3A_727 = arith.addi %mul3A_725, %add3A_726 : i32
      %dma_wait3A_728 = arith.constant 9 : i32
      %dma_wait3A_729 = arith.constant 9 : i32
      %dma_wait3A_730 = arith.constant 0 : i32
      %dma_wait3A_731 = arith.constant 0 : i32
      %dma_wait3A_732 = tpu.memref_slice %arg8[%dma_wait3A_728, %dma_wait3A_730, %dma_wait3A_731] : memref<10x100x16xf32, #tpu.memory_space<vmem>> -> memref<1x100x16xf32, #tpu.memory_space<vmem>>
      %dma_wait3A_733 = tpu.memref_squeeze %dma_wait3A_732 : memref<1x100x16xf32, #tpu.memory_space<vmem>> -> memref<100x16xf32, #tpu.memory_space<vmem>>
      %dma_wait3A_734 = arith.constant 0 : i32
      %dma_wait3A_735 = tpu.memref_slice %arg6[%add3A_727, %dma_wait3A_734] : memref<100x100xi32, #tpu.memory_space<vmem>> -> memref<1x100xi32, #tpu.memory_space<vmem>>
      %dma_wait3A_736 = tpu.memref_squeeze %dma_wait3A_735 : memref<1x100xi32, #tpu.memory_space<vmem>> -> memref<100xi32, #tpu.memory_space<vmem>>
      %dma_wait3A_737 = arith.constant 0 : i32
      %dma_wait3A_738 = arith.constant 0 : i32
      %dma_wait3A_739 = tpu.memref_slice %arg3[%dma_wait3A_737, %dma_wait3A_738] : memref<10000x16xf32, #tpu.memory_space<hbm>> -> memref<10000x16xf32, #tpu.memory_space<hbm>>
      %dma_wait3A_740 = tpu.memref_slice %arg11[%dma_wait3A_729] : memref<10x!tpu.dma_semaphore, #tpu.memory_space<semaphore_mem>> -> memref<1x!tpu.dma_semaphore, #tpu.memory_space<semaphore_mem>>
      %dma_wait3A_741 = tpu.memref_squeeze %dma_wait3A_740 : memref<1x!tpu.dma_semaphore, #tpu.memory_space<semaphore_mem>> -> memref<!tpu.dma_semaphore, #tpu.memory_space<semaphore_mem>>
      tpu.wait_indirect_dma semaphore(%dma_wait3A_741 : memref<!tpu.dma_semaphore, #tpu.memory_space<semaphore_mem>>) src(%dma_wait3A_739 : memref<10000x16xf32, #tpu.memory_space<hbm>>) dst(%dma_wait3A_733 : memref<100x16xf32, #tpu.memory_space<vmem>>)
      %dma_start3A_742 = arith.constant 9 : i32
      %dma_start3A_743 = arith.constant 9 : i32
      %dma_start3A_744 = arith.constant 0 : i32
      %dma_start3A_745 = arith.constant 0 : i32
      %dma_start3A_746 = tpu.memref_slice %arg8[%dma_start3A_742, %dma_start3A_744, %dma_start3A_745] : memref<10x100x16xf32, #tpu.memory_space<vmem>> -> memref<1x100x16xf32, #tpu.memory_space<vmem>>
      %dma_start3A_747 = tpu.memref_squeeze %dma_start3A_746 : memref<1x100x16xf32, #tpu.memory_space<vmem>> -> memref<100x16xf32, #tpu.memory_space<vmem>>
      %dma_start3A_748 = arith.constant 0 : i32
      %dma_start3A_749 = tpu.memref_slice %arg7[%add3A_727, %dma_start3A_748] : memref<100x100xi32, #tpu.memory_space<vmem>> -> memref<1x100xi32, #tpu.memory_space<vmem>>
      %dma_start3A_750 = tpu.memref_squeeze %dma_start3A_749 : memref<1x100xi32, #tpu.memory_space<vmem>> -> memref<100xi32, #tpu.memory_space<vmem>>
      %dma_start3A_751 = arith.constant 0 : i32
      %dma_start3A_752 = arith.constant 0 : i32
      %dma_start3A_753 = tpu.memref_slice %arg10[%dma_start3A_751, %dma_start3A_752] : memref<10240x16xf32, #tpu.memory_space<vmem_shared>> -> memref<10240x16xf32, #tpu.memory_space<vmem_shared>>
      %dma_start3A_754 = tpu.memref_slice %arg12[%dma_start3A_743] : memref<10x!tpu.dma_semaphore, #tpu.memory_space<semaphore_mem>> -> memref<1x!tpu.dma_semaphore, #tpu.memory_space<semaphore_mem>>
      %dma_start3A_755 = tpu.memref_squeeze %dma_start3A_754 : memref<1x!tpu.dma_semaphore, #tpu.memory_space<semaphore_mem>> -> memref<!tpu.dma_semaphore, #tpu.memory_space<semaphore_mem>>
      tpu.enqueue_indirect_dma source(%dma_start3A_747 : memref<100x16xf32, #tpu.memory_space<vmem>>) target(%dma_start3A_753 : memref<10240x16xf32, #tpu.memory_space<vmem_shared>>) offsets(%dma_start3A_750 : memref<100xi32, #tpu.memory_space<vmem>>) semaphore(%dma_start3A_755 : memref<!tpu.dma_semaphore, #tpu.memory_space<semaphore_mem>>) {add = true}
      %dma_start3A_756 = arith.constant 9 : i32
      %dma_start3A_757 = arith.constant 0 : i32
      %dma_start3A_758 = tpu.memref_slice %arg7[%add3A_727, %dma_start3A_757] : memref<100x100xi32, #tpu.memory_space<vmem>> -> memref<1x100xi32, #tpu.memory_space<vmem>>
      %dma_start3A_759 = tpu.memref_squeeze %dma_start3A_758 : memref<1x100xi32, #tpu.memory_space<vmem>> -> memref<100xi32, #tpu.memory_space<vmem>>
      %dma_start3A_760 = arith.constant 0 : i32
      %dma_start3A_761 = arith.constant 0 : i32
      %dma_start3A_762 = tpu.memref_slice %arg14[%dma_start3A_760, %dma_start3A_761] : memref<10240x16xf32, #tpu.memory_space<vmem_shared>> -> memref<10240x16xf32, #tpu.memory_space<vmem_shared>>
      %dma_start3A_763 = tpu.memref_slice %arg15[%dma_start3A_756] : memref<10x!tpu.dma_semaphore, #tpu.memory_space<semaphore_mem>> -> memref<1x!tpu.dma_semaphore, #tpu.memory_space<semaphore_mem>>
      %dma_start3A_764 = tpu.memref_squeeze %dma_start3A_763 : memref<1x!tpu.dma_semaphore, #tpu.memory_space<semaphore_mem>> -> memref<!tpu.dma_semaphore, #tpu.memory_space<semaphore_mem>>
      tpu.enqueue_indirect_dma source(%arg13 : memref<100x16xf32, #tpu.memory_space<vmem>>) target(%dma_start3A_762 : memref<10240x16xf32, #tpu.memory_space<vmem_shared>>) offsets(%dma_start3A_759 : memref<100xi32, #tpu.memory_space<vmem>>) semaphore(%dma_start3A_764 : memref<!tpu.dma_semaphore, #tpu.memory_space<semaphore_mem>>) {add = true}
      %sub3A_765 = arith.constant 5 : i32
      %sub3A_766 = arith.subi %add3A_727, %sub3A_765 : i32
      %ge3A_767 = arith.constant 0 : i32
      %ge3A_768 = arith.cmpi sge, %sub3A_766, %ge3A_767 : i32
      %convert_element_type3A_769 = arith.extui %ge3A_768 : i1 to i32
      %cond3A_770 = arith.constant 0 : i32
      %cond3A_771 = arith.cmpi ne, %convert_element_type3A_769, %cond3A_770 : i32
      scf.if %cond3A_771 {
        %dma_wait3A_772 = arith.constant 4 : i32
        %dma_wait3A_773 = arith.constant 0 : i32
        %dma_wait3A_774 = arith.constant 4 : i32
        %dma_wait3A_775 = arith.constant 0 : i32
        %dma_wait3A_776 = arith.constant 0 : i32
        %dma_wait3A_777 = tpu.memref_slice %arg8[%dma_wait3A_772, %dma_wait3A_775, %dma_wait3A_776] : memref<10x100x16xf32, #tpu.memory_space<vmem>> -> memref<1x100x16xf32, #tpu.memory_space<vmem>>
        %dma_wait3A_778 = tpu.memref_squeeze %dma_wait3A_777 : memref<1x100x16xf32, #tpu.memory_space<vmem>> -> memref<100x16xf32, #tpu.memory_space<vmem>>
        %dma_wait3A_779 = arith.constant 0 : i32
        %dma_wait3A_780 = tpu.memref_slice %arg7[%dma_wait3A_773, %dma_wait3A_779] : memref<100x100xi32, #tpu.memory_space<vmem>> -> memref<1x100xi32, #tpu.memory_space<vmem>>
        %dma_wait3A_781 = tpu.memref_squeeze %dma_wait3A_780 : memref<1x100xi32, #tpu.memory_space<vmem>> -> memref<100xi32, #tpu.memory_space<vmem>>
        %dma_wait3A_782 = arith.constant 0 : i32
        %dma_wait3A_783 = arith.constant 0 : i32
        %dma_wait3A_784 = tpu.memref_slice %arg10[%dma_wait3A_782, %dma_wait3A_783] : memref<10240x16xf32, #tpu.memory_space<vmem_shared>> -> memref<10240x16xf32, #tpu.memory_space<vmem_shared>>
        %dma_wait3A_785 = tpu.memref_slice %arg12[%dma_wait3A_774] : memref<10x!tpu.dma_semaphore, #tpu.memory_space<semaphore_mem>> -> memref<1x!tpu.dma_semaphore, #tpu.memory_space<semaphore_mem>>
        %dma_wait3A_786 = tpu.memref_squeeze %dma_wait3A_785 : memref<1x!tpu.dma_semaphore, #tpu.memory_space<semaphore_mem>> -> memref<!tpu.dma_semaphore, #tpu.memory_space<semaphore_mem>>
        tpu.wait_indirect_dma semaphore(%dma_wait3A_786 : memref<!tpu.dma_semaphore, #tpu.memory_space<semaphore_mem>>) src(%dma_wait3A_778 : memref<100x16xf32, #tpu.memory_space<vmem>>) dst(%dma_wait3A_784 : memref<10240x16xf32, #tpu.memory_space<vmem_shared>>)
        %dma_wait3A_787 = arith.constant 0 : i32
        %dma_wait3A_788 = arith.constant 4 : i32
        %dma_wait3A_789 = arith.constant 0 : i32
        %dma_wait3A_790 = tpu.memref_slice %arg7[%dma_wait3A_787, %dma_wait3A_789] : memref<100x100xi32, #tpu.memory_space<vmem>> -> memref<1x100xi32, #tpu.memory_space<vmem>>
        %dma_wait3A_791 = tpu.memref_squeeze %dma_wait3A_790 : memref<1x100xi32, #tpu.memory_space<vmem>> -> memref<100xi32, #tpu.memory_space<vmem>>
        %dma_wait3A_792 = arith.constant 0 : i32
        %dma_wait3A_793 = arith.constant 0 : i32
        %dma_wait3A_794 = tpu.memref_slice %arg14[%dma_wait3A_792, %dma_wait3A_793] : memref<10240x16xf32, #tpu.memory_space<vmem_shared>> -> memref<10240x16xf32, #tpu.memory_space<vmem_shared>>
        %dma_wait3A_795 = tpu.memref_slice %arg15[%dma_wait3A_788] : memref<10x!tpu.dma_semaphore, #tpu.memory_space<semaphore_mem>> -> memref<1x!tpu.dma_semaphore, #tpu.memory_space<semaphore_mem>>
        %dma_wait3A_796 = tpu.memref_squeeze %dma_wait3A_795 : memref<1x!tpu.dma_semaphore, #tpu.memory_space<semaphore_mem>> -> memref<!tpu.dma_semaphore, #tpu.memory_space<semaphore_mem>>
        tpu.wait_indirect_dma semaphore(%dma_wait3A_796 : memref<!tpu.dma_semaphore, #tpu.memory_space<semaphore_mem>>) src(%arg13 : memref<100x16xf32, #tpu.memory_space<vmem>>) dst(%dma_wait3A_794 : memref<10240x16xf32, #tpu.memory_space<vmem_shared>>)
        %add3A_797 = arith.constant 10 : i32
        %add3A_798 = arith.addi %sub3A_766, %add3A_797 : i32
        %lt3A = arith.constant 100 : i32
        %lt3A_799 = arith.cmpi slt, %add3A_798, %lt3A : i32
        %convert_element_type3A_800 = arith.extui %lt3A_799 : i1 to i32
        %cond3A_801 = arith.constant 0 : i32
        %cond3A_802 = arith.cmpi ne, %convert_element_type3A_800, %cond3A_801 : i32
        scf.if %cond3A_802 {
          %dma_start3A_803 = arith.constant 4 : i32
          %dma_start3A_804 = arith.constant 4 : i32
          %dma_start3A_805 = arith.constant 0 : i32
          %dma_start3A_806 = arith.constant 0 : i32
          %dma_start3A_807 = tpu.memref_slice %arg8[%dma_start3A_803, %dma_start3A_805, %dma_start3A_806] : memref<10x100x16xf32, #tpu.memory_space<vmem>> -> memref<1x100x16xf32, #tpu.memory_space<vmem>>
          %dma_start3A_808 = tpu.memref_squeeze %dma_start3A_807 : memref<1x100x16xf32, #tpu.memory_space<vmem>> -> memref<100x16xf32, #tpu.memory_space<vmem>>
          %dma_start3A_809 = arith.constant 0 : i32
          %dma_start3A_810 = tpu.memref_slice %arg6[%add3A_798, %dma_start3A_809] : memref<100x100xi32, #tpu.memory_space<vmem>> -> memref<1x100xi32, #tpu.memory_space<vmem>>
          %dma_start3A_811 = tpu.memref_squeeze %dma_start3A_810 : memref<1x100xi32, #tpu.memory_space<vmem>> -> memref<100xi32, #tpu.memory_space<vmem>>
          %dma_start3A_812 = arith.constant 0 : i32
          %dma_start3A_813 = arith.constant 0 : i32
          %dma_start3A_814 = tpu.memref_slice %arg3[%dma_start3A_812, %dma_start3A_813] : memref<10000x16xf32, #tpu.memory_space<hbm>> -> memref<10000x16xf32, #tpu.memory_space<hbm>>
          %dma_start3A_815 = tpu.memref_slice %arg11[%dma_start3A_804] : memref<10x!tpu.dma_semaphore, #tpu.memory_space<semaphore_mem>> -> memref<1x!tpu.dma_semaphore, #tpu.memory_space<semaphore_mem>>
          %dma_start3A_816 = tpu.memref_squeeze %dma_start3A_815 : memref<1x!tpu.dma_semaphore, #tpu.memory_space<semaphore_mem>> -> memref<!tpu.dma_semaphore, #tpu.memory_space<semaphore_mem>>
          tpu.enqueue_indirect_dma source(%dma_start3A_814 : memref<10000x16xf32, #tpu.memory_space<hbm>>) target(%dma_start3A_808 : memref<100x16xf32, #tpu.memory_space<vmem>>) offsets(%dma_start3A_811 : memref<100xi32, #tpu.memory_space<vmem>>) semaphore(%dma_start3A_816 : memref<!tpu.dma_semaphore, #tpu.memory_space<semaphore_mem>>)
        } else {
        }
      } else {
      }
    }
    %scan3A_169 = arith.constant 10 : i32
    %dma_wait3A = arith.constant 5 : i32
    %dma_wait3A_170 = arith.constant 0 : i32
    %dma_wait3A_171 = arith.constant 5 : i32
    %dma_wait3A_172 = arith.constant 0 : i32
    %dma_wait3A_173 = arith.constant 0 : i32
    %dma_wait3A_174 = tpu.memref_slice %arg8[%dma_wait3A, %dma_wait3A_172, %dma_wait3A_173] : memref<10x100x16xf32, #tpu.memory_space<vmem>> -> memref<1x100x16xf32, #tpu.memory_space<vmem>>
    %dma_wait3A_175 = tpu.memref_squeeze %dma_wait3A_174 : memref<1x100x16xf32, #tpu.memory_space<vmem>> -> memref<100x16xf32, #tpu.memory_space<vmem>>
    %dma_wait3A_176 = arith.constant 0 : i32
    %dma_wait3A_177 = tpu.memref_slice %arg7[%dma_wait3A_170, %dma_wait3A_176] : memref<100x100xi32, #tpu.memory_space<vmem>> -> memref<1x100xi32, #tpu.memory_space<vmem>>
    %dma_wait3A_178 = tpu.memref_squeeze %dma_wait3A_177 : memref<1x100xi32, #tpu.memory_space<vmem>> -> memref<100xi32, #tpu.memory_space<vmem>>
    %dma_wait3A_179 = arith.constant 0 : i32
    %dma_wait3A_180 = arith.constant 0 : i32
    %dma_wait3A_181 = tpu.memref_slice %arg10[%dma_wait3A_179, %dma_wait3A_180] : memref<10240x16xf32, #tpu.memory_space<vmem_shared>> -> memref<10240x16xf32, #tpu.memory_space<vmem_shared>>
    %dma_wait3A_182 = tpu.memref_slice %arg12[%dma_wait3A_171] : memref<10x!tpu.dma_semaphore, #tpu.memory_space<semaphore_mem>> -> memref<1x!tpu.dma_semaphore, #tpu.memory_space<semaphore_mem>>
    %dma_wait3A_183 = tpu.memref_squeeze %dma_wait3A_182 : memref<1x!tpu.dma_semaphore, #tpu.memory_space<semaphore_mem>> -> memref<!tpu.dma_semaphore, #tpu.memory_space<semaphore_mem>>
    tpu.wait_indirect_dma semaphore(%dma_wait3A_183 : memref<!tpu.dma_semaphore, #tpu.memory_space<semaphore_mem>>) src(%dma_wait3A_175 : memref<100x16xf32, #tpu.memory_space<vmem>>) dst(%dma_wait3A_181 : memref<10240x16xf32, #tpu.memory_space<vmem_shared>>)
    %dma_wait3A_184 = arith.constant 0 : i32
    %dma_wait3A_185 = arith.constant 5 : i32
    %dma_wait3A_186 = arith.constant 0 : i32
    %dma_wait3A_187 = tpu.memref_slice %arg7[%dma_wait3A_184, %dma_wait3A_186] : memref<100x100xi32, #tpu.memory_space<vmem>> -> memref<1x100xi32, #tpu.memory_space<vmem>>
    %dma_wait3A_188 = tpu.memref_squeeze %dma_wait3A_187 : memref<1x100xi32, #tpu.memory_space<vmem>> -> memref<100xi32, #tpu.memory_space<vmem>>
    %dma_wait3A_189 = arith.constant 0 : i32
    %dma_wait3A_190 = arith.constant 0 : i32
    %dma_wait3A_191 = tpu.memref_slice %arg14[%dma_wait3A_189, %dma_wait3A_190] : memref<10240x16xf32, #tpu.memory_space<vmem_shared>> -> memref<10240x16xf32, #tpu.memory_space<vmem_shared>>
    %dma_wait3A_192 = tpu.memref_slice %arg15[%dma_wait3A_185] : memref<10x!tpu.dma_semaphore, #tpu.memory_space<semaphore_mem>> -> memref<1x!tpu.dma_semaphore, #tpu.memory_space<semaphore_mem>>
    %dma_wait3A_193 = tpu.memref_squeeze %dma_wait3A_192 : memref<1x!tpu.dma_semaphore, #tpu.memory_space<semaphore_mem>> -> memref<!tpu.dma_semaphore, #tpu.memory_space<semaphore_mem>>
    tpu.wait_indirect_dma semaphore(%dma_wait3A_193 : memref<!tpu.dma_semaphore, #tpu.memory_space<semaphore_mem>>) src(%arg13 : memref<100x16xf32, #tpu.memory_space<vmem>>) dst(%dma_wait3A_191 : memref<10240x16xf32, #tpu.memory_space<vmem_shared>>)
    %dma_wait3A_194 = arith.constant 6 : i32
    %dma_wait3A_195 = arith.constant 0 : i32
    %dma_wait3A_196 = arith.constant 6 : i32
    %dma_wait3A_197 = arith.constant 0 : i32
    %dma_wait3A_198 = arith.constant 0 : i32
    %dma_wait3A_199 = tpu.memref_slice %arg8[%dma_wait3A_194, %dma_wait3A_197, %dma_wait3A_198] : memref<10x100x16xf32, #tpu.memory_space<vmem>> -> memref<1x100x16xf32, #tpu.memory_space<vmem>>
    %dma_wait3A_200 = tpu.memref_squeeze %dma_wait3A_199 : memref<1x100x16xf32, #tpu.memory_space<vmem>> -> memref<100x16xf32, #tpu.memory_space<vmem>>
    %dma_wait3A_201 = arith.constant 0 : i32
    %dma_wait3A_202 = tpu.memref_slice %arg7[%dma_wait3A_195, %dma_wait3A_201] : memref<100x100xi32, #tpu.memory_space<vmem>> -> memref<1x100xi32, #tpu.memory_space<vmem>>
    %dma_wait3A_203 = tpu.memref_squeeze %dma_wait3A_202 : memref<1x100xi32, #tpu.memory_space<vmem>> -> memref<100xi32, #tpu.memory_space<vmem>>
    %dma_wait3A_204 = arith.constant 0 : i32
    %dma_wait3A_205 = arith.constant 0 : i32
    %dma_wait3A_206 = tpu.memref_slice %arg10[%dma_wait3A_204, %dma_wait3A_205] : memref<10240x16xf32, #tpu.memory_space<vmem_shared>> -> memref<10240x16xf32, #tpu.memory_space<vmem_shared>>
    %dma_wait3A_207 = tpu.memref_slice %arg12[%dma_wait3A_196] : memref<10x!tpu.dma_semaphore, #tpu.memory_space<semaphore_mem>> -> memref<1x!tpu.dma_semaphore, #tpu.memory_space<semaphore_mem>>
    %dma_wait3A_208 = tpu.memref_squeeze %dma_wait3A_207 : memref<1x!tpu.dma_semaphore, #tpu.memory_space<semaphore_mem>> -> memref<!tpu.dma_semaphore, #tpu.memory_space<semaphore_mem>>
    tpu.wait_indirect_dma semaphore(%dma_wait3A_208 : memref<!tpu.dma_semaphore, #tpu.memory_space<semaphore_mem>>) src(%dma_wait3A_200 : memref<100x16xf32, #tpu.memory_space<vmem>>) dst(%dma_wait3A_206 : memref<10240x16xf32, #tpu.memory_space<vmem_shared>>)
    %dma_wait3A_209 = arith.constant 0 : i32
    %dma_wait3A_210 = arith.constant 6 : i32
    %dma_wait3A_211 = arith.constant 0 : i32
    %dma_wait3A_212 = tpu.memref_slice %arg7[%dma_wait3A_209, %dma_wait3A_211] : memref<100x100xi32, #tpu.memory_space<vmem>> -> memref<1x100xi32, #tpu.memory_space<vmem>>
    %dma_wait3A_213 = tpu.memref_squeeze %dma_wait3A_212 : memref<1x100xi32, #tpu.memory_space<vmem>> -> memref<100xi32, #tpu.memory_space<vmem>>
    %dma_wait3A_214 = arith.constant 0 : i32
    %dma_wait3A_215 = arith.constant 0 : i32
    %dma_wait3A_216 = tpu.memref_slice %arg14[%dma_wait3A_214, %dma_wait3A_215] : memref<10240x16xf32, #tpu.memory_space<vmem_shared>> -> memref<10240x16xf32, #tpu.memory_space<vmem_shared>>
    %dma_wait3A_217 = tpu.memref_slice %arg15[%dma_wait3A_210] : memref<10x!tpu.dma_semaphore, #tpu.memory_space<semaphore_mem>> -> memref<1x!tpu.dma_semaphore, #tpu.memory_space<semaphore_mem>>
    %dma_wait3A_218 = tpu.memref_squeeze %dma_wait3A_217 : memref<1x!tpu.dma_semaphore, #tpu.memory_space<semaphore_mem>> -> memref<!tpu.dma_semaphore, #tpu.memory_space<semaphore_mem>>
    tpu.wait_indirect_dma semaphore(%dma_wait3A_218 : memref<!tpu.dma_semaphore, #tpu.memory_space<semaphore_mem>>) src(%arg13 : memref<100x16xf32, #tpu.memory_space<vmem>>) dst(%dma_wait3A_216 : memref<10240x16xf32, #tpu.memory_space<vmem_shared>>)
    %dma_wait3A_219 = arith.constant 7 : i32
    %dma_wait3A_220 = arith.constant 0 : i32
    %dma_wait3A_221 = arith.constant 7 : i32
    %dma_wait3A_222 = arith.constant 0 : i32
    %dma_wait3A_223 = arith.constant 0 : i32
    %dma_wait3A_224 = tpu.memref_slice %arg8[%dma_wait3A_219, %dma_wait3A_222, %dma_wait3A_223] : memref<10x100x16xf32, #tpu.memory_space<vmem>> -> memref<1x100x16xf32, #tpu.memory_space<vmem>>
    %dma_wait3A_225 = tpu.memref_squeeze %dma_wait3A_224 : memref<1x100x16xf32, #tpu.memory_space<vmem>> -> memref<100x16xf32, #tpu.memory_space<vmem>>
    %dma_wait3A_226 = arith.constant 0 : i32
    %dma_wait3A_227 = tpu.memref_slice %arg7[%dma_wait3A_220, %dma_wait3A_226] : memref<100x100xi32, #tpu.memory_space<vmem>> -> memref<1x100xi32, #tpu.memory_space<vmem>>
    %dma_wait3A_228 = tpu.memref_squeeze %dma_wait3A_227 : memref<1x100xi32, #tpu.memory_space<vmem>> -> memref<100xi32, #tpu.memory_space<vmem>>
    %dma_wait3A_229 = arith.constant 0 : i32
    %dma_wait3A_230 = arith.constant 0 : i32
    %dma_wait3A_231 = tpu.memref_slice %arg10[%dma_wait3A_229, %dma_wait3A_230] : memref<10240x16xf32, #tpu.memory_space<vmem_shared>> -> memref<10240x16xf32, #tpu.memory_space<vmem_shared>>
    %dma_wait3A_232 = tpu.memref_slice %arg12[%dma_wait3A_221] : memref<10x!tpu.dma_semaphore, #tpu.memory_space<semaphore_mem>> -> memref<1x!tpu.dma_semaphore, #tpu.memory_space<semaphore_mem>>
    %dma_wait3A_233 = tpu.memref_squeeze %dma_wait3A_232 : memref<1x!tpu.dma_semaphore, #tpu.memory_space<semaphore_mem>> -> memref<!tpu.dma_semaphore, #tpu.memory_space<semaphore_mem>>
    tpu.wait_indirect_dma semaphore(%dma_wait3A_233 : memref<!tpu.dma_semaphore, #tpu.memory_space<semaphore_mem>>) src(%dma_wait3A_225 : memref<100x16xf32, #tpu.memory_space<vmem>>) dst(%dma_wait3A_231 : memref<10240x16xf32, #tpu.memory_space<vmem_shared>>)
    %dma_wait3A_234 = arith.constant 0 : i32
    %dma_wait3A_235 = arith.constant 7 : i32
    %dma_wait3A_236 = arith.constant 0 : i32
    %dma_wait3A_237 = tpu.memref_slice %arg7[%dma_wait3A_234, %dma_wait3A_236] : memref<100x100xi32, #tpu.memory_space<vmem>> -> memref<1x100xi32, #tpu.memory_space<vmem>>
    %dma_wait3A_238 = tpu.memref_squeeze %dma_wait3A_237 : memref<1x100xi32, #tpu.memory_space<vmem>> -> memref<100xi32, #tpu.memory_space<vmem>>
    %dma_wait3A_239 = arith.constant 0 : i32
    %dma_wait3A_240 = arith.constant 0 : i32
    %dma_wait3A_241 = tpu.memref_slice %arg14[%dma_wait3A_239, %dma_wait3A_240] : memref<10240x16xf32, #tpu.memory_space<vmem_shared>> -> memref<10240x16xf32, #tpu.memory_space<vmem_shared>>
    %dma_wait3A_242 = tpu.memref_slice %arg15[%dma_wait3A_235] : memref<10x!tpu.dma_semaphore, #tpu.memory_space<semaphore_mem>> -> memref<1x!tpu.dma_semaphore, #tpu.memory_space<semaphore_mem>>
    %dma_wait3A_243 = tpu.memref_squeeze %dma_wait3A_242 : memref<1x!tpu.dma_semaphore, #tpu.memory_space<semaphore_mem>> -> memref<!tpu.dma_semaphore, #tpu.memory_space<semaphore_mem>>
    tpu.wait_indirect_dma semaphore(%dma_wait3A_243 : memref<!tpu.dma_semaphore, #tpu.memory_space<semaphore_mem>>) src(%arg13 : memref<100x16xf32, #tpu.memory_space<vmem>>) dst(%dma_wait3A_241 : memref<10240x16xf32, #tpu.memory_space<vmem_shared>>)
    %dma_wait3A_244 = arith.constant 8 : i32
    %dma_wait3A_245 = arith.constant 0 : i32
    %dma_wait3A_246 = arith.constant 8 : i32
    %dma_wait3A_247 = arith.constant 0 : i32
    %dma_wait3A_248 = arith.constant 0 : i32
    %dma_wait3A_249 = tpu.memref_slice %arg8[%dma_wait3A_244, %dma_wait3A_247, %dma_wait3A_248] : memref<10x100x16xf32, #tpu.memory_space<vmem>> -> memref<1x100x16xf32, #tpu.memory_space<vmem>>
    %dma_wait3A_250 = tpu.memref_squeeze %dma_wait3A_249 : memref<1x100x16xf32, #tpu.memory_space<vmem>> -> memref<100x16xf32, #tpu.memory_space<vmem>>
    %dma_wait3A_251 = arith.constant 0 : i32
    %dma_wait3A_252 = tpu.memref_slice %arg7[%dma_wait3A_245, %dma_wait3A_251] : memref<100x100xi32, #tpu.memory_space<vmem>> -> memref<1x100xi32, #tpu.memory_space<vmem>>
    %dma_wait3A_253 = tpu.memref_squeeze %dma_wait3A_252 : memref<1x100xi32, #tpu.memory_space<vmem>> -> memref<100xi32, #tpu.memory_space<vmem>>
    %dma_wait3A_254 = arith.constant 0 : i32
    %dma_wait3A_255 = arith.constant 0 : i32
    %dma_wait3A_256 = tpu.memref_slice %arg10[%dma_wait3A_254, %dma_wait3A_255] : memref<10240x16xf32, #tpu.memory_space<vmem_shared>> -> memref<10240x16xf32, #tpu.memory_space<vmem_shared>>
    %dma_wait3A_257 = tpu.memref_slice %arg12[%dma_wait3A_246] : memref<10x!tpu.dma_semaphore, #tpu.memory_space<semaphore_mem>> -> memref<1x!tpu.dma_semaphore, #tpu.memory_space<semaphore_mem>>
    %dma_wait3A_258 = tpu.memref_squeeze %dma_wait3A_257 : memref<1x!tpu.dma_semaphore, #tpu.memory_space<semaphore_mem>> -> memref<!tpu.dma_semaphore, #tpu.memory_space<semaphore_mem>>
    tpu.wait_indirect_dma semaphore(%dma_wait3A_258 : memref<!tpu.dma_semaphore, #tpu.memory_space<semaphore_mem>>) src(%dma_wait3A_250 : memref<100x16xf32, #tpu.memory_space<vmem>>) dst(%dma_wait3A_256 : memref<10240x16xf32, #tpu.memory_space<vmem_shared>>)
    %dma_wait3A_259 = arith.constant 0 : i32
    %dma_wait3A_260 = arith.constant 8 : i32
    %dma_wait3A_261 = arith.constant 0 : i32
    %dma_wait3A_262 = tpu.memref_slice %arg7[%dma_wait3A_259, %dma_wait3A_261] : memref<100x100xi32, #tpu.memory_space<vmem>> -> memref<1x100xi32, #tpu.memory_space<vmem>>
    %dma_wait3A_263 = tpu.memref_squeeze %dma_wait3A_262 : memref<1x100xi32, #tpu.memory_space<vmem>> -> memref<100xi32, #tpu.memory_space<vmem>>
    %dma_wait3A_264 = arith.constant 0 : i32
    %dma_wait3A_265 = arith.constant 0 : i32
    %dma_wait3A_266 = tpu.memref_slice %arg14[%dma_wait3A_264, %dma_wait3A_265] : memref<10240x16xf32, #tpu.memory_space<vmem_shared>> -> memref<10240x16xf32, #tpu.memory_space<vmem_shared>>
    %dma_wait3A_267 = tpu.memref_slice %arg15[%dma_wait3A_260] : memref<10x!tpu.dma_semaphore, #tpu.memory_space<semaphore_mem>> -> memref<1x!tpu.dma_semaphore, #tpu.memory_space<semaphore_mem>>
    %dma_wait3A_268 = tpu.memref_squeeze %dma_wait3A_267 : memref<1x!tpu.dma_semaphore, #tpu.memory_space<semaphore_mem>> -> memref<!tpu.dma_semaphore, #tpu.memory_space<semaphore_mem>>
    tpu.wait_indirect_dma semaphore(%dma_wait3A_268 : memref<!tpu.dma_semaphore, #tpu.memory_space<semaphore_mem>>) src(%arg13 : memref<100x16xf32, #tpu.memory_space<vmem>>) dst(%dma_wait3A_266 : memref<10240x16xf32, #tpu.memory_space<vmem_shared>>)
    %dma_wait3A_269 = arith.constant 9 : i32
    %dma_wait3A_270 = arith.constant 0 : i32
    %dma_wait3A_271 = arith.constant 9 : i32
    %dma_wait3A_272 = arith.constant 0 : i32
    %dma_wait3A_273 = arith.constant 0 : i32
    %dma_wait3A_274 = tpu.memref_slice %arg8[%dma_wait3A_269, %dma_wait3A_272, %dma_wait3A_273] : memref<10x100x16xf32, #tpu.memory_space<vmem>> -> memref<1x100x16xf32, #tpu.memory_space<vmem>>
    %dma_wait3A_275 = tpu.memref_squeeze %dma_wait3A_274 : memref<1x100x16xf32, #tpu.memory_space<vmem>> -> memref<100x16xf32, #tpu.memory_space<vmem>>
    %dma_wait3A_276 = arith.constant 0 : i32
    %dma_wait3A_277 = tpu.memref_slice %arg7[%dma_wait3A_270, %dma_wait3A_276] : memref<100x100xi32, #tpu.memory_space<vmem>> -> memref<1x100xi32, #tpu.memory_space<vmem>>
    %dma_wait3A_278 = tpu.memref_squeeze %dma_wait3A_277 : memref<1x100xi32, #tpu.memory_space<vmem>> -> memref<100xi32, #tpu.memory_space<vmem>>
    %dma_wait3A_279 = arith.constant 0 : i32
    %dma_wait3A_280 = arith.constant 0 : i32
    %dma_wait3A_281 = tpu.memref_slice %arg10[%dma_wait3A_279, %dma_wait3A_280] : memref<10240x16xf32, #tpu.memory_space<vmem_shared>> -> memref<10240x16xf32, #tpu.memory_space<vmem_shared>>
    %dma_wait3A_282 = tpu.memref_slice %arg12[%dma_wait3A_271] : memref<10x!tpu.dma_semaphore, #tpu.memory_space<semaphore_mem>> -> memref<1x!tpu.dma_semaphore, #tpu.memory_space<semaphore_mem>>
    %dma_wait3A_283 = tpu.memref_squeeze %dma_wait3A_282 : memref<1x!tpu.dma_semaphore, #tpu.memory_space<semaphore_mem>> -> memref<!tpu.dma_semaphore, #tpu.memory_space<semaphore_mem>>
    tpu.wait_indirect_dma semaphore(%dma_wait3A_283 : memref<!tpu.dma_semaphore, #tpu.memory_space<semaphore_mem>>) src(%dma_wait3A_275 : memref<100x16xf32, #tpu.memory_space<vmem>>) dst(%dma_wait3A_281 : memref<10240x16xf32, #tpu.memory_space<vmem_shared>>)
    %dma_wait3A_284 = arith.constant 0 : i32
    %dma_wait3A_285 = arith.constant 9 : i32
    %dma_wait3A_286 = arith.constant 0 : i32
    %dma_wait3A_287 = tpu.memref_slice %arg7[%dma_wait3A_284, %dma_wait3A_286] : memref<100x100xi32, #tpu.memory_space<vmem>> -> memref<1x100xi32, #tpu.memory_space<vmem>>
    %dma_wait3A_288 = tpu.memref_squeeze %dma_wait3A_287 : memref<1x100xi32, #tpu.memory_space<vmem>> -> memref<100xi32, #tpu.memory_space<vmem>>
    %dma_wait3A_289 = arith.constant 0 : i32
    %dma_wait3A_290 = arith.constant 0 : i32
    %dma_wait3A_291 = tpu.memref_slice %arg14[%dma_wait3A_289, %dma_wait3A_290] : memref<10240x16xf32, #tpu.memory_space<vmem_shared>> -> memref<10240x16xf32, #tpu.memory_space<vmem_shared>>
    %dma_wait3A_292 = tpu.memref_slice %arg15[%dma_wait3A_285] : memref<10x!tpu.dma_semaphore, #tpu.memory_space<semaphore_mem>> -> memref<1x!tpu.dma_semaphore, #tpu.memory_space<semaphore_mem>>
    %dma_wait3A_293 = tpu.memref_squeeze %dma_wait3A_292 : memref<1x!tpu.dma_semaphore, #tpu.memory_space<semaphore_mem>> -> memref<!tpu.dma_semaphore, #tpu.memory_space<semaphore_mem>>
    tpu.wait_indirect_dma semaphore(%dma_wait3A_293 : memref<!tpu.dma_semaphore, #tpu.memory_space<semaphore_mem>>) src(%arg13 : memref<100x16xf32, #tpu.memory_space<vmem>>) dst(%dma_wait3A_291 : memref<10240x16xf32, #tpu.memory_space<vmem_shared>>)
    %barrier3A_294 = arith.constant 0 : index
    tpu.barrier barrier_id(%barrier3A_294)
    "tpu.region"() ({
      %run_scoped3A_295 = tpu.sem_alloc : memref<!tpu.dma_semaphore, #tpu.memory_space<semaphore_mem>>
      %dma_start3A_296 = arith.constant 0 : i32
      %dma_start3A_297 = tpu.memref_slice %arg10[%mul3A_2, %dma_start3A_296] : memref<10240x16xf32, #tpu.memory_space<vmem_shared>> -> memref<640x16xf32, #tpu.memory_space<vmem_shared>>
      %dma_start3A_298 = arith.constant 0 : i32
      %dma_start3A_299 = tpu.memref_slice %arg10[%mul3A_2, %dma_start3A_298] : memref<10240x16xf32, #tpu.memory_space<vmem_shared>> -> memref<640x16xf32, #tpu.memory_space<vmem_shared>>
      tpu.enqueue_dma source(%dma_start3A_299 : memref<640x16xf32, #tpu.memory_space<vmem_shared>>) target(%arg9 : memref<640x16xf32, #tpu.memory_space<vmem>>) target_semaphore(%run_scoped3A_295 : memref<!tpu.dma_semaphore, #tpu.memory_space<semaphore_mem>>)
      %dma_wait3A_300 = arith.constant 0 : i32
      %dma_wait3A_301 = tpu.memref_slice %arg10[%mul3A_2, %dma_wait3A_300] : memref<10240x16xf32, #tpu.memory_space<vmem_shared>> -> memref<640x16xf32, #tpu.memory_space<vmem_shared>>
      %dma_wait3A_302 = arith.constant 0 : i32
      %dma_wait3A_303 = tpu.memref_slice %arg10[%mul3A_2, %dma_wait3A_302] : memref<10240x16xf32, #tpu.memory_space<vmem_shared>> -> memref<640x16xf32, #tpu.memory_space<vmem_shared>>
      tpu.wait_dma2 semaphore(%run_scoped3A_295 : memref<!tpu.dma_semaphore, #tpu.memory_space<semaphore_mem>>) src(%dma_wait3A_303 : memref<640x16xf32, #tpu.memory_space<vmem_shared>>) dst(%arg9 : memref<640x16xf32, #tpu.memory_space<vmem>>)
      tpu.yield
    }) : () -> ()
    "tpu.region"() ({
      %run_scoped3A_295 = tpu.sem_alloc : memref<!tpu.dma_semaphore, #tpu.memory_space<semaphore_mem>>
      %dma_start3A_296 = arith.constant 0 : i32
      %dma_start3A_297 = tpu.memref_slice %arg4[%arg0, %mul3A_2, %dma_start3A_296] : memref<2x10240x16xf32, #tpu.memory_space<hbm>> -> memref<1x640x16xf32, #tpu.memory_space<hbm>>
      %dma_start3A_298 = tpu.memref_squeeze %dma_start3A_297 : memref<1x640x16xf32, #tpu.memory_space<hbm>> -> memref<640x16xf32, #tpu.memory_space<hbm>>
      %dma_start3A_299 = arith.constant 0 : i32
      %dma_start3A_300 = tpu.memref_slice %arg4[%arg0, %mul3A_2, %dma_start3A_299] : memref<2x10240x16xf32, #tpu.memory_space<hbm>> -> memref<1x640x16xf32, #tpu.memory_space<hbm>>
      %dma_start3A_301 = tpu.memref_squeeze %dma_start3A_300 : memref<1x640x16xf32, #tpu.memory_space<hbm>> -> memref<640x16xf32, #tpu.memory_space<hbm>>
      tpu.enqueue_dma source(%arg9 : memref<640x16xf32, #tpu.memory_space<vmem>>) target(%dma_start3A_301 : memref<640x16xf32, #tpu.memory_space<hbm>>) target_semaphore(%run_scoped3A_295 : memref<!tpu.dma_semaphore, #tpu.memory_space<semaphore_mem>>)
      %dma_wait3A_302 = arith.constant 0 : i32
      %dma_wait3A_303 = tpu.memref_slice %arg4[%arg0, %mul3A_2, %dma_wait3A_302] : memref<2x10240x16xf32, #tpu.memory_space<hbm>> -> memref<1x640x16xf32, #tpu.memory_space<hbm>>
      %dma_wait3A_304 = tpu.memref_squeeze %dma_wait3A_303 : memref<1x640x16xf32, #tpu.memory_space<hbm>> -> memref<640x16xf32, #tpu.memory_space<hbm>>
      %dma_wait3A_305 = arith.constant 0 : i32
      %dma_wait3A_306 = tpu.memref_slice %arg4[%arg0, %mul3A_2, %dma_wait3A_305] : memref<2x10240x16xf32, #tpu.memory_space<hbm>> -> memref<1x640x16xf32, #tpu.memory_space<hbm>>
      %dma_wait3A_307 = tpu.memref_squeeze %dma_wait3A_306 : memref<1x640x16xf32, #tpu.memory_space<hbm>> -> memref<640x16xf32, #tpu.memory_space<hbm>>
      tpu.wait_dma2 semaphore(%run_scoped3A_295 : memref<!tpu.dma_semaphore, #tpu.memory_space<semaphore_mem>>) src(%arg9 : memref<640x16xf32, #tpu.memory_space<vmem>>) dst(%dma_wait3A_307 : memref<640x16xf32, #tpu.memory_space<hbm>>)
      tpu.yield
    }) : () -> ()
    "tpu.region"() ({
      %run_scoped3A_295 = tpu.sem_alloc : memref<!tpu.dma_semaphore, #tpu.memory_space<semaphore_mem>>
      %dma_start3A_296 = arith.constant 0 : i32
      %dma_start3A_297 = tpu.memref_slice %arg14[%mul3A_2, %dma_start3A_296] : memref<10240x16xf32, #tpu.memory_space<vmem_shared>> -> memref<640x16xf32, #tpu.memory_space<vmem_shared>>
      %dma_start3A_298 = arith.constant 0 : i32
      %dma_start3A_299 = tpu.memref_slice %arg14[%mul3A_2, %dma_start3A_298] : memref<10240x16xf32, #tpu.memory_space<vmem_shared>> -> memref<640x16xf32, #tpu.memory_space<vmem_shared>>
      tpu.enqueue_dma source(%dma_start3A_299 : memref<640x16xf32, #tpu.memory_space<vmem_shared>>) target(%arg9 : memref<640x16xf32, #tpu.memory_space<vmem>>) target_semaphore(%run_scoped3A_295 : memref<!tpu.dma_semaphore, #tpu.memory_space<semaphore_mem>>)
      %dma_wait3A_300 = arith.constant 0 : i32
      %dma_wait3A_301 = tpu.memref_slice %arg14[%mul3A_2, %dma_wait3A_300] : memref<10240x16xf32, #tpu.memory_space<vmem_shared>> -> memref<640x16xf32, #tpu.memory_space<vmem_shared>>
      %dma_wait3A_302 = arith.constant 0 : i32
      %dma_wait3A_303 = tpu.memref_slice %arg14[%mul3A_2, %dma_wait3A_302] : memref<10240x16xf32, #tpu.memory_space<vmem_shared>> -> memref<640x16xf32, #tpu.memory_space<vmem_shared>>
      tpu.wait_dma2 semaphore(%run_scoped3A_295 : memref<!tpu.dma_semaphore, #tpu.memory_space<semaphore_mem>>) src(%dma_wait3A_303 : memref<640x16xf32, #tpu.memory_space<vmem_shared>>) dst(%arg9 : memref<640x16xf32, #tpu.memory_space<vmem>>)
      tpu.yield
    }) : () -> ()
    "tpu.region"() ({
      %run_scoped3A_295 = tpu.sem_alloc : memref<!tpu.dma_semaphore, #tpu.memory_space<semaphore_mem>>
      %dma_start3A_296 = arith.constant 0 : i32
      %dma_start3A_297 = tpu.memref_slice %arg5[%arg0, %mul3A_2, %dma_start3A_296] : memref<2x10240x16xf32, #tpu.memory_space<hbm>> -> memref<1x640x16xf32, #tpu.memory_space<hbm>>
      %dma_start3A_298 = tpu.memref_squeeze %dma_start3A_297 : memref<1x640x16xf32, #tpu.memory_space<hbm>> -> memref<640x16xf32, #tpu.memory_space<hbm>>
      %dma_start3A_299 = arith.constant 0 : i32
      %dma_start3A_300 = tpu.memref_slice %arg5[%arg0, %mul3A_2, %dma_start3A_299] : memref<2x10240x16xf32, #tpu.memory_space<hbm>> -> memref<1x640x16xf32, #tpu.memory_space<hbm>>
      %dma_start3A_301 = tpu.memref_squeeze %dma_start3A_300 : memref<1x640x16xf32, #tpu.memory_space<hbm>> -> memref<640x16xf32, #tpu.memory_space<hbm>>
      tpu.enqueue_dma source(%arg9 : memref<640x16xf32, #tpu.memory_space<vmem>>) target(%dma_start3A_301 : memref<640x16xf32, #tpu.memory_space<hbm>>) target_semaphore(%run_scoped3A_295 : memref<!tpu.dma_semaphore, #tpu.memory_space<semaphore_mem>>)
      %dma_wait3A_302 = arith.constant 0 : i32
      %dma_wait3A_303 = tpu.memref_slice %arg5[%arg0, %mul3A_2, %dma_wait3A_302] : memref<2x10240x16xf32, #tpu.memory_space<hbm>> -> memref<1x640x16xf32, #tpu.memory_space<hbm>>
      %dma_wait3A_304 = tpu.memref_squeeze %dma_wait3A_303 : memref<1x640x16xf32, #tpu.memory_space<hbm>> -> memref<640x16xf32, #tpu.memory_space<hbm>>
      %dma_wait3A_305 = arith.constant 0 : i32
      %dma_wait3A_306 = tpu.memref_slice %arg5[%arg0, %mul3A_2, %dma_wait3A_305] : memref<2x10240x16xf32, #tpu.memory_space<hbm>> -> memref<1x640x16xf32, #tpu.memory_space<hbm>>
      %dma_wait3A_307 = tpu.memref_squeeze %dma_wait3A_306 : memref<1x640x16xf32, #tpu.memory_space<hbm>> -> memref<640x16xf32, #tpu.memory_space<hbm>>
      tpu.wait_dma2 semaphore(%run_scoped3A_295 : memref<!tpu.dma_semaphore, #tpu.memory_space<semaphore_mem>>) src(%arg9 : memref<640x16xf32, #tpu.memory_space<vmem>>) dst(%dma_wait3A_307 : memref<640x16xf32, #tpu.memory_space<hbm>>)
      tpu.yield
    }) : () -> ()
    return
  }
}

#map = affine_map<(d0, d1) -> (0, 0, 0, 0)>
#map1 = affine_map<(d0, d1) -> (0, 0)>
#map2 = affine_map<(d0, d1) -> (0, 0, 0)>
#map3 = affine_map<(d0, d1) -> (0)>
module attributes {stable_mosaic.version = 14 : i64} {
  func.func @body(%arg0: i32, %arg1: i32, %arg2: memref<2x32x100x100xi32, #tpu.memory_space<hbm>>, %arg3: memref<10240x16xf32, #tpu.memory_space<hbm>>, %arg4: memref<2x10240x16xf32, #tpu.memory_space<hbm>>, %arg5: memref<2x10240x16xf32, #tpu.memory_space<hbm>>, %arg6: memref<16xf32, #tpu.memory_space<hbm>>, %arg7: memref<2x10240x16xf32, #tpu.memory_space<hbm>>, %arg8: memref<10240x16xf32, #tpu.memory_space<hbm>>, %arg9: memref<100x100xi32, #tpu.memory_space<vmem>>, %arg10: memref<100x100xi32, #tpu.memory_space<vmem>>, %arg11: memref<10x100x16xf32, #tpu.memory_space<vmem>>, %arg12: memref<640x16xf32, #tpu.memory_space<vmem>>, %arg13: memref<10240x16xf32, #tpu.memory_space<vmem_shared>>, %arg14: memref<10x!tpu.dma_semaphore, #tpu.memory_space<semaphore_mem>>, %arg15: memref<10x!tpu.dma_semaphore, #tpu.memory_space<semaphore_mem>>, %arg16: memref<640x16xf32, #tpu.memory_space<vmem>>, %arg17: memref<640x16xf32, #tpu.memory_space<vmem>>, %arg18: memref<640x16xf32, #tpu.memory_space<vmem>>, %arg19: memref<640x16xf32, #tpu.memory_space<vmem>>, %arg20: memref<16xf32, #tpu.memory_space<vmem>>, %arg21: memref<10240x16xf32, #tpu.memory_space<vmem_shared>>) attributes {dimension_semantics = [#tpu.dimension_semantics<core_parallel>, #tpu.dimension_semantics<subcore_parallel>], iteration_bounds = array<i64: 2, 16>, scalar_prefetch = 0 : i64, scratch_operands = 13 : i64, tpu.core_type = #tpu.core_type<sc_vector_subcore>, window_params = [{transform_indices = #map}, {transform_indices = #map1}, {transform_indices = #map2}, {transform_indices = #map2}, {transform_indices = #map3}, {transform_indices = #map2}, {transform_indices = #map1}]} {
    %mul3A = arith.constant 2 : i32
    %mul3A_0 = arith.muli %arg1, %mul3A : i32
    %add3A = arith.addi %mul3A_0, %arg0 : i32
    %mul3A_1 = arith.constant 640 : i32
    %mul3A_2 = arith.muli %arg1, %mul3A_1 : i32
    %scan3A = arith.constant 0 : i32
    %scan3A_3 = arith.constant 0 : i32
    %scan3A_4 = arith.constant 640 : i32
    %scan3A_5 = arith.addi %scan3A_3, %scan3A_4 : i32
    %scan3A_6 = arith.constant 1 : i32
    scf.for %scan3A_253 = %scan3A_3 to %scan3A_5 step %scan3A_6  : i32 {
      %broadcast_in_dim3A = arith.constant 0.000000e+00 : f32
      %broadcast_in_dim3A_254 = vector.broadcast %broadcast_in_dim3A : f32 to vector<16xf32>
      %swap3A = arith.index_cast %scan3A_253 : i32 to index
      %swap3A_255 = arith.constant 0 : index
      %swap3A_256 = tpu.vector_load %arg12[%swap3A, %swap3A_255] {strides = array<i32>} : memref<640x16xf32, #tpu.memory_space<vmem>>, vector<1x16xf32>,
      %swap3A_257 = vector.shape_cast %swap3A_256 : vector<1x16xf32> to vector<16xf32>
      %swap3A_258 = vector.shape_cast %broadcast_in_dim3A_254 : vector<16xf32> to vector<1x16xf32>
      tpu.vector_store %arg12[%swap3A, %swap3A_255], %swap3A_258 {strides = array<i32>} : memref<640x16xf32, #tpu.memory_space<vmem>>, vector<1x16xf32>,
    }
    %scan3A_7 = arith.constant 640 : i32
    "tpu.region"() ({
      %run_scoped3A_253 = tpu.sem_alloc : memref<!tpu.dma_semaphore, #tpu.memory_space<semaphore_mem>>
      %dma_start3A_254 = arith.constant 0 : i32
      %dma_start3A_255 = tpu.memref_slice %arg13[%mul3A_2, %dma_start3A_254] : memref<10240x16xf32, #tpu.memory_space<vmem_shared>> -> memref<640x16xf32, #tpu.memory_space<vmem_shared>>
      %dma_start3A_256 = arith.constant 0 : i32
      %dma_start3A_257 = tpu.memref_slice %arg13[%mul3A_2, %dma_start3A_256] : memref<10240x16xf32, #tpu.memory_space<vmem_shared>> -> memref<640x16xf32, #tpu.memory_space<vmem_shared>>
      tpu.enqueue_dma source(%arg12 : memref<640x16xf32, #tpu.memory_space<vmem>>) target(%dma_start3A_257 : memref<640x16xf32, #tpu.memory_space<vmem_shared>>) target_semaphore(%run_scoped3A_253 : memref<!tpu.dma_semaphore, #tpu.memory_space<semaphore_mem>>)
      %dma_wait3A_258 = arith.constant 0 : i32
      %dma_wait3A_259 = tpu.memref_slice %arg13[%mul3A_2, %dma_wait3A_258] : memref<10240x16xf32, #tpu.memory_space<vmem_shared>> -> memref<640x16xf32, #tpu.memory_space<vmem_shared>>
      %dma_wait3A_260 = arith.constant 0 : i32
      %dma_wait3A_261 = tpu.memref_slice %arg13[%mul3A_2, %dma_wait3A_260] : memref<10240x16xf32, #tpu.memory_space<vmem_shared>> -> memref<640x16xf32, #tpu.memory_space<vmem_shared>>
      tpu.wait_dma2 semaphore(%run_scoped3A_253 : memref<!tpu.dma_semaphore, #tpu.memory_space<semaphore_mem>>) src(%arg12 : memref<640x16xf32, #tpu.memory_space<vmem>>) dst(%dma_wait3A_261 : memref<640x16xf32, #tpu.memory_space<vmem_shared>>)
      tpu.yield
    }) : () -> ()
    %run_scoped3A = arith.constant 0 : i32
    "tpu.region"() ({
      %run_scoped3A_253 = tpu.sem_alloc : memref<!tpu.dma_semaphore, #tpu.memory_space<semaphore_mem>>
      %dma_start3A_254 = arith.constant 0 : i32
      %dma_start3A_255 = arith.constant 0 : i32
      %dma_start3A_256 = tpu.memref_slice %arg2[%run_scoped3A, %add3A, %dma_start3A_254, %dma_start3A_255] : memref<2x32x100x100xi32, #tpu.memory_space<hbm>> -> memref<1x1x100x100xi32, #tpu.memory_space<hbm>>
      %dma_start3A_257 = tpu.memref_squeeze %dma_start3A_256 : memref<1x1x100x100xi32, #tpu.memory_space<hbm>> -> memref<100x100xi32, #tpu.memory_space<hbm>>
      %dma_start3A_258 = arith.constant 0 : i32
      %dma_start3A_259 = arith.constant 0 : i32
      %dma_start3A_260 = tpu.memref_slice %arg2[%run_scoped3A, %add3A, %dma_start3A_258, %dma_start3A_259] : memref<2x32x100x100xi32, #tpu.memory_space<hbm>> -> memref<1x1x100x100xi32, #tpu.memory_space<hbm>>
      %dma_start3A_261 = tpu.memref_squeeze %dma_start3A_260 : memref<1x1x100x100xi32, #tpu.memory_space<hbm>> -> memref<100x100xi32, #tpu.memory_space<hbm>>
      tpu.enqueue_dma source(%dma_start3A_261 : memref<100x100xi32, #tpu.memory_space<hbm>>) target(%arg9 : memref<100x100xi32, #tpu.memory_space<vmem>>) target_semaphore(%run_scoped3A_253 : memref<!tpu.dma_semaphore, #tpu.memory_space<semaphore_mem>>)
      %dma_wait3A_262 = arith.constant 0 : i32
      %dma_wait3A_263 = arith.constant 0 : i32
      %dma_wait3A_264 = tpu.memref_slice %arg2[%run_scoped3A, %add3A, %dma_wait3A_262, %dma_wait3A_263] : memref<2x32x100x100xi32, #tpu.memory_space<hbm>> -> memref<1x1x100x100xi32, #tpu.memory_space<hbm>>
      %dma_wait3A_265 = tpu.memref_squeeze %dma_wait3A_264 : memref<1x1x100x100xi32, #tpu.memory_space<hbm>> -> memref<100x100xi32, #tpu.memory_space<hbm>>
      %dma_wait3A_266 = arith.constant 0 : i32
      %dma_wait3A_267 = arith.constant 0 : i32
      %dma_wait3A_268 = tpu.memref_slice %arg2[%run_scoped3A, %add3A, %dma_wait3A_266, %dma_wait3A_267] : memref<2x32x100x100xi32, #tpu.memory_space<hbm>> -> memref<1x1x100x100xi32, #tpu.memory_space<hbm>>
      %dma_wait3A_269 = tpu.memref_squeeze %dma_wait3A_268 : memref<1x1x100x100xi32, #tpu.memory_space<hbm>> -> memref<100x100xi32, #tpu.memory_space<hbm>>
      tpu.wait_dma2 semaphore(%run_scoped3A_253 : memref<!tpu.dma_semaphore, #tpu.memory_space<semaphore_mem>>) src(%dma_wait3A_269 : memref<100x100xi32, #tpu.memory_space<hbm>>) dst(%arg9 : memref<100x100xi32, #tpu.memory_space<vmem>>)
      tpu.yield
    }) : () -> ()
    %run_scoped3A_8 = arith.constant 1 : i32
    "tpu.region"() ({
      %run_scoped3A_253 = tpu.sem_alloc : memref<!tpu.dma_semaphore, #tpu.memory_space<semaphore_mem>>
      %dma_start3A_254 = arith.constant 0 : i32
      %dma_start3A_255 = arith.constant 0 : i32
      %dma_start3A_256 = tpu.memref_slice %arg2[%run_scoped3A_8, %add3A, %dma_start3A_254, %dma_start3A_255] : memref<2x32x100x100xi32, #tpu.memory_space<hbm>> -> memref<1x1x100x100xi32, #tpu.memory_space<hbm>>
      %dma_start3A_257 = tpu.memref_squeeze %dma_start3A_256 : memref<1x1x100x100xi32, #tpu.memory_space<hbm>> -> memref<100x100xi32, #tpu.memory_space<hbm>>
      %dma_start3A_258 = arith.constant 0 : i32
      %dma_start3A_259 = arith.constant 0 : i32
      %dma_start3A_260 = tpu.memref_slice %arg2[%run_scoped3A_8, %add3A, %dma_start3A_258, %dma_start3A_259] : memref<2x32x100x100xi32, #tpu.memory_space<hbm>> -> memref<1x1x100x100xi32, #tpu.memory_space<hbm>>
      %dma_start3A_261 = tpu.memref_squeeze %dma_start3A_260 : memref<1x1x100x100xi32, #tpu.memory_space<hbm>> -> memref<100x100xi32, #tpu.memory_space<hbm>>
      tpu.enqueue_dma source(%dma_start3A_261 : memref<100x100xi32, #tpu.memory_space<hbm>>) target(%arg10 : memref<100x100xi32, #tpu.memory_space<vmem>>) target_semaphore(%run_scoped3A_253 : memref<!tpu.dma_semaphore, #tpu.memory_space<semaphore_mem>>)
      %dma_wait3A_262 = arith.constant 0 : i32
      %dma_wait3A_263 = arith.constant 0 : i32
      %dma_wait3A_264 = tpu.memref_slice %arg2[%run_scoped3A_8, %add3A, %dma_wait3A_262, %dma_wait3A_263] : memref<2x32x100x100xi32, #tpu.memory_space<hbm>> -> memref<1x1x100x100xi32, #tpu.memory_space<hbm>>
      %dma_wait3A_265 = tpu.memref_squeeze %dma_wait3A_264 : memref<1x1x100x100xi32, #tpu.memory_space<hbm>> -> memref<100x100xi32, #tpu.memory_space<hbm>>
      %dma_wait3A_266 = arith.constant 0 : i32
      %dma_wait3A_267 = arith.constant 0 : i32
      %dma_wait3A_268 = tpu.memref_slice %arg2[%run_scoped3A_8, %add3A, %dma_wait3A_266, %dma_wait3A_267] : memref<2x32x100x100xi32, #tpu.memory_space<hbm>> -> memref<1x1x100x100xi32, #tpu.memory_space<hbm>>
      %dma_wait3A_269 = tpu.memref_squeeze %dma_wait3A_268 : memref<1x1x100x100xi32, #tpu.memory_space<hbm>> -> memref<100x100xi32, #tpu.memory_space<hbm>>
      tpu.wait_dma2 semaphore(%run_scoped3A_253 : memref<!tpu.dma_semaphore, #tpu.memory_space<semaphore_mem>>) src(%dma_wait3A_269 : memref<100x100xi32, #tpu.memory_space<hbm>>) dst(%arg10 : memref<100x100xi32, #tpu.memory_space<vmem>>)
      tpu.yield
    }) : () -> ()
    "tpu.region"() ({
      %run_scoped3A_253 = tpu.sem_alloc : memref<!tpu.dma_semaphore, #tpu.memory_space<semaphore_mem>>
      %dma_start3A_254 = arith.constant 0 : i32
      %dma_start3A_255 = tpu.memref_slice %arg3[%mul3A_2, %dma_start3A_254] : memref<10240x16xf32, #tpu.memory_space<hbm>> -> memref<640x16xf32, #tpu.memory_space<hbm>>
      %dma_start3A_256 = arith.constant 0 : i32
      %dma_start3A_257 = tpu.memref_slice %arg3[%mul3A_2, %dma_start3A_256] : memref<10240x16xf32, #tpu.memory_space<hbm>> -> memref<640x16xf32, #tpu.memory_space<hbm>>
      tpu.enqueue_dma source(%dma_start3A_257 : memref<640x16xf32, #tpu.memory_space<hbm>>) target(%arg12 : memref<640x16xf32, #tpu.memory_space<vmem>>) target_semaphore(%run_scoped3A_253 : memref<!tpu.dma_semaphore, #tpu.memory_space<semaphore_mem>>)
      %dma_wait3A_258 = arith.constant 0 : i32
      %dma_wait3A_259 = tpu.memref_slice %arg3[%mul3A_2, %dma_wait3A_258] : memref<10240x16xf32, #tpu.memory_space<hbm>> -> memref<640x16xf32, #tpu.memory_space<hbm>>
      %dma_wait3A_260 = arith.constant 0 : i32
      %dma_wait3A_261 = tpu.memref_slice %arg3[%mul3A_2, %dma_wait3A_260] : memref<10240x16xf32, #tpu.memory_space<hbm>> -> memref<640x16xf32, #tpu.memory_space<hbm>>
      tpu.wait_dma2 semaphore(%run_scoped3A_253 : memref<!tpu.dma_semaphore, #tpu.memory_space<semaphore_mem>>) src(%dma_wait3A_261 : memref<640x16xf32, #tpu.memory_space<hbm>>) dst(%arg12 : memref<640x16xf32, #tpu.memory_space<vmem>>)
      tpu.yield
    }) : () -> ()
    %run_scoped3A_9 = arith.constant 0 : i32
    "tpu.region"() ({
      %run_scoped3A_253 = tpu.sem_alloc : memref<!tpu.dma_semaphore, #tpu.memory_space<semaphore_mem>>
      %dma_start3A_254 = arith.constant 0 : i32
      %dma_start3A_255 = tpu.memref_slice %arg4[%run_scoped3A_9, %mul3A_2, %dma_start3A_254] : memref<2x10240x16xf32, #tpu.memory_space<hbm>> -> memref<1x640x16xf32, #tpu.memory_space<hbm>>
      %dma_start3A_256 = tpu.memref_squeeze %dma_start3A_255 : memref<1x640x16xf32, #tpu.memory_space<hbm>> -> memref<640x16xf32, #tpu.memory_space<hbm>>
      %dma_start3A_257 = arith.constant 0 : i32
      %dma_start3A_258 = tpu.memref_slice %arg4[%run_scoped3A_9, %mul3A_2, %dma_start3A_257] : memref<2x10240x16xf32, #tpu.memory_space<hbm>> -> memref<1x640x16xf32, #tpu.memory_space<hbm>>
      %dma_start3A_259 = tpu.memref_squeeze %dma_start3A_258 : memref<1x640x16xf32, #tpu.memory_space<hbm>> -> memref<640x16xf32, #tpu.memory_space<hbm>>
      tpu.enqueue_dma source(%dma_start3A_259 : memref<640x16xf32, #tpu.memory_space<hbm>>) target(%arg16 : memref<640x16xf32, #tpu.memory_space<vmem>>) target_semaphore(%run_scoped3A_253 : memref<!tpu.dma_semaphore, #tpu.memory_space<semaphore_mem>>)
      %dma_wait3A_260 = arith.constant 0 : i32
      %dma_wait3A_261 = tpu.memref_slice %arg4[%run_scoped3A_9, %mul3A_2, %dma_wait3A_260] : memref<2x10240x16xf32, #tpu.memory_space<hbm>> -> memref<1x640x16xf32, #tpu.memory_space<hbm>>
      %dma_wait3A_262 = tpu.memref_squeeze %dma_wait3A_261 : memref<1x640x16xf32, #tpu.memory_space<hbm>> -> memref<640x16xf32, #tpu.memory_space<hbm>>
      %dma_wait3A_263 = arith.constant 0 : i32
      %dma_wait3A_264 = tpu.memref_slice %arg4[%run_scoped3A_9, %mul3A_2, %dma_wait3A_263] : memref<2x10240x16xf32, #tpu.memory_space<hbm>> -> memref<1x640x16xf32, #tpu.memory_space<hbm>>
      %dma_wait3A_265 = tpu.memref_squeeze %dma_wait3A_264 : memref<1x640x16xf32, #tpu.memory_space<hbm>> -> memref<640x16xf32, #tpu.memory_space<hbm>>
      tpu.wait_dma2 semaphore(%run_scoped3A_253 : memref<!tpu.dma_semaphore, #tpu.memory_space<semaphore_mem>>) src(%dma_wait3A_265 : memref<640x16xf32, #tpu.memory_space<hbm>>) dst(%arg16 : memref<640x16xf32, #tpu.memory_space<vmem>>)
      tpu.yield
    }) : () -> ()
    %run_scoped3A_10 = arith.constant 1 : i32
    "tpu.region"() ({
      %run_scoped3A_253 = tpu.sem_alloc : memref<!tpu.dma_semaphore, #tpu.memory_space<semaphore_mem>>
      %dma_start3A_254 = arith.constant 0 : i32
      %dma_start3A_255 = tpu.memref_slice %arg4[%run_scoped3A_10, %mul3A_2, %dma_start3A_254] : memref<2x10240x16xf32, #tpu.memory_space<hbm>> -> memref<1x640x16xf32, #tpu.memory_space<hbm>>
      %dma_start3A_256 = tpu.memref_squeeze %dma_start3A_255 : memref<1x640x16xf32, #tpu.memory_space<hbm>> -> memref<640x16xf32, #tpu.memory_space<hbm>>
      %dma_start3A_257 = arith.constant 0 : i32
      %dma_start3A_258 = tpu.memref_slice %arg4[%run_scoped3A_10, %mul3A_2, %dma_start3A_257] : memref<2x10240x16xf32, #tpu.memory_space<hbm>> -> memref<1x640x16xf32, #tpu.memory_space<hbm>>
      %dma_start3A_259 = tpu.memref_squeeze %dma_start3A_258 : memref<1x640x16xf32, #tpu.memory_space<hbm>> -> memref<640x16xf32, #tpu.memory_space<hbm>>
      tpu.enqueue_dma source(%dma_start3A_259 : memref<640x16xf32, #tpu.memory_space<hbm>>) target(%arg17 : memref<640x16xf32, #tpu.memory_space<vmem>>) target_semaphore(%run_scoped3A_253 : memref<!tpu.dma_semaphore, #tpu.memory_space<semaphore_mem>>)
      %dma_wait3A_260 = arith.constant 0 : i32
      %dma_wait3A_261 = tpu.memref_slice %arg4[%run_scoped3A_10, %mul3A_2, %dma_wait3A_260] : memref<2x10240x16xf32, #tpu.memory_space<hbm>> -> memref<1x640x16xf32, #tpu.memory_space<hbm>>
      %dma_wait3A_262 = tpu.memref_squeeze %dma_wait3A_261 : memref<1x640x16xf32, #tpu.memory_space<hbm>> -> memref<640x16xf32, #tpu.memory_space<hbm>>
      %dma_wait3A_263 = arith.constant 0 : i32
      %dma_wait3A_264 = tpu.memref_slice %arg4[%run_scoped3A_10, %mul3A_2, %dma_wait3A_263] : memref<2x10240x16xf32, #tpu.memory_space<hbm>> -> memref<1x640x16xf32, #tpu.memory_space<hbm>>
      %dma_wait3A_265 = tpu.memref_squeeze %dma_wait3A_264 : memref<1x640x16xf32, #tpu.memory_space<hbm>> -> memref<640x16xf32, #tpu.memory_space<hbm>>
      tpu.wait_dma2 semaphore(%run_scoped3A_253 : memref<!tpu.dma_semaphore, #tpu.memory_space<semaphore_mem>>) src(%dma_wait3A_265 : memref<640x16xf32, #tpu.memory_space<hbm>>) dst(%arg17 : memref<640x16xf32, #tpu.memory_space<vmem>>)
      tpu.yield
    }) : () -> ()
    %run_scoped3A_11 = arith.constant 0 : i32
    "tpu.region"() ({
      %run_scoped3A_253 = tpu.sem_alloc : memref<!tpu.dma_semaphore, #tpu.memory_space<semaphore_mem>>
      %dma_start3A_254 = arith.constant 0 : i32
      %dma_start3A_255 = tpu.memref_slice %arg5[%run_scoped3A_11, %mul3A_2, %dma_start3A_254] : memref<2x10240x16xf32, #tpu.memory_space<hbm>> -> memref<1x640x16xf32, #tpu.memory_space<hbm>>
      %dma_start3A_256 = tpu.memref_squeeze %dma_start3A_255 : memref<1x640x16xf32, #tpu.memory_space<hbm>> -> memref<640x16xf32, #tpu.memory_space<hbm>>
      %dma_start3A_257 = arith.constant 0 : i32
      %dma_start3A_258 = tpu.memref_slice %arg5[%run_scoped3A_11, %mul3A_2, %dma_start3A_257] : memref<2x10240x16xf32, #tpu.memory_space<hbm>> -> memref<1x640x16xf32, #tpu.memory_space<hbm>>
      %dma_start3A_259 = tpu.memref_squeeze %dma_start3A_258 : memref<1x640x16xf32, #tpu.memory_space<hbm>> -> memref<640x16xf32, #tpu.memory_space<hbm>>
      tpu.enqueue_dma source(%dma_start3A_259 : memref<640x16xf32, #tpu.memory_space<hbm>>) target(%arg18 : memref<640x16xf32, #tpu.memory_space<vmem>>) target_semaphore(%run_scoped3A_253 : memref<!tpu.dma_semaphore, #tpu.memory_space<semaphore_mem>>)
      %dma_wait3A_260 = arith.constant 0 : i32
      %dma_wait3A_261 = tpu.memref_slice %arg5[%run_scoped3A_11, %mul3A_2, %dma_wait3A_260] : memref<2x10240x16xf32, #tpu.memory_space<hbm>> -> memref<1x640x16xf32, #tpu.memory_space<hbm>>
      %dma_wait3A_262 = tpu.memref_squeeze %dma_wait3A_261 : memref<1x640x16xf32, #tpu.memory_space<hbm>> -> memref<640x16xf32, #tpu.memory_space<hbm>>
      %dma_wait3A_263 = arith.constant 0 : i32
      %dma_wait3A_264 = tpu.memref_slice %arg5[%run_scoped3A_11, %mul3A_2, %dma_wait3A_263] : memref<2x10240x16xf32, #tpu.memory_space<hbm>> -> memref<1x640x16xf32, #tpu.memory_space<hbm>>
      %dma_wait3A_265 = tpu.memref_squeeze %dma_wait3A_264 : memref<1x640x16xf32, #tpu.memory_space<hbm>> -> memref<640x16xf32, #tpu.memory_space<hbm>>
      tpu.wait_dma2 semaphore(%run_scoped3A_253 : memref<!tpu.dma_semaphore, #tpu.memory_space<semaphore_mem>>) src(%dma_wait3A_265 : memref<640x16xf32, #tpu.memory_space<hbm>>) dst(%arg18 : memref<640x16xf32, #tpu.memory_space<vmem>>)
      tpu.yield
    }) : () -> ()
    %run_scoped3A_12 = arith.constant 1 : i32
    "tpu.region"() ({
      %run_scoped3A_253 = tpu.sem_alloc : memref<!tpu.dma_semaphore, #tpu.memory_space<semaphore_mem>>
      %dma_start3A_254 = arith.constant 0 : i32
      %dma_start3A_255 = tpu.memref_slice %arg5[%run_scoped3A_12, %mul3A_2, %dma_start3A_254] : memref<2x10240x16xf32, #tpu.memory_space<hbm>> -> memref<1x640x16xf32, #tpu.memory_space<hbm>>
      %dma_start3A_256 = tpu.memref_squeeze %dma_start3A_255 : memref<1x640x16xf32, #tpu.memory_space<hbm>> -> memref<640x16xf32, #tpu.memory_space<hbm>>
      %dma_start3A_257 = arith.constant 0 : i32
      %dma_start3A_258 = tpu.memref_slice %arg5[%run_scoped3A_12, %mul3A_2, %dma_start3A_257] : memref<2x10240x16xf32, #tpu.memory_space<hbm>> -> memref<1x640x16xf32, #tpu.memory_space<hbm>>
      %dma_start3A_259 = tpu.memref_squeeze %dma_start3A_258 : memref<1x640x16xf32, #tpu.memory_space<hbm>> -> memref<640x16xf32, #tpu.memory_space<hbm>>
      tpu.enqueue_dma source(%dma_start3A_259 : memref<640x16xf32, #tpu.memory_space<hbm>>) target(%arg19 : memref<640x16xf32, #tpu.memory_space<vmem>>) target_semaphore(%run_scoped3A_253 : memref<!tpu.dma_semaphore, #tpu.memory_space<semaphore_mem>>)
      %dma_wait3A_260 = arith.constant 0 : i32
      %dma_wait3A_261 = tpu.memref_slice %arg5[%run_scoped3A_12, %mul3A_2, %dma_wait3A_260] : memref<2x10240x16xf32, #tpu.memory_space<hbm>> -> memref<1x640x16xf32, #tpu.memory_space<hbm>>
      %dma_wait3A_262 = tpu.memref_squeeze %dma_wait3A_261 : memref<1x640x16xf32, #tpu.memory_space<hbm>> -> memref<640x16xf32, #tpu.memory_space<hbm>>
      %dma_wait3A_263 = arith.constant 0 : i32
      %dma_wait3A_264 = tpu.memref_slice %arg5[%run_scoped3A_12, %mul3A_2, %dma_wait3A_263] : memref<2x10240x16xf32, #tpu.memory_space<hbm>> -> memref<1x640x16xf32, #tpu.memory_space<hbm>>
      %dma_wait3A_265 = tpu.memref_squeeze %dma_wait3A_264 : memref<1x640x16xf32, #tpu.memory_space<hbm>> -> memref<640x16xf32, #tpu.memory_space<hbm>>
      tpu.wait_dma2 semaphore(%run_scoped3A_253 : memref<!tpu.dma_semaphore, #tpu.memory_space<semaphore_mem>>) src(%dma_wait3A_265 : memref<640x16xf32, #tpu.memory_space<hbm>>) dst(%arg19 : memref<640x16xf32, #tpu.memory_space<vmem>>)
      tpu.yield
    }) : () -> ()
    "tpu.region"() ({
      %run_scoped3A_253 = tpu.sem_alloc : memref<!tpu.dma_semaphore, #tpu.memory_space<semaphore_mem>>
      tpu.enqueue_dma source(%arg6 : memref<16xf32, #tpu.memory_space<hbm>>) target(%arg20 : memref<16xf32, #tpu.memory_space<vmem>>) target_semaphore(%run_scoped3A_253 : memref<!tpu.dma_semaphore, #tpu.memory_space<semaphore_mem>>)
      tpu.wait_dma2 semaphore(%run_scoped3A_253 : memref<!tpu.dma_semaphore, #tpu.memory_space<semaphore_mem>>) src(%arg6 : memref<16xf32, #tpu.memory_space<hbm>>) dst(%arg20 : memref<16xf32, #tpu.memory_space<vmem>>)
      tpu.yield
    }) : () -> ()
    %get3A = arith.constant 0 : index
    %get3A_13 = tpu.vector_load %arg20[%get3A] {strides = array<i32>} : memref<16xf32, #tpu.memory_space<vmem>>, vector<16xf32>,
    %get3A_14 = vector.shape_cast %get3A_13 : vector<16xf32> to vector<16xf32>
    %scan3A_15 = arith.constant 0 : i32
    %scan3A_16 = arith.constant 0 : i32
    %scan3A_17 = arith.constant 640 : i32
    %scan3A_18 = arith.addi %scan3A_16, %scan3A_17 : i32
    %scan3A_19 = arith.constant 1 : i32
    scf.for %scan3A_253 = %scan3A_16 to %scan3A_18 step %scan3A_19  : i32 {
      %get3A_254 = arith.index_cast %scan3A_253 : i32 to index
      %get3A_255 = arith.constant 0 : index
      %get3A_256 = tpu.vector_load %arg16[%get3A_254, %get3A_255] {strides = array<i32>} : memref<640x16xf32, #tpu.memory_space<vmem>>, vector<1x16xf32>,
      %get3A_257 = vector.shape_cast %get3A_256 : vector<1x16xf32> to vector<16xf32>
      %get3A_258 = arith.index_cast %scan3A_253 : i32 to index
      %get3A_259 = arith.constant 0 : index
      %get3A_260 = tpu.vector_load %arg17[%get3A_258, %get3A_259] {strides = array<i32>} : memref<640x16xf32, #tpu.memory_space<vmem>>, vector<1x16xf32>,
      %get3A_261 = vector.shape_cast %get3A_260 : vector<1x16xf32> to vector<16xf32>
      %add3A_262 = arith.addf %get3A_257, %get3A_261 : vector<16xf32>
      %get3A_263 = arith.index_cast %scan3A_253 : i32 to index
      %get3A_264 = arith.constant 0 : index
      %get3A_265 = tpu.vector_load %arg18[%get3A_263, %get3A_264] {strides = array<i32>} : memref<640x16xf32, #tpu.memory_space<vmem>>, vector<1x16xf32>,
      %get3A_266 = vector.shape_cast %get3A_265 : vector<1x16xf32> to vector<16xf32>
      %get3A_267 = arith.index_cast %scan3A_253 : i32 to index
      %get3A_268 = arith.constant 0 : index
      %get3A_269 = tpu.vector_load %arg19[%get3A_267, %get3A_268] {strides = array<i32>} : memref<640x16xf32, #tpu.memory_space<vmem>>, vector<1x16xf32>,
      %get3A_270 = vector.shape_cast %get3A_269 : vector<1x16xf32> to vector<16xf32>
      %add3A_271 = arith.addf %get3A_266, %get3A_270 : vector<16xf32>
      %max3A = arith.constant 1.000000e+00 : f32
      %max3A_272 = vector.broadcast %max3A : f32 to vector<16xf32>
      %max3A_273 = arith.maximumf %add3A_271, %max3A_272 : vector<16xf32>
      %get3A_274 = arith.index_cast %scan3A_253 : i32 to index
      %get3A_275 = arith.constant 0 : index
      %get3A_276 = tpu.vector_load %arg12[%get3A_274, %get3A_275] {strides = array<i32>} : memref<640x16xf32, #tpu.memory_space<vmem>>, vector<1x16xf32>,
      %get3A_277 = vector.shape_cast %get3A_276 : vector<1x16xf32> to vector<16xf32>
      %div3A = arith.divf %add3A_262, %max3A_273 : vector<16xf32>
      %add3A_278 = arith.addf %get3A_277, %div3A : vector<16xf32>
      %add3A_279 = arith.addf %add3A_278, %get3A_14 : vector<16xf32>
      %max3A_280 = arith.constant 0.000000e+00 : f32
      %max3A_281 = vector.broadcast %max3A_280 : f32 to vector<16xf32>
      %max3A_282 = arith.maximumf %add3A_279, %max3A_281 : vector<16xf32>
      %swap3A = arith.index_cast %scan3A_253 : i32 to index
      %swap3A_283 = arith.constant 0 : index
      %swap3A_284 = tpu.vector_load %arg12[%swap3A, %swap3A_283] {strides = array<i32>} : memref<640x16xf32, #tpu.memory_space<vmem>>, vector<1x16xf32>,
      %swap3A_285 = vector.shape_cast %swap3A_284 : vector<1x16xf32> to vector<16xf32>
      %swap3A_286 = vector.shape_cast %max3A_282 : vector<16xf32> to vector<1x16xf32>
      tpu.vector_store %arg12[%swap3A, %swap3A_283], %swap3A_286 {strides = array<i32>} : memref<640x16xf32, #tpu.memory_space<vmem>>, vector<1x16xf32>,
    }
    %scan3A_20 = arith.constant 640 : i32
    "tpu.region"() ({
      %run_scoped3A_253 = tpu.sem_alloc : memref<!tpu.dma_semaphore, #tpu.memory_space<semaphore_mem>>
      %dma_start3A_254 = arith.constant 0 : i32
      %dma_start3A_255 = tpu.memref_slice %arg21[%mul3A_2, %dma_start3A_254] : memref<10240x16xf32, #tpu.memory_space<vmem_shared>> -> memref<640x16xf32, #tpu.memory_space<vmem_shared>>
      %dma_start3A_256 = arith.constant 0 : i32
      %dma_start3A_257 = tpu.memref_slice %arg21[%mul3A_2, %dma_start3A_256] : memref<10240x16xf32, #tpu.memory_space<vmem_shared>> -> memref<640x16xf32, #tpu.memory_space<vmem_shared>>
      tpu.enqueue_dma source(%arg12 : memref<640x16xf32, #tpu.memory_space<vmem>>) target(%dma_start3A_257 : memref<640x16xf32, #tpu.memory_space<vmem_shared>>) target_semaphore(%run_scoped3A_253 : memref<!tpu.dma_semaphore, #tpu.memory_space<semaphore_mem>>)
      %dma_wait3A_258 = arith.constant 0 : i32
      %dma_wait3A_259 = tpu.memref_slice %arg21[%mul3A_2, %dma_wait3A_258] : memref<10240x16xf32, #tpu.memory_space<vmem_shared>> -> memref<640x16xf32, #tpu.memory_space<vmem_shared>>
      %dma_wait3A_260 = arith.constant 0 : i32
      %dma_wait3A_261 = tpu.memref_slice %arg21[%mul3A_2, %dma_wait3A_260] : memref<10240x16xf32, #tpu.memory_space<vmem_shared>> -> memref<640x16xf32, #tpu.memory_space<vmem_shared>>
      tpu.wait_dma2 semaphore(%run_scoped3A_253 : memref<!tpu.dma_semaphore, #tpu.memory_space<semaphore_mem>>) src(%arg12 : memref<640x16xf32, #tpu.memory_space<vmem>>) dst(%dma_wait3A_261 : memref<640x16xf32, #tpu.memory_space<vmem_shared>>)
      tpu.yield
    }) : () -> ()
    %eq3A = arith.constant 0 : i32
    %eq3A_21 = arith.cmpi eq, %arg0, %eq3A : i32
    %convert_element_type3A = arith.extui %eq3A_21 : i1 to i32
    %cond3A = arith.constant 0 : i32
    %cond3A_22 = arith.cmpi ne, %convert_element_type3A, %cond3A : i32
    scf.if %cond3A_22 {
      "tpu.region"() ({
        %run_scoped3A_253 = tpu.sem_alloc : memref<!tpu.dma_semaphore, #tpu.memory_space<semaphore_mem>>
        %dma_start3A_254 = arith.constant 0 : i32
        %dma_start3A_255 = tpu.memref_slice %arg8[%mul3A_2, %dma_start3A_254] : memref<10240x16xf32, #tpu.memory_space<hbm>> -> memref<640x16xf32, #tpu.memory_space<hbm>>
        %dma_start3A_256 = arith.constant 0 : i32
        %dma_start3A_257 = tpu.memref_slice %arg8[%mul3A_2, %dma_start3A_256] : memref<10240x16xf32, #tpu.memory_space<hbm>> -> memref<640x16xf32, #tpu.memory_space<hbm>>
        tpu.enqueue_dma source(%arg12 : memref<640x16xf32, #tpu.memory_space<vmem>>) target(%dma_start3A_257 : memref<640x16xf32, #tpu.memory_space<hbm>>) target_semaphore(%run_scoped3A_253 : memref<!tpu.dma_semaphore, #tpu.memory_space<semaphore_mem>>)
        %dma_wait3A_258 = arith.constant 0 : i32
        %dma_wait3A_259 = tpu.memref_slice %arg8[%mul3A_2, %dma_wait3A_258] : memref<10240x16xf32, #tpu.memory_space<hbm>> -> memref<640x16xf32, #tpu.memory_space<hbm>>
        %dma_wait3A_260 = arith.constant 0 : i32
        %dma_wait3A_261 = tpu.memref_slice %arg8[%mul3A_2, %dma_wait3A_260] : memref<10240x16xf32, #tpu.memory_space<hbm>> -> memref<640x16xf32, #tpu.memory_space<hbm>>
        tpu.wait_dma2 semaphore(%run_scoped3A_253 : memref<!tpu.dma_semaphore, #tpu.memory_space<semaphore_mem>>) src(%arg12 : memref<640x16xf32, #tpu.memory_space<vmem>>) dst(%dma_wait3A_261 : memref<640x16xf32, #tpu.memory_space<hbm>>)
        tpu.yield
      }) : () -> ()
    } else {
    }
    %barrier3A = arith.constant 0 : index
    tpu.barrier barrier_id(%barrier3A)
    %dma_start3A = arith.constant 0 : i32
    %dma_start3A_23 = arith.constant 0 : i32
    %dma_start3A_24 = arith.constant 0 : i32
    %dma_start3A_25 = arith.constant 0 : i32
    %dma_start3A_26 = arith.constant 0 : i32
    %dma_start3A_27 = tpu.memref_slice %arg11[%dma_start3A_23, %dma_start3A_25, %dma_start3A_26] : memref<10x100x16xf32, #tpu.memory_space<vmem>> -> memref<1x100x16xf32, #tpu.memory_space<vmem>>
    %dma_start3A_28 = tpu.memref_squeeze %dma_start3A_27 : memref<1x100x16xf32, #tpu.memory_space<vmem>> -> memref<100x16xf32, #tpu.memory_space<vmem>>
    %dma_start3A_29 = arith.constant 0 : i32
    %dma_start3A_30 = tpu.memref_slice %arg9[%dma_start3A, %dma_start3A_29] : memref<100x100xi32, #tpu.memory_space<vmem>> -> memref<1x100xi32, #tpu.memory_space<vmem>>
    %dma_start3A_31 = tpu.memref_squeeze %dma_start3A_30 : memref<1x100xi32, #tpu.memory_space<vmem>> -> memref<100xi32, #tpu.memory_space<vmem>>
    %dma_start3A_32 = arith.constant 0 : i32
    %dma_start3A_33 = arith.constant 0 : i32
    %dma_start3A_34 = tpu.memref_slice %arg21[%dma_start3A_32, %dma_start3A_33] : memref<10240x16xf32, #tpu.memory_space<vmem_shared>> -> memref<10240x16xf32, #tpu.memory_space<vmem_shared>>
    %dma_start3A_35 = tpu.memref_slice %arg14[%dma_start3A_24] : memref<10x!tpu.dma_semaphore, #tpu.memory_space<semaphore_mem>> -> memref<1x!tpu.dma_semaphore, #tpu.memory_space<semaphore_mem>>
    %dma_start3A_36 = tpu.memref_squeeze %dma_start3A_35 : memref<1x!tpu.dma_semaphore, #tpu.memory_space<semaphore_mem>> -> memref<!tpu.dma_semaphore, #tpu.memory_space<semaphore_mem>>
    tpu.enqueue_indirect_dma source(%dma_start3A_34 : memref<10240x16xf32, #tpu.memory_space<vmem_shared>>) target(%dma_start3A_28 : memref<100x16xf32, #tpu.memory_space<vmem>>) offsets(%dma_start3A_31 : memref<100xi32, #tpu.memory_space<vmem>>) semaphore(%dma_start3A_36 : memref<!tpu.dma_semaphore, #tpu.memory_space<semaphore_mem>>)
    %dma_start3A_37 = arith.constant 1 : i32
    %dma_start3A_38 = arith.constant 1 : i32
    %dma_start3A_39 = arith.constant 1 : i32
    %dma_start3A_40 = arith.constant 0 : i32
    %dma_start3A_41 = arith.constant 0 : i32
    %dma_start3A_42 = tpu.memref_slice %arg11[%dma_start3A_38, %dma_start3A_40, %dma_start3A_41] : memref<10x100x16xf32, #tpu.memory_space<vmem>> -> memref<1x100x16xf32, #tpu.memory_space<vmem>>
    %dma_start3A_43 = tpu.memref_squeeze %dma_start3A_42 : memref<1x100x16xf32, #tpu.memory_space<vmem>> -> memref<100x16xf32, #tpu.memory_space<vmem>>
    %dma_start3A_44 = arith.constant 0 : i32
    %dma_start3A_45 = tpu.memref_slice %arg9[%dma_start3A_37, %dma_start3A_44] : memref<100x100xi32, #tpu.memory_space<vmem>> -> memref<1x100xi32, #tpu.memory_space<vmem>>
    %dma_start3A_46 = tpu.memref_squeeze %dma_start3A_45 : memref<1x100xi32, #tpu.memory_space<vmem>> -> memref<100xi32, #tpu.memory_space<vmem>>
    %dma_start3A_47 = arith.constant 0 : i32
    %dma_start3A_48 = arith.constant 0 : i32
    %dma_start3A_49 = tpu.memref_slice %arg21[%dma_start3A_47, %dma_start3A_48] : memref<10240x16xf32, #tpu.memory_space<vmem_shared>> -> memref<10240x16xf32, #tpu.memory_space<vmem_shared>>
    %dma_start3A_50 = tpu.memref_slice %arg14[%dma_start3A_39] : memref<10x!tpu.dma_semaphore, #tpu.memory_space<semaphore_mem>> -> memref<1x!tpu.dma_semaphore, #tpu.memory_space<semaphore_mem>>
    %dma_start3A_51 = tpu.memref_squeeze %dma_start3A_50 : memref<1x!tpu.dma_semaphore, #tpu.memory_space<semaphore_mem>> -> memref<!tpu.dma_semaphore, #tpu.memory_space<semaphore_mem>>
    tpu.enqueue_indirect_dma source(%dma_start3A_49 : memref<10240x16xf32, #tpu.memory_space<vmem_shared>>) target(%dma_start3A_43 : memref<100x16xf32, #tpu.memory_space<vmem>>) offsets(%dma_start3A_46 : memref<100xi32, #tpu.memory_space<vmem>>) semaphore(%dma_start3A_51 : memref<!tpu.dma_semaphore, #tpu.memory_space<semaphore_mem>>)
    %dma_start3A_52 = arith.constant 2 : i32
    %dma_start3A_53 = arith.constant 2 : i32
    %dma_start3A_54 = arith.constant 2 : i32
    %dma_start3A_55 = arith.constant 0 : i32
    %dma_start3A_56 = arith.constant 0 : i32
    %dma_start3A_57 = tpu.memref_slice %arg11[%dma_start3A_53, %dma_start3A_55, %dma_start3A_56] : memref<10x100x16xf32, #tpu.memory_space<vmem>> -> memref<1x100x16xf32, #tpu.memory_space<vmem>>
    %dma_start3A_58 = tpu.memref_squeeze %dma_start3A_57 : memref<1x100x16xf32, #tpu.memory_space<vmem>> -> memref<100x16xf32, #tpu.memory_space<vmem>>
    %dma_start3A_59 = arith.constant 0 : i32
    %dma_start3A_60 = tpu.memref_slice %arg9[%dma_start3A_52, %dma_start3A_59] : memref<100x100xi32, #tpu.memory_space<vmem>> -> memref<1x100xi32, #tpu.memory_space<vmem>>
    %dma_start3A_61 = tpu.memref_squeeze %dma_start3A_60 : memref<1x100xi32, #tpu.memory_space<vmem>> -> memref<100xi32, #tpu.memory_space<vmem>>
    %dma_start3A_62 = arith.constant 0 : i32
    %dma_start3A_63 = arith.constant 0 : i32
    %dma_start3A_64 = tpu.memref_slice %arg21[%dma_start3A_62, %dma_start3A_63] : memref<10240x16xf32, #tpu.memory_space<vmem_shared>> -> memref<10240x16xf32, #tpu.memory_space<vmem_shared>>
    %dma_start3A_65 = tpu.memref_slice %arg14[%dma_start3A_54] : memref<10x!tpu.dma_semaphore, #tpu.memory_space<semaphore_mem>> -> memref<1x!tpu.dma_semaphore, #tpu.memory_space<semaphore_mem>>
    %dma_start3A_66 = tpu.memref_squeeze %dma_start3A_65 : memref<1x!tpu.dma_semaphore, #tpu.memory_space<semaphore_mem>> -> memref<!tpu.dma_semaphore, #tpu.memory_space<semaphore_mem>>
    tpu.enqueue_indirect_dma source(%dma_start3A_64 : memref<10240x16xf32, #tpu.memory_space<vmem_shared>>) target(%dma_start3A_58 : memref<100x16xf32, #tpu.memory_space<vmem>>) offsets(%dma_start3A_61 : memref<100xi32, #tpu.memory_space<vmem>>) semaphore(%dma_start3A_66 : memref<!tpu.dma_semaphore, #tpu.memory_space<semaphore_mem>>)
    %dma_start3A_67 = arith.constant 3 : i32
    %dma_start3A_68 = arith.constant 3 : i32
    %dma_start3A_69 = arith.constant 3 : i32
    %dma_start3A_70 = arith.constant 0 : i32
    %dma_start3A_71 = arith.constant 0 : i32
    %dma_start3A_72 = tpu.memref_slice %arg11[%dma_start3A_68, %dma_start3A_70, %dma_start3A_71] : memref<10x100x16xf32, #tpu.memory_space<vmem>> -> memref<1x100x16xf32, #tpu.memory_space<vmem>>
    %dma_start3A_73 = tpu.memref_squeeze %dma_start3A_72 : memref<1x100x16xf32, #tpu.memory_space<vmem>> -> memref<100x16xf32, #tpu.memory_space<vmem>>
    %dma_start3A_74 = arith.constant 0 : i32
    %dma_start3A_75 = tpu.memref_slice %arg9[%dma_start3A_67, %dma_start3A_74] : memref<100x100xi32, #tpu.memory_space<vmem>> -> memref<1x100xi32, #tpu.memory_space<vmem>>
    %dma_start3A_76 = tpu.memref_squeeze %dma_start3A_75 : memref<1x100xi32, #tpu.memory_space<vmem>> -> memref<100xi32, #tpu.memory_space<vmem>>
    %dma_start3A_77 = arith.constant 0 : i32
    %dma_start3A_78 = arith.constant 0 : i32
    %dma_start3A_79 = tpu.memref_slice %arg21[%dma_start3A_77, %dma_start3A_78] : memref<10240x16xf32, #tpu.memory_space<vmem_shared>> -> memref<10240x16xf32, #tpu.memory_space<vmem_shared>>
    %dma_start3A_80 = tpu.memref_slice %arg14[%dma_start3A_69] : memref<10x!tpu.dma_semaphore, #tpu.memory_space<semaphore_mem>> -> memref<1x!tpu.dma_semaphore, #tpu.memory_space<semaphore_mem>>
    %dma_start3A_81 = tpu.memref_squeeze %dma_start3A_80 : memref<1x!tpu.dma_semaphore, #tpu.memory_space<semaphore_mem>> -> memref<!tpu.dma_semaphore, #tpu.memory_space<semaphore_mem>>
    tpu.enqueue_indirect_dma source(%dma_start3A_79 : memref<10240x16xf32, #tpu.memory_space<vmem_shared>>) target(%dma_start3A_73 : memref<100x16xf32, #tpu.memory_space<vmem>>) offsets(%dma_start3A_76 : memref<100xi32, #tpu.memory_space<vmem>>) semaphore(%dma_start3A_81 : memref<!tpu.dma_semaphore, #tpu.memory_space<semaphore_mem>>)
    %dma_start3A_82 = arith.constant 4 : i32
    %dma_start3A_83 = arith.constant 4 : i32
    %dma_start3A_84 = arith.constant 4 : i32
    %dma_start3A_85 = arith.constant 0 : i32
    %dma_start3A_86 = arith.constant 0 : i32
    %dma_start3A_87 = tpu.memref_slice %arg11[%dma_start3A_83, %dma_start3A_85, %dma_start3A_86] : memref<10x100x16xf32, #tpu.memory_space<vmem>> -> memref<1x100x16xf32, #tpu.memory_space<vmem>>
    %dma_start3A_88 = tpu.memref_squeeze %dma_start3A_87 : memref<1x100x16xf32, #tpu.memory_space<vmem>> -> memref<100x16xf32, #tpu.memory_space<vmem>>
    %dma_start3A_89 = arith.constant 0 : i32
    %dma_start3A_90 = tpu.memref_slice %arg9[%dma_start3A_82, %dma_start3A_89] : memref<100x100xi32, #tpu.memory_space<vmem>> -> memref<1x100xi32, #tpu.memory_space<vmem>>
    %dma_start3A_91 = tpu.memref_squeeze %dma_start3A_90 : memref<1x100xi32, #tpu.memory_space<vmem>> -> memref<100xi32, #tpu.memory_space<vmem>>
    %dma_start3A_92 = arith.constant 0 : i32
    %dma_start3A_93 = arith.constant 0 : i32
    %dma_start3A_94 = tpu.memref_slice %arg21[%dma_start3A_92, %dma_start3A_93] : memref<10240x16xf32, #tpu.memory_space<vmem_shared>> -> memref<10240x16xf32, #tpu.memory_space<vmem_shared>>
    %dma_start3A_95 = tpu.memref_slice %arg14[%dma_start3A_84] : memref<10x!tpu.dma_semaphore, #tpu.memory_space<semaphore_mem>> -> memref<1x!tpu.dma_semaphore, #tpu.memory_space<semaphore_mem>>
    %dma_start3A_96 = tpu.memref_squeeze %dma_start3A_95 : memref<1x!tpu.dma_semaphore, #tpu.memory_space<semaphore_mem>> -> memref<!tpu.dma_semaphore, #tpu.memory_space<semaphore_mem>>
    tpu.enqueue_indirect_dma source(%dma_start3A_94 : memref<10240x16xf32, #tpu.memory_space<vmem_shared>>) target(%dma_start3A_88 : memref<100x16xf32, #tpu.memory_space<vmem>>) offsets(%dma_start3A_91 : memref<100xi32, #tpu.memory_space<vmem>>) semaphore(%dma_start3A_96 : memref<!tpu.dma_semaphore, #tpu.memory_space<semaphore_mem>>)
    %dma_start3A_97 = arith.constant 5 : i32
    %dma_start3A_98 = arith.constant 5 : i32
    %dma_start3A_99 = arith.constant 5 : i32
    %dma_start3A_100 = arith.constant 0 : i32
    %dma_start3A_101 = arith.constant 0 : i32
    %dma_start3A_102 = tpu.memref_slice %arg11[%dma_start3A_98, %dma_start3A_100, %dma_start3A_101] : memref<10x100x16xf32, #tpu.memory_space<vmem>> -> memref<1x100x16xf32, #tpu.memory_space<vmem>>
    %dma_start3A_103 = tpu.memref_squeeze %dma_start3A_102 : memref<1x100x16xf32, #tpu.memory_space<vmem>> -> memref<100x16xf32, #tpu.memory_space<vmem>>
    %dma_start3A_104 = arith.constant 0 : i32
    %dma_start3A_105 = tpu.memref_slice %arg9[%dma_start3A_97, %dma_start3A_104] : memref<100x100xi32, #tpu.memory_space<vmem>> -> memref<1x100xi32, #tpu.memory_space<vmem>>
    %dma_start3A_106 = tpu.memref_squeeze %dma_start3A_105 : memref<1x100xi32, #tpu.memory_space<vmem>> -> memref<100xi32, #tpu.memory_space<vmem>>
    %dma_start3A_107 = arith.constant 0 : i32
    %dma_start3A_108 = arith.constant 0 : i32
    %dma_start3A_109 = tpu.memref_slice %arg21[%dma_start3A_107, %dma_start3A_108] : memref<10240x16xf32, #tpu.memory_space<vmem_shared>> -> memref<10240x16xf32, #tpu.memory_space<vmem_shared>>
    %dma_start3A_110 = tpu.memref_slice %arg14[%dma_start3A_99] : memref<10x!tpu.dma_semaphore, #tpu.memory_space<semaphore_mem>> -> memref<1x!tpu.dma_semaphore, #tpu.memory_space<semaphore_mem>>
    %dma_start3A_111 = tpu.memref_squeeze %dma_start3A_110 : memref<1x!tpu.dma_semaphore, #tpu.memory_space<semaphore_mem>> -> memref<!tpu.dma_semaphore, #tpu.memory_space<semaphore_mem>>
    tpu.enqueue_indirect_dma source(%dma_start3A_109 : memref<10240x16xf32, #tpu.memory_space<vmem_shared>>) target(%dma_start3A_103 : memref<100x16xf32, #tpu.memory_space<vmem>>) offsets(%dma_start3A_106 : memref<100xi32, #tpu.memory_space<vmem>>) semaphore(%dma_start3A_111 : memref<!tpu.dma_semaphore, #tpu.memory_space<semaphore_mem>>)
    %dma_start3A_112 = arith.constant 6 : i32
    %dma_start3A_113 = arith.constant 6 : i32
    %dma_start3A_114 = arith.constant 6 : i32
    %dma_start3A_115 = arith.constant 0 : i32
    %dma_start3A_116 = arith.constant 0 : i32
    %dma_start3A_117 = tpu.memref_slice %arg11[%dma_start3A_113, %dma_start3A_115, %dma_start3A_116] : memref<10x100x16xf32, #tpu.memory_space<vmem>> -> memref<1x100x16xf32, #tpu.memory_space<vmem>>
    %dma_start3A_118 = tpu.memref_squeeze %dma_start3A_117 : memref<1x100x16xf32, #tpu.memory_space<vmem>> -> memref<100x16xf32, #tpu.memory_space<vmem>>
    %dma_start3A_119 = arith.constant 0 : i32
    %dma_start3A_120 = tpu.memref_slice %arg9[%dma_start3A_112, %dma_start3A_119] : memref<100x100xi32, #tpu.memory_space<vmem>> -> memref<1x100xi32, #tpu.memory_space<vmem>>
    %dma_start3A_121 = tpu.memref_squeeze %dma_start3A_120 : memref<1x100xi32, #tpu.memory_space<vmem>> -> memref<100xi32, #tpu.memory_space<vmem>>
    %dma_start3A_122 = arith.constant 0 : i32
    %dma_start3A_123 = arith.constant 0 : i32
    %dma_start3A_124 = tpu.memref_slice %arg21[%dma_start3A_122, %dma_start3A_123] : memref<10240x16xf32, #tpu.memory_space<vmem_shared>> -> memref<10240x16xf32, #tpu.memory_space<vmem_shared>>
    %dma_start3A_125 = tpu.memref_slice %arg14[%dma_start3A_114] : memref<10x!tpu.dma_semaphore, #tpu.memory_space<semaphore_mem>> -> memref<1x!tpu.dma_semaphore, #tpu.memory_space<semaphore_mem>>
    %dma_start3A_126 = tpu.memref_squeeze %dma_start3A_125 : memref<1x!tpu.dma_semaphore, #tpu.memory_space<semaphore_mem>> -> memref<!tpu.dma_semaphore, #tpu.memory_space<semaphore_mem>>
    tpu.enqueue_indirect_dma source(%dma_start3A_124 : memref<10240x16xf32, #tpu.memory_space<vmem_shared>>) target(%dma_start3A_118 : memref<100x16xf32, #tpu.memory_space<vmem>>) offsets(%dma_start3A_121 : memref<100xi32, #tpu.memory_space<vmem>>) semaphore(%dma_start3A_126 : memref<!tpu.dma_semaphore, #tpu.memory_space<semaphore_mem>>)
    %dma_start3A_127 = arith.constant 7 : i32
    %dma_start3A_128 = arith.constant 7 : i32
    %dma_start3A_129 = arith.constant 7 : i32
    %dma_start3A_130 = arith.constant 0 : i32
    %dma_start3A_131 = arith.constant 0 : i32
    %dma_start3A_132 = tpu.memref_slice %arg11[%dma_start3A_128, %dma_start3A_130, %dma_start3A_131] : memref<10x100x16xf32, #tpu.memory_space<vmem>> -> memref<1x100x16xf32, #tpu.memory_space<vmem>>
    %dma_start3A_133 = tpu.memref_squeeze %dma_start3A_132 : memref<1x100x16xf32, #tpu.memory_space<vmem>> -> memref<100x16xf32, #tpu.memory_space<vmem>>
    %dma_start3A_134 = arith.constant 0 : i32
    %dma_start3A_135 = tpu.memref_slice %arg9[%dma_start3A_127, %dma_start3A_134] : memref<100x100xi32, #tpu.memory_space<vmem>> -> memref<1x100xi32, #tpu.memory_space<vmem>>
    %dma_start3A_136 = tpu.memref_squeeze %dma_start3A_135 : memref<1x100xi32, #tpu.memory_space<vmem>> -> memref<100xi32, #tpu.memory_space<vmem>>
    %dma_start3A_137 = arith.constant 0 : i32
    %dma_start3A_138 = arith.constant 0 : i32
    %dma_start3A_139 = tpu.memref_slice %arg21[%dma_start3A_137, %dma_start3A_138] : memref<10240x16xf32, #tpu.memory_space<vmem_shared>> -> memref<10240x16xf32, #tpu.memory_space<vmem_shared>>
    %dma_start3A_140 = tpu.memref_slice %arg14[%dma_start3A_129] : memref<10x!tpu.dma_semaphore, #tpu.memory_space<semaphore_mem>> -> memref<1x!tpu.dma_semaphore, #tpu.memory_space<semaphore_mem>>
    %dma_start3A_141 = tpu.memref_squeeze %dma_start3A_140 : memref<1x!tpu.dma_semaphore, #tpu.memory_space<semaphore_mem>> -> memref<!tpu.dma_semaphore, #tpu.memory_space<semaphore_mem>>
    tpu.enqueue_indirect_dma source(%dma_start3A_139 : memref<10240x16xf32, #tpu.memory_space<vmem_shared>>) target(%dma_start3A_133 : memref<100x16xf32, #tpu.memory_space<vmem>>) offsets(%dma_start3A_136 : memref<100xi32, #tpu.memory_space<vmem>>) semaphore(%dma_start3A_141 : memref<!tpu.dma_semaphore, #tpu.memory_space<semaphore_mem>>)
    %dma_start3A_142 = arith.constant 8 : i32
    %dma_start3A_143 = arith.constant 8 : i32
    %dma_start3A_144 = arith.constant 8 : i32
    %dma_start3A_145 = arith.constant 0 : i32
    %dma_start3A_146 = arith.constant 0 : i32
    %dma_start3A_147 = tpu.memref_slice %arg11[%dma_start3A_143, %dma_start3A_145, %dma_start3A_146] : memref<10x100x16xf32, #tpu.memory_space<vmem>> -> memref<1x100x16xf32, #tpu.memory_space<vmem>>
    %dma_start3A_148 = tpu.memref_squeeze %dma_start3A_147 : memref<1x100x16xf32, #tpu.memory_space<vmem>> -> memref<100x16xf32, #tpu.memory_space<vmem>>
    %dma_start3A_149 = arith.constant 0 : i32
    %dma_start3A_150 = tpu.memref_slice %arg9[%dma_start3A_142, %dma_start3A_149] : memref<100x100xi32, #tpu.memory_space<vmem>> -> memref<1x100xi32, #tpu.memory_space<vmem>>
    %dma_start3A_151 = tpu.memref_squeeze %dma_start3A_150 : memref<1x100xi32, #tpu.memory_space<vmem>> -> memref<100xi32, #tpu.memory_space<vmem>>
    %dma_start3A_152 = arith.constant 0 : i32
    %dma_start3A_153 = arith.constant 0 : i32
    %dma_start3A_154 = tpu.memref_slice %arg21[%dma_start3A_152, %dma_start3A_153] : memref<10240x16xf32, #tpu.memory_space<vmem_shared>> -> memref<10240x16xf32, #tpu.memory_space<vmem_shared>>
    %dma_start3A_155 = tpu.memref_slice %arg14[%dma_start3A_144] : memref<10x!tpu.dma_semaphore, #tpu.memory_space<semaphore_mem>> -> memref<1x!tpu.dma_semaphore, #tpu.memory_space<semaphore_mem>>
    %dma_start3A_156 = tpu.memref_squeeze %dma_start3A_155 : memref<1x!tpu.dma_semaphore, #tpu.memory_space<semaphore_mem>> -> memref<!tpu.dma_semaphore, #tpu.memory_space<semaphore_mem>>
    tpu.enqueue_indirect_dma source(%dma_start3A_154 : memref<10240x16xf32, #tpu.memory_space<vmem_shared>>) target(%dma_start3A_148 : memref<100x16xf32, #tpu.memory_space<vmem>>) offsets(%dma_start3A_151 : memref<100xi32, #tpu.memory_space<vmem>>) semaphore(%dma_start3A_156 : memref<!tpu.dma_semaphore, #tpu.memory_space<semaphore_mem>>)
    %dma_start3A_157 = arith.constant 9 : i32
    %dma_start3A_158 = arith.constant 9 : i32
    %dma_start3A_159 = arith.constant 9 : i32
    %dma_start3A_160 = arith.constant 0 : i32
    %dma_start3A_161 = arith.constant 0 : i32
    %dma_start3A_162 = tpu.memref_slice %arg11[%dma_start3A_158, %dma_start3A_160, %dma_start3A_161] : memref<10x100x16xf32, #tpu.memory_space<vmem>> -> memref<1x100x16xf32, #tpu.memory_space<vmem>>
    %dma_start3A_163 = tpu.memref_squeeze %dma_start3A_162 : memref<1x100x16xf32, #tpu.memory_space<vmem>> -> memref<100x16xf32, #tpu.memory_space<vmem>>
    %dma_start3A_164 = arith.constant 0 : i32
    %dma_start3A_165 = tpu.memref_slice %arg9[%dma_start3A_157, %dma_start3A_164] : memref<100x100xi32, #tpu.memory_space<vmem>> -> memref<1x100xi32, #tpu.memory_space<vmem>>
    %dma_start3A_166 = tpu.memref_squeeze %dma_start3A_165 : memref<1x100xi32, #tpu.memory_space<vmem>> -> memref<100xi32, #tpu.memory_space<vmem>>
    %dma_start3A_167 = arith.constant 0 : i32
    %dma_start3A_168 = arith.constant 0 : i32
    %dma_start3A_169 = tpu.memref_slice %arg21[%dma_start3A_167, %dma_start3A_168] : memref<10240x16xf32, #tpu.memory_space<vmem_shared>> -> memref<10240x16xf32, #tpu.memory_space<vmem_shared>>
    %dma_start3A_170 = tpu.memref_slice %arg14[%dma_start3A_159] : memref<10x!tpu.dma_semaphore, #tpu.memory_space<semaphore_mem>> -> memref<1x!tpu.dma_semaphore, #tpu.memory_space<semaphore_mem>>
    %dma_start3A_171 = tpu.memref_squeeze %dma_start3A_170 : memref<1x!tpu.dma_semaphore, #tpu.memory_space<semaphore_mem>> -> memref<!tpu.dma_semaphore, #tpu.memory_space<semaphore_mem>>
    tpu.enqueue_indirect_dma source(%dma_start3A_169 : memref<10240x16xf32, #tpu.memory_space<vmem_shared>>) target(%dma_start3A_163 : memref<100x16xf32, #tpu.memory_space<vmem>>) offsets(%dma_start3A_166 : memref<100xi32, #tpu.memory_space<vmem>>) semaphore(%dma_start3A_171 : memref<!tpu.dma_semaphore, #tpu.memory_space<semaphore_mem>>)
    %scan3A_172 = arith.constant 0 : i32
    %scan3A_173 = arith.constant 0 : i32
    %scan3A_174 = arith.constant 10 : i32
    %scan3A_175 = arith.addi %scan3A_173, %scan3A_174 : i32
    %scan3A_176 = arith.constant 1 : i32
    scf.for %scan3A_253 = %scan3A_173 to %scan3A_175 step %scan3A_176  : i32 {
      %mul3A_254 = arith.constant 10 : i32
      %mul3A_255 = arith.muli %scan3A_253, %mul3A_254 : i32
      %add3A_256 = arith.constant 0 : i32
      %add3A_257 = arith.addi %mul3A_255, %add3A_256 : i32
      %dma_wait3A_258 = arith.constant 0 : i32
      %dma_wait3A_259 = arith.constant 0 : i32
      %dma_wait3A_260 = arith.constant 0 : i32
      %dma_wait3A_261 = arith.constant 0 : i32
      %dma_wait3A_262 = tpu.memref_slice %arg11[%dma_wait3A_258, %dma_wait3A_260, %dma_wait3A_261] : memref<10x100x16xf32, #tpu.memory_space<vmem>> -> memref<1x100x16xf32, #tpu.memory_space<vmem>>
      %dma_wait3A_263 = tpu.memref_squeeze %dma_wait3A_262 : memref<1x100x16xf32, #tpu.memory_space<vmem>> -> memref<100x16xf32, #tpu.memory_space<vmem>>
      %dma_wait3A_264 = arith.constant 0 : i32
      %dma_wait3A_265 = tpu.memref_slice %arg9[%add3A_257, %dma_wait3A_264] : memref<100x100xi32, #tpu.memory_space<vmem>> -> memref<1x100xi32, #tpu.memory_space<vmem>>
      %dma_wait3A_266 = tpu.memref_squeeze %dma_wait3A_265 : memref<1x100xi32, #tpu.memory_space<vmem>> -> memref<100xi32, #tpu.memory_space<vmem>>
      %dma_wait3A_267 = arith.constant 0 : i32
      %dma_wait3A_268 = arith.constant 0 : i32
      %dma_wait3A_269 = tpu.memref_slice %arg21[%dma_wait3A_267, %dma_wait3A_268] : memref<10240x16xf32, #tpu.memory_space<vmem_shared>> -> memref<10240x16xf32, #tpu.memory_space<vmem_shared>>
      %dma_wait3A_270 = tpu.memref_slice %arg14[%dma_wait3A_259] : memref<10x!tpu.dma_semaphore, #tpu.memory_space<semaphore_mem>> -> memref<1x!tpu.dma_semaphore, #tpu.memory_space<semaphore_mem>>
      %dma_wait3A_271 = tpu.memref_squeeze %dma_wait3A_270 : memref<1x!tpu.dma_semaphore, #tpu.memory_space<semaphore_mem>> -> memref<!tpu.dma_semaphore, #tpu.memory_space<semaphore_mem>>
      tpu.wait_indirect_dma semaphore(%dma_wait3A_271 : memref<!tpu.dma_semaphore, #tpu.memory_space<semaphore_mem>>) src(%dma_wait3A_269 : memref<10240x16xf32, #tpu.memory_space<vmem_shared>>) dst(%dma_wait3A_263 : memref<100x16xf32, #tpu.memory_space<vmem>>)
      %dma_start3A_272 = arith.constant 0 : i32
      %dma_start3A_273 = arith.constant 0 : i32
      %dma_start3A_274 = arith.constant 0 : i32
      %dma_start3A_275 = arith.constant 0 : i32
      %dma_start3A_276 = tpu.memref_slice %arg11[%dma_start3A_272, %dma_start3A_274, %dma_start3A_275] : memref<10x100x16xf32, #tpu.memory_space<vmem>> -> memref<1x100x16xf32, #tpu.memory_space<vmem>>
      %dma_start3A_277 = tpu.memref_squeeze %dma_start3A_276 : memref<1x100x16xf32, #tpu.memory_space<vmem>> -> memref<100x16xf32, #tpu.memory_space<vmem>>
      %dma_start3A_278 = arith.constant 0 : i32
      %dma_start3A_279 = tpu.memref_slice %arg10[%add3A_257, %dma_start3A_278] : memref<100x100xi32, #tpu.memory_space<vmem>> -> memref<1x100xi32, #tpu.memory_space<vmem>>
      %dma_start3A_280 = tpu.memref_squeeze %dma_start3A_279 : memref<1x100xi32, #tpu.memory_space<vmem>> -> memref<100xi32, #tpu.memory_space<vmem>>
      %dma_start3A_281 = arith.constant 0 : i32
      %dma_start3A_282 = arith.constant 0 : i32
      %dma_start3A_283 = tpu.memref_slice %arg13[%dma_start3A_281, %dma_start3A_282] : memref<10240x16xf32, #tpu.memory_space<vmem_shared>> -> memref<10240x16xf32, #tpu.memory_space<vmem_shared>>
      %dma_start3A_284 = tpu.memref_slice %arg15[%dma_start3A_273] : memref<10x!tpu.dma_semaphore, #tpu.memory_space<semaphore_mem>> -> memref<1x!tpu.dma_semaphore, #tpu.memory_space<semaphore_mem>>
      %dma_start3A_285 = tpu.memref_squeeze %dma_start3A_284 : memref<1x!tpu.dma_semaphore, #tpu.memory_space<semaphore_mem>> -> memref<!tpu.dma_semaphore, #tpu.memory_space<semaphore_mem>>
      tpu.enqueue_indirect_dma source(%dma_start3A_277 : memref<100x16xf32, #tpu.memory_space<vmem>>) target(%dma_start3A_283 : memref<10240x16xf32, #tpu.memory_space<vmem_shared>>) offsets(%dma_start3A_280 : memref<100xi32, #tpu.memory_space<vmem>>) semaphore(%dma_start3A_285 : memref<!tpu.dma_semaphore, #tpu.memory_space<semaphore_mem>>) {add = true}
      %sub3A = arith.constant 5 : i32
      %sub3A_286 = arith.subi %add3A_257, %sub3A : i32
      %ge3A = arith.constant 0 : i32
      %ge3A_287 = arith.cmpi sge, %sub3A_286, %ge3A : i32
      %convert_element_type3A_288 = arith.extui %ge3A_287 : i1 to i32
      %cond3A_289 = arith.constant 0 : i32
      %cond3A_290 = arith.cmpi ne, %convert_element_type3A_288, %cond3A_289 : i32
      scf.if %cond3A_290 {
        %dma_wait3A_642 = arith.constant 5 : i32
        %dma_wait3A_643 = arith.constant 0 : i32
        %dma_wait3A_644 = arith.constant 5 : i32
        %dma_wait3A_645 = arith.constant 0 : i32
        %dma_wait3A_646 = arith.constant 0 : i32
        %dma_wait3A_647 = tpu.memref_slice %arg11[%dma_wait3A_642, %dma_wait3A_645, %dma_wait3A_646] : memref<10x100x16xf32, #tpu.memory_space<vmem>> -> memref<1x100x16xf32, #tpu.memory_space<vmem>>
        %dma_wait3A_648 = tpu.memref_squeeze %dma_wait3A_647 : memref<1x100x16xf32, #tpu.memory_space<vmem>> -> memref<100x16xf32, #tpu.memory_space<vmem>>
        %dma_wait3A_649 = arith.constant 0 : i32
        %dma_wait3A_650 = tpu.memref_slice %arg10[%dma_wait3A_643, %dma_wait3A_649] : memref<100x100xi32, #tpu.memory_space<vmem>> -> memref<1x100xi32, #tpu.memory_space<vmem>>
        %dma_wait3A_651 = tpu.memref_squeeze %dma_wait3A_650 : memref<1x100xi32, #tpu.memory_space<vmem>> -> memref<100xi32, #tpu.memory_space<vmem>>
        %dma_wait3A_652 = arith.constant 0 : i32
        %dma_wait3A_653 = arith.constant 0 : i32
        %dma_wait3A_654 = tpu.memref_slice %arg13[%dma_wait3A_652, %dma_wait3A_653] : memref<10240x16xf32, #tpu.memory_space<vmem_shared>> -> memref<10240x16xf32, #tpu.memory_space<vmem_shared>>
        %dma_wait3A_655 = tpu.memref_slice %arg15[%dma_wait3A_644] : memref<10x!tpu.dma_semaphore, #tpu.memory_space<semaphore_mem>> -> memref<1x!tpu.dma_semaphore, #tpu.memory_space<semaphore_mem>>
        %dma_wait3A_656 = tpu.memref_squeeze %dma_wait3A_655 : memref<1x!tpu.dma_semaphore, #tpu.memory_space<semaphore_mem>> -> memref<!tpu.dma_semaphore, #tpu.memory_space<semaphore_mem>>
        tpu.wait_indirect_dma semaphore(%dma_wait3A_656 : memref<!tpu.dma_semaphore, #tpu.memory_space<semaphore_mem>>) src(%dma_wait3A_648 : memref<100x16xf32, #tpu.memory_space<vmem>>) dst(%dma_wait3A_654 : memref<10240x16xf32, #tpu.memory_space<vmem_shared>>)
        %add3A_657 = arith.constant 10 : i32
        %add3A_658 = arith.addi %sub3A_286, %add3A_657 : i32
        %lt3A = arith.constant 100 : i32
        %lt3A_659 = arith.cmpi slt, %add3A_658, %lt3A : i32
        %convert_element_type3A_660 = arith.extui %lt3A_659 : i1 to i32
        %cond3A_661 = arith.constant 0 : i32
        %cond3A_662 = arith.cmpi ne, %convert_element_type3A_660, %cond3A_661 : i32
        scf.if %cond3A_662 {
          %dma_start3A_663 = arith.constant 5 : i32
          %dma_start3A_664 = arith.constant 5 : i32
          %dma_start3A_665 = arith.constant 0 : i32
          %dma_start3A_666 = arith.constant 0 : i32
          %dma_start3A_667 = tpu.memref_slice %arg11[%dma_start3A_663, %dma_start3A_665, %dma_start3A_666] : memref<10x100x16xf32, #tpu.memory_space<vmem>> -> memref<1x100x16xf32, #tpu.memory_space<vmem>>
          %dma_start3A_668 = tpu.memref_squeeze %dma_start3A_667 : memref<1x100x16xf32, #tpu.memory_space<vmem>> -> memref<100x16xf32, #tpu.memory_space<vmem>>
          %dma_start3A_669 = arith.constant 0 : i32
          %dma_start3A_670 = tpu.memref_slice %arg9[%add3A_658, %dma_start3A_669] : memref<100x100xi32, #tpu.memory_space<vmem>> -> memref<1x100xi32, #tpu.memory_space<vmem>>
          %dma_start3A_671 = tpu.memref_squeeze %dma_start3A_670 : memref<1x100xi32, #tpu.memory_space<vmem>> -> memref<100xi32, #tpu.memory_space<vmem>>
          %dma_start3A_672 = arith.constant 0 : i32
          %dma_start3A_673 = arith.constant 0 : i32
          %dma_start3A_674 = tpu.memref_slice %arg21[%dma_start3A_672, %dma_start3A_673] : memref<10240x16xf32, #tpu.memory_space<vmem_shared>> -> memref<10240x16xf32, #tpu.memory_space<vmem_shared>>
          %dma_start3A_675 = tpu.memref_slice %arg14[%dma_start3A_664] : memref<10x!tpu.dma_semaphore, #tpu.memory_space<semaphore_mem>> -> memref<1x!tpu.dma_semaphore, #tpu.memory_space<semaphore_mem>>
          %dma_start3A_676 = tpu.memref_squeeze %dma_start3A_675 : memref<1x!tpu.dma_semaphore, #tpu.memory_space<semaphore_mem>> -> memref<!tpu.dma_semaphore, #tpu.memory_space<semaphore_mem>>
          tpu.enqueue_indirect_dma source(%dma_start3A_674 : memref<10240x16xf32, #tpu.memory_space<vmem_shared>>) target(%dma_start3A_668 : memref<100x16xf32, #tpu.memory_space<vmem>>) offsets(%dma_start3A_671 : memref<100xi32, #tpu.memory_space<vmem>>) semaphore(%dma_start3A_676 : memref<!tpu.dma_semaphore, #tpu.memory_space<semaphore_mem>>)
        } else {
        }
      } else {
      }
      %mul3A_291 = arith.constant 10 : i32
      %mul3A_292 = arith.muli %scan3A_253, %mul3A_291 : i32
      %add3A_293 = arith.constant 1 : i32
      %add3A_294 = arith.addi %mul3A_292, %add3A_293 : i32
      %dma_wait3A_295 = arith.constant 1 : i32
      %dma_wait3A_296 = arith.constant 1 : i32
      %dma_wait3A_297 = arith.constant 0 : i32
      %dma_wait3A_298 = arith.constant 0 : i32
      %dma_wait3A_299 = tpu.memref_slice %arg11[%dma_wait3A_295, %dma_wait3A_297, %dma_wait3A_298] : memref<10x100x16xf32, #tpu.memory_space<vmem>> -> memref<1x100x16xf32, #tpu.memory_space<vmem>>
      %dma_wait3A_300 = tpu.memref_squeeze %dma_wait3A_299 : memref<1x100x16xf32, #tpu.memory_space<vmem>> -> memref<100x16xf32, #tpu.memory_space<vmem>>
      %dma_wait3A_301 = arith.constant 0 : i32
      %dma_wait3A_302 = tpu.memref_slice %arg9[%add3A_294, %dma_wait3A_301] : memref<100x100xi32, #tpu.memory_space<vmem>> -> memref<1x100xi32, #tpu.memory_space<vmem>>
      %dma_wait3A_303 = tpu.memref_squeeze %dma_wait3A_302 : memref<1x100xi32, #tpu.memory_space<vmem>> -> memref<100xi32, #tpu.memory_space<vmem>>
      %dma_wait3A_304 = arith.constant 0 : i32
      %dma_wait3A_305 = arith.constant 0 : i32
      %dma_wait3A_306 = tpu.memref_slice %arg21[%dma_wait3A_304, %dma_wait3A_305] : memref<10240x16xf32, #tpu.memory_space<vmem_shared>> -> memref<10240x16xf32, #tpu.memory_space<vmem_shared>>
      %dma_wait3A_307 = tpu.memref_slice %arg14[%dma_wait3A_296] : memref<10x!tpu.dma_semaphore, #tpu.memory_space<semaphore_mem>> -> memref<1x!tpu.dma_semaphore, #tpu.memory_space<semaphore_mem>>
      %dma_wait3A_308 = tpu.memref_squeeze %dma_wait3A_307 : memref<1x!tpu.dma_semaphore, #tpu.memory_space<semaphore_mem>> -> memref<!tpu.dma_semaphore, #tpu.memory_space<semaphore_mem>>
      tpu.wait_indirect_dma semaphore(%dma_wait3A_308 : memref<!tpu.dma_semaphore, #tpu.memory_space<semaphore_mem>>) src(%dma_wait3A_306 : memref<10240x16xf32, #tpu.memory_space<vmem_shared>>) dst(%dma_wait3A_300 : memref<100x16xf32, #tpu.memory_space<vmem>>)
      %dma_start3A_309 = arith.constant 1 : i32
      %dma_start3A_310 = arith.constant 1 : i32
      %dma_start3A_311 = arith.constant 0 : i32
      %dma_start3A_312 = arith.constant 0 : i32
      %dma_start3A_313 = tpu.memref_slice %arg11[%dma_start3A_309, %dma_start3A_311, %dma_start3A_312] : memref<10x100x16xf32, #tpu.memory_space<vmem>> -> memref<1x100x16xf32, #tpu.memory_space<vmem>>
      %dma_start3A_314 = tpu.memref_squeeze %dma_start3A_313 : memref<1x100x16xf32, #tpu.memory_space<vmem>> -> memref<100x16xf32, #tpu.memory_space<vmem>>
      %dma_start3A_315 = arith.constant 0 : i32
      %dma_start3A_316 = tpu.memref_slice %arg10[%add3A_294, %dma_start3A_315] : memref<100x100xi32, #tpu.memory_space<vmem>> -> memref<1x100xi32, #tpu.memory_space<vmem>>
      %dma_start3A_317 = tpu.memref_squeeze %dma_start3A_316 : memref<1x100xi32, #tpu.memory_space<vmem>> -> memref<100xi32, #tpu.memory_space<vmem>>
      %dma_start3A_318 = arith.constant 0 : i32
      %dma_start3A_319 = arith.constant 0 : i32
      %dma_start3A_320 = tpu.memref_slice %arg13[%dma_start3A_318, %dma_start3A_319] : memref<10240x16xf32, #tpu.memory_space<vmem_shared>> -> memref<10240x16xf32, #tpu.memory_space<vmem_shared>>
      %dma_start3A_321 = tpu.memref_slice %arg15[%dma_start3A_310] : memref<10x!tpu.dma_semaphore, #tpu.memory_space<semaphore_mem>> -> memref<1x!tpu.dma_semaphore, #tpu.memory_space<semaphore_mem>>
      %dma_start3A_322 = tpu.memref_squeeze %dma_start3A_321 : memref<1x!tpu.dma_semaphore, #tpu.memory_space<semaphore_mem>> -> memref<!tpu.dma_semaphore, #tpu.memory_space<semaphore_mem>>
      tpu.enqueue_indirect_dma source(%dma_start3A_314 : memref<100x16xf32, #tpu.memory_space<vmem>>) target(%dma_start3A_320 : memref<10240x16xf32, #tpu.memory_space<vmem_shared>>) offsets(%dma_start3A_317 : memref<100xi32, #tpu.memory_space<vmem>>) semaphore(%dma_start3A_322 : memref<!tpu.dma_semaphore, #tpu.memory_space<semaphore_mem>>) {add = true}
      %sub3A_323 = arith.constant 5 : i32
      %sub3A_324 = arith.subi %add3A_294, %sub3A_323 : i32
      %ge3A_325 = arith.constant 0 : i32
      %ge3A_326 = arith.cmpi sge, %sub3A_324, %ge3A_325 : i32
      %convert_element_type3A_327 = arith.extui %ge3A_326 : i1 to i32
      %cond3A_328 = arith.constant 0 : i32
      %cond3A_329 = arith.cmpi ne, %convert_element_type3A_327, %cond3A_328 : i32
      scf.if %cond3A_329 {
        %dma_wait3A_642 = arith.constant 6 : i32
        %dma_wait3A_643 = arith.constant 0 : i32
        %dma_wait3A_644 = arith.constant 6 : i32
        %dma_wait3A_645 = arith.constant 0 : i32
        %dma_wait3A_646 = arith.constant 0 : i32
        %dma_wait3A_647 = tpu.memref_slice %arg11[%dma_wait3A_642, %dma_wait3A_645, %dma_wait3A_646] : memref<10x100x16xf32, #tpu.memory_space<vmem>> -> memref<1x100x16xf32, #tpu.memory_space<vmem>>
        %dma_wait3A_648 = tpu.memref_squeeze %dma_wait3A_647 : memref<1x100x16xf32, #tpu.memory_space<vmem>> -> memref<100x16xf32, #tpu.memory_space<vmem>>
        %dma_wait3A_649 = arith.constant 0 : i32
        %dma_wait3A_650 = tpu.memref_slice %arg10[%dma_wait3A_643, %dma_wait3A_649] : memref<100x100xi32, #tpu.memory_space<vmem>> -> memref<1x100xi32, #tpu.memory_space<vmem>>
        %dma_wait3A_651 = tpu.memref_squeeze %dma_wait3A_650 : memref<1x100xi32, #tpu.memory_space<vmem>> -> memref<100xi32, #tpu.memory_space<vmem>>
        %dma_wait3A_652 = arith.constant 0 : i32
        %dma_wait3A_653 = arith.constant 0 : i32
        %dma_wait3A_654 = tpu.memref_slice %arg13[%dma_wait3A_652, %dma_wait3A_653] : memref<10240x16xf32, #tpu.memory_space<vmem_shared>> -> memref<10240x16xf32, #tpu.memory_space<vmem_shared>>
        %dma_wait3A_655 = tpu.memref_slice %arg15[%dma_wait3A_644] : memref<10x!tpu.dma_semaphore, #tpu.memory_space<semaphore_mem>> -> memref<1x!tpu.dma_semaphore, #tpu.memory_space<semaphore_mem>>
        %dma_wait3A_656 = tpu.memref_squeeze %dma_wait3A_655 : memref<1x!tpu.dma_semaphore, #tpu.memory_space<semaphore_mem>> -> memref<!tpu.dma_semaphore, #tpu.memory_space<semaphore_mem>>
        tpu.wait_indirect_dma semaphore(%dma_wait3A_656 : memref<!tpu.dma_semaphore, #tpu.memory_space<semaphore_mem>>) src(%dma_wait3A_648 : memref<100x16xf32, #tpu.memory_space<vmem>>) dst(%dma_wait3A_654 : memref<10240x16xf32, #tpu.memory_space<vmem_shared>>)
        %add3A_657 = arith.constant 10 : i32
        %add3A_658 = arith.addi %sub3A_324, %add3A_657 : i32
        %lt3A = arith.constant 100 : i32
        %lt3A_659 = arith.cmpi slt, %add3A_658, %lt3A : i32
        %convert_element_type3A_660 = arith.extui %lt3A_659 : i1 to i32
        %cond3A_661 = arith.constant 0 : i32
        %cond3A_662 = arith.cmpi ne, %convert_element_type3A_660, %cond3A_661 : i32
        scf.if %cond3A_662 {
          %dma_start3A_663 = arith.constant 6 : i32
          %dma_start3A_664 = arith.constant 6 : i32
          %dma_start3A_665 = arith.constant 0 : i32
          %dma_start3A_666 = arith.constant 0 : i32
          %dma_start3A_667 = tpu.memref_slice %arg11[%dma_start3A_663, %dma_start3A_665, %dma_start3A_666] : memref<10x100x16xf32, #tpu.memory_space<vmem>> -> memref<1x100x16xf32, #tpu.memory_space<vmem>>
          %dma_start3A_668 = tpu.memref_squeeze %dma_start3A_667 : memref<1x100x16xf32, #tpu.memory_space<vmem>> -> memref<100x16xf32, #tpu.memory_space<vmem>>
          %dma_start3A_669 = arith.constant 0 : i32
          %dma_start3A_670 = tpu.memref_slice %arg9[%add3A_658, %dma_start3A_669] : memref<100x100xi32, #tpu.memory_space<vmem>> -> memref<1x100xi32, #tpu.memory_space<vmem>>
          %dma_start3A_671 = tpu.memref_squeeze %dma_start3A_670 : memref<1x100xi32, #tpu.memory_space<vmem>> -> memref<100xi32, #tpu.memory_space<vmem>>
          %dma_start3A_672 = arith.constant 0 : i32
          %dma_start3A_673 = arith.constant 0 : i32
          %dma_start3A_674 = tpu.memref_slice %arg21[%dma_start3A_672, %dma_start3A_673] : memref<10240x16xf32, #tpu.memory_space<vmem_shared>> -> memref<10240x16xf32, #tpu.memory_space<vmem_shared>>
          %dma_start3A_675 = tpu.memref_slice %arg14[%dma_start3A_664] : memref<10x!tpu.dma_semaphore, #tpu.memory_space<semaphore_mem>> -> memref<1x!tpu.dma_semaphore, #tpu.memory_space<semaphore_mem>>
          %dma_start3A_676 = tpu.memref_squeeze %dma_start3A_675 : memref<1x!tpu.dma_semaphore, #tpu.memory_space<semaphore_mem>> -> memref<!tpu.dma_semaphore, #tpu.memory_space<semaphore_mem>>
          tpu.enqueue_indirect_dma source(%dma_start3A_674 : memref<10240x16xf32, #tpu.memory_space<vmem_shared>>) target(%dma_start3A_668 : memref<100x16xf32, #tpu.memory_space<vmem>>) offsets(%dma_start3A_671 : memref<100xi32, #tpu.memory_space<vmem>>) semaphore(%dma_start3A_676 : memref<!tpu.dma_semaphore, #tpu.memory_space<semaphore_mem>>)
        } else {
        }
      } else {
      }
      %mul3A_330 = arith.constant 10 : i32
      %mul3A_331 = arith.muli %scan3A_253, %mul3A_330 : i32
      %add3A_332 = arith.constant 2 : i32
      %add3A_333 = arith.addi %mul3A_331, %add3A_332 : i32
      %dma_wait3A_334 = arith.constant 2 : i32
      %dma_wait3A_335 = arith.constant 2 : i32
      %dma_wait3A_336 = arith.constant 0 : i32
      %dma_wait3A_337 = arith.constant 0 : i32
      %dma_wait3A_338 = tpu.memref_slice %arg11[%dma_wait3A_334, %dma_wait3A_336, %dma_wait3A_337] : memref<10x100x16xf32, #tpu.memory_space<vmem>> -> memref<1x100x16xf32, #tpu.memory_space<vmem>>
      %dma_wait3A_339 = tpu.memref_squeeze %dma_wait3A_338 : memref<1x100x16xf32, #tpu.memory_space<vmem>> -> memref<100x16xf32, #tpu.memory_space<vmem>>
      %dma_wait3A_340 = arith.constant 0 : i32
      %dma_wait3A_341 = tpu.memref_slice %arg9[%add3A_333, %dma_wait3A_340] : memref<100x100xi32, #tpu.memory_space<vmem>> -> memref<1x100xi32, #tpu.memory_space<vmem>>
      %dma_wait3A_342 = tpu.memref_squeeze %dma_wait3A_341 : memref<1x100xi32, #tpu.memory_space<vmem>> -> memref<100xi32, #tpu.memory_space<vmem>>
      %dma_wait3A_343 = arith.constant 0 : i32
      %dma_wait3A_344 = arith.constant 0 : i32
      %dma_wait3A_345 = tpu.memref_slice %arg21[%dma_wait3A_343, %dma_wait3A_344] : memref<10240x16xf32, #tpu.memory_space<vmem_shared>> -> memref<10240x16xf32, #tpu.memory_space<vmem_shared>>
      %dma_wait3A_346 = tpu.memref_slice %arg14[%dma_wait3A_335] : memref<10x!tpu.dma_semaphore, #tpu.memory_space<semaphore_mem>> -> memref<1x!tpu.dma_semaphore, #tpu.memory_space<semaphore_mem>>
      %dma_wait3A_347 = tpu.memref_squeeze %dma_wait3A_346 : memref<1x!tpu.dma_semaphore, #tpu.memory_space<semaphore_mem>> -> memref<!tpu.dma_semaphore, #tpu.memory_space<semaphore_mem>>
      tpu.wait_indirect_dma semaphore(%dma_wait3A_347 : memref<!tpu.dma_semaphore, #tpu.memory_space<semaphore_mem>>) src(%dma_wait3A_345 : memref<10240x16xf32, #tpu.memory_space<vmem_shared>>) dst(%dma_wait3A_339 : memref<100x16xf32, #tpu.memory_space<vmem>>)
      %dma_start3A_348 = arith.constant 2 : i32
      %dma_start3A_349 = arith.constant 2 : i32
      %dma_start3A_350 = arith.constant 0 : i32
      %dma_start3A_351 = arith.constant 0 : i32
      %dma_start3A_352 = tpu.memref_slice %arg11[%dma_start3A_348, %dma_start3A_350, %dma_start3A_351] : memref<10x100x16xf32, #tpu.memory_space<vmem>> -> memref<1x100x16xf32, #tpu.memory_space<vmem>>
      %dma_start3A_353 = tpu.memref_squeeze %dma_start3A_352 : memref<1x100x16xf32, #tpu.memory_space<vmem>> -> memref<100x16xf32, #tpu.memory_space<vmem>>
      %dma_start3A_354 = arith.constant 0 : i32
      %dma_start3A_355 = tpu.memref_slice %arg10[%add3A_333, %dma_start3A_354] : memref<100x100xi32, #tpu.memory_space<vmem>> -> memref<1x100xi32, #tpu.memory_space<vmem>>
      %dma_start3A_356 = tpu.memref_squeeze %dma_start3A_355 : memref<1x100xi32, #tpu.memory_space<vmem>> -> memref<100xi32, #tpu.memory_space<vmem>>
      %dma_start3A_357 = arith.constant 0 : i32
      %dma_start3A_358 = arith.constant 0 : i32
      %dma_start3A_359 = tpu.memref_slice %arg13[%dma_start3A_357, %dma_start3A_358] : memref<10240x16xf32, #tpu.memory_space<vmem_shared>> -> memref<10240x16xf32, #tpu.memory_space<vmem_shared>>
      %dma_start3A_360 = tpu.memref_slice %arg15[%dma_start3A_349] : memref<10x!tpu.dma_semaphore, #tpu.memory_space<semaphore_mem>> -> memref<1x!tpu.dma_semaphore, #tpu.memory_space<semaphore_mem>>
      %dma_start3A_361 = tpu.memref_squeeze %dma_start3A_360 : memref<1x!tpu.dma_semaphore, #tpu.memory_space<semaphore_mem>> -> memref<!tpu.dma_semaphore, #tpu.memory_space<semaphore_mem>>
      tpu.enqueue_indirect_dma source(%dma_start3A_353 : memref<100x16xf32, #tpu.memory_space<vmem>>) target(%dma_start3A_359 : memref<10240x16xf32, #tpu.memory_space<vmem_shared>>) offsets(%dma_start3A_356 : memref<100xi32, #tpu.memory_space<vmem>>) semaphore(%dma_start3A_361 : memref<!tpu.dma_semaphore, #tpu.memory_space<semaphore_mem>>) {add = true}
      %sub3A_362 = arith.constant 5 : i32
      %sub3A_363 = arith.subi %add3A_333, %sub3A_362 : i32
      %ge3A_364 = arith.constant 0 : i32
      %ge3A_365 = arith.cmpi sge, %sub3A_363, %ge3A_364 : i32
      %convert_element_type3A_366 = arith.extui %ge3A_365 : i1 to i32
      %cond3A_367 = arith.constant 0 : i32
      %cond3A_368 = arith.cmpi ne, %convert_element_type3A_366, %cond3A_367 : i32
      scf.if %cond3A_368 {
        %dma_wait3A_642 = arith.constant 7 : i32
        %dma_wait3A_643 = arith.constant 0 : i32
        %dma_wait3A_644 = arith.constant 7 : i32
        %dma_wait3A_645 = arith.constant 0 : i32
        %dma_wait3A_646 = arith.constant 0 : i32
        %dma_wait3A_647 = tpu.memref_slice %arg11[%dma_wait3A_642, %dma_wait3A_645, %dma_wait3A_646] : memref<10x100x16xf32, #tpu.memory_space<vmem>> -> memref<1x100x16xf32, #tpu.memory_space<vmem>>
        %dma_wait3A_648 = tpu.memref_squeeze %dma_wait3A_647 : memref<1x100x16xf32, #tpu.memory_space<vmem>> -> memref<100x16xf32, #tpu.memory_space<vmem>>
        %dma_wait3A_649 = arith.constant 0 : i32
        %dma_wait3A_650 = tpu.memref_slice %arg10[%dma_wait3A_643, %dma_wait3A_649] : memref<100x100xi32, #tpu.memory_space<vmem>> -> memref<1x100xi32, #tpu.memory_space<vmem>>
        %dma_wait3A_651 = tpu.memref_squeeze %dma_wait3A_650 : memref<1x100xi32, #tpu.memory_space<vmem>> -> memref<100xi32, #tpu.memory_space<vmem>>
        %dma_wait3A_652 = arith.constant 0 : i32
        %dma_wait3A_653 = arith.constant 0 : i32
        %dma_wait3A_654 = tpu.memref_slice %arg13[%dma_wait3A_652, %dma_wait3A_653] : memref<10240x16xf32, #tpu.memory_space<vmem_shared>> -> memref<10240x16xf32, #tpu.memory_space<vmem_shared>>
        %dma_wait3A_655 = tpu.memref_slice %arg15[%dma_wait3A_644] : memref<10x!tpu.dma_semaphore, #tpu.memory_space<semaphore_mem>> -> memref<1x!tpu.dma_semaphore, #tpu.memory_space<semaphore_mem>>
        %dma_wait3A_656 = tpu.memref_squeeze %dma_wait3A_655 : memref<1x!tpu.dma_semaphore, #tpu.memory_space<semaphore_mem>> -> memref<!tpu.dma_semaphore, #tpu.memory_space<semaphore_mem>>
        tpu.wait_indirect_dma semaphore(%dma_wait3A_656 : memref<!tpu.dma_semaphore, #tpu.memory_space<semaphore_mem>>) src(%dma_wait3A_648 : memref<100x16xf32, #tpu.memory_space<vmem>>) dst(%dma_wait3A_654 : memref<10240x16xf32, #tpu.memory_space<vmem_shared>>)
        %add3A_657 = arith.constant 10 : i32
        %add3A_658 = arith.addi %sub3A_363, %add3A_657 : i32
        %lt3A = arith.constant 100 : i32
        %lt3A_659 = arith.cmpi slt, %add3A_658, %lt3A : i32
        %convert_element_type3A_660 = arith.extui %lt3A_659 : i1 to i32
        %cond3A_661 = arith.constant 0 : i32
        %cond3A_662 = arith.cmpi ne, %convert_element_type3A_660, %cond3A_661 : i32
        scf.if %cond3A_662 {
          %dma_start3A_663 = arith.constant 7 : i32
          %dma_start3A_664 = arith.constant 7 : i32
          %dma_start3A_665 = arith.constant 0 : i32
          %dma_start3A_666 = arith.constant 0 : i32
          %dma_start3A_667 = tpu.memref_slice %arg11[%dma_start3A_663, %dma_start3A_665, %dma_start3A_666] : memref<10x100x16xf32, #tpu.memory_space<vmem>> -> memref<1x100x16xf32, #tpu.memory_space<vmem>>
          %dma_start3A_668 = tpu.memref_squeeze %dma_start3A_667 : memref<1x100x16xf32, #tpu.memory_space<vmem>> -> memref<100x16xf32, #tpu.memory_space<vmem>>
          %dma_start3A_669 = arith.constant 0 : i32
          %dma_start3A_670 = tpu.memref_slice %arg9[%add3A_658, %dma_start3A_669] : memref<100x100xi32, #tpu.memory_space<vmem>> -> memref<1x100xi32, #tpu.memory_space<vmem>>
          %dma_start3A_671 = tpu.memref_squeeze %dma_start3A_670 : memref<1x100xi32, #tpu.memory_space<vmem>> -> memref<100xi32, #tpu.memory_space<vmem>>
          %dma_start3A_672 = arith.constant 0 : i32
          %dma_start3A_673 = arith.constant 0 : i32
          %dma_start3A_674 = tpu.memref_slice %arg21[%dma_start3A_672, %dma_start3A_673] : memref<10240x16xf32, #tpu.memory_space<vmem_shared>> -> memref<10240x16xf32, #tpu.memory_space<vmem_shared>>
          %dma_start3A_675 = tpu.memref_slice %arg14[%dma_start3A_664] : memref<10x!tpu.dma_semaphore, #tpu.memory_space<semaphore_mem>> -> memref<1x!tpu.dma_semaphore, #tpu.memory_space<semaphore_mem>>
          %dma_start3A_676 = tpu.memref_squeeze %dma_start3A_675 : memref<1x!tpu.dma_semaphore, #tpu.memory_space<semaphore_mem>> -> memref<!tpu.dma_semaphore, #tpu.memory_space<semaphore_mem>>
          tpu.enqueue_indirect_dma source(%dma_start3A_674 : memref<10240x16xf32, #tpu.memory_space<vmem_shared>>) target(%dma_start3A_668 : memref<100x16xf32, #tpu.memory_space<vmem>>) offsets(%dma_start3A_671 : memref<100xi32, #tpu.memory_space<vmem>>) semaphore(%dma_start3A_676 : memref<!tpu.dma_semaphore, #tpu.memory_space<semaphore_mem>>)
        } else {
        }
      } else {
      }
      %mul3A_369 = arith.constant 10 : i32
      %mul3A_370 = arith.muli %scan3A_253, %mul3A_369 : i32
      %add3A_371 = arith.constant 3 : i32
      %add3A_372 = arith.addi %mul3A_370, %add3A_371 : i32
      %dma_wait3A_373 = arith.constant 3 : i32
      %dma_wait3A_374 = arith.constant 3 : i32
      %dma_wait3A_375 = arith.constant 0 : i32
      %dma_wait3A_376 = arith.constant 0 : i32
      %dma_wait3A_377 = tpu.memref_slice %arg11[%dma_wait3A_373, %dma_wait3A_375, %dma_wait3A_376] : memref<10x100x16xf32, #tpu.memory_space<vmem>> -> memref<1x100x16xf32, #tpu.memory_space<vmem>>
      %dma_wait3A_378 = tpu.memref_squeeze %dma_wait3A_377 : memref<1x100x16xf32, #tpu.memory_space<vmem>> -> memref<100x16xf32, #tpu.memory_space<vmem>>
      %dma_wait3A_379 = arith.constant 0 : i32
      %dma_wait3A_380 = tpu.memref_slice %arg9[%add3A_372, %dma_wait3A_379] : memref<100x100xi32, #tpu.memory_space<vmem>> -> memref<1x100xi32, #tpu.memory_space<vmem>>
      %dma_wait3A_381 = tpu.memref_squeeze %dma_wait3A_380 : memref<1x100xi32, #tpu.memory_space<vmem>> -> memref<100xi32, #tpu.memory_space<vmem>>
      %dma_wait3A_382 = arith.constant 0 : i32
      %dma_wait3A_383 = arith.constant 0 : i32
      %dma_wait3A_384 = tpu.memref_slice %arg21[%dma_wait3A_382, %dma_wait3A_383] : memref<10240x16xf32, #tpu.memory_space<vmem_shared>> -> memref<10240x16xf32, #tpu.memory_space<vmem_shared>>
      %dma_wait3A_385 = tpu.memref_slice %arg14[%dma_wait3A_374] : memref<10x!tpu.dma_semaphore, #tpu.memory_space<semaphore_mem>> -> memref<1x!tpu.dma_semaphore, #tpu.memory_space<semaphore_mem>>
      %dma_wait3A_386 = tpu.memref_squeeze %dma_wait3A_385 : memref<1x!tpu.dma_semaphore, #tpu.memory_space<semaphore_mem>> -> memref<!tpu.dma_semaphore, #tpu.memory_space<semaphore_mem>>
      tpu.wait_indirect_dma semaphore(%dma_wait3A_386 : memref<!tpu.dma_semaphore, #tpu.memory_space<semaphore_mem>>) src(%dma_wait3A_384 : memref<10240x16xf32, #tpu.memory_space<vmem_shared>>) dst(%dma_wait3A_378 : memref<100x16xf32, #tpu.memory_space<vmem>>)
      %dma_start3A_387 = arith.constant 3 : i32
      %dma_start3A_388 = arith.constant 3 : i32
      %dma_start3A_389 = arith.constant 0 : i32
      %dma_start3A_390 = arith.constant 0 : i32
      %dma_start3A_391 = tpu.memref_slice %arg11[%dma_start3A_387, %dma_start3A_389, %dma_start3A_390] : memref<10x100x16xf32, #tpu.memory_space<vmem>> -> memref<1x100x16xf32, #tpu.memory_space<vmem>>
      %dma_start3A_392 = tpu.memref_squeeze %dma_start3A_391 : memref<1x100x16xf32, #tpu.memory_space<vmem>> -> memref<100x16xf32, #tpu.memory_space<vmem>>
      %dma_start3A_393 = arith.constant 0 : i32
      %dma_start3A_394 = tpu.memref_slice %arg10[%add3A_372, %dma_start3A_393] : memref<100x100xi32, #tpu.memory_space<vmem>> -> memref<1x100xi32, #tpu.memory_space<vmem>>
      %dma_start3A_395 = tpu.memref_squeeze %dma_start3A_394 : memref<1x100xi32, #tpu.memory_space<vmem>> -> memref<100xi32, #tpu.memory_space<vmem>>
      %dma_start3A_396 = arith.constant 0 : i32
      %dma_start3A_397 = arith.constant 0 : i32
      %dma_start3A_398 = tpu.memref_slice %arg13[%dma_start3A_396, %dma_start3A_397] : memref<10240x16xf32, #tpu.memory_space<vmem_shared>> -> memref<10240x16xf32, #tpu.memory_space<vmem_shared>>
      %dma_start3A_399 = tpu.memref_slice %arg15[%dma_start3A_388] : memref<10x!tpu.dma_semaphore, #tpu.memory_space<semaphore_mem>> -> memref<1x!tpu.dma_semaphore, #tpu.memory_space<semaphore_mem>>
      %dma_start3A_400 = tpu.memref_squeeze %dma_start3A_399 : memref<1x!tpu.dma_semaphore, #tpu.memory_space<semaphore_mem>> -> memref<!tpu.dma_semaphore, #tpu.memory_space<semaphore_mem>>
      tpu.enqueue_indirect_dma source(%dma_start3A_392 : memref<100x16xf32, #tpu.memory_space<vmem>>) target(%dma_start3A_398 : memref<10240x16xf32, #tpu.memory_space<vmem_shared>>) offsets(%dma_start3A_395 : memref<100xi32, #tpu.memory_space<vmem>>) semaphore(%dma_start3A_400 : memref<!tpu.dma_semaphore, #tpu.memory_space<semaphore_mem>>) {add = true}
      %sub3A_401 = arith.constant 5 : i32
      %sub3A_402 = arith.subi %add3A_372, %sub3A_401 : i32
      %ge3A_403 = arith.constant 0 : i32
      %ge3A_404 = arith.cmpi sge, %sub3A_402, %ge3A_403 : i32
      %convert_element_type3A_405 = arith.extui %ge3A_404 : i1 to i32
      %cond3A_406 = arith.constant 0 : i32
      %cond3A_407 = arith.cmpi ne, %convert_element_type3A_405, %cond3A_406 : i32
      scf.if %cond3A_407 {
        %dma_wait3A_642 = arith.constant 8 : i32
        %dma_wait3A_643 = arith.constant 0 : i32
        %dma_wait3A_644 = arith.constant 8 : i32
        %dma_wait3A_645 = arith.constant 0 : i32
        %dma_wait3A_646 = arith.constant 0 : i32
        %dma_wait3A_647 = tpu.memref_slice %arg11[%dma_wait3A_642, %dma_wait3A_645, %dma_wait3A_646] : memref<10x100x16xf32, #tpu.memory_space<vmem>> -> memref<1x100x16xf32, #tpu.memory_space<vmem>>
        %dma_wait3A_648 = tpu.memref_squeeze %dma_wait3A_647 : memref<1x100x16xf32, #tpu.memory_space<vmem>> -> memref<100x16xf32, #tpu.memory_space<vmem>>
        %dma_wait3A_649 = arith.constant 0 : i32
        %dma_wait3A_650 = tpu.memref_slice %arg10[%dma_wait3A_643, %dma_wait3A_649] : memref<100x100xi32, #tpu.memory_space<vmem>> -> memref<1x100xi32, #tpu.memory_space<vmem>>
        %dma_wait3A_651 = tpu.memref_squeeze %dma_wait3A_650 : memref<1x100xi32, #tpu.memory_space<vmem>> -> memref<100xi32, #tpu.memory_space<vmem>>
        %dma_wait3A_652 = arith.constant 0 : i32
        %dma_wait3A_653 = arith.constant 0 : i32
        %dma_wait3A_654 = tpu.memref_slice %arg13[%dma_wait3A_652, %dma_wait3A_653] : memref<10240x16xf32, #tpu.memory_space<vmem_shared>> -> memref<10240x16xf32, #tpu.memory_space<vmem_shared>>
        %dma_wait3A_655 = tpu.memref_slice %arg15[%dma_wait3A_644] : memref<10x!tpu.dma_semaphore, #tpu.memory_space<semaphore_mem>> -> memref<1x!tpu.dma_semaphore, #tpu.memory_space<semaphore_mem>>
        %dma_wait3A_656 = tpu.memref_squeeze %dma_wait3A_655 : memref<1x!tpu.dma_semaphore, #tpu.memory_space<semaphore_mem>> -> memref<!tpu.dma_semaphore, #tpu.memory_space<semaphore_mem>>
        tpu.wait_indirect_dma semaphore(%dma_wait3A_656 : memref<!tpu.dma_semaphore, #tpu.memory_space<semaphore_mem>>) src(%dma_wait3A_648 : memref<100x16xf32, #tpu.memory_space<vmem>>) dst(%dma_wait3A_654 : memref<10240x16xf32, #tpu.memory_space<vmem_shared>>)
        %add3A_657 = arith.constant 10 : i32
        %add3A_658 = arith.addi %sub3A_402, %add3A_657 : i32
        %lt3A = arith.constant 100 : i32
        %lt3A_659 = arith.cmpi slt, %add3A_658, %lt3A : i32
        %convert_element_type3A_660 = arith.extui %lt3A_659 : i1 to i32
        %cond3A_661 = arith.constant 0 : i32
        %cond3A_662 = arith.cmpi ne, %convert_element_type3A_660, %cond3A_661 : i32
        scf.if %cond3A_662 {
          %dma_start3A_663 = arith.constant 8 : i32
          %dma_start3A_664 = arith.constant 8 : i32
          %dma_start3A_665 = arith.constant 0 : i32
          %dma_start3A_666 = arith.constant 0 : i32
          %dma_start3A_667 = tpu.memref_slice %arg11[%dma_start3A_663, %dma_start3A_665, %dma_start3A_666] : memref<10x100x16xf32, #tpu.memory_space<vmem>> -> memref<1x100x16xf32, #tpu.memory_space<vmem>>
          %dma_start3A_668 = tpu.memref_squeeze %dma_start3A_667 : memref<1x100x16xf32, #tpu.memory_space<vmem>> -> memref<100x16xf32, #tpu.memory_space<vmem>>
          %dma_start3A_669 = arith.constant 0 : i32
          %dma_start3A_670 = tpu.memref_slice %arg9[%add3A_658, %dma_start3A_669] : memref<100x100xi32, #tpu.memory_space<vmem>> -> memref<1x100xi32, #tpu.memory_space<vmem>>
          %dma_start3A_671 = tpu.memref_squeeze %dma_start3A_670 : memref<1x100xi32, #tpu.memory_space<vmem>> -> memref<100xi32, #tpu.memory_space<vmem>>
          %dma_start3A_672 = arith.constant 0 : i32
          %dma_start3A_673 = arith.constant 0 : i32
          %dma_start3A_674 = tpu.memref_slice %arg21[%dma_start3A_672, %dma_start3A_673] : memref<10240x16xf32, #tpu.memory_space<vmem_shared>> -> memref<10240x16xf32, #tpu.memory_space<vmem_shared>>
          %dma_start3A_675 = tpu.memref_slice %arg14[%dma_start3A_664] : memref<10x!tpu.dma_semaphore, #tpu.memory_space<semaphore_mem>> -> memref<1x!tpu.dma_semaphore, #tpu.memory_space<semaphore_mem>>
          %dma_start3A_676 = tpu.memref_squeeze %dma_start3A_675 : memref<1x!tpu.dma_semaphore, #tpu.memory_space<semaphore_mem>> -> memref<!tpu.dma_semaphore, #tpu.memory_space<semaphore_mem>>
          tpu.enqueue_indirect_dma source(%dma_start3A_674 : memref<10240x16xf32, #tpu.memory_space<vmem_shared>>) target(%dma_start3A_668 : memref<100x16xf32, #tpu.memory_space<vmem>>) offsets(%dma_start3A_671 : memref<100xi32, #tpu.memory_space<vmem>>) semaphore(%dma_start3A_676 : memref<!tpu.dma_semaphore, #tpu.memory_space<semaphore_mem>>)
        } else {
        }
      } else {
      }
      %mul3A_408 = arith.constant 10 : i32
      %mul3A_409 = arith.muli %scan3A_253, %mul3A_408 : i32
      %add3A_410 = arith.constant 4 : i32
      %add3A_411 = arith.addi %mul3A_409, %add3A_410 : i32
      %dma_wait3A_412 = arith.constant 4 : i32
      %dma_wait3A_413 = arith.constant 4 : i32
      %dma_wait3A_414 = arith.constant 0 : i32
      %dma_wait3A_415 = arith.constant 0 : i32
      %dma_wait3A_416 = tpu.memref_slice %arg11[%dma_wait3A_412, %dma_wait3A_414, %dma_wait3A_415] : memref<10x100x16xf32, #tpu.memory_space<vmem>> -> memref<1x100x16xf32, #tpu.memory_space<vmem>>
      %dma_wait3A_417 = tpu.memref_squeeze %dma_wait3A_416 : memref<1x100x16xf32, #tpu.memory_space<vmem>> -> memref<100x16xf32, #tpu.memory_space<vmem>>
      %dma_wait3A_418 = arith.constant 0 : i32
      %dma_wait3A_419 = tpu.memref_slice %arg9[%add3A_411, %dma_wait3A_418] : memref<100x100xi32, #tpu.memory_space<vmem>> -> memref<1x100xi32, #tpu.memory_space<vmem>>
      %dma_wait3A_420 = tpu.memref_squeeze %dma_wait3A_419 : memref<1x100xi32, #tpu.memory_space<vmem>> -> memref<100xi32, #tpu.memory_space<vmem>>
      %dma_wait3A_421 = arith.constant 0 : i32
      %dma_wait3A_422 = arith.constant 0 : i32
      %dma_wait3A_423 = tpu.memref_slice %arg21[%dma_wait3A_421, %dma_wait3A_422] : memref<10240x16xf32, #tpu.memory_space<vmem_shared>> -> memref<10240x16xf32, #tpu.memory_space<vmem_shared>>
      %dma_wait3A_424 = tpu.memref_slice %arg14[%dma_wait3A_413] : memref<10x!tpu.dma_semaphore, #tpu.memory_space<semaphore_mem>> -> memref<1x!tpu.dma_semaphore, #tpu.memory_space<semaphore_mem>>
      %dma_wait3A_425 = tpu.memref_squeeze %dma_wait3A_424 : memref<1x!tpu.dma_semaphore, #tpu.memory_space<semaphore_mem>> -> memref<!tpu.dma_semaphore, #tpu.memory_space<semaphore_mem>>
      tpu.wait_indirect_dma semaphore(%dma_wait3A_425 : memref<!tpu.dma_semaphore, #tpu.memory_space<semaphore_mem>>) src(%dma_wait3A_423 : memref<10240x16xf32, #tpu.memory_space<vmem_shared>>) dst(%dma_wait3A_417 : memref<100x16xf32, #tpu.memory_space<vmem>>)
      %dma_start3A_426 = arith.constant 4 : i32
      %dma_start3A_427 = arith.constant 4 : i32
      %dma_start3A_428 = arith.constant 0 : i32
      %dma_start3A_429 = arith.constant 0 : i32
      %dma_start3A_430 = tpu.memref_slice %arg11[%dma_start3A_426, %dma_start3A_428, %dma_start3A_429] : memref<10x100x16xf32, #tpu.memory_space<vmem>> -> memref<1x100x16xf32, #tpu.memory_space<vmem>>
      %dma_start3A_431 = tpu.memref_squeeze %dma_start3A_430 : memref<1x100x16xf32, #tpu.memory_space<vmem>> -> memref<100x16xf32, #tpu.memory_space<vmem>>
      %dma_start3A_432 = arith.constant 0 : i32
      %dma_start3A_433 = tpu.memref_slice %arg10[%add3A_411, %dma_start3A_432] : memref<100x100xi32, #tpu.memory_space<vmem>> -> memref<1x100xi32, #tpu.memory_space<vmem>>
      %dma_start3A_434 = tpu.memref_squeeze %dma_start3A_433 : memref<1x100xi32, #tpu.memory_space<vmem>> -> memref<100xi32, #tpu.memory_space<vmem>>
      %dma_start3A_435 = arith.constant 0 : i32
      %dma_start3A_436 = arith.constant 0 : i32
      %dma_start3A_437 = tpu.memref_slice %arg13[%dma_start3A_435, %dma_start3A_436] : memref<10240x16xf32, #tpu.memory_space<vmem_shared>> -> memref<10240x16xf32, #tpu.memory_space<vmem_shared>>
      %dma_start3A_438 = tpu.memref_slice %arg15[%dma_start3A_427] : memref<10x!tpu.dma_semaphore, #tpu.memory_space<semaphore_mem>> -> memref<1x!tpu.dma_semaphore, #tpu.memory_space<semaphore_mem>>
      %dma_start3A_439 = tpu.memref_squeeze %dma_start3A_438 : memref<1x!tpu.dma_semaphore, #tpu.memory_space<semaphore_mem>> -> memref<!tpu.dma_semaphore, #tpu.memory_space<semaphore_mem>>
      tpu.enqueue_indirect_dma source(%dma_start3A_431 : memref<100x16xf32, #tpu.memory_space<vmem>>) target(%dma_start3A_437 : memref<10240x16xf32, #tpu.memory_space<vmem_shared>>) offsets(%dma_start3A_434 : memref<100xi32, #tpu.memory_space<vmem>>) semaphore(%dma_start3A_439 : memref<!tpu.dma_semaphore, #tpu.memory_space<semaphore_mem>>) {add = true}
      %sub3A_440 = arith.constant 5 : i32
      %sub3A_441 = arith.subi %add3A_411, %sub3A_440 : i32
      %ge3A_442 = arith.constant 0 : i32
      %ge3A_443 = arith.cmpi sge, %sub3A_441, %ge3A_442 : i32
      %convert_element_type3A_444 = arith.extui %ge3A_443 : i1 to i32
      %cond3A_445 = arith.constant 0 : i32
      %cond3A_446 = arith.cmpi ne, %convert_element_type3A_444, %cond3A_445 : i32
      scf.if %cond3A_446 {
        %dma_wait3A_642 = arith.constant 9 : i32
        %dma_wait3A_643 = arith.constant 0 : i32
        %dma_wait3A_644 = arith.constant 9 : i32
        %dma_wait3A_645 = arith.constant 0 : i32
        %dma_wait3A_646 = arith.constant 0 : i32
        %dma_wait3A_647 = tpu.memref_slice %arg11[%dma_wait3A_642, %dma_wait3A_645, %dma_wait3A_646] : memref<10x100x16xf32, #tpu.memory_space<vmem>> -> memref<1x100x16xf32, #tpu.memory_space<vmem>>
        %dma_wait3A_648 = tpu.memref_squeeze %dma_wait3A_647 : memref<1x100x16xf32, #tpu.memory_space<vmem>> -> memref<100x16xf32, #tpu.memory_space<vmem>>
        %dma_wait3A_649 = arith.constant 0 : i32
        %dma_wait3A_650 = tpu.memref_slice %arg10[%dma_wait3A_643, %dma_wait3A_649] : memref<100x100xi32, #tpu.memory_space<vmem>> -> memref<1x100xi32, #tpu.memory_space<vmem>>
        %dma_wait3A_651 = tpu.memref_squeeze %dma_wait3A_650 : memref<1x100xi32, #tpu.memory_space<vmem>> -> memref<100xi32, #tpu.memory_space<vmem>>
        %dma_wait3A_652 = arith.constant 0 : i32
        %dma_wait3A_653 = arith.constant 0 : i32
        %dma_wait3A_654 = tpu.memref_slice %arg13[%dma_wait3A_652, %dma_wait3A_653] : memref<10240x16xf32, #tpu.memory_space<vmem_shared>> -> memref<10240x16xf32, #tpu.memory_space<vmem_shared>>
        %dma_wait3A_655 = tpu.memref_slice %arg15[%dma_wait3A_644] : memref<10x!tpu.dma_semaphore, #tpu.memory_space<semaphore_mem>> -> memref<1x!tpu.dma_semaphore, #tpu.memory_space<semaphore_mem>>
        %dma_wait3A_656 = tpu.memref_squeeze %dma_wait3A_655 : memref<1x!tpu.dma_semaphore, #tpu.memory_space<semaphore_mem>> -> memref<!tpu.dma_semaphore, #tpu.memory_space<semaphore_mem>>
        tpu.wait_indirect_dma semaphore(%dma_wait3A_656 : memref<!tpu.dma_semaphore, #tpu.memory_space<semaphore_mem>>) src(%dma_wait3A_648 : memref<100x16xf32, #tpu.memory_space<vmem>>) dst(%dma_wait3A_654 : memref<10240x16xf32, #tpu.memory_space<vmem_shared>>)
        %add3A_657 = arith.constant 10 : i32
        %add3A_658 = arith.addi %sub3A_441, %add3A_657 : i32
        %lt3A = arith.constant 100 : i32
        %lt3A_659 = arith.cmpi slt, %add3A_658, %lt3A : i32
        %convert_element_type3A_660 = arith.extui %lt3A_659 : i1 to i32
        %cond3A_661 = arith.constant 0 : i32
        %cond3A_662 = arith.cmpi ne, %convert_element_type3A_660, %cond3A_661 : i32
        scf.if %cond3A_662 {
          %dma_start3A_663 = arith.constant 9 : i32
          %dma_start3A_664 = arith.constant 9 : i32
          %dma_start3A_665 = arith.constant 0 : i32
          %dma_start3A_666 = arith.constant 0 : i32
          %dma_start3A_667 = tpu.memref_slice %arg11[%dma_start3A_663, %dma_start3A_665, %dma_start3A_666] : memref<10x100x16xf32, #tpu.memory_space<vmem>> -> memref<1x100x16xf32, #tpu.memory_space<vmem>>
          %dma_start3A_668 = tpu.memref_squeeze %dma_start3A_667 : memref<1x100x16xf32, #tpu.memory_space<vmem>> -> memref<100x16xf32, #tpu.memory_space<vmem>>
          %dma_start3A_669 = arith.constant 0 : i32
          %dma_start3A_670 = tpu.memref_slice %arg9[%add3A_658, %dma_start3A_669] : memref<100x100xi32, #tpu.memory_space<vmem>> -> memref<1x100xi32, #tpu.memory_space<vmem>>
          %dma_start3A_671 = tpu.memref_squeeze %dma_start3A_670 : memref<1x100xi32, #tpu.memory_space<vmem>> -> memref<100xi32, #tpu.memory_space<vmem>>
          %dma_start3A_672 = arith.constant 0 : i32
          %dma_start3A_673 = arith.constant 0 : i32
          %dma_start3A_674 = tpu.memref_slice %arg21[%dma_start3A_672, %dma_start3A_673] : memref<10240x16xf32, #tpu.memory_space<vmem_shared>> -> memref<10240x16xf32, #tpu.memory_space<vmem_shared>>
          %dma_start3A_675 = tpu.memref_slice %arg14[%dma_start3A_664] : memref<10x!tpu.dma_semaphore, #tpu.memory_space<semaphore_mem>> -> memref<1x!tpu.dma_semaphore, #tpu.memory_space<semaphore_mem>>
          %dma_start3A_676 = tpu.memref_squeeze %dma_start3A_675 : memref<1x!tpu.dma_semaphore, #tpu.memory_space<semaphore_mem>> -> memref<!tpu.dma_semaphore, #tpu.memory_space<semaphore_mem>>
          tpu.enqueue_indirect_dma source(%dma_start3A_674 : memref<10240x16xf32, #tpu.memory_space<vmem_shared>>) target(%dma_start3A_668 : memref<100x16xf32, #tpu.memory_space<vmem>>) offsets(%dma_start3A_671 : memref<100xi32, #tpu.memory_space<vmem>>) semaphore(%dma_start3A_676 : memref<!tpu.dma_semaphore, #tpu.memory_space<semaphore_mem>>)
        } else {
        }
      } else {
      }
      %mul3A_447 = arith.constant 10 : i32
      %mul3A_448 = arith.muli %scan3A_253, %mul3A_447 : i32
      %add3A_449 = arith.constant 5 : i32
      %add3A_450 = arith.addi %mul3A_448, %add3A_449 : i32
      %dma_wait3A_451 = arith.constant 5 : i32
      %dma_wait3A_452 = arith.constant 5 : i32
      %dma_wait3A_453 = arith.constant 0 : i32
      %dma_wait3A_454 = arith.constant 0 : i32
      %dma_wait3A_455 = tpu.memref_slice %arg11[%dma_wait3A_451, %dma_wait3A_453, %dma_wait3A_454] : memref<10x100x16xf32, #tpu.memory_space<vmem>> -> memref<1x100x16xf32, #tpu.memory_space<vmem>>
      %dma_wait3A_456 = tpu.memref_squeeze %dma_wait3A_455 : memref<1x100x16xf32, #tpu.memory_space<vmem>> -> memref<100x16xf32, #tpu.memory_space<vmem>>
      %dma_wait3A_457 = arith.constant 0 : i32
      %dma_wait3A_458 = tpu.memref_slice %arg9[%add3A_450, %dma_wait3A_457] : memref<100x100xi32, #tpu.memory_space<vmem>> -> memref<1x100xi32, #tpu.memory_space<vmem>>
      %dma_wait3A_459 = tpu.memref_squeeze %dma_wait3A_458 : memref<1x100xi32, #tpu.memory_space<vmem>> -> memref<100xi32, #tpu.memory_space<vmem>>
      %dma_wait3A_460 = arith.constant 0 : i32
      %dma_wait3A_461 = arith.constant 0 : i32
      %dma_wait3A_462 = tpu.memref_slice %arg21[%dma_wait3A_460, %dma_wait3A_461] : memref<10240x16xf32, #tpu.memory_space<vmem_shared>> -> memref<10240x16xf32, #tpu.memory_space<vmem_shared>>
      %dma_wait3A_463 = tpu.memref_slice %arg14[%dma_wait3A_452] : memref<10x!tpu.dma_semaphore, #tpu.memory_space<semaphore_mem>> -> memref<1x!tpu.dma_semaphore, #tpu.memory_space<semaphore_mem>>
      %dma_wait3A_464 = tpu.memref_squeeze %dma_wait3A_463 : memref<1x!tpu.dma_semaphore, #tpu.memory_space<semaphore_mem>> -> memref<!tpu.dma_semaphore, #tpu.memory_space<semaphore_mem>>
      tpu.wait_indirect_dma semaphore(%dma_wait3A_464 : memref<!tpu.dma_semaphore, #tpu.memory_space<semaphore_mem>>) src(%dma_wait3A_462 : memref<10240x16xf32, #tpu.memory_space<vmem_shared>>) dst(%dma_wait3A_456 : memref<100x16xf32, #tpu.memory_space<vmem>>)
      %dma_start3A_465 = arith.constant 5 : i32
      %dma_start3A_466 = arith.constant 5 : i32
      %dma_start3A_467 = arith.constant 0 : i32
      %dma_start3A_468 = arith.constant 0 : i32
      %dma_start3A_469 = tpu.memref_slice %arg11[%dma_start3A_465, %dma_start3A_467, %dma_start3A_468] : memref<10x100x16xf32, #tpu.memory_space<vmem>> -> memref<1x100x16xf32, #tpu.memory_space<vmem>>
      %dma_start3A_470 = tpu.memref_squeeze %dma_start3A_469 : memref<1x100x16xf32, #tpu.memory_space<vmem>> -> memref<100x16xf32, #tpu.memory_space<vmem>>
      %dma_start3A_471 = arith.constant 0 : i32
      %dma_start3A_472 = tpu.memref_slice %arg10[%add3A_450, %dma_start3A_471] : memref<100x100xi32, #tpu.memory_space<vmem>> -> memref<1x100xi32, #tpu.memory_space<vmem>>
      %dma_start3A_473 = tpu.memref_squeeze %dma_start3A_472 : memref<1x100xi32, #tpu.memory_space<vmem>> -> memref<100xi32, #tpu.memory_space<vmem>>
      %dma_start3A_474 = arith.constant 0 : i32
      %dma_start3A_475 = arith.constant 0 : i32
      %dma_start3A_476 = tpu.memref_slice %arg13[%dma_start3A_474, %dma_start3A_475] : memref<10240x16xf32, #tpu.memory_space<vmem_shared>> -> memref<10240x16xf32, #tpu.memory_space<vmem_shared>>
      %dma_start3A_477 = tpu.memref_slice %arg15[%dma_start3A_466] : memref<10x!tpu.dma_semaphore, #tpu.memory_space<semaphore_mem>> -> memref<1x!tpu.dma_semaphore, #tpu.memory_space<semaphore_mem>>
      %dma_start3A_478 = tpu.memref_squeeze %dma_start3A_477 : memref<1x!tpu.dma_semaphore, #tpu.memory_space<semaphore_mem>> -> memref<!tpu.dma_semaphore, #tpu.memory_space<semaphore_mem>>
      tpu.enqueue_indirect_dma source(%dma_start3A_470 : memref<100x16xf32, #tpu.memory_space<vmem>>) target(%dma_start3A_476 : memref<10240x16xf32, #tpu.memory_space<vmem_shared>>) offsets(%dma_start3A_473 : memref<100xi32, #tpu.memory_space<vmem>>) semaphore(%dma_start3A_478 : memref<!tpu.dma_semaphore, #tpu.memory_space<semaphore_mem>>) {add = true}
      %sub3A_479 = arith.constant 5 : i32
      %sub3A_480 = arith.subi %add3A_450, %sub3A_479 : i32
      %ge3A_481 = arith.constant 0 : i32
      %ge3A_482 = arith.cmpi sge, %sub3A_480, %ge3A_481 : i32
      %convert_element_type3A_483 = arith.extui %ge3A_482 : i1 to i32
      %cond3A_484 = arith.constant 0 : i32
      %cond3A_485 = arith.cmpi ne, %convert_element_type3A_483, %cond3A_484 : i32
      scf.if %cond3A_485 {
        %dma_wait3A_642 = arith.constant 0 : i32
        %dma_wait3A_643 = arith.constant 0 : i32
        %dma_wait3A_644 = arith.constant 0 : i32
        %dma_wait3A_645 = arith.constant 0 : i32
        %dma_wait3A_646 = arith.constant 0 : i32
        %dma_wait3A_647 = tpu.memref_slice %arg11[%dma_wait3A_642, %dma_wait3A_645, %dma_wait3A_646] : memref<10x100x16xf32, #tpu.memory_space<vmem>> -> memref<1x100x16xf32, #tpu.memory_space<vmem>>
        %dma_wait3A_648 = tpu.memref_squeeze %dma_wait3A_647 : memref<1x100x16xf32, #tpu.memory_space<vmem>> -> memref<100x16xf32, #tpu.memory_space<vmem>>
        %dma_wait3A_649 = arith.constant 0 : i32
        %dma_wait3A_650 = tpu.memref_slice %arg10[%dma_wait3A_643, %dma_wait3A_649] : memref<100x100xi32, #tpu.memory_space<vmem>> -> memref<1x100xi32, #tpu.memory_space<vmem>>
        %dma_wait3A_651 = tpu.memref_squeeze %dma_wait3A_650 : memref<1x100xi32, #tpu.memory_space<vmem>> -> memref<100xi32, #tpu.memory_space<vmem>>
        %dma_wait3A_652 = arith.constant 0 : i32
        %dma_wait3A_653 = arith.constant 0 : i32
        %dma_wait3A_654 = tpu.memref_slice %arg13[%dma_wait3A_652, %dma_wait3A_653] : memref<10240x16xf32, #tpu.memory_space<vmem_shared>> -> memref<10240x16xf32, #tpu.memory_space<vmem_shared>>
        %dma_wait3A_655 = tpu.memref_slice %arg15[%dma_wait3A_644] : memref<10x!tpu.dma_semaphore, #tpu.memory_space<semaphore_mem>> -> memref<1x!tpu.dma_semaphore, #tpu.memory_space<semaphore_mem>>
        %dma_wait3A_656 = tpu.memref_squeeze %dma_wait3A_655 : memref<1x!tpu.dma_semaphore, #tpu.memory_space<semaphore_mem>> -> memref<!tpu.dma_semaphore, #tpu.memory_space<semaphore_mem>>
        tpu.wait_indirect_dma semaphore(%dma_wait3A_656 : memref<!tpu.dma_semaphore, #tpu.memory_space<semaphore_mem>>) src(%dma_wait3A_648 : memref<100x16xf32, #tpu.memory_space<vmem>>) dst(%dma_wait3A_654 : memref<10240x16xf32, #tpu.memory_space<vmem_shared>>)
        %add3A_657 = arith.constant 10 : i32
        %add3A_658 = arith.addi %sub3A_480, %add3A_657 : i32
        %lt3A = arith.constant 100 : i32
        %lt3A_659 = arith.cmpi slt, %add3A_658, %lt3A : i32
        %convert_element_type3A_660 = arith.extui %lt3A_659 : i1 to i32
        %cond3A_661 = arith.constant 0 : i32
        %cond3A_662 = arith.cmpi ne, %convert_element_type3A_660, %cond3A_661 : i32
        scf.if %cond3A_662 {
          %dma_start3A_663 = arith.constant 0 : i32
          %dma_start3A_664 = arith.constant 0 : i32
          %dma_start3A_665 = arith.constant 0 : i32
          %dma_start3A_666 = arith.constant 0 : i32
          %dma_start3A_667 = tpu.memref_slice %arg11[%dma_start3A_663, %dma_start3A_665, %dma_start3A_666] : memref<10x100x16xf32, #tpu.memory_space<vmem>> -> memref<1x100x16xf32, #tpu.memory_space<vmem>>
          %dma_start3A_668 = tpu.memref_squeeze %dma_start3A_667 : memref<1x100x16xf32, #tpu.memory_space<vmem>> -> memref<100x16xf32, #tpu.memory_space<vmem>>
          %dma_start3A_669 = arith.constant 0 : i32
          %dma_start3A_670 = tpu.memref_slice %arg9[%add3A_658, %dma_start3A_669] : memref<100x100xi32, #tpu.memory_space<vmem>> -> memref<1x100xi32, #tpu.memory_space<vmem>>
          %dma_start3A_671 = tpu.memref_squeeze %dma_start3A_670 : memref<1x100xi32, #tpu.memory_space<vmem>> -> memref<100xi32, #tpu.memory_space<vmem>>
          %dma_start3A_672 = arith.constant 0 : i32
          %dma_start3A_673 = arith.constant 0 : i32
          %dma_start3A_674 = tpu.memref_slice %arg21[%dma_start3A_672, %dma_start3A_673] : memref<10240x16xf32, #tpu.memory_space<vmem_shared>> -> memref<10240x16xf32, #tpu.memory_space<vmem_shared>>
          %dma_start3A_675 = tpu.memref_slice %arg14[%dma_start3A_664] : memref<10x!tpu.dma_semaphore, #tpu.memory_space<semaphore_mem>> -> memref<1x!tpu.dma_semaphore, #tpu.memory_space<semaphore_mem>>
          %dma_start3A_676 = tpu.memref_squeeze %dma_start3A_675 : memref<1x!tpu.dma_semaphore, #tpu.memory_space<semaphore_mem>> -> memref<!tpu.dma_semaphore, #tpu.memory_space<semaphore_mem>>
          tpu.enqueue_indirect_dma source(%dma_start3A_674 : memref<10240x16xf32, #tpu.memory_space<vmem_shared>>) target(%dma_start3A_668 : memref<100x16xf32, #tpu.memory_space<vmem>>) offsets(%dma_start3A_671 : memref<100xi32, #tpu.memory_space<vmem>>) semaphore(%dma_start3A_676 : memref<!tpu.dma_semaphore, #tpu.memory_space<semaphore_mem>>)
        } else {
        }
      } else {
      }
      %mul3A_486 = arith.constant 10 : i32
      %mul3A_487 = arith.muli %scan3A_253, %mul3A_486 : i32
      %add3A_488 = arith.constant 6 : i32
      %add3A_489 = arith.addi %mul3A_487, %add3A_488 : i32
      %dma_wait3A_490 = arith.constant 6 : i32
      %dma_wait3A_491 = arith.constant 6 : i32
      %dma_wait3A_492 = arith.constant 0 : i32
      %dma_wait3A_493 = arith.constant 0 : i32
      %dma_wait3A_494 = tpu.memref_slice %arg11[%dma_wait3A_490, %dma_wait3A_492, %dma_wait3A_493] : memref<10x100x16xf32, #tpu.memory_space<vmem>> -> memref<1x100x16xf32, #tpu.memory_space<vmem>>
      %dma_wait3A_495 = tpu.memref_squeeze %dma_wait3A_494 : memref<1x100x16xf32, #tpu.memory_space<vmem>> -> memref<100x16xf32, #tpu.memory_space<vmem>>
      %dma_wait3A_496 = arith.constant 0 : i32
      %dma_wait3A_497 = tpu.memref_slice %arg9[%add3A_489, %dma_wait3A_496] : memref<100x100xi32, #tpu.memory_space<vmem>> -> memref<1x100xi32, #tpu.memory_space<vmem>>
      %dma_wait3A_498 = tpu.memref_squeeze %dma_wait3A_497 : memref<1x100xi32, #tpu.memory_space<vmem>> -> memref<100xi32, #tpu.memory_space<vmem>>
      %dma_wait3A_499 = arith.constant 0 : i32
      %dma_wait3A_500 = arith.constant 0 : i32
      %dma_wait3A_501 = tpu.memref_slice %arg21[%dma_wait3A_499, %dma_wait3A_500] : memref<10240x16xf32, #tpu.memory_space<vmem_shared>> -> memref<10240x16xf32, #tpu.memory_space<vmem_shared>>
      %dma_wait3A_502 = tpu.memref_slice %arg14[%dma_wait3A_491] : memref<10x!tpu.dma_semaphore, #tpu.memory_space<semaphore_mem>> -> memref<1x!tpu.dma_semaphore, #tpu.memory_space<semaphore_mem>>
      %dma_wait3A_503 = tpu.memref_squeeze %dma_wait3A_502 : memref<1x!tpu.dma_semaphore, #tpu.memory_space<semaphore_mem>> -> memref<!tpu.dma_semaphore, #tpu.memory_space<semaphore_mem>>
      tpu.wait_indirect_dma semaphore(%dma_wait3A_503 : memref<!tpu.dma_semaphore, #tpu.memory_space<semaphore_mem>>) src(%dma_wait3A_501 : memref<10240x16xf32, #tpu.memory_space<vmem_shared>>) dst(%dma_wait3A_495 : memref<100x16xf32, #tpu.memory_space<vmem>>)
      %dma_start3A_504 = arith.constant 6 : i32
      %dma_start3A_505 = arith.constant 6 : i32
      %dma_start3A_506 = arith.constant 0 : i32
      %dma_start3A_507 = arith.constant 0 : i32
      %dma_start3A_508 = tpu.memref_slice %arg11[%dma_start3A_504, %dma_start3A_506, %dma_start3A_507] : memref<10x100x16xf32, #tpu.memory_space<vmem>> -> memref<1x100x16xf32, #tpu.memory_space<vmem>>
      %dma_start3A_509 = tpu.memref_squeeze %dma_start3A_508 : memref<1x100x16xf32, #tpu.memory_space<vmem>> -> memref<100x16xf32, #tpu.memory_space<vmem>>
      %dma_start3A_510 = arith.constant 0 : i32
      %dma_start3A_511 = tpu.memref_slice %arg10[%add3A_489, %dma_start3A_510] : memref<100x100xi32, #tpu.memory_space<vmem>> -> memref<1x100xi32, #tpu.memory_space<vmem>>
      %dma_start3A_512 = tpu.memref_squeeze %dma_start3A_511 : memref<1x100xi32, #tpu.memory_space<vmem>> -> memref<100xi32, #tpu.memory_space<vmem>>
      %dma_start3A_513 = arith.constant 0 : i32
      %dma_start3A_514 = arith.constant 0 : i32
      %dma_start3A_515 = tpu.memref_slice %arg13[%dma_start3A_513, %dma_start3A_514] : memref<10240x16xf32, #tpu.memory_space<vmem_shared>> -> memref<10240x16xf32, #tpu.memory_space<vmem_shared>>
      %dma_start3A_516 = tpu.memref_slice %arg15[%dma_start3A_505] : memref<10x!tpu.dma_semaphore, #tpu.memory_space<semaphore_mem>> -> memref<1x!tpu.dma_semaphore, #tpu.memory_space<semaphore_mem>>
      %dma_start3A_517 = tpu.memref_squeeze %dma_start3A_516 : memref<1x!tpu.dma_semaphore, #tpu.memory_space<semaphore_mem>> -> memref<!tpu.dma_semaphore, #tpu.memory_space<semaphore_mem>>
      tpu.enqueue_indirect_dma source(%dma_start3A_509 : memref<100x16xf32, #tpu.memory_space<vmem>>) target(%dma_start3A_515 : memref<10240x16xf32, #tpu.memory_space<vmem_shared>>) offsets(%dma_start3A_512 : memref<100xi32, #tpu.memory_space<vmem>>) semaphore(%dma_start3A_517 : memref<!tpu.dma_semaphore, #tpu.memory_space<semaphore_mem>>) {add = true}
      %sub3A_518 = arith.constant 5 : i32
      %sub3A_519 = arith.subi %add3A_489, %sub3A_518 : i32
      %ge3A_520 = arith.constant 0 : i32
      %ge3A_521 = arith.cmpi sge, %sub3A_519, %ge3A_520 : i32
      %convert_element_type3A_522 = arith.extui %ge3A_521 : i1 to i32
      %cond3A_523 = arith.constant 0 : i32
      %cond3A_524 = arith.cmpi ne, %convert_element_type3A_522, %cond3A_523 : i32
      scf.if %cond3A_524 {
        %dma_wait3A_642 = arith.constant 1 : i32
        %dma_wait3A_643 = arith.constant 0 : i32
        %dma_wait3A_644 = arith.constant 1 : i32
        %dma_wait3A_645 = arith.constant 0 : i32
        %dma_wait3A_646 = arith.constant 0 : i32
        %dma_wait3A_647 = tpu.memref_slice %arg11[%dma_wait3A_642, %dma_wait3A_645, %dma_wait3A_646] : memref<10x100x16xf32, #tpu.memory_space<vmem>> -> memref<1x100x16xf32, #tpu.memory_space<vmem>>
        %dma_wait3A_648 = tpu.memref_squeeze %dma_wait3A_647 : memref<1x100x16xf32, #tpu.memory_space<vmem>> -> memref<100x16xf32, #tpu.memory_space<vmem>>
        %dma_wait3A_649 = arith.constant 0 : i32
        %dma_wait3A_650 = tpu.memref_slice %arg10[%dma_wait3A_643, %dma_wait3A_649] : memref<100x100xi32, #tpu.memory_space<vmem>> -> memref<1x100xi32, #tpu.memory_space<vmem>>
        %dma_wait3A_651 = tpu.memref_squeeze %dma_wait3A_650 : memref<1x100xi32, #tpu.memory_space<vmem>> -> memref<100xi32, #tpu.memory_space<vmem>>
        %dma_wait3A_652 = arith.constant 0 : i32
        %dma_wait3A_653 = arith.constant 0 : i32
        %dma_wait3A_654 = tpu.memref_slice %arg13[%dma_wait3A_652, %dma_wait3A_653] : memref<10240x16xf32, #tpu.memory_space<vmem_shared>> -> memref<10240x16xf32, #tpu.memory_space<vmem_shared>>
        %dma_wait3A_655 = tpu.memref_slice %arg15[%dma_wait3A_644] : memref<10x!tpu.dma_semaphore, #tpu.memory_space<semaphore_mem>> -> memref<1x!tpu.dma_semaphore, #tpu.memory_space<semaphore_mem>>
        %dma_wait3A_656 = tpu.memref_squeeze %dma_wait3A_655 : memref<1x!tpu.dma_semaphore, #tpu.memory_space<semaphore_mem>> -> memref<!tpu.dma_semaphore, #tpu.memory_space<semaphore_mem>>
        tpu.wait_indirect_dma semaphore(%dma_wait3A_656 : memref<!tpu.dma_semaphore, #tpu.memory_space<semaphore_mem>>) src(%dma_wait3A_648 : memref<100x16xf32, #tpu.memory_space<vmem>>) dst(%dma_wait3A_654 : memref<10240x16xf32, #tpu.memory_space<vmem_shared>>)
        %add3A_657 = arith.constant 10 : i32
        %add3A_658 = arith.addi %sub3A_519, %add3A_657 : i32
        %lt3A = arith.constant 100 : i32
        %lt3A_659 = arith.cmpi slt, %add3A_658, %lt3A : i32
        %convert_element_type3A_660 = arith.extui %lt3A_659 : i1 to i32
        %cond3A_661 = arith.constant 0 : i32
        %cond3A_662 = arith.cmpi ne, %convert_element_type3A_660, %cond3A_661 : i32
        scf.if %cond3A_662 {
          %dma_start3A_663 = arith.constant 1 : i32
          %dma_start3A_664 = arith.constant 1 : i32
          %dma_start3A_665 = arith.constant 0 : i32
          %dma_start3A_666 = arith.constant 0 : i32
          %dma_start3A_667 = tpu.memref_slice %arg11[%dma_start3A_663, %dma_start3A_665, %dma_start3A_666] : memref<10x100x16xf32, #tpu.memory_space<vmem>> -> memref<1x100x16xf32, #tpu.memory_space<vmem>>
          %dma_start3A_668 = tpu.memref_squeeze %dma_start3A_667 : memref<1x100x16xf32, #tpu.memory_space<vmem>> -> memref<100x16xf32, #tpu.memory_space<vmem>>
          %dma_start3A_669 = arith.constant 0 : i32
          %dma_start3A_670 = tpu.memref_slice %arg9[%add3A_658, %dma_start3A_669] : memref<100x100xi32, #tpu.memory_space<vmem>> -> memref<1x100xi32, #tpu.memory_space<vmem>>
          %dma_start3A_671 = tpu.memref_squeeze %dma_start3A_670 : memref<1x100xi32, #tpu.memory_space<vmem>> -> memref<100xi32, #tpu.memory_space<vmem>>
          %dma_start3A_672 = arith.constant 0 : i32
          %dma_start3A_673 = arith.constant 0 : i32
          %dma_start3A_674 = tpu.memref_slice %arg21[%dma_start3A_672, %dma_start3A_673] : memref<10240x16xf32, #tpu.memory_space<vmem_shared>> -> memref<10240x16xf32, #tpu.memory_space<vmem_shared>>
          %dma_start3A_675 = tpu.memref_slice %arg14[%dma_start3A_664] : memref<10x!tpu.dma_semaphore, #tpu.memory_space<semaphore_mem>> -> memref<1x!tpu.dma_semaphore, #tpu.memory_space<semaphore_mem>>
          %dma_start3A_676 = tpu.memref_squeeze %dma_start3A_675 : memref<1x!tpu.dma_semaphore, #tpu.memory_space<semaphore_mem>> -> memref<!tpu.dma_semaphore, #tpu.memory_space<semaphore_mem>>
          tpu.enqueue_indirect_dma source(%dma_start3A_674 : memref<10240x16xf32, #tpu.memory_space<vmem_shared>>) target(%dma_start3A_668 : memref<100x16xf32, #tpu.memory_space<vmem>>) offsets(%dma_start3A_671 : memref<100xi32, #tpu.memory_space<vmem>>) semaphore(%dma_start3A_676 : memref<!tpu.dma_semaphore, #tpu.memory_space<semaphore_mem>>)
        } else {
        }
      } else {
      }
      %mul3A_525 = arith.constant 10 : i32
      %mul3A_526 = arith.muli %scan3A_253, %mul3A_525 : i32
      %add3A_527 = arith.constant 7 : i32
      %add3A_528 = arith.addi %mul3A_526, %add3A_527 : i32
      %dma_wait3A_529 = arith.constant 7 : i32
      %dma_wait3A_530 = arith.constant 7 : i32
      %dma_wait3A_531 = arith.constant 0 : i32
      %dma_wait3A_532 = arith.constant 0 : i32
      %dma_wait3A_533 = tpu.memref_slice %arg11[%dma_wait3A_529, %dma_wait3A_531, %dma_wait3A_532] : memref<10x100x16xf32, #tpu.memory_space<vmem>> -> memref<1x100x16xf32, #tpu.memory_space<vmem>>
      %dma_wait3A_534 = tpu.memref_squeeze %dma_wait3A_533 : memref<1x100x16xf32, #tpu.memory_space<vmem>> -> memref<100x16xf32, #tpu.memory_space<vmem>>
      %dma_wait3A_535 = arith.constant 0 : i32
      %dma_wait3A_536 = tpu.memref_slice %arg9[%add3A_528, %dma_wait3A_535] : memref<100x100xi32, #tpu.memory_space<vmem>> -> memref<1x100xi32, #tpu.memory_space<vmem>>
      %dma_wait3A_537 = tpu.memref_squeeze %dma_wait3A_536 : memref<1x100xi32, #tpu.memory_space<vmem>> -> memref<100xi32, #tpu.memory_space<vmem>>
      %dma_wait3A_538 = arith.constant 0 : i32
      %dma_wait3A_539 = arith.constant 0 : i32
      %dma_wait3A_540 = tpu.memref_slice %arg21[%dma_wait3A_538, %dma_wait3A_539] : memref<10240x16xf32, #tpu.memory_space<vmem_shared>> -> memref<10240x16xf32, #tpu.memory_space<vmem_shared>>
      %dma_wait3A_541 = tpu.memref_slice %arg14[%dma_wait3A_530] : memref<10x!tpu.dma_semaphore, #tpu.memory_space<semaphore_mem>> -> memref<1x!tpu.dma_semaphore, #tpu.memory_space<semaphore_mem>>
      %dma_wait3A_542 = tpu.memref_squeeze %dma_wait3A_541 : memref<1x!tpu.dma_semaphore, #tpu.memory_space<semaphore_mem>> -> memref<!tpu.dma_semaphore, #tpu.memory_space<semaphore_mem>>
      tpu.wait_indirect_dma semaphore(%dma_wait3A_542 : memref<!tpu.dma_semaphore, #tpu.memory_space<semaphore_mem>>) src(%dma_wait3A_540 : memref<10240x16xf32, #tpu.memory_space<vmem_shared>>) dst(%dma_wait3A_534 : memref<100x16xf32, #tpu.memory_space<vmem>>)
      %dma_start3A_543 = arith.constant 7 : i32
      %dma_start3A_544 = arith.constant 7 : i32
      %dma_start3A_545 = arith.constant 0 : i32
      %dma_start3A_546 = arith.constant 0 : i32
      %dma_start3A_547 = tpu.memref_slice %arg11[%dma_start3A_543, %dma_start3A_545, %dma_start3A_546] : memref<10x100x16xf32, #tpu.memory_space<vmem>> -> memref<1x100x16xf32, #tpu.memory_space<vmem>>
      %dma_start3A_548 = tpu.memref_squeeze %dma_start3A_547 : memref<1x100x16xf32, #tpu.memory_space<vmem>> -> memref<100x16xf32, #tpu.memory_space<vmem>>
      %dma_start3A_549 = arith.constant 0 : i32
      %dma_start3A_550 = tpu.memref_slice %arg10[%add3A_528, %dma_start3A_549] : memref<100x100xi32, #tpu.memory_space<vmem>> -> memref<1x100xi32, #tpu.memory_space<vmem>>
      %dma_start3A_551 = tpu.memref_squeeze %dma_start3A_550 : memref<1x100xi32, #tpu.memory_space<vmem>> -> memref<100xi32, #tpu.memory_space<vmem>>
      %dma_start3A_552 = arith.constant 0 : i32
      %dma_start3A_553 = arith.constant 0 : i32
      %dma_start3A_554 = tpu.memref_slice %arg13[%dma_start3A_552, %dma_start3A_553] : memref<10240x16xf32, #tpu.memory_space<vmem_shared>> -> memref<10240x16xf32, #tpu.memory_space<vmem_shared>>
      %dma_start3A_555 = tpu.memref_slice %arg15[%dma_start3A_544] : memref<10x!tpu.dma_semaphore, #tpu.memory_space<semaphore_mem>> -> memref<1x!tpu.dma_semaphore, #tpu.memory_space<semaphore_mem>>
      %dma_start3A_556 = tpu.memref_squeeze %dma_start3A_555 : memref<1x!tpu.dma_semaphore, #tpu.memory_space<semaphore_mem>> -> memref<!tpu.dma_semaphore, #tpu.memory_space<semaphore_mem>>
      tpu.enqueue_indirect_dma source(%dma_start3A_548 : memref<100x16xf32, #tpu.memory_space<vmem>>) target(%dma_start3A_554 : memref<10240x16xf32, #tpu.memory_space<vmem_shared>>) offsets(%dma_start3A_551 : memref<100xi32, #tpu.memory_space<vmem>>) semaphore(%dma_start3A_556 : memref<!tpu.dma_semaphore, #tpu.memory_space<semaphore_mem>>) {add = true}
      %sub3A_557 = arith.constant 5 : i32
      %sub3A_558 = arith.subi %add3A_528, %sub3A_557 : i32
      %ge3A_559 = arith.constant 0 : i32
      %ge3A_560 = arith.cmpi sge, %sub3A_558, %ge3A_559 : i32
      %convert_element_type3A_561 = arith.extui %ge3A_560 : i1 to i32
      %cond3A_562 = arith.constant 0 : i32
      %cond3A_563 = arith.cmpi ne, %convert_element_type3A_561, %cond3A_562 : i32
      scf.if %cond3A_563 {
        %dma_wait3A_642 = arith.constant 2 : i32
        %dma_wait3A_643 = arith.constant 0 : i32
        %dma_wait3A_644 = arith.constant 2 : i32
        %dma_wait3A_645 = arith.constant 0 : i32
        %dma_wait3A_646 = arith.constant 0 : i32
        %dma_wait3A_647 = tpu.memref_slice %arg11[%dma_wait3A_642, %dma_wait3A_645, %dma_wait3A_646] : memref<10x100x16xf32, #tpu.memory_space<vmem>> -> memref<1x100x16xf32, #tpu.memory_space<vmem>>
        %dma_wait3A_648 = tpu.memref_squeeze %dma_wait3A_647 : memref<1x100x16xf32, #tpu.memory_space<vmem>> -> memref<100x16xf32, #tpu.memory_space<vmem>>
        %dma_wait3A_649 = arith.constant 0 : i32
        %dma_wait3A_650 = tpu.memref_slice %arg10[%dma_wait3A_643, %dma_wait3A_649] : memref<100x100xi32, #tpu.memory_space<vmem>> -> memref<1x100xi32, #tpu.memory_space<vmem>>
        %dma_wait3A_651 = tpu.memref_squeeze %dma_wait3A_650 : memref<1x100xi32, #tpu.memory_space<vmem>> -> memref<100xi32, #tpu.memory_space<vmem>>
        %dma_wait3A_652 = arith.constant 0 : i32
        %dma_wait3A_653 = arith.constant 0 : i32
        %dma_wait3A_654 = tpu.memref_slice %arg13[%dma_wait3A_652, %dma_wait3A_653] : memref<10240x16xf32, #tpu.memory_space<vmem_shared>> -> memref<10240x16xf32, #tpu.memory_space<vmem_shared>>
        %dma_wait3A_655 = tpu.memref_slice %arg15[%dma_wait3A_644] : memref<10x!tpu.dma_semaphore, #tpu.memory_space<semaphore_mem>> -> memref<1x!tpu.dma_semaphore, #tpu.memory_space<semaphore_mem>>
        %dma_wait3A_656 = tpu.memref_squeeze %dma_wait3A_655 : memref<1x!tpu.dma_semaphore, #tpu.memory_space<semaphore_mem>> -> memref<!tpu.dma_semaphore, #tpu.memory_space<semaphore_mem>>
        tpu.wait_indirect_dma semaphore(%dma_wait3A_656 : memref<!tpu.dma_semaphore, #tpu.memory_space<semaphore_mem>>) src(%dma_wait3A_648 : memref<100x16xf32, #tpu.memory_space<vmem>>) dst(%dma_wait3A_654 : memref<10240x16xf32, #tpu.memory_space<vmem_shared>>)
        %add3A_657 = arith.constant 10 : i32
        %add3A_658 = arith.addi %sub3A_558, %add3A_657 : i32
        %lt3A = arith.constant 100 : i32
        %lt3A_659 = arith.cmpi slt, %add3A_658, %lt3A : i32
        %convert_element_type3A_660 = arith.extui %lt3A_659 : i1 to i32
        %cond3A_661 = arith.constant 0 : i32
        %cond3A_662 = arith.cmpi ne, %convert_element_type3A_660, %cond3A_661 : i32
        scf.if %cond3A_662 {
          %dma_start3A_663 = arith.constant 2 : i32
          %dma_start3A_664 = arith.constant 2 : i32
          %dma_start3A_665 = arith.constant 0 : i32
          %dma_start3A_666 = arith.constant 0 : i32
          %dma_start3A_667 = tpu.memref_slice %arg11[%dma_start3A_663, %dma_start3A_665, %dma_start3A_666] : memref<10x100x16xf32, #tpu.memory_space<vmem>> -> memref<1x100x16xf32, #tpu.memory_space<vmem>>
          %dma_start3A_668 = tpu.memref_squeeze %dma_start3A_667 : memref<1x100x16xf32, #tpu.memory_space<vmem>> -> memref<100x16xf32, #tpu.memory_space<vmem>>
          %dma_start3A_669 = arith.constant 0 : i32
          %dma_start3A_670 = tpu.memref_slice %arg9[%add3A_658, %dma_start3A_669] : memref<100x100xi32, #tpu.memory_space<vmem>> -> memref<1x100xi32, #tpu.memory_space<vmem>>
          %dma_start3A_671 = tpu.memref_squeeze %dma_start3A_670 : memref<1x100xi32, #tpu.memory_space<vmem>> -> memref<100xi32, #tpu.memory_space<vmem>>
          %dma_start3A_672 = arith.constant 0 : i32
          %dma_start3A_673 = arith.constant 0 : i32
          %dma_start3A_674 = tpu.memref_slice %arg21[%dma_start3A_672, %dma_start3A_673] : memref<10240x16xf32, #tpu.memory_space<vmem_shared>> -> memref<10240x16xf32, #tpu.memory_space<vmem_shared>>
          %dma_start3A_675 = tpu.memref_slice %arg14[%dma_start3A_664] : memref<10x!tpu.dma_semaphore, #tpu.memory_space<semaphore_mem>> -> memref<1x!tpu.dma_semaphore, #tpu.memory_space<semaphore_mem>>
          %dma_start3A_676 = tpu.memref_squeeze %dma_start3A_675 : memref<1x!tpu.dma_semaphore, #tpu.memory_space<semaphore_mem>> -> memref<!tpu.dma_semaphore, #tpu.memory_space<semaphore_mem>>
          tpu.enqueue_indirect_dma source(%dma_start3A_674 : memref<10240x16xf32, #tpu.memory_space<vmem_shared>>) target(%dma_start3A_668 : memref<100x16xf32, #tpu.memory_space<vmem>>) offsets(%dma_start3A_671 : memref<100xi32, #tpu.memory_space<vmem>>) semaphore(%dma_start3A_676 : memref<!tpu.dma_semaphore, #tpu.memory_space<semaphore_mem>>)
        } else {
        }
      } else {
      }
      %mul3A_564 = arith.constant 10 : i32
      %mul3A_565 = arith.muli %scan3A_253, %mul3A_564 : i32
      %add3A_566 = arith.constant 8 : i32
      %add3A_567 = arith.addi %mul3A_565, %add3A_566 : i32
      %dma_wait3A_568 = arith.constant 8 : i32
      %dma_wait3A_569 = arith.constant 8 : i32
      %dma_wait3A_570 = arith.constant 0 : i32
      %dma_wait3A_571 = arith.constant 0 : i32
      %dma_wait3A_572 = tpu.memref_slice %arg11[%dma_wait3A_568, %dma_wait3A_570, %dma_wait3A_571] : memref<10x100x16xf32, #tpu.memory_space<vmem>> -> memref<1x100x16xf32, #tpu.memory_space<vmem>>
      %dma_wait3A_573 = tpu.memref_squeeze %dma_wait3A_572 : memref<1x100x16xf32, #tpu.memory_space<vmem>> -> memref<100x16xf32, #tpu.memory_space<vmem>>
      %dma_wait3A_574 = arith.constant 0 : i32
      %dma_wait3A_575 = tpu.memref_slice %arg9[%add3A_567, %dma_wait3A_574] : memref<100x100xi32, #tpu.memory_space<vmem>> -> memref<1x100xi32, #tpu.memory_space<vmem>>
      %dma_wait3A_576 = tpu.memref_squeeze %dma_wait3A_575 : memref<1x100xi32, #tpu.memory_space<vmem>> -> memref<100xi32, #tpu.memory_space<vmem>>
      %dma_wait3A_577 = arith.constant 0 : i32
      %dma_wait3A_578 = arith.constant 0 : i32
      %dma_wait3A_579 = tpu.memref_slice %arg21[%dma_wait3A_577, %dma_wait3A_578] : memref<10240x16xf32, #tpu.memory_space<vmem_shared>> -> memref<10240x16xf32, #tpu.memory_space<vmem_shared>>
      %dma_wait3A_580 = tpu.memref_slice %arg14[%dma_wait3A_569] : memref<10x!tpu.dma_semaphore, #tpu.memory_space<semaphore_mem>> -> memref<1x!tpu.dma_semaphore, #tpu.memory_space<semaphore_mem>>
      %dma_wait3A_581 = tpu.memref_squeeze %dma_wait3A_580 : memref<1x!tpu.dma_semaphore, #tpu.memory_space<semaphore_mem>> -> memref<!tpu.dma_semaphore, #tpu.memory_space<semaphore_mem>>
      tpu.wait_indirect_dma semaphore(%dma_wait3A_581 : memref<!tpu.dma_semaphore, #tpu.memory_space<semaphore_mem>>) src(%dma_wait3A_579 : memref<10240x16xf32, #tpu.memory_space<vmem_shared>>) dst(%dma_wait3A_573 : memref<100x16xf32, #tpu.memory_space<vmem>>)
      %dma_start3A_582 = arith.constant 8 : i32
      %dma_start3A_583 = arith.constant 8 : i32
      %dma_start3A_584 = arith.constant 0 : i32
      %dma_start3A_585 = arith.constant 0 : i32
      %dma_start3A_586 = tpu.memref_slice %arg11[%dma_start3A_582, %dma_start3A_584, %dma_start3A_585] : memref<10x100x16xf32, #tpu.memory_space<vmem>> -> memref<1x100x16xf32, #tpu.memory_space<vmem>>
      %dma_start3A_587 = tpu.memref_squeeze %dma_start3A_586 : memref<1x100x16xf32, #tpu.memory_space<vmem>> -> memref<100x16xf32, #tpu.memory_space<vmem>>
      %dma_start3A_588 = arith.constant 0 : i32
      %dma_start3A_589 = tpu.memref_slice %arg10[%add3A_567, %dma_start3A_588] : memref<100x100xi32, #tpu.memory_space<vmem>> -> memref<1x100xi32, #tpu.memory_space<vmem>>
      %dma_start3A_590 = tpu.memref_squeeze %dma_start3A_589 : memref<1x100xi32, #tpu.memory_space<vmem>> -> memref<100xi32, #tpu.memory_space<vmem>>
      %dma_start3A_591 = arith.constant 0 : i32
      %dma_start3A_592 = arith.constant 0 : i32
      %dma_start3A_593 = tpu.memref_slice %arg13[%dma_start3A_591, %dma_start3A_592] : memref<10240x16xf32, #tpu.memory_space<vmem_shared>> -> memref<10240x16xf32, #tpu.memory_space<vmem_shared>>
      %dma_start3A_594 = tpu.memref_slice %arg15[%dma_start3A_583] : memref<10x!tpu.dma_semaphore, #tpu.memory_space<semaphore_mem>> -> memref<1x!tpu.dma_semaphore, #tpu.memory_space<semaphore_mem>>
      %dma_start3A_595 = tpu.memref_squeeze %dma_start3A_594 : memref<1x!tpu.dma_semaphore, #tpu.memory_space<semaphore_mem>> -> memref<!tpu.dma_semaphore, #tpu.memory_space<semaphore_mem>>
      tpu.enqueue_indirect_dma source(%dma_start3A_587 : memref<100x16xf32, #tpu.memory_space<vmem>>) target(%dma_start3A_593 : memref<10240x16xf32, #tpu.memory_space<vmem_shared>>) offsets(%dma_start3A_590 : memref<100xi32, #tpu.memory_space<vmem>>) semaphore(%dma_start3A_595 : memref<!tpu.dma_semaphore, #tpu.memory_space<semaphore_mem>>) {add = true}
      %sub3A_596 = arith.constant 5 : i32
      %sub3A_597 = arith.subi %add3A_567, %sub3A_596 : i32
      %ge3A_598 = arith.constant 0 : i32
      %ge3A_599 = arith.cmpi sge, %sub3A_597, %ge3A_598 : i32
      %convert_element_type3A_600 = arith.extui %ge3A_599 : i1 to i32
      %cond3A_601 = arith.constant 0 : i32
      %cond3A_602 = arith.cmpi ne, %convert_element_type3A_600, %cond3A_601 : i32
      scf.if %cond3A_602 {
        %dma_wait3A_642 = arith.constant 3 : i32
        %dma_wait3A_643 = arith.constant 0 : i32
        %dma_wait3A_644 = arith.constant 3 : i32
        %dma_wait3A_645 = arith.constant 0 : i32
        %dma_wait3A_646 = arith.constant 0 : i32
        %dma_wait3A_647 = tpu.memref_slice %arg11[%dma_wait3A_642, %dma_wait3A_645, %dma_wait3A_646] : memref<10x100x16xf32, #tpu.memory_space<vmem>> -> memref<1x100x16xf32, #tpu.memory_space<vmem>>
        %dma_wait3A_648 = tpu.memref_squeeze %dma_wait3A_647 : memref<1x100x16xf32, #tpu.memory_space<vmem>> -> memref<100x16xf32, #tpu.memory_space<vmem>>
        %dma_wait3A_649 = arith.constant 0 : i32
        %dma_wait3A_650 = tpu.memref_slice %arg10[%dma_wait3A_643, %dma_wait3A_649] : memref<100x100xi32, #tpu.memory_space<vmem>> -> memref<1x100xi32, #tpu.memory_space<vmem>>
        %dma_wait3A_651 = tpu.memref_squeeze %dma_wait3A_650 : memref<1x100xi32, #tpu.memory_space<vmem>> -> memref<100xi32, #tpu.memory_space<vmem>>
        %dma_wait3A_652 = arith.constant 0 : i32
        %dma_wait3A_653 = arith.constant 0 : i32
        %dma_wait3A_654 = tpu.memref_slice %arg13[%dma_wait3A_652, %dma_wait3A_653] : memref<10240x16xf32, #tpu.memory_space<vmem_shared>> -> memref<10240x16xf32, #tpu.memory_space<vmem_shared>>
        %dma_wait3A_655 = tpu.memref_slice %arg15[%dma_wait3A_644] : memref<10x!tpu.dma_semaphore, #tpu.memory_space<semaphore_mem>> -> memref<1x!tpu.dma_semaphore, #tpu.memory_space<semaphore_mem>>
        %dma_wait3A_656 = tpu.memref_squeeze %dma_wait3A_655 : memref<1x!tpu.dma_semaphore, #tpu.memory_space<semaphore_mem>> -> memref<!tpu.dma_semaphore, #tpu.memory_space<semaphore_mem>>
        tpu.wait_indirect_dma semaphore(%dma_wait3A_656 : memref<!tpu.dma_semaphore, #tpu.memory_space<semaphore_mem>>) src(%dma_wait3A_648 : memref<100x16xf32, #tpu.memory_space<vmem>>) dst(%dma_wait3A_654 : memref<10240x16xf32, #tpu.memory_space<vmem_shared>>)
        %add3A_657 = arith.constant 10 : i32
        %add3A_658 = arith.addi %sub3A_597, %add3A_657 : i32
        %lt3A = arith.constant 100 : i32
        %lt3A_659 = arith.cmpi slt, %add3A_658, %lt3A : i32
        %convert_element_type3A_660 = arith.extui %lt3A_659 : i1 to i32
        %cond3A_661 = arith.constant 0 : i32
        %cond3A_662 = arith.cmpi ne, %convert_element_type3A_660, %cond3A_661 : i32
        scf.if %cond3A_662 {
          %dma_start3A_663 = arith.constant 3 : i32
          %dma_start3A_664 = arith.constant 3 : i32
          %dma_start3A_665 = arith.constant 0 : i32
          %dma_start3A_666 = arith.constant 0 : i32
          %dma_start3A_667 = tpu.memref_slice %arg11[%dma_start3A_663, %dma_start3A_665, %dma_start3A_666] : memref<10x100x16xf32, #tpu.memory_space<vmem>> -> memref<1x100x16xf32, #tpu.memory_space<vmem>>
          %dma_start3A_668 = tpu.memref_squeeze %dma_start3A_667 : memref<1x100x16xf32, #tpu.memory_space<vmem>> -> memref<100x16xf32, #tpu.memory_space<vmem>>
          %dma_start3A_669 = arith.constant 0 : i32
          %dma_start3A_670 = tpu.memref_slice %arg9[%add3A_658, %dma_start3A_669] : memref<100x100xi32, #tpu.memory_space<vmem>> -> memref<1x100xi32, #tpu.memory_space<vmem>>
          %dma_start3A_671 = tpu.memref_squeeze %dma_start3A_670 : memref<1x100xi32, #tpu.memory_space<vmem>> -> memref<100xi32, #tpu.memory_space<vmem>>
          %dma_start3A_672 = arith.constant 0 : i32
          %dma_start3A_673 = arith.constant 0 : i32
          %dma_start3A_674 = tpu.memref_slice %arg21[%dma_start3A_672, %dma_start3A_673] : memref<10240x16xf32, #tpu.memory_space<vmem_shared>> -> memref<10240x16xf32, #tpu.memory_space<vmem_shared>>
          %dma_start3A_675 = tpu.memref_slice %arg14[%dma_start3A_664] : memref<10x!tpu.dma_semaphore, #tpu.memory_space<semaphore_mem>> -> memref<1x!tpu.dma_semaphore, #tpu.memory_space<semaphore_mem>>
          %dma_start3A_676 = tpu.memref_squeeze %dma_start3A_675 : memref<1x!tpu.dma_semaphore, #tpu.memory_space<semaphore_mem>> -> memref<!tpu.dma_semaphore, #tpu.memory_space<semaphore_mem>>
          tpu.enqueue_indirect_dma source(%dma_start3A_674 : memref<10240x16xf32, #tpu.memory_space<vmem_shared>>) target(%dma_start3A_668 : memref<100x16xf32, #tpu.memory_space<vmem>>) offsets(%dma_start3A_671 : memref<100xi32, #tpu.memory_space<vmem>>) semaphore(%dma_start3A_676 : memref<!tpu.dma_semaphore, #tpu.memory_space<semaphore_mem>>)
        } else {
        }
      } else {
      }
      %mul3A_603 = arith.constant 10 : i32
      %mul3A_604 = arith.muli %scan3A_253, %mul3A_603 : i32
      %add3A_605 = arith.constant 9 : i32
      %add3A_606 = arith.addi %mul3A_604, %add3A_605 : i32
      %dma_wait3A_607 = arith.constant 9 : i32
      %dma_wait3A_608 = arith.constant 9 : i32
      %dma_wait3A_609 = arith.constant 0 : i32
      %dma_wait3A_610 = arith.constant 0 : i32
      %dma_wait3A_611 = tpu.memref_slice %arg11[%dma_wait3A_607, %dma_wait3A_609, %dma_wait3A_610] : memref<10x100x16xf32, #tpu.memory_space<vmem>> -> memref<1x100x16xf32, #tpu.memory_space<vmem>>
      %dma_wait3A_612 = tpu.memref_squeeze %dma_wait3A_611 : memref<1x100x16xf32, #tpu.memory_space<vmem>> -> memref<100x16xf32, #tpu.memory_space<vmem>>
      %dma_wait3A_613 = arith.constant 0 : i32
      %dma_wait3A_614 = tpu.memref_slice %arg9[%add3A_606, %dma_wait3A_613] : memref<100x100xi32, #tpu.memory_space<vmem>> -> memref<1x100xi32, #tpu.memory_space<vmem>>
      %dma_wait3A_615 = tpu.memref_squeeze %dma_wait3A_614 : memref<1x100xi32, #tpu.memory_space<vmem>> -> memref<100xi32, #tpu.memory_space<vmem>>
      %dma_wait3A_616 = arith.constant 0 : i32
      %dma_wait3A_617 = arith.constant 0 : i32
      %dma_wait3A_618 = tpu.memref_slice %arg21[%dma_wait3A_616, %dma_wait3A_617] : memref<10240x16xf32, #tpu.memory_space<vmem_shared>> -> memref<10240x16xf32, #tpu.memory_space<vmem_shared>>
      %dma_wait3A_619 = tpu.memref_slice %arg14[%dma_wait3A_608] : memref<10x!tpu.dma_semaphore, #tpu.memory_space<semaphore_mem>> -> memref<1x!tpu.dma_semaphore, #tpu.memory_space<semaphore_mem>>
      %dma_wait3A_620 = tpu.memref_squeeze %dma_wait3A_619 : memref<1x!tpu.dma_semaphore, #tpu.memory_space<semaphore_mem>> -> memref<!tpu.dma_semaphore, #tpu.memory_space<semaphore_mem>>
      tpu.wait_indirect_dma semaphore(%dma_wait3A_620 : memref<!tpu.dma_semaphore, #tpu.memory_space<semaphore_mem>>) src(%dma_wait3A_618 : memref<10240x16xf32, #tpu.memory_space<vmem_shared>>) dst(%dma_wait3A_612 : memref<100x16xf32, #tpu.memory_space<vmem>>)
      %dma_start3A_621 = arith.constant 9 : i32
      %dma_start3A_622 = arith.constant 9 : i32
      %dma_start3A_623 = arith.constant 0 : i32
      %dma_start3A_624 = arith.constant 0 : i32
      %dma_start3A_625 = tpu.memref_slice %arg11[%dma_start3A_621, %dma_start3A_623, %dma_start3A_624] : memref<10x100x16xf32, #tpu.memory_space<vmem>> -> memref<1x100x16xf32, #tpu.memory_space<vmem>>
      %dma_start3A_626 = tpu.memref_squeeze %dma_start3A_625 : memref<1x100x16xf32, #tpu.memory_space<vmem>> -> memref<100x16xf32, #tpu.memory_space<vmem>>
      %dma_start3A_627 = arith.constant 0 : i32
      %dma_start3A_628 = tpu.memref_slice %arg10[%add3A_606, %dma_start3A_627] : memref<100x100xi32, #tpu.memory_space<vmem>> -> memref<1x100xi32, #tpu.memory_space<vmem>>
      %dma_start3A_629 = tpu.memref_squeeze %dma_start3A_628 : memref<1x100xi32, #tpu.memory_space<vmem>> -> memref<100xi32, #tpu.memory_space<vmem>>
      %dma_start3A_630 = arith.constant 0 : i32
      %dma_start3A_631 = arith.constant 0 : i32
      %dma_start3A_632 = tpu.memref_slice %arg13[%dma_start3A_630, %dma_start3A_631] : memref<10240x16xf32, #tpu.memory_space<vmem_shared>> -> memref<10240x16xf32, #tpu.memory_space<vmem_shared>>
      %dma_start3A_633 = tpu.memref_slice %arg15[%dma_start3A_622] : memref<10x!tpu.dma_semaphore, #tpu.memory_space<semaphore_mem>> -> memref<1x!tpu.dma_semaphore, #tpu.memory_space<semaphore_mem>>
      %dma_start3A_634 = tpu.memref_squeeze %dma_start3A_633 : memref<1x!tpu.dma_semaphore, #tpu.memory_space<semaphore_mem>> -> memref<!tpu.dma_semaphore, #tpu.memory_space<semaphore_mem>>
      tpu.enqueue_indirect_dma source(%dma_start3A_626 : memref<100x16xf32, #tpu.memory_space<vmem>>) target(%dma_start3A_632 : memref<10240x16xf32, #tpu.memory_space<vmem_shared>>) offsets(%dma_start3A_629 : memref<100xi32, #tpu.memory_space<vmem>>) semaphore(%dma_start3A_634 : memref<!tpu.dma_semaphore, #tpu.memory_space<semaphore_mem>>) {add = true}
      %sub3A_635 = arith.constant 5 : i32
      %sub3A_636 = arith.subi %add3A_606, %sub3A_635 : i32
      %ge3A_637 = arith.constant 0 : i32
      %ge3A_638 = arith.cmpi sge, %sub3A_636, %ge3A_637 : i32
      %convert_element_type3A_639 = arith.extui %ge3A_638 : i1 to i32
      %cond3A_640 = arith.constant 0 : i32
      %cond3A_641 = arith.cmpi ne, %convert_element_type3A_639, %cond3A_640 : i32
      scf.if %cond3A_641 {
        %dma_wait3A_642 = arith.constant 4 : i32
        %dma_wait3A_643 = arith.constant 0 : i32
        %dma_wait3A_644 = arith.constant 4 : i32
        %dma_wait3A_645 = arith.constant 0 : i32
        %dma_wait3A_646 = arith.constant 0 : i32
        %dma_wait3A_647 = tpu.memref_slice %arg11[%dma_wait3A_642, %dma_wait3A_645, %dma_wait3A_646] : memref<10x100x16xf32, #tpu.memory_space<vmem>> -> memref<1x100x16xf32, #tpu.memory_space<vmem>>
        %dma_wait3A_648 = tpu.memref_squeeze %dma_wait3A_647 : memref<1x100x16xf32, #tpu.memory_space<vmem>> -> memref<100x16xf32, #tpu.memory_space<vmem>>
        %dma_wait3A_649 = arith.constant 0 : i32
        %dma_wait3A_650 = tpu.memref_slice %arg10[%dma_wait3A_643, %dma_wait3A_649] : memref<100x100xi32, #tpu.memory_space<vmem>> -> memref<1x100xi32, #tpu.memory_space<vmem>>
        %dma_wait3A_651 = tpu.memref_squeeze %dma_wait3A_650 : memref<1x100xi32, #tpu.memory_space<vmem>> -> memref<100xi32, #tpu.memory_space<vmem>>
        %dma_wait3A_652 = arith.constant 0 : i32
        %dma_wait3A_653 = arith.constant 0 : i32
        %dma_wait3A_654 = tpu.memref_slice %arg13[%dma_wait3A_652, %dma_wait3A_653] : memref<10240x16xf32, #tpu.memory_space<vmem_shared>> -> memref<10240x16xf32, #tpu.memory_space<vmem_shared>>
        %dma_wait3A_655 = tpu.memref_slice %arg15[%dma_wait3A_644] : memref<10x!tpu.dma_semaphore, #tpu.memory_space<semaphore_mem>> -> memref<1x!tpu.dma_semaphore, #tpu.memory_space<semaphore_mem>>
        %dma_wait3A_656 = tpu.memref_squeeze %dma_wait3A_655 : memref<1x!tpu.dma_semaphore, #tpu.memory_space<semaphore_mem>> -> memref<!tpu.dma_semaphore, #tpu.memory_space<semaphore_mem>>
        tpu.wait_indirect_dma semaphore(%dma_wait3A_656 : memref<!tpu.dma_semaphore, #tpu.memory_space<semaphore_mem>>) src(%dma_wait3A_648 : memref<100x16xf32, #tpu.memory_space<vmem>>) dst(%dma_wait3A_654 : memref<10240x16xf32, #tpu.memory_space<vmem_shared>>)
        %add3A_657 = arith.constant 10 : i32
        %add3A_658 = arith.addi %sub3A_636, %add3A_657 : i32
        %lt3A = arith.constant 100 : i32
        %lt3A_659 = arith.cmpi slt, %add3A_658, %lt3A : i32
        %convert_element_type3A_660 = arith.extui %lt3A_659 : i1 to i32
        %cond3A_661 = arith.constant 0 : i32
        %cond3A_662 = arith.cmpi ne, %convert_element_type3A_660, %cond3A_661 : i32
        scf.if %cond3A_662 {
          %dma_start3A_663 = arith.constant 4 : i32
          %dma_start3A_664 = arith.constant 4 : i32
          %dma_start3A_665 = arith.constant 0 : i32
          %dma_start3A_666 = arith.constant 0 : i32
          %dma_start3A_667 = tpu.memref_slice %arg11[%dma_start3A_663, %dma_start3A_665, %dma_start3A_666] : memref<10x100x16xf32, #tpu.memory_space<vmem>> -> memref<1x100x16xf32, #tpu.memory_space<vmem>>
          %dma_start3A_668 = tpu.memref_squeeze %dma_start3A_667 : memref<1x100x16xf32, #tpu.memory_space<vmem>> -> memref<100x16xf32, #tpu.memory_space<vmem>>
          %dma_start3A_669 = arith.constant 0 : i32
          %dma_start3A_670 = tpu.memref_slice %arg9[%add3A_658, %dma_start3A_669] : memref<100x100xi32, #tpu.memory_space<vmem>> -> memref<1x100xi32, #tpu.memory_space<vmem>>
          %dma_start3A_671 = tpu.memref_squeeze %dma_start3A_670 : memref<1x100xi32, #tpu.memory_space<vmem>> -> memref<100xi32, #tpu.memory_space<vmem>>
          %dma_start3A_672 = arith.constant 0 : i32
          %dma_start3A_673 = arith.constant 0 : i32
          %dma_start3A_674 = tpu.memref_slice %arg21[%dma_start3A_672, %dma_start3A_673] : memref<10240x16xf32, #tpu.memory_space<vmem_shared>> -> memref<10240x16xf32, #tpu.memory_space<vmem_shared>>
          %dma_start3A_675 = tpu.memref_slice %arg14[%dma_start3A_664] : memref<10x!tpu.dma_semaphore, #tpu.memory_space<semaphore_mem>> -> memref<1x!tpu.dma_semaphore, #tpu.memory_space<semaphore_mem>>
          %dma_start3A_676 = tpu.memref_squeeze %dma_start3A_675 : memref<1x!tpu.dma_semaphore, #tpu.memory_space<semaphore_mem>> -> memref<!tpu.dma_semaphore, #tpu.memory_space<semaphore_mem>>
          tpu.enqueue_indirect_dma source(%dma_start3A_674 : memref<10240x16xf32, #tpu.memory_space<vmem_shared>>) target(%dma_start3A_668 : memref<100x16xf32, #tpu.memory_space<vmem>>) offsets(%dma_start3A_671 : memref<100xi32, #tpu.memory_space<vmem>>) semaphore(%dma_start3A_676 : memref<!tpu.dma_semaphore, #tpu.memory_space<semaphore_mem>>)
        } else {
        }
      } else {
      }
    }
    %scan3A_177 = arith.constant 10 : i32
    %dma_wait3A = arith.constant 5 : i32
    %dma_wait3A_178 = arith.constant 0 : i32
    %dma_wait3A_179 = arith.constant 5 : i32
    %dma_wait3A_180 = arith.constant 0 : i32
    %dma_wait3A_181 = arith.constant 0 : i32
    %dma_wait3A_182 = tpu.memref_slice %arg11[%dma_wait3A, %dma_wait3A_180, %dma_wait3A_181] : memref<10x100x16xf32, #tpu.memory_space<vmem>> -> memref<1x100x16xf32, #tpu.memory_space<vmem>>
    %dma_wait3A_183 = tpu.memref_squeeze %dma_wait3A_182 : memref<1x100x16xf32, #tpu.memory_space<vmem>> -> memref<100x16xf32, #tpu.memory_space<vmem>>
    %dma_wait3A_184 = arith.constant 0 : i32
    %dma_wait3A_185 = tpu.memref_slice %arg10[%dma_wait3A_178, %dma_wait3A_184] : memref<100x100xi32, #tpu.memory_space<vmem>> -> memref<1x100xi32, #tpu.memory_space<vmem>>
    %dma_wait3A_186 = tpu.memref_squeeze %dma_wait3A_185 : memref<1x100xi32, #tpu.memory_space<vmem>> -> memref<100xi32, #tpu.memory_space<vmem>>
    %dma_wait3A_187 = arith.constant 0 : i32
    %dma_wait3A_188 = arith.constant 0 : i32
    %dma_wait3A_189 = tpu.memref_slice %arg13[%dma_wait3A_187, %dma_wait3A_188] : memref<10240x16xf32, #tpu.memory_space<vmem_shared>> -> memref<10240x16xf32, #tpu.memory_space<vmem_shared>>
    %dma_wait3A_190 = tpu.memref_slice %arg15[%dma_wait3A_179] : memref<10x!tpu.dma_semaphore, #tpu.memory_space<semaphore_mem>> -> memref<1x!tpu.dma_semaphore, #tpu.memory_space<semaphore_mem>>
    %dma_wait3A_191 = tpu.memref_squeeze %dma_wait3A_190 : memref<1x!tpu.dma_semaphore, #tpu.memory_space<semaphore_mem>> -> memref<!tpu.dma_semaphore, #tpu.memory_space<semaphore_mem>>
    tpu.wait_indirect_dma semaphore(%dma_wait3A_191 : memref<!tpu.dma_semaphore, #tpu.memory_space<semaphore_mem>>) src(%dma_wait3A_183 : memref<100x16xf32, #tpu.memory_space<vmem>>) dst(%dma_wait3A_189 : memref<10240x16xf32, #tpu.memory_space<vmem_shared>>)
    %dma_wait3A_192 = arith.constant 6 : i32
    %dma_wait3A_193 = arith.constant 0 : i32
    %dma_wait3A_194 = arith.constant 6 : i32
    %dma_wait3A_195 = arith.constant 0 : i32
    %dma_wait3A_196 = arith.constant 0 : i32
    %dma_wait3A_197 = tpu.memref_slice %arg11[%dma_wait3A_192, %dma_wait3A_195, %dma_wait3A_196] : memref<10x100x16xf32, #tpu.memory_space<vmem>> -> memref<1x100x16xf32, #tpu.memory_space<vmem>>
    %dma_wait3A_198 = tpu.memref_squeeze %dma_wait3A_197 : memref<1x100x16xf32, #tpu.memory_space<vmem>> -> memref<100x16xf32, #tpu.memory_space<vmem>>
    %dma_wait3A_199 = arith.constant 0 : i32
    %dma_wait3A_200 = tpu.memref_slice %arg10[%dma_wait3A_193, %dma_wait3A_199] : memref<100x100xi32, #tpu.memory_space<vmem>> -> memref<1x100xi32, #tpu.memory_space<vmem>>
    %dma_wait3A_201 = tpu.memref_squeeze %dma_wait3A_200 : memref<1x100xi32, #tpu.memory_space<vmem>> -> memref<100xi32, #tpu.memory_space<vmem>>
    %dma_wait3A_202 = arith.constant 0 : i32
    %dma_wait3A_203 = arith.constant 0 : i32
    %dma_wait3A_204 = tpu.memref_slice %arg13[%dma_wait3A_202, %dma_wait3A_203] : memref<10240x16xf32, #tpu.memory_space<vmem_shared>> -> memref<10240x16xf32, #tpu.memory_space<vmem_shared>>
    %dma_wait3A_205 = tpu.memref_slice %arg15[%dma_wait3A_194] : memref<10x!tpu.dma_semaphore, #tpu.memory_space<semaphore_mem>> -> memref<1x!tpu.dma_semaphore, #tpu.memory_space<semaphore_mem>>
    %dma_wait3A_206 = tpu.memref_squeeze %dma_wait3A_205 : memref<1x!tpu.dma_semaphore, #tpu.memory_space<semaphore_mem>> -> memref<!tpu.dma_semaphore, #tpu.memory_space<semaphore_mem>>
    tpu.wait_indirect_dma semaphore(%dma_wait3A_206 : memref<!tpu.dma_semaphore, #tpu.memory_space<semaphore_mem>>) src(%dma_wait3A_198 : memref<100x16xf32, #tpu.memory_space<vmem>>) dst(%dma_wait3A_204 : memref<10240x16xf32, #tpu.memory_space<vmem_shared>>)
    %dma_wait3A_207 = arith.constant 7 : i32
    %dma_wait3A_208 = arith.constant 0 : i32
    %dma_wait3A_209 = arith.constant 7 : i32
    %dma_wait3A_210 = arith.constant 0 : i32
    %dma_wait3A_211 = arith.constant 0 : i32
    %dma_wait3A_212 = tpu.memref_slice %arg11[%dma_wait3A_207, %dma_wait3A_210, %dma_wait3A_211] : memref<10x100x16xf32, #tpu.memory_space<vmem>> -> memref<1x100x16xf32, #tpu.memory_space<vmem>>
    %dma_wait3A_213 = tpu.memref_squeeze %dma_wait3A_212 : memref<1x100x16xf32, #tpu.memory_space<vmem>> -> memref<100x16xf32, #tpu.memory_space<vmem>>
    %dma_wait3A_214 = arith.constant 0 : i32
    %dma_wait3A_215 = tpu.memref_slice %arg10[%dma_wait3A_208, %dma_wait3A_214] : memref<100x100xi32, #tpu.memory_space<vmem>> -> memref<1x100xi32, #tpu.memory_space<vmem>>
    %dma_wait3A_216 = tpu.memref_squeeze %dma_wait3A_215 : memref<1x100xi32, #tpu.memory_space<vmem>> -> memref<100xi32, #tpu.memory_space<vmem>>
    %dma_wait3A_217 = arith.constant 0 : i32
    %dma_wait3A_218 = arith.constant 0 : i32
    %dma_wait3A_219 = tpu.memref_slice %arg13[%dma_wait3A_217, %dma_wait3A_218] : memref<10240x16xf32, #tpu.memory_space<vmem_shared>> -> memref<10240x16xf32, #tpu.memory_space<vmem_shared>>
    %dma_wait3A_220 = tpu.memref_slice %arg15[%dma_wait3A_209] : memref<10x!tpu.dma_semaphore, #tpu.memory_space<semaphore_mem>> -> memref<1x!tpu.dma_semaphore, #tpu.memory_space<semaphore_mem>>
    %dma_wait3A_221 = tpu.memref_squeeze %dma_wait3A_220 : memref<1x!tpu.dma_semaphore, #tpu.memory_space<semaphore_mem>> -> memref<!tpu.dma_semaphore, #tpu.memory_space<semaphore_mem>>
    tpu.wait_indirect_dma semaphore(%dma_wait3A_221 : memref<!tpu.dma_semaphore, #tpu.memory_space<semaphore_mem>>) src(%dma_wait3A_213 : memref<100x16xf32, #tpu.memory_space<vmem>>) dst(%dma_wait3A_219 : memref<10240x16xf32, #tpu.memory_space<vmem_shared>>)
    %dma_wait3A_222 = arith.constant 8 : i32
    %dma_wait3A_223 = arith.constant 0 : i32
    %dma_wait3A_224 = arith.constant 8 : i32
    %dma_wait3A_225 = arith.constant 0 : i32
    %dma_wait3A_226 = arith.constant 0 : i32
    %dma_wait3A_227 = tpu.memref_slice %arg11[%dma_wait3A_222, %dma_wait3A_225, %dma_wait3A_226] : memref<10x100x16xf32, #tpu.memory_space<vmem>> -> memref<1x100x16xf32, #tpu.memory_space<vmem>>
    %dma_wait3A_228 = tpu.memref_squeeze %dma_wait3A_227 : memref<1x100x16xf32, #tpu.memory_space<vmem>> -> memref<100x16xf32, #tpu.memory_space<vmem>>
    %dma_wait3A_229 = arith.constant 0 : i32
    %dma_wait3A_230 = tpu.memref_slice %arg10[%dma_wait3A_223, %dma_wait3A_229] : memref<100x100xi32, #tpu.memory_space<vmem>> -> memref<1x100xi32, #tpu.memory_space<vmem>>
    %dma_wait3A_231 = tpu.memref_squeeze %dma_wait3A_230 : memref<1x100xi32, #tpu.memory_space<vmem>> -> memref<100xi32, #tpu.memory_space<vmem>>
    %dma_wait3A_232 = arith.constant 0 : i32
    %dma_wait3A_233 = arith.constant 0 : i32
    %dma_wait3A_234 = tpu.memref_slice %arg13[%dma_wait3A_232, %dma_wait3A_233] : memref<10240x16xf32, #tpu.memory_space<vmem_shared>> -> memref<10240x16xf32, #tpu.memory_space<vmem_shared>>
    %dma_wait3A_235 = tpu.memref_slice %arg15[%dma_wait3A_224] : memref<10x!tpu.dma_semaphore, #tpu.memory_space<semaphore_mem>> -> memref<1x!tpu.dma_semaphore, #tpu.memory_space<semaphore_mem>>
    %dma_wait3A_236 = tpu.memref_squeeze %dma_wait3A_235 : memref<1x!tpu.dma_semaphore, #tpu.memory_space<semaphore_mem>> -> memref<!tpu.dma_semaphore, #tpu.memory_space<semaphore_mem>>
    tpu.wait_indirect_dma semaphore(%dma_wait3A_236 : memref<!tpu.dma_semaphore, #tpu.memory_space<semaphore_mem>>) src(%dma_wait3A_228 : memref<100x16xf32, #tpu.memory_space<vmem>>) dst(%dma_wait3A_234 : memref<10240x16xf32, #tpu.memory_space<vmem_shared>>)
    %dma_wait3A_237 = arith.constant 9 : i32
    %dma_wait3A_238 = arith.constant 0 : i32
    %dma_wait3A_239 = arith.constant 9 : i32
    %dma_wait3A_240 = arith.constant 0 : i32
    %dma_wait3A_241 = arith.constant 0 : i32
    %dma_wait3A_242 = tpu.memref_slice %arg11[%dma_wait3A_237, %dma_wait3A_240, %dma_wait3A_241] : memref<10x100x16xf32, #tpu.memory_space<vmem>> -> memref<1x100x16xf32, #tpu.memory_space<vmem>>
    %dma_wait3A_243 = tpu.memref_squeeze %dma_wait3A_242 : memref<1x100x16xf32, #tpu.memory_space<vmem>> -> memref<100x16xf32, #tpu.memory_space<vmem>>
    %dma_wait3A_244 = arith.constant 0 : i32
    %dma_wait3A_245 = tpu.memref_slice %arg10[%dma_wait3A_238, %dma_wait3A_244] : memref<100x100xi32, #tpu.memory_space<vmem>> -> memref<1x100xi32, #tpu.memory_space<vmem>>
    %dma_wait3A_246 = tpu.memref_squeeze %dma_wait3A_245 : memref<1x100xi32, #tpu.memory_space<vmem>> -> memref<100xi32, #tpu.memory_space<vmem>>
    %dma_wait3A_247 = arith.constant 0 : i32
    %dma_wait3A_248 = arith.constant 0 : i32
    %dma_wait3A_249 = tpu.memref_slice %arg13[%dma_wait3A_247, %dma_wait3A_248] : memref<10240x16xf32, #tpu.memory_space<vmem_shared>> -> memref<10240x16xf32, #tpu.memory_space<vmem_shared>>
    %dma_wait3A_250 = tpu.memref_slice %arg15[%dma_wait3A_239] : memref<10x!tpu.dma_semaphore, #tpu.memory_space<semaphore_mem>> -> memref<1x!tpu.dma_semaphore, #tpu.memory_space<semaphore_mem>>
    %dma_wait3A_251 = tpu.memref_squeeze %dma_wait3A_250 : memref<1x!tpu.dma_semaphore, #tpu.memory_space<semaphore_mem>> -> memref<!tpu.dma_semaphore, #tpu.memory_space<semaphore_mem>>
    tpu.wait_indirect_dma semaphore(%dma_wait3A_251 : memref<!tpu.dma_semaphore, #tpu.memory_space<semaphore_mem>>) src(%dma_wait3A_243 : memref<100x16xf32, #tpu.memory_space<vmem>>) dst(%dma_wait3A_249 : memref<10240x16xf32, #tpu.memory_space<vmem_shared>>)
    %barrier3A_252 = arith.constant 0 : index
    tpu.barrier barrier_id(%barrier3A_252)
    "tpu.region"() ({
      %run_scoped3A_253 = tpu.sem_alloc : memref<!tpu.dma_semaphore, #tpu.memory_space<semaphore_mem>>
      %dma_start3A_254 = arith.constant 0 : i32
      %dma_start3A_255 = tpu.memref_slice %arg13[%mul3A_2, %dma_start3A_254] : memref<10240x16xf32, #tpu.memory_space<vmem_shared>> -> memref<640x16xf32, #tpu.memory_space<vmem_shared>>
      %dma_start3A_256 = arith.constant 0 : i32
      %dma_start3A_257 = tpu.memref_slice %arg13[%mul3A_2, %dma_start3A_256] : memref<10240x16xf32, #tpu.memory_space<vmem_shared>> -> memref<640x16xf32, #tpu.memory_space<vmem_shared>>
      tpu.enqueue_dma source(%dma_start3A_257 : memref<640x16xf32, #tpu.memory_space<vmem_shared>>) target(%arg12 : memref<640x16xf32, #tpu.memory_space<vmem>>) target_semaphore(%run_scoped3A_253 : memref<!tpu.dma_semaphore, #tpu.memory_space<semaphore_mem>>)
      %dma_wait3A_258 = arith.constant 0 : i32
      %dma_wait3A_259 = tpu.memref_slice %arg13[%mul3A_2, %dma_wait3A_258] : memref<10240x16xf32, #tpu.memory_space<vmem_shared>> -> memref<640x16xf32, #tpu.memory_space<vmem_shared>>
      %dma_wait3A_260 = arith.constant 0 : i32
      %dma_wait3A_261 = tpu.memref_slice %arg13[%mul3A_2, %dma_wait3A_260] : memref<10240x16xf32, #tpu.memory_space<vmem_shared>> -> memref<640x16xf32, #tpu.memory_space<vmem_shared>>
      tpu.wait_dma2 semaphore(%run_scoped3A_253 : memref<!tpu.dma_semaphore, #tpu.memory_space<semaphore_mem>>) src(%dma_wait3A_261 : memref<640x16xf32, #tpu.memory_space<vmem_shared>>) dst(%arg12 : memref<640x16xf32, #tpu.memory_space<vmem>>)
      tpu.yield
    }) : () -> ()
    "tpu.region"() ({
      %run_scoped3A_253 = tpu.sem_alloc : memref<!tpu.dma_semaphore, #tpu.memory_space<semaphore_mem>>
      %dma_start3A_254 = arith.constant 0 : i32
      %dma_start3A_255 = tpu.memref_slice %arg7[%arg0, %mul3A_2, %dma_start3A_254] : memref<2x10240x16xf32, #tpu.memory_space<hbm>> -> memref<1x640x16xf32, #tpu.memory_space<hbm>>
      %dma_start3A_256 = tpu.memref_squeeze %dma_start3A_255 : memref<1x640x16xf32, #tpu.memory_space<hbm>> -> memref<640x16xf32, #tpu.memory_space<hbm>>
      %dma_start3A_257 = arith.constant 0 : i32
      %dma_start3A_258 = tpu.memref_slice %arg7[%arg0, %mul3A_2, %dma_start3A_257] : memref<2x10240x16xf32, #tpu.memory_space<hbm>> -> memref<1x640x16xf32, #tpu.memory_space<hbm>>
      %dma_start3A_259 = tpu.memref_squeeze %dma_start3A_258 : memref<1x640x16xf32, #tpu.memory_space<hbm>> -> memref<640x16xf32, #tpu.memory_space<hbm>>
      tpu.enqueue_dma source(%arg12 : memref<640x16xf32, #tpu.memory_space<vmem>>) target(%dma_start3A_259 : memref<640x16xf32, #tpu.memory_space<hbm>>) target_semaphore(%run_scoped3A_253 : memref<!tpu.dma_semaphore, #tpu.memory_space<semaphore_mem>>)
      %dma_wait3A_260 = arith.constant 0 : i32
      %dma_wait3A_261 = tpu.memref_slice %arg7[%arg0, %mul3A_2, %dma_wait3A_260] : memref<2x10240x16xf32, #tpu.memory_space<hbm>> -> memref<1x640x16xf32, #tpu.memory_space<hbm>>
      %dma_wait3A_262 = tpu.memref_squeeze %dma_wait3A_261 : memref<1x640x16xf32, #tpu.memory_space<hbm>> -> memref<640x16xf32, #tpu.memory_space<hbm>>
      %dma_wait3A_263 = arith.constant 0 : i32
      %dma_wait3A_264 = tpu.memref_slice %arg7[%arg0, %mul3A_2, %dma_wait3A_263] : memref<2x10240x16xf32, #tpu.memory_space<hbm>> -> memref<1x640x16xf32, #tpu.memory_space<hbm>>
      %dma_wait3A_265 = tpu.memref_squeeze %dma_wait3A_264 : memref<1x640x16xf32, #tpu.memory_space<hbm>> -> memref<640x16xf32, #tpu.memory_space<hbm>>
      tpu.wait_dma2 semaphore(%run_scoped3A_253 : memref<!tpu.dma_semaphore, #tpu.memory_space<semaphore_mem>>) src(%arg12 : memref<640x16xf32, #tpu.memory_space<vmem>>) dst(%dma_wait3A_265 : memref<640x16xf32, #tpu.memory_space<hbm>>)
      tpu.yield
    }) : () -> ()
    return
  }
}

module attributes {stable_mosaic.version = 14 : i64} {
  func.func @_mm2_body(%arg0: memref<10000x128xf32, #tpu.memory_space<vmem>>, %arg1: memref<128x16xf32, #tpu.memory_space<vmem>>, %arg2: memref<128x16xf32, #tpu.memory_space<vmem>>, %arg3: memref<16x128xf32, #tpu.memory_space<vmem>>, %arg4: memref<16x128xf32, #tpu.memory_space<vmem>>, %arg5: memref<1x128xf32, #tpu.memory_space<vmem>>, %arg6: memref<256x1xf32, #tpu.memory_space<vmem>>, %arg7: memref<1x1xf32, #tpu.memory_space<vmem>>, %arg8: memref<10240x16xf32, #tpu.memory_space<vmem>>, %arg9: memref<10000x16xf32, #tpu.memory_space<vmem>>, %arg10: memref<72x16xf32, #tpu.memory_space<vmem>>) attributes {dimension_semantics = [], scalar_prefetch = 0 : i64, scratch_operands = 0 : i64, tpu.core_type = #tpu.core_type<tc>} {
    %get3A = arith.constant 0 : index
    %get3A_0 = arith.constant 0 : index
    %get3A_1 = vector.load %arg0[%get3A, %get3A_0] : memref<10000x128xf32, #tpu.memory_space<vmem>>, vector<10000x128xf32>
    %get3A_2 = arith.constant 0 : index
    %get3A_3 = arith.constant 0 : index
    %get3A_4 = vector.load %arg1[%get3A_2, %get3A_3] : memref<128x16xf32, #tpu.memory_space<vmem>>, vector<128x16xf32>
    %dot_general3A = arith.constant dense<0.000000e+00> : vector<10000x16xf32>
    %dot_general3A_5 = tpu.matmul %get3A_1, %get3A_4, %dot_general3A {dimension_numbers = #tpu.dot_dimension_numbers<[1], [0], [0], [1], [0, 0, 1, 1], [], []>, transpose_lhs_hint = false} : vector<10000x128xf32>, vector<128x16xf32>, vector<10000x16xf32> -> vector<10000x16xf32>
    %swap3A = arith.constant 0 : index
    %swap3A_6 = arith.constant 0 : index
    %swap3A_7 = vector.load %arg8[%swap3A, %swap3A_6] : memref<10240x16xf32, #tpu.memory_space<vmem>>, vector<10000x16xf32>
    tpu.vector_store %arg8[%swap3A, %swap3A_6], %dot_general3A_5 {strides = array<i32>} : memref<10240x16xf32, #tpu.memory_space<vmem>>, vector<10000x16xf32>,
    %broadcast_in_dim3A = arith.constant 0.000000e+00 : f32
    %broadcast_in_dim3A_8 = vector.broadcast %broadcast_in_dim3A : f32 to vector<240x16xf32>
    %swap3A_9 = arith.constant 10000 : index
    %swap3A_10 = arith.constant 0 : index
    %swap3A_11 = vector.load %arg8[%swap3A_9, %swap3A_10] : memref<10240x16xf32, #tpu.memory_space<vmem>>, vector<240x16xf32>
    tpu.vector_store %arg8[%swap3A_9, %swap3A_10], %broadcast_in_dim3A_8 {strides = array<i32>} : memref<10240x16xf32, #tpu.memory_space<vmem>>, vector<240x16xf32>,
    %get3A_12 = arith.constant 0 : index
    %get3A_13 = arith.constant 0 : index
    %get3A_14 = vector.load %arg2[%get3A_12, %get3A_13] : memref<128x16xf32, #tpu.memory_space<vmem>>, vector<128x16xf32>
    %dot_general3A_15 = arith.constant dense<0.000000e+00> : vector<10000x16xf32>
    %dot_general3A_16 = tpu.matmul %get3A_1, %get3A_14, %dot_general3A_15 {dimension_numbers = #tpu.dot_dimension_numbers<[1], [0], [0], [1], [0, 0, 1, 1], [], []>, transpose_lhs_hint = false} : vector<10000x128xf32>, vector<128x16xf32>, vector<10000x16xf32> -> vector<10000x16xf32>
    %swap3A_17 = arith.constant 0 : index
    %swap3A_18 = arith.constant 0 : index
    %swap3A_19 = vector.load %arg9[%swap3A_17, %swap3A_18] : memref<10000x16xf32, #tpu.memory_space<vmem>>, vector<10000x16xf32>
    tpu.vector_store %arg9[%swap3A_17, %swap3A_18], %dot_general3A_16 {strides = array<i32>} : memref<10000x16xf32, #tpu.memory_space<vmem>>, vector<10000x16xf32>,
    %get3A_20 = arith.constant 0 : index
    %get3A_21 = arith.constant 0 : index
    %get3A_22 = vector.load %arg6[%get3A_20, %get3A_21] : memref<256x1xf32, #tpu.memory_space<vmem>>, vector<256x1xf32>
    %reshape3A = vector.shape_cast %get3A_22 : vector<256x1xf32> to vector<2x128xf32>
    %get3A_23 = arith.constant 0 : index
    %get3A_24 = arith.constant 0 : index
    %get3A_25 = vector.load %arg3[%get3A_23, %get3A_24] : memref<16x128xf32, #tpu.memory_space<vmem>>, vector<16x128xf32>
    %get3A_26 = arith.constant 0 : index
    %get3A_27 = arith.constant 0 : index
    %get3A_28 = vector.load %arg4[%get3A_26, %get3A_27] : memref<16x128xf32, #tpu.memory_space<vmem>>, vector<16x128xf32>
    %slice3A = vector.extract_strided_slice %reshape3A {offsets = [0, 0], sizes = [1, 128], strides = [1, 1]} : vector<2x128xf32> to vector<1x128xf32>
    %squeeze3A = vector.shape_cast %slice3A : vector<1x128xf32> to vector<128xf32>
    %dot_general3A_29 = arith.constant dense<0.000000e+00> : vector<16xf32>
    %dot_general3A_30 = tpu.matmul %get3A_25, %squeeze3A, %dot_general3A_29 {dimension_numbers = #tpu.dot_dimension_numbers<[1], [0], [0], [], [0, 0], [], []>, transpose_lhs_hint = false} : vector<16x128xf32>, vector<128xf32>, vector<16xf32> -> vector<16xf32>
    %slice3A_31 = vector.extract_strided_slice %reshape3A {offsets = [1, 0], sizes = [1, 128], strides = [1, 1]} : vector<2x128xf32> to vector<1x128xf32>
    %squeeze3A_32 = vector.shape_cast %slice3A_31 : vector<1x128xf32> to vector<128xf32>
    %dot_general3A_33 = arith.constant dense<0.000000e+00> : vector<16xf32>
    %dot_general3A_34 = tpu.matmul %get3A_25, %squeeze3A_32, %dot_general3A_33 {dimension_numbers = #tpu.dot_dimension_numbers<[1], [0], [0], [], [0, 0], [], []>, transpose_lhs_hint = false} : vector<16x128xf32>, vector<128xf32>, vector<16xf32> -> vector<16xf32>
    %slice3A_35 = vector.extract_strided_slice %reshape3A {offsets = [0, 0], sizes = [1, 128], strides = [1, 1]} : vector<2x128xf32> to vector<1x128xf32>
    %squeeze3A_36 = vector.shape_cast %slice3A_35 : vector<1x128xf32> to vector<128xf32>
    %dot_general3A_37 = arith.constant dense<0.000000e+00> : vector<16xf32>
    %dot_general3A_38 = tpu.matmul %get3A_28, %squeeze3A_36, %dot_general3A_37 {dimension_numbers = #tpu.dot_dimension_numbers<[1], [0], [0], [], [0, 0], [], []>, transpose_lhs_hint = false} : vector<16x128xf32>, vector<128xf32>, vector<16xf32> -> vector<16xf32>
    %slice3A_39 = vector.extract_strided_slice %reshape3A {offsets = [1, 0], sizes = [1, 128], strides = [1, 1]} : vector<2x128xf32> to vector<1x128xf32>
    %squeeze3A_40 = vector.shape_cast %slice3A_39 : vector<1x128xf32> to vector<128xf32>
    %dot_general3A_41 = arith.constant dense<0.000000e+00> : vector<16xf32>
    %dot_general3A_42 = tpu.matmul %get3A_28, %squeeze3A_40, %dot_general3A_41 {dimension_numbers = #tpu.dot_dimension_numbers<[1], [0], [0], [], [0, 0], [], []>, transpose_lhs_hint = false} : vector<16x128xf32>, vector<128xf32>, vector<16xf32> -> vector<16xf32>
    %get3A_43 = arith.constant 0 : index
    %get3A_44 = arith.constant 0 : index
    %get3A_45 = vector.load %arg5[%get3A_43, %get3A_44] : memref<1x128xf32, #tpu.memory_space<vmem>>, vector<1x128xf32>
    %get3A_46 = vector.shape_cast %get3A_45 : vector<1x128xf32> to vector<128xf32>
    %slice3A_47 = vector.extract_strided_slice %reshape3A {offsets = [0, 0], sizes = [1, 128], strides = [1, 1]} : vector<2x128xf32> to vector<1x128xf32>
    %squeeze3A_48 = vector.shape_cast %slice3A_47 : vector<1x128xf32> to vector<128xf32>
    %slice3A_49 = vector.extract_strided_slice %reshape3A {offsets = [1, 0], sizes = [1, 128], strides = [1, 1]} : vector<2x128xf32> to vector<1x128xf32>
    %squeeze3A_50 = vector.shape_cast %slice3A_49 : vector<1x128xf32> to vector<128xf32>
    %add3A = arith.addf %squeeze3A_48, %squeeze3A_50 : vector<128xf32>
    %mul3A = arith.mulf %get3A_46, %add3A : vector<128xf32>
    %reduce_sum3A = vector.shape_cast %mul3A : vector<128xf32> to vector<1x128xf32>
    %reduce_sum3A_51 = arith.constant dense<0.000000e+00> : vector<1xf32>
    %reduce_sum3A_52 = vector.multi_reduction <add>, %reduce_sum3A, %reduce_sum3A_51 [1] : vector<1x128xf32> to vector<1xf32>
    %reduce_sum3A_53 = vector.shape_cast %reduce_sum3A_52 : vector<1xf32> to vector<1x1xf32>
    %reduce_sum3A_54 = vector.extract %reduce_sum3A_53[0, 0] : f32 from vector<1x1xf32>
    %get3A_55 = arith.constant 0 : index
    %get3A_56 = arith.constant 0 : index
    %get3A_57 = vector.load %arg7[%get3A_55, %get3A_56] : memref<1x1xf32, #tpu.memory_space<vmem>>, vector<1x1xf32>
    %get3A_58 = vector.extract %get3A_57[0, 0] : f32 from vector<1x1xf32>
    %add3A_59 = arith.addf %reduce_sum3A_54, %get3A_58 : f32
    %broadcast_in_dim3A_60 = vector.shape_cast %dot_general3A_30 : vector<16xf32> to vector<16x1xf32>
    %broadcast_in_dim3A_61 = vector.shape_cast %broadcast_in_dim3A_60 : vector<16x1xf32> to vector<16x1xf32>
    %broadcast_in_dim3A_62 = vector.broadcast %broadcast_in_dim3A_61 : vector<16x1xf32> to vector<16x16xf32>
    %broadcast_in_dim3A_63 = vector.shape_cast %dot_general3A_34 : vector<16xf32> to vector<16x1xf32>
    %broadcast_in_dim3A_64 = vector.shape_cast %broadcast_in_dim3A_63 : vector<16x1xf32> to vector<16x1xf32>
    %broadcast_in_dim3A_65 = vector.broadcast %broadcast_in_dim3A_64 : vector<16x1xf32> to vector<16x16xf32>
    %broadcast_in_dim3A_66 = vector.shape_cast %dot_general3A_38 : vector<16xf32> to vector<16x1xf32>
    %broadcast_in_dim3A_67 = vector.shape_cast %broadcast_in_dim3A_66 : vector<16x1xf32> to vector<16x1xf32>
    %broadcast_in_dim3A_68 = vector.broadcast %broadcast_in_dim3A_67 : vector<16x1xf32> to vector<16x16xf32>
    %broadcast_in_dim3A_69 = vector.shape_cast %dot_general3A_42 : vector<16xf32> to vector<16x1xf32>
    %broadcast_in_dim3A_70 = vector.shape_cast %broadcast_in_dim3A_69 : vector<16x1xf32> to vector<16x1xf32>
    %broadcast_in_dim3A_71 = vector.broadcast %broadcast_in_dim3A_70 : vector<16x1xf32> to vector<16x16xf32>
    %broadcast_in_dim3A_72 = arith.constant 1.000000e+00 : f32
    %broadcast_in_dim3A_73 = vector.broadcast %broadcast_in_dim3A_72 : f32 to vector<1x16xf32>
    %mul3A_74 = vector.broadcast %add3A_59 : f32 to vector<1x16xf32>
    %mul3A_75 = arith.mulf %broadcast_in_dim3A_73, %mul3A_74 : vector<1x16xf32>
    %broadcast_in_dim3A_76 = arith.constant 0.000000e+00 : f32
    %broadcast_in_dim3A_77 = vector.broadcast %broadcast_in_dim3A_76 : f32 to vector<7x16xf32>
    %concatenate3A = tpu.concatenate %broadcast_in_dim3A_62, %broadcast_in_dim3A_65, %broadcast_in_dim3A_68, %broadcast_in_dim3A_71, %mul3A_75, %broadcast_in_dim3A_77 in 0 : vector<16x16xf32>, vector<16x16xf32>, vector<16x16xf32>, vector<16x16xf32>, vector<1x16xf32>, vector<7x16xf32> -> vector<72x16xf32>
    %swap3A_78 = arith.constant 0 : index
    %swap3A_79 = arith.constant 0 : index
    %swap3A_80 = vector.load %arg10[%swap3A_78, %swap3A_79] : memref<72x16xf32, #tpu.memory_space<vmem>>, vector<72x16xf32>
    tpu.vector_store %arg10[%swap3A_78, %swap3A_79], %concatenate3A {strides = array<i32>} : memref<72x16xf32, #tpu.memory_space<vmem>>, vector<72x16xf32>,
    return
  }
}

module attributes {stable_mosaic.version = 14 : i64} {
  func.func @_uv_body(%arg0: memref<10240x16xf32, #tpu.memory_space<vmem>>, %arg1: memref<2x10240x16xf32, #tpu.memory_space<vmem>>, %arg2: memref<2x10240x16xf32, #tpu.memory_space<vmem>>, %arg3: memref<16x128xf32, #tpu.memory_space<vmem>>, %arg4: memref<16x128xf32, #tpu.memory_space<vmem>>, %arg5: memref<1x128xf32, #tpu.memory_space<vmem>>, %arg6: memref<256x1xf32, #tpu.memory_space<vmem>>, %arg7: memref<1x1xf32, #tpu.memory_space<vmem>>, %arg8: memref<10000x2xf32, #tpu.memory_space<vmem>>) attributes {dimension_semantics = [], scalar_prefetch = 0 : i64, scratch_operands = 0 : i64, tpu.core_type = #tpu.core_type<tc>} {
    %get3A = arith.constant 0 : index
    %get3A_0 = arith.constant 0 : index
    %get3A_1 = vector.load %arg0[%get3A, %get3A_0] : memref<10240x16xf32, #tpu.memory_space<vmem>>, vector<10000x16xf32>
    %get3A_2 = arith.constant 0 : index
    %get3A_3 = arith.constant 0 : index
    %get3A_4 = arith.constant 0 : index
    %get3A_5 = vector.load %arg2[%get3A_2, %get3A_3, %get3A_4] : memref<2x10240x16xf32, #tpu.memory_space<vmem>>, vector<1x10000x16xf32>
    %get3A_6 = vector.shape_cast %get3A_5 : vector<1x10000x16xf32> to vector<10000x16xf32>
    %get3A_7 = arith.constant 1 : index
    %get3A_8 = arith.constant 0 : index
    %get3A_9 = arith.constant 0 : index
    %get3A_10 = vector.load %arg2[%get3A_7, %get3A_8, %get3A_9] : memref<2x10240x16xf32, #tpu.memory_space<vmem>>, vector<1x10000x16xf32>
    %get3A_11 = vector.shape_cast %get3A_10 : vector<1x10000x16xf32> to vector<10000x16xf32>
    %add3A = arith.addf %get3A_6, %get3A_11 : vector<10000x16xf32>
    %max3A = arith.constant 1.000000e+00 : f32
    %max3A_12 = vector.broadcast %max3A : f32 to vector<10000x16xf32>
    %max3A_13 = arith.maximumf %add3A, %max3A_12 : vector<10000x16xf32>
    %get3A_14 = arith.constant 0 : index
    %get3A_15 = arith.constant 0 : index
    %get3A_16 = arith.constant 0 : index
    %get3A_17 = vector.load %arg1[%get3A_14, %get3A_15, %get3A_16] : memref<2x10240x16xf32, #tpu.memory_space<vmem>>, vector<1x10000x16xf32>
    %get3A_18 = vector.shape_cast %get3A_17 : vector<1x10000x16xf32> to vector<10000x16xf32>
    %get3A_19 = arith.constant 1 : index
    %get3A_20 = arith.constant 0 : index
    %get3A_21 = arith.constant 0 : index
    %get3A_22 = vector.load %arg1[%get3A_19, %get3A_20, %get3A_21] : memref<2x10240x16xf32, #tpu.memory_space<vmem>>, vector<1x10000x16xf32>
    %get3A_23 = vector.shape_cast %get3A_22 : vector<1x10000x16xf32> to vector<10000x16xf32>
    %add3A_24 = arith.addf %get3A_18, %get3A_23 : vector<10000x16xf32>
    %div3A = arith.divf %add3A_24, %max3A_13 : vector<10000x16xf32>
    %get3A_25 = arith.constant 0 : index
    %get3A_26 = arith.constant 0 : index
    %get3A_27 = vector.load %arg6[%get3A_25, %get3A_26] : memref<256x1xf32, #tpu.memory_space<vmem>>, vector<256x1xf32>
    %reshape3A = vector.shape_cast %get3A_27 : vector<256x1xf32> to vector<2x128xf32>
    %transpose3A = tpu.transpose %reshape3A, [1, 0] : vector<2x128xf32> -> vector<128x2xf32>
    %get3A_28 = arith.constant 0 : index
    %get3A_29 = arith.constant 0 : index
    %get3A_30 = vector.load %arg3[%get3A_28, %get3A_29] : memref<16x128xf32, #tpu.memory_space<vmem>>, vector<16x128xf32>
    %dot_general3A = arith.constant dense<0.000000e+00> : vector<16x2xf32>
    %dot_general3A_31 = tpu.matmul %get3A_30, %transpose3A, %dot_general3A {dimension_numbers = #tpu.dot_dimension_numbers<[1], [0], [0], [1], [0, 0, 1, 1], [], []>, transpose_lhs_hint = false} : vector<16x128xf32>, vector<128x2xf32>, vector<16x2xf32> -> vector<16x2xf32>
    %get3A_32 = arith.constant 0 : index
    %get3A_33 = arith.constant 0 : index
    %get3A_34 = vector.load %arg4[%get3A_32, %get3A_33] : memref<16x128xf32, #tpu.memory_space<vmem>>, vector<16x128xf32>
    %dot_general3A_35 = arith.constant dense<0.000000e+00> : vector<16x2xf32>
    %dot_general3A_36 = tpu.matmul %get3A_34, %transpose3A, %dot_general3A_35 {dimension_numbers = #tpu.dot_dimension_numbers<[1], [0], [0], [1], [0, 0, 1, 1], [], []>, transpose_lhs_hint = false} : vector<16x128xf32>, vector<128x2xf32>, vector<16x2xf32> -> vector<16x2xf32>
    %get3A_37 = arith.constant 0 : index
    %get3A_38 = arith.constant 0 : index
    %get3A_39 = vector.load %arg5[%get3A_37, %get3A_38] : memref<1x128xf32, #tpu.memory_space<vmem>>, vector<1x128xf32>
    %dot_general3A_40 = arith.constant dense<0.000000e+00> : vector<1x2xf32>
    %dot_general3A_41 = tpu.matmul %get3A_39, %transpose3A, %dot_general3A_40 {dimension_numbers = #tpu.dot_dimension_numbers<[1], [0], [0], [1], [0, 0, 1, 1], [], []>, transpose_lhs_hint = false} : vector<1x128xf32>, vector<128x2xf32>, vector<1x2xf32> -> vector<1x2xf32>
    %get3A_42 = arith.constant 0 : index
    %get3A_43 = arith.constant 0 : index
    %get3A_44 = vector.load %arg7[%get3A_42, %get3A_43] : memref<1x1xf32, #tpu.memory_space<vmem>>, vector<1x1xf32>
    %broadcast_in_dim3A = arith.constant 0.000000e+00 : f32
    %broadcast_in_dim3A_45 = vector.broadcast %broadcast_in_dim3A : f32 to vector<1x1xf32>
    %concatenate3A = tpu.concatenate %get3A_44, %broadcast_in_dim3A_45 in 1 : vector<1x1xf32>, vector<1x1xf32> -> vector<1x2xf32>
    %add3A_46 = arith.addf %dot_general3A_41, %concatenate3A : vector<1x2xf32>
    %dot_general3A_47 = arith.constant dense<0.000000e+00> : vector<10000x2xf32>
    %dot_general3A_48 = tpu.matmul %get3A_1, %dot_general3A_31, %dot_general3A_47 {dimension_numbers = #tpu.dot_dimension_numbers<[1], [0], [0], [1], [0, 0, 1, 1], [], []>, transpose_lhs_hint = false} : vector<10000x16xf32>, vector<16x2xf32>, vector<10000x2xf32> -> vector<10000x2xf32>
    %dot_general3A_49 = arith.constant dense<0.000000e+00> : vector<10000x2xf32>
    %dot_general3A_50 = tpu.matmul %div3A, %dot_general3A_36, %dot_general3A_49 {dimension_numbers = #tpu.dot_dimension_numbers<[1], [0], [0], [1], [0, 0, 1, 1], [], []>, transpose_lhs_hint = false} : vector<10000x16xf32>, vector<16x2xf32>, vector<10000x2xf32> -> vector<10000x2xf32>
    %add3A_51 = arith.addf %dot_general3A_48, %dot_general3A_50 : vector<10000x2xf32>
    %add3A_52 = vector.broadcast %add3A_46 : vector<1x2xf32> to vector<10000x2xf32>
    %add3A_53 = arith.addf %add3A_51, %add3A_52 : vector<10000x2xf32>
    %swap3A = arith.constant 0 : index
    %swap3A_54 = arith.constant 0 : index
    %swap3A_55 = vector.load %arg8[%swap3A, %swap3A_54] : memref<10000x2xf32, #tpu.memory_space<vmem>>, vector<10000x2xf32>
    tpu.vector_store %arg8[%swap3A, %swap3A_54], %add3A_53 {strides = array<i32>} : memref<10000x2xf32, #tpu.memory_space<vmem>>, vector<10000x2xf32>,
    return
  }
}

</mosaic_0001>

<sc_bundles>
// kernel: kernel.10.cloned.1.call-start
scs
__scs_entry_jumppad:
0x0: {  	(pc) =	sbr.rel $0x88, $3  }
0x1: {  	(tag) =	ssettag $0x0;
	lr =	simm.s32 $0x1  }
0x2: {  	[smem:$0x3F95] =	sst lr;
	_ =	strace $0xD0000000  }
0x3: {  	_ = 	snop  }
0x4: {  	_ = 	snop  }
0x5: {  	_ = 	snop  }
0x6: {  	_ = 	snop  }
0x7: {  	_ = 	snop  }
__scs_overlays_trampoline_lowered:
0x8: {  	[smem:$0x3FA4] =	sst s0  }
0x9: {  	[smem:$0x3FA5] =	sst s1  }
0xa: {  	[smem:$0x3FA6] =	sst s2  }
0xb: {  	[smem:$0x3FA7] =	sst s3  }
0xc: {  	[smem:$0x3FA8] =	sst s4  }
0xd: {  	[smem:$0x3FA9] =	sst s5  }
0xe: {  	[smem:$0x3FAA] =	sst s6  }
0xf: {  	[smem:$0x3FAB] =	sst s7  }
0x10: {  	[smem:$0x3FAC] =	sst s8  }
0x11: {  	[smem:$0x3FAD] =	sst s9;
	s0 =	simm.s32 @!p0 $0x0  }
0x12: {  	s1 =	sld [smem:$0x3F93];
	s0 =	simm.s32 @p0 $0x1  }
0x13: {  	[smem:$0x3FAE] =	sst s0;
	s0 =	simm.s32 @!p1 $0x0  }
0x14: {  	s2 =	sld [smem:$0x3F92];
	s0 =	simm.s32 @p1 $0x1  }
0x15: {  	[smem:$0x3FAF] =	sst s0;
	s0 =	simm.s32 @!p2 $0x0  }
0x16: {  	s3 =	sld [smem:$0x3FDB];
	s0 =	simm.s32 @p2 $0x1  }
0x17: {  	s4 =	simm.s32 $0x1BF5;
	[smem:$0x3FB1] =	sst s0  }
0x18: {  	s0 =	sld [smem:$0x3F94];
	_ =	swait.ge [sflag:s4], $0x0  }
0x19: {  	s7 =	sld [smem:$0x3F95]  }
0x1a: {  	s8 =	sadd.s32 $0xFFFFE003, lr  }
0x1b: {  	s9 =	sadd.s32 $0xFFFFFEF7, lr;
	s5 =	simm.s32 $0xFFFFFFFF;
	p2 =	slt.u32 s8, $0xFFFFF086  }
0x1c: {  	p1 =	slt.u32 s9, $0xF7A;
	s5 =	simm.s32 @!p2 $0x0  }
0x1d: {  	s5 =	simm.s32 @p1 $0x1;
	p0 =	seq.s32 s7, s2  }
0x1e: {  	s7 =	smul.u32 @!p0 $0xF7A, s2;
	p2 =	seq.s32 @!p0 s5, $0x0  }
0x1f: {  	s9 =	smul.u32 $0xF7A, s1;
	s8 =	simm.s32 @!p0 $0x1BF5;
	p2 =	por !p2, p0  }
0x20: {  	[sflag:s8] =	ssyncset.s32 @!p0 $0xFFFFF086;
	s6 =	sadd.s32 @!p0 s3, s7;
	s7 =	simm.s32 @!p0 $0x108  }
0x21: {  	s3 =	sadd.s32 s3, s9;
	s6 =	sadd.s32 @!p0 $0x88, s6;
	s7 =	simm.s32 @p2 $0x1082  }
0x22: {  	[simem:s7], [sflag:s8] =	dma.local @!p0 [hbm:s6], $0xF7A  }
0x23: {  	s9 =	sor.u32 $0xD0000000, s2;
	s6 =	simm.s32 $0x108;
	_ =	swait.ge @!p0 [sflag:s8], $0x0  }
0x24: {  	s3 =	sadd.s32 $0x88, s3;
	s6 =	simm.s32 @!p1 $0x1082;
	[sflag:s4] =	ssyncset.s32 $0xFFFFF086  }
0x25: {  	[simem:s6], [sflag:s4] =	dma.local [hbm:s3], $0xF7A  }
0x26: {  	[smem:$0x3F95] =	sst s1;
	(tag) =	ssettag s2;
	_ =	strace s9  }
0x27: {  	s1 =	sld [smem:$0x3FA5]  }
0x28: {  	s2 =	sld [smem:$0x3FA6]  }
0x29: {  	s4 =	sld [smem:$0x3FA8]  }
0x2a: {  	p0 =	seq.s32 s5, $0x0;
	s5 =	sld [smem:$0x3FA9]  }
0x2b: {  	s6 =	sld [smem:$0x3FAA]  }
0x2c: {  	s7 =	sld [smem:$0x3FAB]  }
0x2d: {  	s3 =	simm.s32 $0x108;
	s8 =	sld [smem:$0x3FAC]  }
0x2e: {  	s3 =	simm.s32 @!p0 $0x1082;
	s9 =	sld [smem:$0x3FAD]  }
0x2f: {  	lr =	sadd.s32 s0, s3;
	s0 =	sld [smem:$0x3FA4]  }
0x30: {  	s3 =	sld [smem:$0x3FA7]  }
0x31: {  	[smem:$0x3FB0] =	sst s10  }
0x32: {  	s10 =	sld [smem:$0x3FAE];
	_ =	sdelay $0x3  }
0x33: {  	p0 =	seq.s32 s10, $0x1;
	s10 =	sld [smem:$0x3FB0];
	_ =	sdelay $0x3  }
0x34: {  	[smem:$0x3FB0] =	sst s10  }
0x35: {  	s10 =	sld [smem:$0x3FAF];
	_ =	sdelay $0x3  }
0x36: {  	p1 =	seq.s32 s10, $0x1;
	s10 =	sld [smem:$0x3FB0];
	_ =	sdelay $0x3  }
0x37: {  	[smem:$0x3FB0] =	sst s10  }
0x38: {  	s10 =	sld [smem:$0x3FB1]  }
0x39: {  	_ = 	snop;
	(pc) =	sbr.ind lr, $3  }
0x3a: {  	_ = 	snop  }
0x3b: {  	_ = 	snop  }
0x3c: {  	p2 =	seq.s32 s10, $0x1;
	s10 =	sld [smem:$0x3FB0]  }
0x3d: {  	_ =	shalt  }
0x3e: {  	_ =	shalt  }
0x3f: {  	_ =	shalt  }
0x40: {  	_ =	shalt  }
0x41: {  	_ =	shalt  }
0x42: {  	_ =	shalt  }
0x43: {  	_ =	shalt  }
0x44: {  	_ =	shalt  }
0x45: {  	_ =	shalt  }
0x46: {  	_ =	shalt  }
0x47: {  	_ =	shalt  }
0x48: {  	_ =	shalt  }
0x49: {  	_ =	shalt  }
0x4a: {  	_ =	shalt  }
0x4b: {  	_ =	shalt  }
0x4c: {  	_ =	shalt  }
0x4d: {  	_ =	shalt  }
0x4e: {  	_ =	shalt  }
0x4f: {  	_ =	shalt  }
0x50: {  	_ =	shalt  }
0x51: {  	_ =	shalt  }
0x52: {  	_ =	shalt  }
0x53: {  	_ =	shalt  }
0x54: {  	_ =	shalt  }
0x55: {  	_ =	shalt  }
0x56: {  	_ =	shalt  }
0x57: {  	_ =	shalt  }
0x58: {  	_ =	shalt  }
0x59: {  	_ =	shalt  }
0x5a: {  	_ =	shalt  }
0x5b: {  	_ =	shalt  }
0x5c: {  	_ =	shalt  }
0x5d: {  	_ =	shalt  }
0x5e: {  	_ =	shalt  }
0x5f: {  	_ =	shalt  }
0x60: {  	_ =	shalt  }
0x61: {  	_ =	shalt  }
0x62: {  	_ =	shalt  }
0x63: {  	_ =	shalt  }
0x64: {  	_ =	shalt  }
0x65: {  	_ =	shalt  }
0x66: {  	_ =	shalt  }
0x67: {  	_ =	shalt  }
0x68: {  	_ =	shalt  }
0x69: {  	_ =	shalt  }
0x6a: {  	_ =	shalt  }
0x6b: {  	_ =	shalt  }
0x6c: {  	_ =	shalt  }
0x6d: {  	_ =	shalt  }
0x6e: {  	_ =	shalt  }
0x6f: {  	_ =	shalt  }
0x70: {  	_ =	shalt  }
0x71: {  	_ =	shalt  }
0x72: {  	_ =	shalt  }
0x73: {  	_ =	shalt  }
0x74: {  	_ =	shalt  }
0x75: {  	_ =	shalt  }
0x76: {  	_ =	shalt  }
0x77: {  	_ =	shalt  }
0x78: {  	_ =	shalt  }
0x79: {  	_ =	shalt  }
0x7a: {  	_ =	shalt  }
0x7b: {  	_ =	shalt  }
0x7c: {  	_ =	shalt  }
0x7d: {  	_ =	shalt  }
0x7e: {  	_ =	shalt  }
0x7f: {  	_ =	shalt  }
0x80: {  	_ =	shalt  }
0x81: {  	_ =	shalt  }
0x82: {  	_ =	shalt  }
0x83: {  	_ =	shalt  }
0x84: {  	_ =	shalt  }
0x85: {  	_ =	shalt  }
0x86: {  	_ =	shalt  }
0x87: {  	_ =	shalt  }
.Lfunc_end0:
.L_simem_size_0:
called_computation.1_lowered:
.L_overlay_start_0:
0x88: {  	s2 =	sld [smem:$0x3FD9]  }
0x89: {  	s3 =	sld [smem:$0x3FFE];
	_ =	sdelay $0x1  }
0x8a: {  	s1 =	srdreg.scid  }
0x8b: {  	s0 =	sand.u32 $0x1, s1  }
0x8c: {  	s17 =	sshll.u32 s0, $0xA;
	s2 =	sadd.s32 s3, s2  }
0x8d: {  	s2 =	sadd.s32 s2, s17  }
0x8e: {  	[smem:$0x3FBC] =	sst s2  }
0x8f: {  	_ = 	snop  }
0x90: {  	s2 =	sld [smem:$0x3FC3];
	(tm) =	ssettm $0x1  }
0x91: {  	s18 =	sld [smem:$0x3FFB];
	_ =	sdelay $0x3  }
0x92: {  	_ =	strace s18  }
0x93: {  	s3 =	sld [smem:$0x3FFC];
	_ =	sdelay $0x3  }
0x94: {  	_ =	strace s3  }
0x95: {  	s3 =	sld [smem:$0x3FFD];
	_ =	sdelay $0x3  }
0x96: {  	_ =	strace s3  }
0x97: {  	_ =	strace $0x8FFFFFFF  }
0x98: {  	s19 =	sld [smem:$0x3FDB];
	_ =	sdelay $0x1  }
0x99: {  	s4 =	simm.s32 $_scs_section_size  }
0x9a: {  	s5 =	simm.s32 $_size__tile_overlayer_lowered;
	s6 =	simm.s32 $_tile_overlayer_lowered  }
0x9b: {  	s22 =	simm.s32 $0x1BFF;
	s21 =	sshll.u32 s6, $0x1;
	s3 =	sadd.s32 s4, s19  }
0x9c: {  	s7 =	simm.s32 $0x0;
	s20 =	sshll.u32 s5, $0x1;
	s5 =	sadd.s32 s21, s3  }
0x9d: {  	[timem:s7], [sflag:s22] =	dma.local [hbm:s5], s20  }
0x9e: {  	_ =	swait.ge [sflag:s22], s20  }
0x9f: {  	s4 =	ssub.s32 $0x0, s20;
	[sflag:s22] =	ssyncset.done $0x0  }
0xa0: {  	[sflag:s22] =	ssyncadd.s32 s4;
	_ =	sdelay $0x1  }
0xa1: {  	s23 =	simm.s32 $0x1B8B  }
0xa2: {  	_ =	swait.ge [sflag:s23], $0x1  }
0xa3: {  	[sflag:s23] =	ssyncset.done $0x0  }
0xa4: {  	s25 =	simm.s32 $0x1B8E;
	s24 =	sld [smem:$0x3FFE];
	[sflag:s23] =	ssyncadd.s32 $0xFFFFFFFF  }
0xa5: {  	s26 =	simm.s32 $execute0_lowered;
	[smem:$0x3FD2] =	sst s25  }
0xa6: {  	s5 =	sshll.u32 s26, $0x1;
	_ =	strace $0x80000049;
	[dreg:$0x1] =	wrdreg $0xFFFFFFFF  }
0xa7: {  	s28 =	simm.s32 $_size_execute0_lowered;
	s3 =	sadd.s32 s3, s5;
	[dreg:$0x0] =	wrdreg $0x0  }
0xa8: {  	s5 =	sshll.u32 s28, $0x1;
	[dreg:$0x2] =	wrdreg s3  }
0xa9: {  	[dreg:$0x3] =	wrdreg s5  }
0xaa: {  	[dreg:$0x4] =	wrdreg $0xC0  }
0xab: {  	_ =	task [dreg:s7], $0x5FFFF  }
0xac: {  	[dreg:$0x1] =	wrdreg $0xFFFFFFFF  }
0xad: {  	[dreg:$0x0] =	wrdreg $0x60  }
0xae: {  	[dreg:$0x2] =	wrdreg s24  }
0xaf: {  	[dreg:$0x3] =	wrdreg s2  }
0xb0: {  	[dreg:$0x4] =	wrdreg $0xB7C00  }
0xb1: {  	[dreg:$0x5] =	wrdreg $0x17FD00  }
0xb2: {  	[dreg:$0x6] =	wrdreg $0x9  }
0xb3: {  	_ =	task.clear_ibuf [dreg:s7], $0x7FFFF;
	_ =	strace $0x90000049  }
0xb4: {  	s29 =	simm.s32 $0x9;
	_ =	strace $0x8000004B  }
0xb5: {  	_ =	swait.ge [sflag:s29], $0x1  }
0xb6: {  	[sflag:s29] =	ssyncadd.s32 $0xFFFFFFFF  }
0xb7: {  	_ =	strace $0x9000004B  }
0xb8: {  	_ =	sfence  }
0xb9: {  	s30 =	sld [smem:$0x0];
	_ =	sdelay $0x2  }
0xba: {  	s31 =	sshll.u32 s1, $0xD;
	s1 =	sshrl.u32 s1, $0x2  }
0xbb: {  	s3 =	sand.u32 $0x4000, s31;
	s1 =	sadd.s32 s1, s30  }
0xbc: {  	s0 =	sor.u32 s3, s0;
	s1 =	sshll.u32 s1, $0x11  }
0xbd: {  	s0 =	sor.u32 s1, s0  }
0xbe: {  	s0 =	sadd.s32 $0x8F2B, s0  }
0xbf: {  	[sflag:s0] =	ssyncadd.remote.s32 $0x1  }
0xc0: {  	_ =	sfence.sel $0xFFFF  }
0xc1: {  	[dreg:$0x0] =	wrdreg $0xFFFFFFFF;
	(pc) =	sbr.abs _section_cstart, $3  }
0xc2: {  	[dreg:$0x1] =	wrdreg $0xFFFFFFFF  }
0xc3: {  	_ =	task.clear_ibuf [dreg:s7], $0x2FFFF;
	_ =	strace $0x9FFFFFFF  }
0xc4: {  	(tm) =	ssettm $0x7FFFFFFF  }
0xc5: {  	_ =	shalt  }
tec
execute0_lowered:
.L_overlay_start_1:
0x0: {  	(tag) =	ssettag $0x1  }
0x1: {  	s0 =	rddreg [dreg:$0x0]  }
0x2: {  	s1 =	srdreg.scid;
	s3 =	rddreg [dreg:$0x2]  }
0x3: {  	s5 =	stileid.u32;
	s4 =	rddreg [dreg:$0x3];
	s6 =	simm.s32 $0x0  }
0x4: {  	s28 =	simm.s32 $0x5140;
	s29 =	simm.s32 $0x7D00;
	s30 =	simm.s32 $0x8  }
0x5: {  	s31 =	simm.s32 $0xD;
	s13 =	simm.s32 $0x0;
	s1 =	sand.u32 $0x1, s1  }
0x6: {  	s2 =	sshll.u32 s5, $0x1;
	s5 =	smul.u32 $0x2800, s5;
	[smem:$0x7FF] =	sst s6  }
0x7: {  	s7 =	sadd.s32 $0x1BE00, s0;
	s8 =	sadd.s32 $0x25E00, s0;
	s2 =	sor.u32 s1, s2  }
0x8: {  	s18 =	smul.u32 $0x28000, s1;
	_ =	strace $0x8000004A;
	s9 =	ssub.s32 $0x2, s1  }
0x9: {  	p0 =	sne.s32 s1, $0x0;
	s1 =	simm.s32 $0x8980;
	s2 =	smul.u32 $0x28A0, s2  }
0xa: {  	s10 =	sshrl.u32 s5, $0x3;
	s11 =	sshrl.u32 s9, $0x1;
	s24 =	sadd.s32 s5, s4  }
0xb: {  	s6 =	sadd.s32 s5, s18;
	s9 =	ssub.s32 s9, s11;
	s21 =	sadd.s32 s7, s10  }
0xc: {  	s22 =	sadd.s32 $0x5000, s10;
	s23 =	sadd.s32 s8, s10;
	[dreg:$0xc] =	wrdreg s24  }
0xd: {  	s18 =	simm.s32 $0x8FC0;
	s24 =	simm.s32 $0x6;
	s2 =	sshrl.u32 s2, $0x3  }
0xe: {  	s6 =	sshrl.u32 s6, $0x3;
	[dreg:$0x8] =	wrdreg s21;
	s7 =	sadd.s32 s7, s22  }
0xf: {  	[dreg:$0xa] =	wrdreg s23;
	s26 =	smax.u32 s9, $0x1;
	s21 =	simm.s32 $0x3  }
0x10: {  	s23 =	simm.s32 $0x5;
	s2 =	sadd.s32 s2, s0;
	s12 =	sadd.s32 s6, s0  }
0x11: {  	s0 =	sadd.s32 s10, s0;
	s6 =	sadd.s32 s5, s3;
	[dreg:$0x9] =	wrdreg s7  }
0x12: {  	[dreg:$0xf] =	wrdreg s26;
	s26 =	simm.s32 $0x64;
	s19 =	sadd.s32 $0x2800, s2  }
0x13: {  	s5 =	simm.s32 $0x1;
	s2 =	sadd.s32 $0xCA80, s2;
	[dreg:$0x5] =	wrdreg s19  }
0x14: {  	s7 =	simm.s32 $0xF;
	s20 =	sadd.s32 $0x2FE00, s0;
	[dreg:$0x6] =	wrdreg s2  }
.Ltmp0:
0x15: {  	s0 =	sadd.s32 $0x34E00, s0;
	[dreg:$0x7] =	wrdreg s20;
	(pc) =	sbr.rel .LBB2_1-.Ltmp0, $4  }
0x16: {  	s25 =	sadd.s32 $0x39E00, s12;
	s12 =	simm.s32 $0x14;
	[dreg:$0xd] =	wrdreg s0  }
0x17: {  	s2 =	sadd.s32 s8, s22;
	[dreg:$0xe] =	wrdreg s25;
	s19 =	simm.s32 $0x15  }
0x18: {  	s20 =	simm.s32 $0x6A40;
	s22 =	simm.s32 $0x7080;
	s25 =	simm.s32 $0xB  }
0x19: {  	v0 =	vimm.f32 $0.0e+00;
	s0 =	simm.s32 $0xA;
	[dreg:$0xb] =	wrdreg s2;
	s2 =	simm.s32 $0x5DC0  }
.LBB2_8:
0x1a: {  	s8 =	simm.s32 $0x10  }
0x1b: {  	_ =	swait.ge [sflag:s8], $0x640  }
0x1c: {  	[sflag:s8] =	ssyncset.done $0x0  }
0x1d: {  	s11 =	simm.s32 $0x11;
	[sflag:s8] =	ssyncadd.s32 $0xFFFFF9C0  }
0x1e: {  	_ =	swait.ge [sflag:s11], $0x640  }
0x1f: {  	[sflag:s11] =	ssyncset.done $0x0  }
0x20: {  	s14 =	simm.s32 $0x12;
	[sflag:s11] =	ssyncadd.s32 $0xFFFFF9C0  }
0x21: {  	_ =	swait.ge [sflag:s14], $0x640  }
0x22: {  	[sflag:s14] =	ssyncset.done $0x0  }
0x23: {  	s15 =	simm.s32 $0x13;
	[sflag:s14] =	ssyncadd.s32 $0xFFFFF9C0  }
0x24: {  	_ =	swait.ge [sflag:s15], $0x640  }
0x25: {  	[sflag:s15] =	ssyncset.done $0x0  }
0x26: {  	[sflag:s15] =	ssyncadd.s32 $0xFFFFF9C0  }
0x27: {  	_ =	swait.ge [sflag:s12], $0x640  }
0x28: {  	[sflag:s12] =	ssyncset.done $0x0  }
0x29: {  	[sflag:s12] =	ssyncadd.s32 $0xFFFFF9C0  }
0x2a: {  	[bflag:$0x0] =	sbarrier.arrive $0xFFFF  }
0x2b: {  	[tilespmem:s18], [sflag:$0x15] =	stream.linear.gather [spmem:s6], $0x2800, $0x38;
	[tilespmem:$0x1A7D0] =	vst v63  }
0x2c: {  	_ =	swait.ge [sflag:s19], $0x2800  }
0x2d: {  	[sflag:s19] =	ssyncset.done $0x0  }
0x2e: {  	s16 =	simm.s32 $0x0;
	s9 =	rddreg [dreg:$0xe];
	[sflag:s19] =	ssyncadd.s32 $0xFFFFD800  }
0x2f: {  	[hbm4b:s9+s16] =	stream.linear.scatter [tilespmem:s18], [sflag:$0x15], $0x2800, $0x38;
	[tilespmem:$0x1A7D0] =	vst v63  }
0x30: {  	_ =	swait.ge [sflag:s19], $0x2800  }
0x31: {  	s13 =	sadd.s32 $0x1, s13;
	s17 =	rddreg [dreg:$0xf]  }
0x32: {  	p1 =	sne.s32 s13, s17  }
.Ltmp1:
0x33: {  	_ = 	snop;
	(pc) =	sbr.rel @!p1 .LBB2_9-.Ltmp1, $3  }
0x34: {  	_ =	sdelay $0x1  }
0x35: {  	[sflag:s19] =	ssyncset.done $0x0  }
0x36: {  	[sflag:s19] =	ssyncadd.s32 $0xFFFFD800  }
.LBB2_1:
0x37: {  	s14 =	simm.s32 $0x40;
	s15 =	simm.s32 $0x0  }
.LBB2_2:
0x38: {  	p1 =	sne.s32 s14, $0x9FC0;
	[tilespmem:s15+$0x8FC0] =	vst v0;
	s15 =	smov.u32 s14;
	s14 =	sadd.s32 $0x40, s14  }
.Ltmp2:
0x39: {  	(pc) =	sbr.rel @p1 .LBB2_2-.Ltmp2, $2  }
0x3a: {  	_ =	sdelay $0x2  }
0x3b: {  	s15 =	sshra.s32 s15, $0x2  }
0x3c: {  	[tilespmem:s15+$0x8FC0] =	vst v0  }
0x3d: {  	[spmem:s6] =	stream.linear.scatter [tilespmem:s18], [sflag:$0x15], $0x2800, $0x38;
	[tilespmem:$0x1A7D0] =	vst v63  }
0x3e: {  	_ =	swait.ge [sflag:s19], $0x2800  }
0x3f: {  	[sflag:s19] =	ssyncset.done $0x0  }
0x40: {  	s14 =	simm.s32 $0x0;
	s8 =	rddreg [dreg:$0x5];
	[sflag:s19] =	ssyncadd.s32 $0xFFFFD800  }
0x41: {  	[tilespmem:s14], [sflag:$0x15] =	stream.linear.gather [hbm4b:s8+s14], $0x28A0, $0x38;
	[tilespmem:$0x1A7D0] =	vst v63  }
0x42: {  	_ =	swait.ge [sflag:s19], $0x28A0  }
0x43: {  	[sflag:s19] =	ssyncset.done $0x0  }
0x44: {  	s9 =	simm.s32 $0x28A0;
	s17 =	rddreg [dreg:$0x6];
	[sflag:s19] =	ssyncadd.s32 $0xFFFFD760  }
0x45: {  	[tilespmem:s9], [sflag:$0x15] =	stream.linear.gather [hbm4b:s17+s14], $0x28A0, $0x38;
	[tilespmem:$0x1A7D0] =	vst v63  }
0x46: {  	_ =	swait.ge [sflag:s19], $0x28A0  }
0x47: {  	[sflag:s19] =	ssyncset.done $0x0  }
0x48: {  	s10 =	rddreg [dreg:$0x7];
	[sflag:s19] =	ssyncadd.s32 $0xFFFFD760  }
0x49: {  	[tilespmem:s18], [sflag:$0x15] =	stream.linear.gather [hbm4b:s10+s14], $0x2800, $0x38;
	[tilespmem:$0x1A7D0] =	vst v63  }
0x4a: {  	_ =	swait.ge [sflag:s19], $0x2800  }
0x4b: {  	[sflag:s19] =	ssyncset.done $0x0  }
0x4c: {  	s15 =	simm.s32 $0xDFC0;
	s11 =	rddreg [dreg:$0x8];
	[sflag:s19] =	ssyncadd.s32 $0xFFFFD800  }
0x4d: {  	[tilespmem:s15], [sflag:$0x15] =	stream.linear.gather [hbm4b:s11+s14], $0x2800, $0x38;
	[tilespmem:$0x1A7D0] =	vst v63  }
0x4e: {  	_ =	swait.ge [sflag:s19], $0x2800  }
0x4f: {  	[sflag:s19] =	ssyncset.done $0x0  }
0x50: {  	s17 =	simm.s32 $0x107C0;
	s16 =	rddreg [dreg:$0x9];
	[sflag:s19] =	ssyncadd.s32 $0xFFFFD800  }
0x51: {  	[tilespmem:s17], [sflag:$0x15] =	stream.linear.gather [hbm4b:s16+s14], $0x2800, $0x38;
	[tilespmem:$0x1A7D0] =	vst v63  }
0x52: {  	_ =	swait.ge [sflag:s19], $0x2800  }
0x53: {  	[sflag:s19] =	ssyncset.done $0x0  }
0x54: {  	s10 =	simm.s32 $0x12FC0;
	s9 =	rddreg [dreg:$0xa];
	[sflag:s19] =	ssyncadd.s32 $0xFFFFD800  }
0x55: {  	[tilespmem:s10], [sflag:$0x15] =	stream.linear.gather [hbm4b:s9+s14], $0x2800, $0x38;
	[tilespmem:$0x1A7D0] =	vst v63  }
0x56: {  	_ =	swait.ge [sflag:s19], $0x2800  }
0x57: {  	[sflag:s19] =	ssyncset.done $0x0  }
0x58: {  	s15 =	simm.s32 $0x157C0;
	s11 =	rddreg [dreg:$0xb];
	[sflag:s19] =	ssyncadd.s32 $0xFFFFD800  }
0x59: {  	[tilespmem:s15], [sflag:$0x15] =	stream.linear.gather [hbm4b:s11+s14], $0x2800, $0x38;
	[tilespmem:$0x1A7D0] =	vst v63  }
0x5a: {  	_ =	swait.ge [sflag:s19], $0x2800  }
0x5b: {  	[sflag:s19] =	ssyncset.done $0x0  }
0x5c: {  	[sflag:s19] =	ssyncadd.s32 $0xFFFFD800  }
0x5d: {  	s17 =	simm.s32 $0x17FC0;
	s16 =	rddreg [dreg:$0x1]  }
0x5e: {  	[tilespmem:s17], [sflag:$0x15] =	stream.linear.gather [hbm4b:s16+s14], $0x10, $0x38;
	[tilespmem:$0x1A7D0] =	vst v63  }
0x5f: {  	_ =	swait.ge [sflag:s19], $0x10  }
0x60: {  	[sflag:s19] =	ssyncset.done $0x0  }
0x61: {  	s15 =	simm.s32 $0x0;
	[sflag:s19] =	ssyncadd.s32 $0xFFFFFFF0  }
0x62: {  	v1 =	vld [tilespmem:s15+$0x12FC0]  }
0x63: {  	v2 =	vld [tilespmem:s15+$0x157C0];
	_ =	sdelay $0x4  }
0x64: {  	v1 =	vadd.f32 v2, v1;
	_ =	sdelay $0x1  }
0x65: {  	s14 =	simm.s32 $0x10;
	v1 =	vmax.f32 v1, $1.000000000e+00  }
0x66: {  	v3 =	vld [tilespmem:s14+$0x12FC0];
	(erf) = vrcp.f32 v1  }
0x67: {  	v4 =	vld [tilespmem:s14+$0x157C0]  }
0x68: {  	v2 =	vld [tilespmem:s15+$0x107C0]  }
0x69: {  	v1 =	vld [tilespmem:s15+$0xDFC0];
	_ =	sdelay $0x3  }
0x6a: {  	v5 =	vld [tilespmem:s15+$0x8FC0]  }
0x6b: {  	v3 =	vadd.f32 v4, v3;
	v2 =	vadd.f32 v2, v1  }
0x6c: {  	v1 =	vld [tilespmem:$0x17FC0];
	v4 =	vpop (erf)  }
0x6d: {  	v6 =	vmax.f32 v3, $1.000000000e+00;
	v4 =	vmul.f32 v4, v2  }
0x6e: {  	v3 =	vld [tilespmem:s14+$0x107C0];
	(erf) = vrcp.f32 v6  }
0x6f: {  	s16 =	simm.s32 $0x20;
	v2 =	vld [tilespmem:s14+$0xDFC0];
	v5 =	vadd.f32 v4, v5  }
0x70: {  	s17 =	simm.s32 $0xC0;
	v4 =	vld [tilespmem:s16+$0x12FC0]  }
.LBB2_4:
0x71: {  	p1 =	sne.s32 s17, $0x9FC0;
	v6 =	vld [tilespmem:s16+$0x157C0];
	v5 =	vadd.f32 v5, v1;
	_ =	sdelay $0x1  }
0x72: {  	v5 =	vmax.f32 v5, $0.0e+00  }
0x73: {  	[tilespmem:s15+$0x8FC0] =	vst v5;
	s15 =	smov.u32 s14;
	s14 =	smov.u32 s16  }
0x74: {  	v5 =	vld [tilespmem:s15+$0x8FC0]  }
0x75: {  	v2 =	vadd.f32 v3, v2;
	v4 =	vadd.f32 v6, v4  }
.Ltmp3:
0x76: {  	v3 =	vpop (erf);
	(pc) =	sbr.rel @p1 .LBB2_4-.Ltmp3, $4  }
0x77: {  	v4 =	vmax.f32 v4, $1.000000000e+00;
	v6 =	vmul.f32 v3, v2  }
0x78: {  	v2 =	vld [tilespmem:s14+$0xDFC0];
	(erf) = vrcp.f32 v4  }
0x79: {  	s16 =	sshra.s32 s17, $0x2;
	v3 =	vld [tilespmem:s14+$0x107C0];
	v5 =	vadd.f32 v6, v5  }
0x7a: {  	s17 =	sadd.s32 $0x40, s17;
	v4 =	vld [tilespmem:s16+$0x12FC0]  }
0x7b: {  	v6 =	vld [tilespmem:s16+$0x157C0];
	v5 =	vadd.f32 v5, v1;
	_ =	sdelay $0x1  }
0x7c: {  	v5 =	vmax.f32 v5, $0.0e+00  }
0x7d: {  	[tilespmem:s15+$0x8FC0] =	vst v5  }
0x7e: {  	v5 =	vld [tilespmem:s14+$0x8FC0]  }
0x7f: {  	v2 =	vadd.f32 v3, v2;
	v4 =	vadd.f32 v6, v4  }
0x80: {  	v3 =	vpop (erf)  }
0x81: {  	v4 =	vmax.f32 v4, $1.000000000e+00;
	v2 =	vmul.f32 v3, v2  }
0x82: {  	(erf) = vrcp.f32 v4  }
0x83: {  	v2 =	vadd.f32 v2, v5  }
0x84: {  	v62 =	vld [tilespmem:s16+$0x107C0]  }
0x85: {  	v3 =	vld [tilespmem:s16+$0xDFC0];
	v2 =	vadd.f32 v2, v1;
	_ =	sdelay $0x1  }
0x86: {  	v2 =	vmax.f32 v2, $0.0e+00  }
0x87: {  	[tilespmem:s14+$0x8FC0] =	vst v2  }
0x88: {  	v2 =	vld [tilespmem:s16+$0x8FC0]  }
0x89: {  	v3 =	vadd.f32 v62, v3  }
0x8a: {  	v63 =	vpop (erf)  }
0x8b: {  	v3 =	vmul.f32 v63, v3;
	_ =	sdelay $0x1  }
0x8c: {  	v2 =	vadd.f32 v3, v2;
	_ =	sdelay $0x1  }
0x8d: {  	v1 =	vadd.f32 v2, v1;
	_ =	sdelay $0x1  }
0x8e: {  	v1 =	vmax.f32 v1, $0.0e+00  }
0x8f: {  	s8 =	rddreg [dreg:$0xc];
	[tilespmem:s16+$0x8FC0] =	vst v1  }
0x90: {  	[spmem:s8] =	stream.linear.scatter [tilespmem:s18], [sflag:$0x15], $0x2800, $0x38;
	[tilespmem:$0x1A7D0] =	vst v63  }
0x91: {  	_ =	swait.ge [sflag:s19], $0x2800  }
0x92: {  	s15 =	simm.s32 @!p0 $0x8FC0;
	[sflag:s19] =	ssyncset.done $0x0  }
0x93: {  	s14 =	simm.s32 @!p0 $0x0;
	s8 =	rddreg [dreg:$0xd];
	[sflag:s19] =	ssyncadd.s32 $0xFFFFD800  }
0x94: {  	[hbm4b:s8+s14] =	stream.linear.scatter @!p0 [tilespmem:s15], [sflag:$0x15], $0x2800, $0x38;
	[tilespmem:$0x1A7D0] =	vst v63  }
0x95: {  	s14 =	simm.s32 @!p0 $0x15  }
0x96: {  	_ =	swait.ge @!p0 [sflag:s14], $0x2800  }
0x97: {  	[sflag:s14] =	ssyncset.done @!p0 $0x0  }
0x98: {  	[sflag:s14] =	ssyncadd.s32 @!p0 $0xFFFFD800  }
0x99: {  	s14 =	simm.s32 $0x0;
	[bflag:$0x0] =	sbarrier.arrive $0xFFFF  }
0x9a: {  	[tilespmem:s28], [sflag:$0x1] =	stream.indirect.gather [spmem:s4], $0x10, s14, s26, $0xb8;
	[tilespmem:$0x1A7D0] =	vst v63  }
0x9b: {  	s17 =	simm.s32 $0x68;
	s9 =	simm.s32 $0x5780  }
0x9c: {  	[tilespmem:s9], [sflag:$0x2] =	stream.indirect.gather [spmem:s4], $0x10, s17, s26, $0xb8;
	[tilespmem:$0x1A7D0] =	vst v63  }
0x9d: {  	s10 =	simm.s32 $0xD0  }
0x9e: {  	[tilespmem:s2], [sflag:$0x3] =	stream.indirect.gather [spmem:s4], $0x10, s10, s26, $0xb8;
	[tilespmem:$0x1A7D0] =	vst v63  }
0x9f: {  	s11 =	simm.s32 $0x138;
	s15 =	simm.s32 $0x6400  }
0xa0: {  	[tilespmem:s15], [sflag:$0x4] =	stream.indirect.gather [spmem:s4], $0x10, s11, s26, $0xb8;
	[tilespmem:$0x1A7D0] =	vst v63  }
0xa1: {  	s16 =	simm.s32 $0x1A0  }
0xa2: {  	[tilespmem:s20], [sflag:$0x5] =	stream.indirect.gather [spmem:s4], $0x10, s16, s26, $0xb8;
	[tilespmem:$0x1A7D0] =	vst v63  }
0xa3: {  	s17 =	simm.s32 $0x208  }
0xa4: {  	[tilespmem:s22], [sflag:$0x6] =	stream.indirect.gather [spmem:s4], $0x10, s17, s26, $0xb8;
	[tilespmem:$0x1A7D0] =	vst v63  }
0xa5: {  	s9 =	simm.s32 $0x270;
	s10 =	simm.s32 $0x76C0  }
0xa6: {  	[tilespmem:s10], [sflag:$0x7] =	stream.indirect.gather [spmem:s4], $0x10, s9, s26, $0xb8;
	[tilespmem:$0x1A7D0] =	vst v63  }
0xa7: {  	s11 =	simm.s32 $0x2D8  }
0xa8: {  	[tilespmem:s29], [sflag:$0x8] =	stream.indirect.gather [spmem:s4], $0x10, s11, s26, $0xb8;
	[tilespmem:$0x1A7D0] =	vst v63  }
0xa9: {  	s15 =	simm.s32 $0x340;
	s16 =	simm.s32 $0x8340  }
0xaa: {  	[tilespmem:s16], [sflag:$0x9] =	stream.indirect.gather [spmem:s4], $0x10, s15, s26, $0xb8;
	[tilespmem:$0x1A7D0] =	vst v63  }
0xab: {  	s17 =	simm.s32 $0x3A8  }
0xac: {  	[tilespmem:s1], [sflag:$0xA] =	stream.indirect.gather [spmem:s4], $0x10, s17, s26, $0xb8;
	[tilespmem:$0x1A7D0] =	vst v63  }
.LBB2_6:
0xad: {  	_ =	swait.ge [sflag:s5], $0x640  }
0xae: {  	s15 =	sshra.s32 s14, $0x2;
	[sflag:s5] =	ssyncset.done $0x0  }
0xaf: {  	p1 =	seq.s32 s14, $0x0;
	s16 =	sadd.s32 $0x28A0, s15;
	[sflag:s5] =	ssyncadd.s32 $0xFFFFF9C0  }
0xb0: {  	[spmem:s3] =	stream.indirect.scatter.add.f32 [tilespmem:s28], [sflag:$0xB], $0x10, s16, s26, $0xb8;
	[tilespmem:$0x1A7D0] =	vst v63  }
0xb1: {  	s16 =	simm.s32 @p1 $0x2  }
0xb2: {  	_ =	swait.ge @p1 [sflag:s16], $0x640  }
0xb3: {  	[sflag:s16] =	ssyncset.done @p1 $0x0  }
0xb4: {  	[sflag:s16] =	ssyncadd.s32 @p1 $0xFFFFF9C0;
	s16 =	sshra.s32 @p1 s14, $0x2  }
0xb5: {  	s8 =	simm.s32 @p1 $0x64;
	s9 =	simm.s32 @p1 $0x5780;
	s17 =	sadd.s32 @p1 $0x2908, s16  }
0xb6: {  	[spmem:s3] =	stream.indirect.scatter.add.f32 @p1 [tilespmem:s9], [sflag:$0xC], $0x10, s17, s8, $0xb8;
	[tilespmem:$0x1A7D0] =	vst v63  }
0xb7: {  	s9 =	simm.s32 @!p1 $0x10  }
0xb8: {  	_ =	swait.ge @!p1 [sflag:s9], $0x640  }
0xb9: {  	[sflag:s9] =	ssyncset.done @!p1 $0x0  }
0xba: {  	[sflag:s9] =	ssyncadd.s32 @!p1 $0xFFFFF9C0;
	s9 =	sshra.s32 @!p1 s14, $0x2  }
0xbb: {  	s10 =	simm.s32 @!p1 $0x64;
	s11 =	simm.s32 @!p1 $0x7080;
	s17 =	sadd.s32 @!p1 $0x208, s9  }
0xbc: {  	[tilespmem:s11], [sflag:$0x6] =	stream.indirect.gather @!p1 [spmem:s4], $0x10, s17, s10, $0xb8;
	[tilespmem:$0x1A7D0] =	vst v63  }
0xbd: {  	s11 =	simm.s32 @!p1 $0x2  }
0xbe: {  	_ =	swait.ge @!p1 [sflag:s11], $0x640  }
0xbf: {  	[sflag:s11] =	ssyncset.done @!p1 $0x0  }
0xc0: {  	s17 =	simm.s32 @!p1 $0x5780;
	[sflag:s11] =	ssyncadd.s32 @!p1 $0xFFFFF9C0;
	s11 =	sadd.s32 @!p1 $0x2908, s9  }
0xc1: {  	[spmem:s3] =	stream.indirect.scatter.add.f32 @!p1 [tilespmem:s17], [sflag:$0xC], $0x10, s11, s10, $0xb8;
	[tilespmem:$0x1A7D0] =	vst v63  }
0xc2: {  	s11 =	simm.s32 @!p1 $0x11  }
0xc3: {  	_ =	swait.ge @!p1 [sflag:s11], $0x640  }
0xc4: {  	[sflag:s11] =	ssyncset.done @!p1 $0x0  }
0xc5: {  	s17 =	simm.s32 @!p1 $0x76C0;
	[sflag:s11] =	ssyncadd.s32 @!p1 $0xFFFFF9C0;
	s11 =	sadd.s32 @!p1 $0x270, s9  }
0xc6: {  	[tilespmem:s17], [sflag:$0x7] =	stream.indirect.gather @!p1 [spmem:s4], $0x10, s11, s10, $0xb8;
	[tilespmem:$0x1A7D0] =	vst v63  }
0xc7: {  	_ =	swait.ge [sflag:s21], $0x640  }
0xc8: {  	[sflag:s21] =	ssyncset.done $0x0  }
0xc9: {  	s17 =	sadd.s32 $0x2970, s15;
	s11 =	simm.s32 @p1 $0x4;
	[sflag:s21] =	ssyncadd.s32 $0xFFFFF9C0  }
0xca: {  	[spmem:s3] =	stream.indirect.scatter.add.f32 [tilespmem:s2], [sflag:$0xD], $0x10, s17, s26, $0xb8;
	[tilespmem:$0x1A7D0] =	vst v63  }
0xcb: {  	_ =	swait.ge @p1 [sflag:s11], $0x640  }
0xcc: {  	[sflag:s11] =	ssyncset.done @p1 $0x0  }
0xcd: {  	[sflag:s11] =	ssyncadd.s32 @p1 $0xFFFFF9C0;
	s11 =	sadd.s32 @p1 $0x29D8, s16;
	s16 =	simm.s32 @p1 $0x6400  }
0xce: {  	[spmem:s3] =	stream.indirect.scatter.add.f32 @p1 [tilespmem:s16], [sflag:$0xE], $0x10, s11, s8, $0xb8;
	[tilespmem:$0x1A7D0] =	vst v63  }
0xcf: {  	s8 =	simm.s32 @!p1 $0x12  }
0xd0: {  	_ =	swait.ge @!p1 [sflag:s8], $0x640  }
0xd1: {  	[sflag:s8] =	ssyncset.done @!p1 $0x0  }
0xd2: {  	s11 =	simm.s32 @!p1 $0x7D00;
	[sflag:s8] =	ssyncadd.s32 @!p1 $0xFFFFF9C0;
	s8 =	sadd.s32 @!p1 $0x2D8, s9  }
0xd3: {  	[tilespmem:s11], [sflag:$0x8] =	stream.indirect.gather @!p1 [spmem:s4], $0x10, s8, s10, $0xb8;
	[tilespmem:$0x1A7D0] =	vst v63  }
0xd4: {  	s8 =	simm.s32 @!p1 $0x4  }
0xd5: {  	_ =	swait.ge @!p1 [sflag:s8], $0x640  }
0xd6: {  	[sflag:s8] =	ssyncset.done @!p1 $0x0  }
0xd7: {  	s11 =	simm.s32 @!p1 $0x6400;
	[sflag:s8] =	ssyncadd.s32 @!p1 $0xFFFFF9C0;
	s8 =	sadd.s32 @!p1 $0x29D8, s9  }
0xd8: {  	[spmem:s3] =	stream.indirect.scatter.add.f32 @!p1 [tilespmem:s11], [sflag:$0xE], $0x10, s8, s10, $0xb8;
	[tilespmem:$0x1A7D0] =	vst v63  }
0xd9: {  	s8 =	simm.s32 @!p1 $0x13  }
0xda: {  	_ =	swait.ge @!p1 [sflag:s8], $0x640  }
0xdb: {  	[sflag:s8] =	ssyncset.done @!p1 $0x0  }
0xdc: {  	s11 =	simm.s32 @!p1 $0x8340;
	[sflag:s8] =	ssyncadd.s32 @!p1 $0xFFFFF9C0;
	s8 =	sadd.s32 @!p1 $0x340, s9  }
0xdd: {  	[tilespmem:s11], [sflag:$0x9] =	stream.indirect.gather @!p1 [spmem:s4], $0x10, s8, s10, $0xb8;
	[tilespmem:$0x1A7D0] =	vst v63  }
0xde: {  	_ =	swait.ge [sflag:s23], $0x640  }
0xdf: {  	[sflag:s23] =	ssyncset.done $0x0  }
0xe0: {  	s11 =	sadd.s32 $0x2A40, s15;
	s8 =	simm.s32 @!p1 $0x14;
	[sflag:s23] =	ssyncadd.s32 $0xFFFFF9C0  }
0xe1: {  	[spmem:s3] =	stream.indirect.scatter.add.f32 [tilespmem:s20], [sflag:$0xF], $0x10, s11, s26, $0xb8;
	[tilespmem:$0x1A7D0] =	vst v63  }
0xe2: {  	_ =	swait.ge @!p1 [sflag:s8], $0x640  }
0xe3: {  	[sflag:s8] =	ssyncset.done @!p1 $0x0  }
0xe4: {  	[sflag:s8] =	ssyncadd.s32 @!p1 $0xFFFFF9C0;
	s8 =	sadd.s32 @!p1 $0x3A8, s9;
	s9 =	simm.s32 @!p1 $0x8980  }
0xe5: {  	[tilespmem:s9], [sflag:$0xA] =	stream.indirect.gather @!p1 [spmem:s4], $0x10, s8, s10, $0xb8;
	[tilespmem:$0x1A7D0] =	vst v63  }
0xe6: {  	_ =	swait.ge [sflag:s24], $0x640  }
0xe7: {  	[sflag:s24] =	ssyncset.done $0x0  }
0xe8: {  	s16 =	sadd.s32 $0x2AA8, s15;
	[sflag:s24] =	ssyncadd.s32 $0xFFFFF9C0  }
0xe9: {  	[spmem:s3] =	stream.indirect.scatter.add.f32 [tilespmem:s22], [sflag:$0x10], $0x10, s16, s26, $0xb8;
	[tilespmem:$0x1A7D0] =	vst v63  }
0xea: {  	_ =	swait.ge [sflag:s25], $0x640  }
0xeb: {  	p1 =	seq.s32 s14, $0x9240;
	[sflag:s25] =	ssyncset.done $0x0  }
0xec: {  	s8 =	simm.s32 @p1 $0x7;
	[sflag:s25] =	ssyncadd.s32 $0xFFFFF9C0  }
0xed: {  	_ =	swait.ge @p1 [sflag:s8], $0x640  }
0xee: {  	[sflag:s8] =	ssyncset.done @p1 $0x0  }
0xef: {  	[sflag:s8] =	ssyncadd.s32 @p1 $0xFFFFF9C0;
	s8 =	sshra.s32 @p1 s14, $0x2  }
0xf0: {  	s10 =	simm.s32 @p1 $0x64;
	s11 =	simm.s32 @p1 $0x76C0;
	s9 =	sadd.s32 @p1 $0x2B10, s8  }
0xf1: {  	[spmem:s3] =	stream.indirect.scatter.add.f32 @p1 [tilespmem:s11], [sflag:$0x11], $0x10, s9, s10, $0xb8;
	[tilespmem:$0x1A7D0] =	vst v63  }
0xf2: {  	s9 =	simm.s32 @p1 $0xC  }
0xf3: {  	_ =	swait.ge @p1 [sflag:s9], $0x640  }
0xf4: {  	[sflag:s9] =	ssyncset.done @p1 $0x0  }
0xf5: {  	[sflag:s9] =	ssyncadd.s32 @p1 $0xFFFFF9C0;
	s9 =	sshra.s32 @!p1 s14, $0x2  }
0xf6: {  	s17 =	simm.s32 @!p1 $0x5140;
	s16 =	simm.s32 @!p1 $0x64;
	s11 =	sadd.s32 @!p1 $0x410, s9  }
0xf7: {  	[tilespmem:s17], [sflag:$0x1] =	stream.indirect.gather @!p1 [spmem:s4], $0x10, s11, s16, $0xb8;
	[tilespmem:$0x1A7D0] =	vst v63  }
0xf8: {  	s11 =	simm.s32 @!p1 $0x7  }
0xf9: {  	_ =	swait.ge @!p1 [sflag:s11], $0x640  }
0xfa: {  	[sflag:s11] =	ssyncset.done @!p1 $0x0  }
0xfb: {  	s17 =	simm.s32 @!p1 $0x76C0;
	[sflag:s11] =	ssyncadd.s32 @!p1 $0xFFFFF9C0;
	s11 =	sadd.s32 @!p1 $0x2B10, s9  }
0xfc: {  	[spmem:s3] =	stream.indirect.scatter.add.f32 @!p1 [tilespmem:s17], [sflag:$0x11], $0x10, s11, s16, $0xb8;
	[tilespmem:$0x1A7D0] =	vst v63  }
0xfd: {  	s11 =	simm.s32 @!p1 $0xC  }
0xfe: {  	_ =	swait.ge @!p1 [sflag:s11], $0x640  }
0xff: {  	[sflag:s11] =	ssyncset.done @!p1 $0x0  }
0x100: {  	s17 =	simm.s32 @!p1 $0x5780;
	[sflag:s11] =	ssyncadd.s32 @!p1 $0xFFFFF9C0;
	s11 =	sadd.s32 @!p1 $0x478, s9  }
0x101: {  	[tilespmem:s17], [sflag:$0x2] =	stream.indirect.gather @!p1 [spmem:s4], $0x10, s11, s16, $0xb8;
	[tilespmem:$0x1A7D0] =	vst v63  }
0x102: {  	_ =	swait.ge [sflag:s30], $0x640  }
0x103: {  	[sflag:s30] =	ssyncset.done $0x0  }
0x104: {  	s17 =	sadd.s32 $0x2B78, s15;
	[sflag:s30] =	ssyncadd.s32 $0xFFFFF9C0  }
0x105: {  	[spmem:s3] =	stream.indirect.scatter.add.f32 [tilespmem:s29], [sflag:$0x12], $0x10, s17, s26, $0xb8;
	[tilespmem:$0x1A7D0] =	vst v63  }
0x106: {  	_ =	swait.ge [sflag:s31], $0x640  }
0x107: {  	[sflag:s31] =	ssyncset.done $0x0  }
0x108: {  	s11 =	simm.s32 @p1 $0x9;
	[sflag:s31] =	ssyncadd.s32 $0xFFFFF9C0  }
0x109: {  	_ =	swait.ge @p1 [sflag:s11], $0x640  }
0x10a: {  	[sflag:s11] =	ssyncset.done @p1 $0x0  }
0x10b: {  	s8 =	sadd.s32 @p1 $0x2BE0, s8;
	[sflag:s11] =	ssyncadd.s32 @p1 $0xFFFFF9C0;
	s11 =	simm.s32 @p1 $0x8340  }
0x10c: {  	[spmem:s3] =	stream.indirect.scatter.add.f32 @p1 [tilespmem:s11], [sflag:$0x13], $0x10, s8, s10, $0xb8;
	[tilespmem:$0x1A7D0] =	vst v63  }
0x10d: {  	s8 =	simm.s32 @p1 $0xE  }
0x10e: {  	_ =	swait.ge @p1 [sflag:s8], $0x640  }
0x10f: {  	[sflag:s8] =	ssyncset.done @p1 $0x0  }
0x110: {  	s10 =	simm.s32 @!p1 $0x5DC0;
	[sflag:s8] =	ssyncadd.s32 @p1 $0xFFFFF9C0;
	s8 =	sadd.s32 @!p1 $0x4E0, s9  }
0x111: {  	[tilespmem:s10], [sflag:$0x3] =	stream.indirect.gather @!p1 [spmem:s4], $0x10, s8, s16, $0xb8;
	[tilespmem:$0x1A7D0] =	vst v63  }
0x112: {  	s8 =	simm.s32 @!p1 $0x9  }
0x113: {  	_ =	swait.ge @!p1 [sflag:s8], $0x640  }
0x114: {  	[sflag:s8] =	ssyncset.done @!p1 $0x0  }
0x115: {  	s10 =	simm.s32 @!p1 $0x8340;
	[sflag:s8] =	ssyncadd.s32 @!p1 $0xFFFFF9C0;
	s8 =	sadd.s32 @!p1 $0x2BE0, s9  }
0x116: {  	[spmem:s3] =	stream.indirect.scatter.add.f32 @!p1 [tilespmem:s10], [sflag:$0x13], $0x10, s8, s16, $0xb8;
	[tilespmem:$0x1A7D0] =	vst v63  }
0x117: {  	s8 =	simm.s32 @!p1 $0xE  }
0x118: {  	_ =	swait.ge @!p1 [sflag:s8], $0x640  }
0x119: {  	[sflag:s8] =	ssyncset.done @!p1 $0x0  }
0x11a: {  	[sflag:s8] =	ssyncadd.s32 @!p1 $0xFFFFF9C0;
	s8 =	sadd.s32 @!p1 $0x548, s9;
	s9 =	simm.s32 @!p1 $0x6400  }
0x11b: {  	[tilespmem:s9], [sflag:$0x4] =	stream.indirect.gather @!p1 [spmem:s4], $0x10, s8, s16, $0xb8;
	[tilespmem:$0x1A7D0] =	vst v63  }
0x11c: {  	_ =	swait.ge [sflag:s0], $0x640  }
0x11d: {  	[sflag:s0] =	ssyncset.done $0x0  }
.Ltmp4:
0x11e: {  	s17 =	sadd.s32 $0x2C48, s15;
	[sflag:s0] =	ssyncadd.s32 $0xFFFFF9C0;
	(pc) =	sbr.rel @p1 .LBB2_8-.Ltmp4, $4  }
0x11f: {  	[spmem:s3] =	stream.indirect.scatter.add.f32 [tilespmem:s1], [sflag:$0x14], $0x10, s17, s26, $0xb8;
	[tilespmem:$0x1A7D0] =	vst v63  }
0x120: {  	_ =	swait.ge [sflag:s7], $0x640  }
0x121: {  	[sflag:s7] =	ssyncset.done $0x0  }
0x122: {  	[sflag:s7] =	ssyncadd.s32 $0xFFFFF9C0  }
.Ltmp5:
0x123: {  	(pc) =	sbr.rel .LBB2_6-.Ltmp5, $3  }
0x124: {  	_ =	sdelay $0x1  }
0x125: {  	s8 =	sadd.s32 $0x5B0, s15;
	s14 =	sadd.s32 $0x1040, s14  }
0x126: {  	[tilespmem:s20], [sflag:$0x5] =	stream.indirect.gather [spmem:s4], $0x10, s8, s26, $0xb8;
	[tilespmem:$0x1A7D0] =	vst v63  }
.LBB2_9:
0x127: {  	_ =	sfence.sel $0x180000  }
0x128: {  	[bflag:$0x0] =	sbarrier.arrive $0xFFFF  }
0x129: {  	_ =	strace $0x9000004A  }
0x12a: {  	s0 =	stileid.u32;
	[bflag:$0x2] =	sbarrier.arrive $0xFFFF  }
0x12b: {  	p0 =	sne.s32 s0, $0x0;
	s0 =	rddreg [dreg:$0x4]  }
0x12c: {  	s0 =	sadd.s32 @!p0 $0x100000, s0  }
0x12d: {  	[sflag:s0] =	ssyncadd.tile.s32 @!p0 $0x1;
	_ =	shalt  }
.Lfunc_end2:
_tile_overlayer_lowered:
.L_overlay_start_2:
0x12e: {  	(tag) =	ssettag $0x2  }
0x12f: {  	s0 =	rddreg [dreg:$0x0];
	s2 =	stileid.u32  }
0x130: {  	s1 =	rddreg [dreg:$0x1];
	p0 =	sne.s32 s2, $0x0  }
0x131: {  	s3 =	rddreg [dreg:$0x2];
	[bflag:$0x3] =	sbarrier.arrive $0xFFFF;
	s2 =	simm.s32 @!p0 $0x1C15  }
0x132: {  	[timem:s3], [sflag:s2] =	dma.local @!p0 [hbm:s0], s1  }
0x133: {  	s0 =	simm.s32 @!p0 $0x15  }
0x134: {  	_ =	swait.ge @!p0 [sflag:s0], s1  }
0x135: {  	s1 =	ssub.s32 @!p0 $0x0, s1;
	[sflag:s0] =	ssyncset.done @!p0 $0x0  }
0x136: {  	[sflag:s0] =	ssyncadd.s32 @!p0 s1  }
0x137: {  	[bflag:$0x3] =	sbarrier.arrive $0xFFFF  }
0x138: {  	_ =	shalt  }

// kernel: kernel.13.cloned.1.call-start
scs
__scs_entry_jumppad:
0x0: {  	(pc) =	sbr.rel $0x88, $3  }
0x1: {  	(tag) =	ssettag $0x0;
	lr =	simm.s32 $0x1  }
0x2: {  	[smem:$0x3F95] =	sst lr;
	_ =	strace $0xD0000000  }
0x3: {  	_ = 	snop  }
0x4: {  	_ = 	snop  }
0x5: {  	_ = 	snop  }
0x6: {  	_ = 	snop  }
0x7: {  	_ = 	snop  }
__scs_overlays_trampoline_lowered:
0x8: {  	[smem:$0x3FA4] =	sst s0  }
0x9: {  	[smem:$0x3FA5] =	sst s1  }
0xa: {  	[smem:$0x3FA6] =	sst s2  }
0xb: {  	[smem:$0x3FA7] =	sst s3  }
0xc: {  	[smem:$0x3FA8] =	sst s4  }
0xd: {  	[smem:$0x3FA9] =	sst s5  }
0xe: {  	[smem:$0x3FAA] =	sst s6  }
0xf: {  	[smem:$0x3FAB] =	sst s7  }
0x10: {  	[smem:$0x3FAC] =	sst s8  }
0x11: {  	[smem:$0x3FAD] =	sst s9;
	s0 =	simm.s32 @!p0 $0x0  }
0x12: {  	s1 =	sld [smem:$0x3F93];
	s0 =	simm.s32 @p0 $0x1  }
0x13: {  	[smem:$0x3FAE] =	sst s0;
	s0 =	simm.s32 @!p1 $0x0  }
0x14: {  	s2 =	sld [smem:$0x3F92];
	s0 =	simm.s32 @p1 $0x1  }
0x15: {  	[smem:$0x3FAF] =	sst s0;
	s0 =	simm.s32 @!p2 $0x0  }
0x16: {  	s3 =	sld [smem:$0x3FDB];
	s0 =	simm.s32 @p2 $0x1  }
0x17: {  	s4 =	simm.s32 $0x1BF5;
	[smem:$0x3FB1] =	sst s0  }
0x18: {  	s0 =	sld [smem:$0x3F94];
	_ =	swait.ge [sflag:s4], $0x0  }
0x19: {  	s7 =	sld [smem:$0x3F95]  }
0x1a: {  	s8 =	sadd.s32 $0xFFFFE003, lr  }
0x1b: {  	s9 =	sadd.s32 $0xFFFFFEF7, lr;
	s5 =	simm.s32 $0xFFFFFFFF;
	p2 =	slt.u32 s8, $0xFFFFF086  }
0x1c: {  	p1 =	slt.u32 s9, $0xF7A;
	s5 =	simm.s32 @!p2 $0x0  }
0x1d: {  	s5 =	simm.s32 @p1 $0x1;
	p0 =	seq.s32 s7, s2  }
0x1e: {  	s7 =	smul.u32 @!p0 $0xF7A, s2;
	p2 =	seq.s32 @!p0 s5, $0x0  }
0x1f: {  	s9 =	smul.u32 $0xF7A, s1;
	s8 =	simm.s32 @!p0 $0x1BF5;
	p2 =	por !p2, p0  }
0x20: {  	[sflag:s8] =	ssyncset.s32 @!p0 $0xFFFFF086;
	s6 =	sadd.s32 @!p0 s3, s7;
	s7 =	simm.s32 @!p0 $0x108  }
0x21: {  	s3 =	sadd.s32 s3, s9;
	s6 =	sadd.s32 @!p0 $0x88, s6;
	s7 =	simm.s32 @p2 $0x1082  }
0x22: {  	[simem:s7], [sflag:s8] =	dma.local @!p0 [hbm:s6], $0xF7A  }
0x23: {  	s9 =	sor.u32 $0xD0000000, s2;
	s6 =	simm.s32 $0x108;
	_ =	swait.ge @!p0 [sflag:s8], $0x0  }
0x24: {  	s3 =	sadd.s32 $0x88, s3;
	s6 =	simm.s32 @!p1 $0x1082;
	[sflag:s4] =	ssyncset.s32 $0xFFFFF086  }
0x25: {  	[simem:s6], [sflag:s4] =	dma.local [hbm:s3], $0xF7A  }
0x26: {  	[smem:$0x3F95] =	sst s1;
	(tag) =	ssettag s2;
	_ =	strace s9  }
0x27: {  	s1 =	sld [smem:$0x3FA5]  }
0x28: {  	s2 =	sld [smem:$0x3FA6]  }
0x29: {  	s4 =	sld [smem:$0x3FA8]  }
0x2a: {  	p0 =	seq.s32 s5, $0x0;
	s5 =	sld [smem:$0x3FA9]  }
0x2b: {  	s6 =	sld [smem:$0x3FAA]  }
0x2c: {  	s7 =	sld [smem:$0x3FAB]  }
0x2d: {  	s3 =	simm.s32 $0x108;
	s8 =	sld [smem:$0x3FAC]  }
0x2e: {  	s3 =	simm.s32 @!p0 $0x1082;
	s9 =	sld [smem:$0x3FAD]  }
0x2f: {  	lr =	sadd.s32 s0, s3;
	s0 =	sld [smem:$0x3FA4]  }
0x30: {  	s3 =	sld [smem:$0x3FA7]  }
0x31: {  	[smem:$0x3FB0] =	sst s10  }
0x32: {  	s10 =	sld [smem:$0x3FAE];
	_ =	sdelay $0x3  }
0x33: {  	p0 =	seq.s32 s10, $0x1;
	s10 =	sld [smem:$0x3FB0];
	_ =	sdelay $0x3  }
0x34: {  	[smem:$0x3FB0] =	sst s10  }
0x35: {  	s10 =	sld [smem:$0x3FAF];
	_ =	sdelay $0x3  }
0x36: {  	p1 =	seq.s32 s10, $0x1;
	s10 =	sld [smem:$0x3FB0];
	_ =	sdelay $0x3  }
0x37: {  	[smem:$0x3FB0] =	sst s10  }
0x38: {  	s10 =	sld [smem:$0x3FB1]  }
0x39: {  	_ = 	snop;
	(pc) =	sbr.ind lr, $3  }
0x3a: {  	_ = 	snop  }
0x3b: {  	_ = 	snop  }
0x3c: {  	p2 =	seq.s32 s10, $0x1;
	s10 =	sld [smem:$0x3FB0]  }
0x3d: {  	_ =	shalt  }
0x3e: {  	_ =	shalt  }
0x3f: {  	_ =	shalt  }
0x40: {  	_ =	shalt  }
0x41: {  	_ =	shalt  }
0x42: {  	_ =	shalt  }
0x43: {  	_ =	shalt  }
0x44: {  	_ =	shalt  }
0x45: {  	_ =	shalt  }
0x46: {  	_ =	shalt  }
0x47: {  	_ =	shalt  }
0x48: {  	_ =	shalt  }
0x49: {  	_ =	shalt  }
0x4a: {  	_ =	shalt  }
0x4b: {  	_ =	shalt  }
0x4c: {  	_ =	shalt  }
0x4d: {  	_ =	shalt  }
0x4e: {  	_ =	shalt  }
0x4f: {  	_ =	shalt  }
0x50: {  	_ =	shalt  }
0x51: {  	_ =	shalt  }
0x52: {  	_ =	shalt  }
0x53: {  	_ =	shalt  }
0x54: {  	_ =	shalt  }
0x55: {  	_ =	shalt  }
0x56: {  	_ =	shalt  }
0x57: {  	_ =	shalt  }
0x58: {  	_ =	shalt  }
0x59: {  	_ =	shalt  }
0x5a: {  	_ =	shalt  }
0x5b: {  	_ =	shalt  }
0x5c: {  	_ =	shalt  }
0x5d: {  	_ =	shalt  }
0x5e: {  	_ =	shalt  }
0x5f: {  	_ =	shalt  }
0x60: {  	_ =	shalt  }
0x61: {  	_ =	shalt  }
0x62: {  	_ =	shalt  }
0x63: {  	_ =	shalt  }
0x64: {  	_ =	shalt  }
0x65: {  	_ =	shalt  }
0x66: {  	_ =	shalt  }
0x67: {  	_ =	shalt  }
0x68: {  	_ =	shalt  }
0x69: {  	_ =	shalt  }
0x6a: {  	_ =	shalt  }
0x6b: {  	_ =	shalt  }
0x6c: {  	_ =	shalt  }
0x6d: {  	_ =	shalt  }
0x6e: {  	_ =	shalt  }
0x6f: {  	_ =	shalt  }
0x70: {  	_ =	shalt  }
0x71: {  	_ =	shalt  }
0x72: {  	_ =	shalt  }
0x73: {  	_ =	shalt  }
0x74: {  	_ =	shalt  }
0x75: {  	_ =	shalt  }
0x76: {  	_ =	shalt  }
0x77: {  	_ =	shalt  }
0x78: {  	_ =	shalt  }
0x79: {  	_ =	shalt  }
0x7a: {  	_ =	shalt  }
0x7b: {  	_ =	shalt  }
0x7c: {  	_ =	shalt  }
0x7d: {  	_ =	shalt  }
0x7e: {  	_ =	shalt  }
0x7f: {  	_ =	shalt  }
0x80: {  	_ =	shalt  }
0x81: {  	_ =	shalt  }
0x82: {  	_ =	shalt  }
0x83: {  	_ =	shalt  }
0x84: {  	_ =	shalt  }
0x85: {  	_ =	shalt  }
0x86: {  	_ =	shalt  }
0x87: {  	_ =	shalt  }
.Lfunc_end0:
.L_simem_size_0:
called_computation.2_lowered:
.L_overlay_start_0:
0x88: {  	s2 =	sld [smem:$0x3FD9]  }
0x89: {  	s3 =	sld [smem:$0x3FFE];
	_ =	sdelay $0x1  }
0x8a: {  	s1 =	srdreg.scid  }
0x8b: {  	s0 =	sand.u32 $0x1, s1  }
0x8c: {  	s17 =	sshll.u32 s0, $0xA;
	s2 =	sadd.s32 s3, s2  }
0x8d: {  	s2 =	sadd.s32 s2, s17  }
0x8e: {  	[smem:$0x3FBC] =	sst s2  }
0x8f: {  	_ = 	snop  }
0x90: {  	s2 =	sld [smem:$0x3FC7]  }
0x91: {  	s18 =	sld [smem:$0x3FC6]  }
0x92: {  	s4 =	sld [smem:$0x3FD0];
	(tm) =	ssettm $0x1  }
0x93: {  	s5 =	sld [smem:$0x3FFB];
	_ =	sdelay $0x3  }
0x94: {  	_ =	strace s5  }
0x95: {  	s5 =	sld [smem:$0x3FFC];
	_ =	sdelay $0x3  }
0x96: {  	_ =	strace s5  }
0x97: {  	s5 =	sld [smem:$0x3FFD];
	_ =	sdelay $0x3  }
0x98: {  	_ =	strace s5  }
0x99: {  	_ =	strace $0x8FFFFFFF  }
0x9a: {  	s19 =	sld [smem:$0x3FDB];
	_ =	sdelay $0x1  }
0x9b: {  	s6 =	simm.s32 $_scs_section_size  }
0x9c: {  	s7 =	simm.s32 $_size__tile_overlayer_lowered;
	s8 =	simm.s32 $_tile_overlayer_lowered  }
0x9d: {  	s22 =	simm.s32 $0x1BFF;
	s21 =	sshll.u32 s8, $0x1;
	s5 =	sadd.s32 s6, s19  }
0x9e: {  	s9 =	simm.s32 $0x0;
	s20 =	sshll.u32 s7, $0x1;
	s7 =	sadd.s32 s21, s5  }
0x9f: {  	[timem:s9], [sflag:s22] =	dma.local [hbm:s7], s20  }
0xa0: {  	_ =	swait.ge [sflag:s22], s20  }
0xa1: {  	s6 =	ssub.s32 $0x0, s20;
	[sflag:s22] =	ssyncset.done $0x0  }
0xa2: {  	[sflag:s22] =	ssyncadd.s32 s6;
	_ =	sdelay $0x1  }
0xa3: {  	s23 =	simm.s32 $0x1B8B  }
0xa4: {  	_ =	swait.ge [sflag:s23], $0x1  }
0xa5: {  	[sflag:s23] =	ssyncset.done $0x0  }
0xa6: {  	s25 =	simm.s32 $0x1B8E;
	s24 =	sld [smem:$0x3FFE];
	[sflag:s23] =	ssyncadd.s32 $0xFFFFFFFF  }
0xa7: {  	s26 =	simm.s32 $execute0_lowered;
	[smem:$0x3FD2] =	sst s25  }
0xa8: {  	s7 =	sshll.u32 s26, $0x1;
	_ =	strace $0x8000004C;
	[dreg:$0x1] =	wrdreg $0xFFFFFFFF  }
0xa9: {  	s28 =	simm.s32 $_size_execute0_lowered;
	s5 =	sadd.s32 s5, s7;
	[dreg:$0x0] =	wrdreg $0x0  }
0xaa: {  	s7 =	sshll.u32 s28, $0x1;
	[dreg:$0x2] =	wrdreg s5  }
0xab: {  	[dreg:$0x3] =	wrdreg s7  }
0xac: {  	[dreg:$0x4] =	wrdreg $0xC0  }
0xad: {  	_ =	task [dreg:s9], $0x5FFFF  }
0xae: {  	[dreg:$0x1] =	wrdreg $0xFFFFFFFF  }
0xaf: {  	[dreg:$0x0] =	wrdreg $0x60  }
0xb0: {  	[dreg:$0x2] =	wrdreg s24  }
0xb1: {  	[dreg:$0x3] =	wrdreg s2  }
0xb2: {  	[dreg:$0x4] =	wrdreg s18  }
0xb3: {  	[dreg:$0x5] =	wrdreg s4  }
0xb4: {  	[dreg:$0x6] =	wrdreg $0x9  }
0xb5: {  	_ =	task.clear_ibuf [dreg:s9], $0x7FFFF;
	_ =	strace $0x9000004C  }
0xb6: {  	s29 =	simm.s32 $0x9;
	_ =	strace $0x8000004E  }
0xb7: {  	_ =	swait.ge [sflag:s29], $0x1  }
0xb8: {  	[sflag:s29] =	ssyncadd.s32 $0xFFFFFFFF  }
0xb9: {  	_ =	strace $0x9000004E  }
0xba: {  	_ =	sfence  }
0xbb: {  	s30 =	sld [smem:$0x0];
	_ =	sdelay $0x2  }
0xbc: {  	s31 =	sshll.u32 s1, $0xD;
	s1 =	sshrl.u32 s1, $0x2  }
0xbd: {  	s3 =	sand.u32 $0x4000, s31;
	s1 =	sadd.s32 s1, s30  }
0xbe: {  	s0 =	sor.u32 s3, s0;
	s1 =	sshll.u32 s1, $0x11  }
0xbf: {  	s0 =	sor.u32 s1, s0  }
0xc0: {  	s0 =	sadd.s32 $0x8F2B, s0  }
0xc1: {  	[sflag:s0] =	ssyncadd.remote.s32 $0x1  }
0xc2: {  	_ =	sfence.sel $0xFFFF  }
0xc3: {  	[dreg:$0x0] =	wrdreg $0xFFFFFFFF;
	(pc) =	sbr.abs _section_cstart, $3  }
0xc4: {  	[dreg:$0x1] =	wrdreg $0xFFFFFFFF  }
0xc5: {  	_ =	task.clear_ibuf [dreg:s9], $0x2FFFF;
	_ =	strace $0x9FFFFFFF  }
0xc6: {  	(tm) =	ssettm $0x7FFFFFFF  }
0xc7: {  	_ =	shalt  }
tec
execute0_lowered:
.L_overlay_start_1:
0x0: {  	(tag) =	ssettag $0x1  }
0x1: {  	s1 =	rddreg [dreg:$0x0]  }
0x2: {  	s5 =	rddreg [dreg:$0x1]  }
0x3: {  	s7 =	rddreg [dreg:$0x2]  }
0x4: {  	s9 =	rddreg [dreg:$0x3]  }
0x5: {  	s0 =	rddreg [dreg:$0x4];
	s2 =	simm.s32 $0x0;
	s3 =	srdreg.scid  }
0x6: {  	[smem:$0x7FF] =	sst s2;
	s4 =	sadd.s32 $0x2800, s1;
	s1 =	stileid.u32  }
0x7: {  	s11 =	sand.u32 $0x1, s3;
	s3 =	simm.s32 $0x1;
	_ =	strace $0x8000004D  }
0x8: {  	[tilespmem:s2], [sflag:$0x1] =	stream.linear.gather [hbm4b:s4+s2], $0x13880, $0x38;
	[tilespmem:$0x13A00] =	vst v63  }
0x9: {  	s6 =	sshll.u32 s1, $0x5;
	s8 =	sshll.u32 s11, $0x4;
	_ =	swait.ge [sflag:s3], $0x13880  }
0xa: {  	s10 =	sor.u32 s8, s6;
	[sflag:s3] =	ssyncset.done $0x0  }
0xb: {  	s6 =	simm.s32 $0x13880;
	s5 =	sadd.s32 s5, s10;
	[sflag:s3] =	ssyncadd.s32 $0xFFFEC780  }
0xc: {  	[tilespmem:s6], [sflag:$0x1] =	stream.linear.gather [hbm4b:s5+s2], $0x80, $0x38;
	[tilespmem:$0x13A00] =	vst v63  }
0xd: {  	_ =	swait.ge [sflag:s3], $0x80  }
0xe: {  	[sflag:s3] =	ssyncset.done $0x0  }
0xf: {  	s8 =	simm.s32 $0x13900;
	s7 =	sadd.s32 s7, s10;
	[sflag:s3] =	ssyncadd.s32 $0xFFFFFF80  }
0x10: {  	[tilespmem:s8], [sflag:$0x1] =	stream.linear.gather [hbm4b:s7+s2], $0x80, $0x38;
	[tilespmem:$0x13A00] =	vst v63  }
0x11: {  	_ =	swait.ge [sflag:s3], $0x80  }
0x12: {  	[sflag:s3] =	ssyncset.done $0x0  }
0x13: {  	[sflag:s3] =	ssyncadd.s32 $0xFFFFFF80  }
0x14: {  	v0 =	vld [tilespmem:$0x13900]  }
0x15: {  	v1 =	vld [tilespmem:$0x13880];
	_ =	sdelay $0x4  }
0x16: {  	v0 =	vshll.u32 v0, $0x3;
	v1 =	vshll.u32 v1, $0x3  }
0x17: {  	v0 =	vor.u32 $0x1, v0;
	_ =	sdelay $0x1  }
0x18: {  	v2 =	vld [tilespmem:$0x13890]  }
0x19: {  	v3 =	vld [tilespmem:$0x13910]  }
0x1a: {  	v1 =	vld.idx.msk [tilespmem:v1+s2+$0x0], $0xffff  }
0x1b: {  	v0 =	vld.idx.msk [tilespmem:v0+s2+$0x0], $0xffff;
	_ =	sdelay $0x2  }
0x1c: {  	v3 =	vshll.u32 v3, $0x3;
	v2 =	vshll.u32 v2, $0x3  }
0x1d: {  	v3 =	vor.u32 $0x1, v3  }
0x1e: {  	v0 =	vadd.f32 v0, v1  }
0x1f: {  	v4 =	vld [tilespmem:$0x13920]  }
0x20: {  	v1 =	vld [tilespmem:$0x138A0];
	[tilespmem:$0x13980] =	vst v0  }
0x21: {  	v0 =	vld.idx.msk [tilespmem:v2+s2+$0x0], $0xffff  }
0x22: {  	v2 =	vld.idx.msk [tilespmem:v3+s2+$0x0], $0xffff;
	_ =	sdelay $0x2  }
0x23: {  	v3 =	vshll.u32 v4, $0x3;
	v1 =	vshll.u32 v1, $0x3  }
0x24: {  	v3 =	vor.u32 $0x1, v3  }
0x25: {  	v0 =	vadd.f32 v2, v0  }
0x26: {  	v59 =	vld [tilespmem:$0x13930]  }
0x27: {  	v2 =	vld [tilespmem:$0x138B0];
	[tilespmem:$0x13990] =	vst v0  }
0x28: {  	v0 =	vld.idx.msk [tilespmem:v1+s2+$0x0], $0xffff  }
0x29: {  	v1 =	vld.idx.msk [tilespmem:v3+s2+$0x0], $0xffff;
	_ =	sdelay $0x2  }
0x2a: {  	v3 =	vshll.u32 v59, $0x3;
	v2 =	vshll.u32 v2, $0x3  }
0x2b: {  	v3 =	vor.u32 $0x1, v3  }
0x2c: {  	v0 =	vadd.f32 v1, v0  }
0x2d: {  	v60 =	vld [tilespmem:$0x13940]  }
0x2e: {  	v1 =	vld [tilespmem:$0x138C0];
	[tilespmem:$0x139A0] =	vst v0  }
0x2f: {  	v0 =	vld.idx.msk [tilespmem:v2+s2+$0x0], $0xffff  }
0x30: {  	v2 =	vld.idx.msk [tilespmem:v3+s2+$0x0], $0xffff;
	_ =	sdelay $0x2  }
0x31: {  	v3 =	vshll.u32 v60, $0x3;
	v1 =	vshll.u32 v1, $0x3  }
0x32: {  	v3 =	vor.u32 $0x1, v3  }
0x33: {  	v0 =	vadd.f32 v2, v0  }
0x34: {  	v61 =	vld [tilespmem:$0x13950]  }
0x35: {  	v2 =	vld [tilespmem:$0x138D0];
	[tilespmem:$0x139B0] =	vst v0  }
0x36: {  	v0 =	vld.idx.msk [tilespmem:v1+s2+$0x0], $0xffff  }
0x37: {  	v1 =	vld.idx.msk [tilespmem:v3+s2+$0x0], $0xffff;
	_ =	sdelay $0x2  }
0x38: {  	v3 =	vshll.u32 v61, $0x3;
	v2 =	vshll.u32 v2, $0x3  }
0x39: {  	v3 =	vor.u32 $0x1, v3  }
0x3a: {  	v0 =	vadd.f32 v1, v0  }
0x3b: {  	v62 =	vld [tilespmem:$0x13960]  }
0x3c: {  	v1 =	vld [tilespmem:$0x138E0];
	[tilespmem:$0x139C0] =	vst v0  }
0x3d: {  	v0 =	vld.idx.msk [tilespmem:v2+s2+$0x0], $0xffff  }
0x3e: {  	v2 =	vld.idx.msk [tilespmem:v3+s2+$0x0], $0xffff;
	_ =	sdelay $0x2  }
0x3f: {  	v3 =	vshll.u32 v62, $0x3;
	v1 =	vshll.u32 v1, $0x3  }
0x40: {  	v3 =	vor.u32 $0x1, v3  }
0x41: {  	v0 =	vadd.f32 v2, v0  }
0x42: {  	v63 =	vld [tilespmem:$0x138F0]  }
0x43: {  	v2 =	vld [tilespmem:$0x13970];
	[tilespmem:$0x139D0] =	vst v0  }
0x44: {  	v0 =	vld.idx.msk [tilespmem:v1+s2+$0x0], $0xffff  }
0x45: {  	s11 =	ssub.s32 $0x2, s11;
	v1 =	vld.idx.msk [tilespmem:v3+s2+$0x0], $0xffff  }
0x46: {  	s12 =	sshrl.u32 s11, $0x1  }
0x47: {  	s11 =	ssub.s32 s11, s12  }
0x48: {  	s11 =	smax.u32 s11, $0x1;
	v3 =	vshll.u32 v63, $0x3;
	v2 =	vshll.u32 v2, $0x3  }
0x49: {  	p0 =	sne.s32 s11, $0x1;
	v2 =	vor.u32 $0x1, v2  }
.Ltmp0:
0x4a: {  	v0 =	vadd.f32 v1, v0;
	(pc) =	sbr.rel @!p0 .LBB2_2-.Ltmp0, $4  }
0x4b: {  	_ = 	snop  }
0x4c: {  	[tilespmem:$0x139E0] =	vst v0  }
0x4d: {  	v0 =	vld.idx.msk [tilespmem:v3+s2+$0x0], $0xffff  }
0x4e: {  	s9 =	sadd.s32 s9, s10;
	s10 =	simm.s32 $0x13980;
	s11 =	sadd.s32 $0xFFFFFFFF, s11;
	v1 =	vld.idx.msk [tilespmem:v2+s2+$0x0], $0xffff  }
.LBB2_1:
0x4f: {  	_ =	sdelay $0x1  }
0x50: {  	p0 =	sne.s32 s11, $0x1;
	s11 =	sadd.s32 $0xFFFFFFFF, s11;
	_ =	sdelay $0x1  }
0x51: {  	v0 =	vadd.f32 v1, v0;
	_ =	sdelay $0x1  }
0x52: {  	[tilespmem:$0x139F0] =	vst v0  }
0x53: {  	[hbm4b:s9+s2] =	stream.linear.scatter [tilespmem:s10], [sflag:$0x1], $0x80, $0x38;
	[tilespmem:$0x13A00] =	vst v63  }
0x54: {  	_ =	swait.ge [sflag:s3], $0x80  }
0x55: {  	[sflag:s3] =	ssyncset.done $0x0  }
0x56: {  	[sflag:s3] =	ssyncadd.s32 $0xFFFFFF80  }
0x57: {  	[tilespmem:s2], [sflag:$0x1] =	stream.linear.gather [hbm4b:s4+s2], $0x13880, $0x38;
	[tilespmem:$0x13A00] =	vst v63  }
0x58: {  	_ =	swait.ge [sflag:s3], $0x13880  }
0x59: {  	[sflag:s3] =	ssyncset.done $0x0  }
0x5a: {  	[sflag:s3] =	ssyncadd.s32 $0xFFFEC780  }
0x5b: {  	[tilespmem:s6], [sflag:$0x1] =	stream.linear.gather [hbm4b:s5+s2], $0x80, $0x38;
	[tilespmem:$0x13A00] =	vst v63  }
0x5c: {  	_ =	swait.ge [sflag:s3], $0x80  }
0x5d: {  	[sflag:s3] =	ssyncset.done $0x0  }
0x5e: {  	[sflag:s3] =	ssyncadd.s32 $0xFFFFFF80  }
0x5f: {  	[tilespmem:s8], [sflag:$0x1] =	stream.linear.gather [hbm4b:s7+s2], $0x80, $0x38;
	[tilespmem:$0x13A00] =	vst v63  }
0x60: {  	_ =	swait.ge [sflag:s3], $0x80  }
0x61: {  	[sflag:s3] =	ssyncset.done $0x0  }
0x62: {  	[sflag:s3] =	ssyncadd.s32 $0xFFFFFF80  }
0x63: {  	v0 =	vld [tilespmem:$0x13900]  }
0x64: {  	v1 =	vld [tilespmem:$0x13880]  }
0x65: {  	v2 =	vld [tilespmem:$0x13890]  }
0x66: {  	v3 =	vld [tilespmem:$0x13910]  }
0x67: {  	v4 =	vld [tilespmem:$0x138A0]  }
0x68: {  	v0 =	vshll.u32 v0, $0x3;
	v5 =	vld [tilespmem:$0x13920]  }
0x69: {  	v1 =	vshll.u32 v1, $0x3;
	v0 =	vor.u32 $0x1, v0;
	v6 =	vld [tilespmem:$0x138B0]  }
0x6a: {  	v7 =	vld [tilespmem:$0x13930]  }
0x6b: {  	v3 =	vshll.u32 v3, $0x3;
	v8 =	vld [tilespmem:$0x138C0]  }
0x6c: {  	v9 =	vld [tilespmem:$0x13940]  }
0x6d: {  	v5 =	vshll.u32 v5, $0x3;
	v10 =	vld [tilespmem:$0x138D0]  }
0x6e: {  	v0 =	vld.idx.msk [tilespmem:v0+s2+$0x0], $0xffff  }
0x6f: {  	v1 =	vld.idx.msk [tilespmem:v1+s2+$0x0], $0xffff;
	v7 =	vshll.u32 v7, $0x3  }
0x70: {  	v11 =	vld [tilespmem:$0x13950]  }
0x71: {  	v9 =	vshll.u32 v9, $0x3;
	v12 =	vld [tilespmem:$0x138E0]  }
0x72: {  	v13 =	vld [tilespmem:$0x13960]  }
0x73: {  	v2 =	vshll.u32 v2, $0x3;
	v14 =	vld [tilespmem:$0x13970]  }
0x74: {  	v3 =	vor.u32 $0x1, v3;
	v15 =	vld [tilespmem:$0x138F0]  }
0x75: {  	v0 =	vadd.f32 v0, v1;
	v1 =	vshll.u32 v11, $0x3;
	_ =	sdelay $0x1  }
0x76: {  	[tilespmem:$0x13980] =	vst v0;
	v0 =	vshll.u32 v13, $0x3  }
0x77: {  	v2 =	vld.idx.msk [tilespmem:v2+s2+$0x0], $0xffff;
	v11 =	vshll.u32 v14, $0x3  }
0x78: {  	v3 =	vld.idx.msk [tilespmem:v3+s2+$0x0], $0xffff;
	_ =	sdelay $0x3  }
0x79: {  	v4 =	vshll.u32 v4, $0x3  }
0x7a: {  	v5 =	vor.u32 $0x1, v5  }
0x7b: {  	v2 =	vadd.f32 v3, v2;
	_ =	sdelay $0x1  }
0x7c: {  	[tilespmem:$0x13990] =	vst v2  }
0x7d: {  	v2 =	vld.idx.msk [tilespmem:v4+s2+$0x0], $0xffff  }
0x7e: {  	v3 =	vld.idx.msk [tilespmem:v5+s2+$0x0], $0xffff;
	_ =	sdelay $0x3  }
0x7f: {  	v4 =	vshll.u32 v6, $0x3  }
0x80: {  	v5 =	vor.u32 $0x1, v7  }
0x81: {  	v2 =	vadd.f32 v3, v2;
	_ =	sdelay $0x1  }
0x82: {  	[tilespmem:$0x139A0] =	vst v2  }
0x83: {  	v2 =	vld.idx.msk [tilespmem:v4+s2+$0x0], $0xffff  }
0x84: {  	v3 =	vld.idx.msk [tilespmem:v5+s2+$0x0], $0xffff;
	_ =	sdelay $0x3  }
0x85: {  	v4 =	vshll.u32 v8, $0x3  }
0x86: {  	v5 =	vor.u32 $0x1, v9  }
0x87: {  	v2 =	vadd.f32 v3, v2;
	_ =	sdelay $0x1  }
0x88: {  	[tilespmem:$0x139B0] =	vst v2  }
0x89: {  	v2 =	vld.idx.msk [tilespmem:v4+s2+$0x0], $0xffff  }
0x8a: {  	v3 =	vld.idx.msk [tilespmem:v5+s2+$0x0], $0xffff;
	_ =	sdelay $0x3  }
0x8b: {  	v4 =	vshll.u32 v10, $0x3  }
0x8c: {  	v1 =	vor.u32 $0x1, v1  }
0x8d: {  	v2 =	vadd.f32 v3, v2;
	_ =	sdelay $0x1  }
0x8e: {  	[tilespmem:$0x139C0] =	vst v2  }
0x8f: {  	v2 =	vld.idx.msk [tilespmem:v4+s2+$0x0], $0xffff  }
0x90: {  	v1 =	vld.idx.msk [tilespmem:v1+s2+$0x0], $0xffff;
	_ =	sdelay $0x3  }
0x91: {  	v3 =	vshll.u32 v12, $0x3  }
0x92: {  	v0 =	vor.u32 $0x1, v0  }
0x93: {  	v1 =	vadd.f32 v1, v2;
	_ =	sdelay $0x1  }
0x94: {  	[tilespmem:$0x139D0] =	vst v1  }
0x95: {  	v1 =	vld.idx.msk [tilespmem:v3+s2+$0x0], $0xffff  }
0x96: {  	v0 =	vld.idx.msk [tilespmem:v0+s2+$0x0], $0xffff;
	_ =	sdelay $0x3  }
0x97: {  	v2 =	vshll.u32 v15, $0x3;
	v3 =	vor.u32 $0x1, v11;
	_ =	sdelay $0x1  }
.Ltmp1:
0x98: {  	v0 =	vadd.f32 v0, v1;
	(pc) =	sbr.rel @p0 .LBB2_1-.Ltmp1, $4  }
0x99: {  	_ = 	snop  }
0x9a: {  	[tilespmem:$0x139E0] =	vst v0  }
0x9b: {  	v0 =	vld.idx.msk [tilespmem:v2+s2+$0x0], $0xffff  }
0x9c: {  	v1 =	vld.idx.msk [tilespmem:v3+s2+$0x0], $0xffff  }
.LBB2_2:
0x9d: {  	_ =	sdelay $0x3  }
0x9e: {  	v0 =	vadd.f32 v1, v0;
	_ =	sdelay $0x1  }
0x9f: {  	[tilespmem:$0x139F0] =	vst v0  }
0xa0: {  	[hbm4b:s9+s2] =	stream.linear.scatter [tilespmem:s10], [sflag:$0x1], $0x80, $0x38;
	[tilespmem:$0x13A00] =	vst v63  }
0xa1: {  	_ =	swait.ge [sflag:s3], $0x80  }
0xa2: {  	[sflag:s3] =	ssyncset.done $0x0  }
0xa3: {  	[sflag:s3] =	ssyncadd.s32 $0xFFFFFF80  }
0xa4: {  	_ =	sfence.sel $0x180000  }
0xa5: {  	[bflag:$0x0] =	sbarrier.arrive $0xFFFF  }
0xa6: {  	p0 =	sne.s32 s1, $0x0;
	_ =	strace $0x9000004D  }
0xa7: {  	s0 =	sadd.s32 @!p0 $0x100000, s0;
	[bflag:$0x2] =	sbarrier.arrive $0xFFFF  }
0xa8: {  	[sflag:s0] =	ssyncadd.tile.s32 @!p0 $0x1;
	_ =	shalt  }
.Lfunc_end2:
_tile_overlayer_lowered:
.L_overlay_start_2:
0xa9: {  	(tag) =	ssettag $0x2  }
0xaa: {  	s0 =	rddreg [dreg:$0x0];
	s2 =	stileid.u32  }
0xab: {  	s1 =	rddreg [dreg:$0x1];
	p0 =	sne.s32 s2, $0x0  }
0xac: {  	s3 =	rddreg [dreg:$0x2];
	[bflag:$0x3] =	sbarrier.arrive $0xFFFF;
	s2 =	simm.s32 @!p0 $0x1C01  }
0xad: {  	[timem:s3], [sflag:s2] =	dma.local @!p0 [hbm:s0], s1  }
0xae: {  	s0 =	simm.s32 @!p0 $0x1  }
0xaf: {  	_ =	swait.ge @!p0 [sflag:s0], s1  }
0xb0: {  	s1 =	ssub.s32 @!p0 $0x0, s1;
	[sflag:s0] =	ssyncset.done @!p0 $0x0  }
0xb1: {  	[sflag:s0] =	ssyncadd.s32 @!p0 s1  }
0xb2: {  	[bflag:$0x3] =	sbarrier.arrive $0xFFFF  }
0xb3: {  	_ =	shalt  }

// kernel: kernel.7.cloned.1.call-start
scs
__scs_entry_jumppad:
0x0: {  	(pc) =	sbr.rel $0x88, $3  }
0x1: {  	(tag) =	ssettag $0x0;
	lr =	simm.s32 $0x1  }
0x2: {  	[smem:$0x3F95] =	sst lr;
	_ =	strace $0xD0000000  }
0x3: {  	_ = 	snop  }
0x4: {  	_ = 	snop  }
0x5: {  	_ = 	snop  }
0x6: {  	_ = 	snop  }
0x7: {  	_ = 	snop  }
__scs_overlays_trampoline_lowered:
0x8: {  	[smem:$0x3FA4] =	sst s0  }
0x9: {  	[smem:$0x3FA5] =	sst s1  }
0xa: {  	[smem:$0x3FA6] =	sst s2  }
0xb: {  	[smem:$0x3FA7] =	sst s3  }
0xc: {  	[smem:$0x3FA8] =	sst s4  }
0xd: {  	[smem:$0x3FA9] =	sst s5  }
0xe: {  	[smem:$0x3FAA] =	sst s6  }
0xf: {  	[smem:$0x3FAB] =	sst s7  }
0x10: {  	[smem:$0x3FAC] =	sst s8  }
0x11: {  	[smem:$0x3FAD] =	sst s9;
	s0 =	simm.s32 @!p0 $0x0  }
0x12: {  	s1 =	sld [smem:$0x3F93];
	s0 =	simm.s32 @p0 $0x1  }
0x13: {  	[smem:$0x3FAE] =	sst s0;
	s0 =	simm.s32 @!p1 $0x0  }
0x14: {  	s2 =	sld [smem:$0x3F92];
	s0 =	simm.s32 @p1 $0x1  }
0x15: {  	[smem:$0x3FAF] =	sst s0;
	s0 =	simm.s32 @!p2 $0x0  }
0x16: {  	s3 =	sld [smem:$0x3FDB];
	s0 =	simm.s32 @p2 $0x1  }
0x17: {  	s4 =	simm.s32 $0x1BF5;
	[smem:$0x3FB1] =	sst s0  }
0x18: {  	s0 =	sld [smem:$0x3F94];
	_ =	swait.ge [sflag:s4], $0x0  }
0x19: {  	s7 =	sld [smem:$0x3F95]  }
0x1a: {  	s8 =	sadd.s32 $0xFFFFE003, lr  }
0x1b: {  	s9 =	sadd.s32 $0xFFFFFEF7, lr;
	s5 =	simm.s32 $0xFFFFFFFF;
	p2 =	slt.u32 s8, $0xFFFFF086  }
0x1c: {  	p1 =	slt.u32 s9, $0xF7A;
	s5 =	simm.s32 @!p2 $0x0  }
0x1d: {  	s5 =	simm.s32 @p1 $0x1;
	p0 =	seq.s32 s7, s2  }
0x1e: {  	s7 =	smul.u32 @!p0 $0xF7A, s2;
	p2 =	seq.s32 @!p0 s5, $0x0  }
0x1f: {  	s9 =	smul.u32 $0xF7A, s1;
	s8 =	simm.s32 @!p0 $0x1BF5;
	p2 =	por !p2, p0  }
0x20: {  	[sflag:s8] =	ssyncset.s32 @!p0 $0xFFFFF086;
	s6 =	sadd.s32 @!p0 s3, s7;
	s7 =	simm.s32 @!p0 $0x108  }
0x21: {  	s3 =	sadd.s32 s3, s9;
	s6 =	sadd.s32 @!p0 $0x88, s6;
	s7 =	simm.s32 @p2 $0x1082  }
0x22: {  	[simem:s7], [sflag:s8] =	dma.local @!p0 [hbm:s6], $0xF7A  }
0x23: {  	s9 =	sor.u32 $0xD0000000, s2;
	s6 =	simm.s32 $0x108;
	_ =	swait.ge @!p0 [sflag:s8], $0x0  }
0x24: {  	s3 =	sadd.s32 $0x88, s3;
	s6 =	simm.s32 @!p1 $0x1082;
	[sflag:s4] =	ssyncset.s32 $0xFFFFF086  }
0x25: {  	[simem:s6], [sflag:s4] =	dma.local [hbm:s3], $0xF7A  }
0x26: {  	[smem:$0x3F95] =	sst s1;
	(tag) =	ssettag s2;
	_ =	strace s9  }
0x27: {  	s1 =	sld [smem:$0x3FA5]  }
0x28: {  	s2 =	sld [smem:$0x3FA6]  }
0x29: {  	s4 =	sld [smem:$0x3FA8]  }
0x2a: {  	p0 =	seq.s32 s5, $0x0;
	s5 =	sld [smem:$0x3FA9]  }
0x2b: {  	s6 =	sld [smem:$0x3FAA]  }
0x2c: {  	s7 =	sld [smem:$0x3FAB]  }
0x2d: {  	s3 =	simm.s32 $0x108;
	s8 =	sld [smem:$0x3FAC]  }
0x2e: {  	s3 =	simm.s32 @!p0 $0x1082;
	s9 =	sld [smem:$0x3FAD]  }
0x2f: {  	lr =	sadd.s32 s0, s3;
	s0 =	sld [smem:$0x3FA4]  }
0x30: {  	s3 =	sld [smem:$0x3FA7]  }
0x31: {  	[smem:$0x3FB0] =	sst s10  }
0x32: {  	s10 =	sld [smem:$0x3FAE];
	_ =	sdelay $0x3  }
0x33: {  	p0 =	seq.s32 s10, $0x1;
	s10 =	sld [smem:$0x3FB0];
	_ =	sdelay $0x3  }
0x34: {  	[smem:$0x3FB0] =	sst s10  }
0x35: {  	s10 =	sld [smem:$0x3FAF];
	_ =	sdelay $0x3  }
0x36: {  	p1 =	seq.s32 s10, $0x1;
	s10 =	sld [smem:$0x3FB0];
	_ =	sdelay $0x3  }
0x37: {  	[smem:$0x3FB0] =	sst s10  }
0x38: {  	s10 =	sld [smem:$0x3FB1]  }
0x39: {  	_ = 	snop;
	(pc) =	sbr.ind lr, $3  }
0x3a: {  	_ = 	snop  }
0x3b: {  	_ = 	snop  }
0x3c: {  	p2 =	seq.s32 s10, $0x1;
	s10 =	sld [smem:$0x3FB0]  }
0x3d: {  	_ =	shalt  }
0x3e: {  	_ =	shalt  }
0x3f: {  	_ =	shalt  }
0x40: {  	_ =	shalt  }
0x41: {  	_ =	shalt  }
0x42: {  	_ =	shalt  }
0x43: {  	_ =	shalt  }
0x44: {  	_ =	shalt  }
0x45: {  	_ =	shalt  }
0x46: {  	_ =	shalt  }
0x47: {  	_ =	shalt  }
0x48: {  	_ =	shalt  }
0x49: {  	_ =	shalt  }
0x4a: {  	_ =	shalt  }
0x4b: {  	_ =	shalt  }
0x4c: {  	_ =	shalt  }
0x4d: {  	_ =	shalt  }
0x4e: {  	_ =	shalt  }
0x4f: {  	_ =	shalt  }
0x50: {  	_ =	shalt  }
0x51: {  	_ =	shalt  }
0x52: {  	_ =	shalt  }
0x53: {  	_ =	shalt  }
0x54: {  	_ =	shalt  }
0x55: {  	_ =	shalt  }
0x56: {  	_ =	shalt  }
0x57: {  	_ =	shalt  }
0x58: {  	_ =	shalt  }
0x59: {  	_ =	shalt  }
0x5a: {  	_ =	shalt  }
0x5b: {  	_ =	shalt  }
0x5c: {  	_ =	shalt  }
0x5d: {  	_ =	shalt  }
0x5e: {  	_ =	shalt  }
0x5f: {  	_ =	shalt  }
0x60: {  	_ =	shalt  }
0x61: {  	_ =	shalt  }
0x62: {  	_ =	shalt  }
0x63: {  	_ =	shalt  }
0x64: {  	_ =	shalt  }
0x65: {  	_ =	shalt  }
0x66: {  	_ =	shalt  }
0x67: {  	_ =	shalt  }
0x68: {  	_ =	shalt  }
0x69: {  	_ =	shalt  }
0x6a: {  	_ =	shalt  }
0x6b: {  	_ =	shalt  }
0x6c: {  	_ =	shalt  }
0x6d: {  	_ =	shalt  }
0x6e: {  	_ =	shalt  }
0x6f: {  	_ =	shalt  }
0x70: {  	_ =	shalt  }
0x71: {  	_ =	shalt  }
0x72: {  	_ =	shalt  }
0x73: {  	_ =	shalt  }
0x74: {  	_ =	shalt  }
0x75: {  	_ =	shalt  }
0x76: {  	_ =	shalt  }
0x77: {  	_ =	shalt  }
0x78: {  	_ =	shalt  }
0x79: {  	_ =	shalt  }
0x7a: {  	_ =	shalt  }
0x7b: {  	_ =	shalt  }
0x7c: {  	_ =	shalt  }
0x7d: {  	_ =	shalt  }
0x7e: {  	_ =	shalt  }
0x7f: {  	_ =	shalt  }
0x80: {  	_ =	shalt  }
0x81: {  	_ =	shalt  }
0x82: {  	_ =	shalt  }
0x83: {  	_ =	shalt  }
0x84: {  	_ =	shalt  }
0x85: {  	_ =	shalt  }
0x86: {  	_ =	shalt  }
0x87: {  	_ =	shalt  }
.Lfunc_end0:
.L_simem_size_0:
called_computation_lowered:
.L_overlay_start_0:
0x88: {  	s2 =	sld [smem:$0x3FD9]  }
0x89: {  	s3 =	sld [smem:$0x3FFE];
	_ =	sdelay $0x1  }
0x8a: {  	s1 =	srdreg.scid  }
0x8b: {  	s0 =	sand.u32 $0x1, s1  }
0x8c: {  	s16 =	sshll.u32 s0, $0xA;
	s2 =	sadd.s32 s3, s2  }
0x8d: {  	s2 =	sadd.s32 s2, s16  }
0x8e: {  	[smem:$0x3FBC] =	sst s2  }
0x8f: {  	_ = 	snop  }
0x90: {  	(tm) =	ssettm $0x1  }
0x91: {  	s17 =	sld [smem:$0x3FFB];
	_ =	sdelay $0x3  }
0x92: {  	_ =	strace s17  }
0x93: {  	s2 =	sld [smem:$0x3FFC];
	_ =	sdelay $0x3  }
0x94: {  	_ =	strace s2  }
0x95: {  	s2 =	sld [smem:$0x3FFD];
	_ =	sdelay $0x3  }
0x96: {  	_ =	strace s2  }
0x97: {  	_ =	strace $0x8FFFFFFF  }
0x98: {  	s18 =	sld [smem:$0x3FDB];
	_ =	sdelay $0x1  }
0x99: {  	s19 =	simm.s32 $_scs_section_size  }
0x9a: {  	s4 =	simm.s32 $_size__tile_overlayer_lowered;
	s5 =	simm.s32 $_tile_overlayer_lowered  }
0x9b: {  	s22 =	simm.s32 $0x1BFF;
	s21 =	sshll.u32 s5, $0x1;
	s2 =	sadd.s32 s19, s18  }
0x9c: {  	s6 =	simm.s32 $0x0;
	s20 =	sshll.u32 s4, $0x1;
	s4 =	sadd.s32 s21, s2  }
0x9d: {  	[timem:s6], [sflag:s22] =	dma.local [hbm:s4], s20  }
0x9e: {  	_ =	swait.ge [sflag:s22], s20  }
0x9f: {  	s3 =	ssub.s32 $0x0, s20;
	[sflag:s22] =	ssyncset.done $0x0  }
0xa0: {  	[sflag:s22] =	ssyncadd.s32 s3;
	_ =	sdelay $0x1  }
0xa1: {  	s23 =	simm.s32 $0x1B8B  }
0xa2: {  	_ =	swait.ge [sflag:s23], $0x1  }
0xa3: {  	[sflag:s23] =	ssyncset.done $0x0  }
0xa4: {  	s25 =	simm.s32 $0x1B8E;
	s24 =	sld [smem:$0x3FFE];
	[sflag:s23] =	ssyncadd.s32 $0xFFFFFFFF  }
0xa5: {  	s26 =	simm.s32 $execute0_lowered;
	[smem:$0x3FD2] =	sst s25  }
0xa6: {  	s4 =	sshll.u32 s26, $0x1;
	_ =	strace $0x80000046;
	[dreg:$0x1] =	wrdreg $0xFFFFFFFF  }
0xa7: {  	s28 =	simm.s32 $_size_execute0_lowered;
	s2 =	sadd.s32 s2, s4;
	[dreg:$0x0] =	wrdreg $0x0  }
0xa8: {  	s4 =	sshll.u32 s28, $0x1;
	[dreg:$0x2] =	wrdreg s2  }
0xa9: {  	[dreg:$0x3] =	wrdreg s4  }
0xaa: {  	[dreg:$0x4] =	wrdreg $0xC0  }
0xab: {  	_ =	task [dreg:s6], $0x5FFFF  }
0xac: {  	[dreg:$0x1] =	wrdreg $0xFFFFFFFF  }
0xad: {  	[dreg:$0x0] =	wrdreg $0x60  }
0xae: {  	[dreg:$0x2] =	wrdreg s24  }
0xaf: {  	[dreg:$0x3] =	wrdreg $0xB7C00  }
0xb0: {  	[dreg:$0x4] =	wrdreg $0xE6000  }
0xb1: {  	[dreg:$0x5] =	wrdreg $0x9  }
0xb2: {  	_ =	task.clear_ibuf [dreg:s6], $0x6FFFF;
	_ =	strace $0x90000046  }
0xb3: {  	s29 =	simm.s32 $0x9;
	_ =	strace $0x80000048  }
0xb4: {  	_ =	swait.ge [sflag:s29], $0x1  }
0xb5: {  	[sflag:s29] =	ssyncadd.s32 $0xFFFFFFFF  }
0xb6: {  	_ =	strace $0x90000048  }
0xb7: {  	_ =	sfence  }
0xb8: {  	s30 =	sld [smem:$0x0];
	_ =	sdelay $0x2  }
0xb9: {  	s31 =	sshll.u32 s1, $0xD;
	s1 =	sshrl.u32 s1, $0x2  }
0xba: {  	s3 =	sand.u32 $0x4000, s31;
	s1 =	sadd.s32 s1, s30  }
0xbb: {  	s0 =	sor.u32 s3, s0;
	s1 =	sshll.u32 s1, $0x11  }
0xbc: {  	s0 =	sor.u32 s1, s0  }
0xbd: {  	s0 =	sadd.s32 $0x8F2B, s0  }
0xbe: {  	[sflag:s0] =	ssyncadd.remote.s32 $0x1  }
0xbf: {  	_ =	sfence.sel $0xFFFF  }
0xc0: {  	[dreg:$0x0] =	wrdreg $0xFFFFFFFF;
	(pc) =	sbr.abs _section_cstart, $3  }
0xc1: {  	[dreg:$0x1] =	wrdreg $0xFFFFFFFF  }
0xc2: {  	_ =	task.clear_ibuf [dreg:s6], $0x2FFFF;
	_ =	strace $0x9FFFFFFF  }
0xc3: {  	(tm) =	ssettm $0x7FFFFFFF  }
tec
execute0_lowered:
.L_overlay_start_1:
0x0: {  	(tag) =	ssettag $0x1  }
0x1: {  	s0 =	srdreg.scid;
	s1 =	rddreg [dreg:$0x0]  }
0x2: {  	s5 =	stileid.u32;
	s2 =	rddreg [dreg:$0x1];
	s7 =	simm.s32 $0x0  }
0x3: {  	s20 =	simm.s32 $0x8FC0;
	s23 =	simm.s32 $0x1F;
	s16 =	simm.s32 $0x64  }
0x4: {  	s22 =	simm.s32 $0xDFC0;
	s29 =	simm.s32 $0xB;
	s31 =	simm.s32 $0x15  }
0x5: {  	s18 =	simm.s32 $0xC;
	s9 =	simm.s32 $0xD;
	s10 =	simm.s32 $0x17  }
0x6: {  	s11 =	simm.s32 $0x9;
	s12 =	simm.s32 $0xE;
	s13 =	simm.s32 $0xF  }
0x7: {  	s14 =	simm.s32 $0x19;
	s17 =	simm.s32 $0x0;
	s0 =	sand.u32 $0x1, s0  }
0x8: {  	s3 =	sshll.u32 s5, $0x1;
	s6 =	smul.u32 $0x2800, s5;
	[smem:$0x7FF] =	sst s7  }
0x9: {  	s7 =	simm.s32 $0xA;
	s4 =	sor.u32 s0, s3;
	s3 =	rddreg [dreg:$0x2]  }
0xa: {  	s25 =	smul.u32 $0x28000, s0;
	_ =	strace $0x80000047;
	s0 =	ssub.s32 $0x2, s0  }
0xb: {  	s4 =	smul.u32 $0x28A0, s4;
	s8 =	sshrl.u32 s0, $0x1;
	s15 =	sadd.s32 s6, s2  }
0xc: {  	s19 =	sadd.s32 s6, s3;
	s5 =	sadd.s32 s6, s25;
	s0 =	ssub.s32 s0, s8  }
0xd: {  	s25 =	simm.s32 $0x6A40;
	s8 =	simm.s32 $0x8;
	[dreg:$0x4] =	wrdreg s15  }
0xe: {  	[dreg:$0x5] =	wrdreg s19;
	s4 =	sshrl.u32 s4, $0x3;
	s26 =	sshrl.u32 s5, $0x3  }
0xf: {  	s5 =	sadd.s32 $0x16E00, s1;
	s0 =	smax.u32 s0, $0x1;
	s4 =	sadd.s32 s4, s1  }
.Ltmp0:
0x10: {  	[dreg:$0xa] =	wrdreg s0;
	s28 =	sadd.s32 $0x2800, s4;
	(pc) =	sbr.rel .LBB2_1-.Ltmp0, $4  }
0x11: {  	s1 =	sadd.s32 s26, s1;
	s4 =	sadd.s32 $0xCA80, s4;
	[dreg:$0x6] =	wrdreg s28  }
0x12: {  	s6 =	simm.s32 $0x18;
	s30 =	sadd.s32 $0x1BE00, s1;
	[dreg:$0x7] =	wrdreg s4  }
0x13: {  	s26 =	simm.s32 $0x6;
	s1 =	sadd.s32 $0x25E00, s1;
	[dreg:$0x8] =	wrdreg s30  }
0x14: {  	v0 =	vimm.f32 $0.0e+00;
	v1 =	vimm.f32 $1.000000000e+00;
	s0 =	simm.s32 $0x7;
	[dreg:$0x9] =	wrdreg s1;
	s4 =	simm.s32 $0x16  }
.LBB2_8:
0x15: {  	s1 =	simm.s32 $0x10  }
0x16: {  	_ =	swait.ge [sflag:s1], $0x640  }
0x17: {  	[sflag:s1] =	ssyncset.done $0x0  }
0x18: {  	s21 =	simm.s32 $0x1A;
	[sflag:s1] =	ssyncadd.s32 $0xFFFFF9C0  }
0x19: {  	_ =	swait.ge [sflag:s21], $0x640  }
0x1a: {  	[sflag:s21] =	ssyncset.done $0x0  }
0x1b: {  	s23 =	simm.s32 $0x11;
	[sflag:s21] =	ssyncadd.s32 $0xFFFFF9C0  }
0x1c: {  	_ =	swait.ge [sflag:s23], $0x640  }
0x1d: {  	[sflag:s23] =	ssyncset.done $0x0  }
0x1e: {  	s24 =	simm.s32 $0x1B;
	[sflag:s23] =	ssyncadd.s32 $0xFFFFF9C0  }
0x1f: {  	_ =	swait.ge [sflag:s24], $0x640  }
0x20: {  	[sflag:s24] =	ssyncset.done $0x0  }
0x21: {  	s28 =	simm.s32 $0x12;
	[sflag:s24] =	ssyncadd.s32 $0xFFFFF9C0  }
0x22: {  	_ =	swait.ge [sflag:s28], $0x640  }
0x23: {  	[sflag:s28] =	ssyncset.done $0x0  }
0x24: {  	s30 =	simm.s32 $0x1C;
	[sflag:s28] =	ssyncadd.s32 $0xFFFFF9C0  }
0x25: {  	_ =	swait.ge [sflag:s30], $0x640  }
0x26: {  	[sflag:s30] =	ssyncset.done $0x0  }
0x27: {  	s15 =	simm.s32 $0x13;
	[sflag:s30] =	ssyncadd.s32 $0xFFFFF9C0  }
0x28: {  	_ =	swait.ge [sflag:s15], $0x640  }
0x29: {  	[sflag:s15] =	ssyncset.done $0x0  }
0x2a: {  	s17 =	simm.s32 $0x1D;
	[sflag:s15] =	ssyncadd.s32 $0xFFFFF9C0  }
0x2b: {  	_ =	swait.ge [sflag:s17], $0x640  }
0x2c: {  	[sflag:s17] =	ssyncset.done $0x0  }
0x2d: {  	s19 =	simm.s32 $0x14;
	[sflag:s17] =	ssyncadd.s32 $0xFFFFF9C0  }
0x2e: {  	_ =	swait.ge [sflag:s19], $0x640  }
0x2f: {  	[sflag:s19] =	ssyncset.done $0x0  }
0x30: {  	s20 =	simm.s32 $0x1E;
	[sflag:s19] =	ssyncadd.s32 $0xFFFFF9C0  }
0x31: {  	_ =	swait.ge [sflag:s20], $0x640  }
0x32: {  	[sflag:s20] =	ssyncset.done $0x0  }
0x33: {  	[sflag:s20] =	ssyncadd.s32 $0xFFFFF9C0  }
0x34: {  	[bflag:$0x0] =	sbarrier.arrive $0xFFFF  }
0x35: {  	s23 =	simm.s32 $0x1F;
	s20 =	simm.s32 $0x8FC0;
	s15 =	rddreg [dreg:$0x4]  }
0x36: {  	[tilespmem:s20], [sflag:$0x1F] =	stream.linear.gather [spmem:s15], $0x2800, $0x38;
	[tilespmem:$0x10E00] =	vst v63  }
0x37: {  	_ =	swait.ge [sflag:s23], $0x2800  }
0x38: {  	[sflag:s23] =	ssyncset.done $0x0  }
0x39: {  	s21 =	simm.s32 $0x0;
	s17 =	rddreg [dreg:$0x8];
	[sflag:s23] =	ssyncadd.s32 $0xFFFFD800  }
0x3a: {  	[hbm4b:s17+s21] =	stream.linear.scatter [tilespmem:s20], [sflag:$0x1F], $0x2800, $0x38;
	[tilespmem:$0x10E00] =	vst v63  }
0x3b: {  	_ =	swait.ge [sflag:s23], $0x2800  }
0x3c: {  	[sflag:s23] =	ssyncset.done $0x0  }
0x3d: {  	s19 =	rddreg [dreg:$0x5];
	[sflag:s23] =	ssyncadd.s32 $0xFFFFD800  }
0x3e: {  	[tilespmem:s20], [sflag:$0x1F] =	stream.linear.gather [spmem:s19], $0x2800, $0x38;
	[tilespmem:$0x10E00] =	vst v63  }
0x3f: {  	_ =	swait.ge [sflag:s23], $0x2800  }
0x40: {  	[sflag:s23] =	ssyncset.done $0x0  }
0x41: {  	s24 =	rddreg [dreg:$0x9];
	[sflag:s23] =	ssyncadd.s32 $0xFFFFD800  }
0x42: {  	[hbm4b:s24+s21] =	stream.linear.scatter [tilespmem:s20], [sflag:$0x1F], $0x2800, $0x38;
	[tilespmem:$0x10E00] =	vst v63  }
0x43: {  	_ =	swait.ge [sflag:s23], $0x2800  }
0x44: {  	s28 =	rddreg [dreg:$0xb]  }
0x45: {  	s30 =	rddreg [dreg:$0xa];
	s17 =	sadd.s32 $0x1, s28  }
0x46: {  	p0 =	sne.s32 s17, s30  }
.Ltmp1:
0x47: {  	_ = 	snop;
	(pc) =	sbr.rel @!p0 .LBB2_9-.Ltmp1, $3  }
0x48: {  	_ =	sdelay $0x1  }
0x49: {  	[sflag:s23] =	ssyncset.done $0x0  }
0x4a: {  	[sflag:s23] =	ssyncadd.s32 $0xFFFFD800  }
.LBB2_1:
0x4b: {  	[dreg:$0xb] =	wrdreg s17;
	s17 =	simm.s32 $0x40;
	s21 =	simm.s32 $0x0  }
.LBB2_2:
0x4c: {  	p0 =	sne.s32 s17, $0x9FC0;
	[tilespmem:s21+$0x8FC0] =	vst v0;
	s21 =	smov.u32 s17;
	s17 =	sadd.s32 $0x40, s17  }
.Ltmp2:
0x4d: {  	(pc) =	sbr.rel @p0 .LBB2_2-.Ltmp2, $2  }
0x4e: {  	_ =	sdelay $0x2  }
0x4f: {  	s21 =	sshra.s32 s21, $0x2  }
0x50: {  	[tilespmem:s21+$0x8FC0] =	vst v0  }
0x51: {  	[spmem:s15] =	stream.linear.scatter [tilespmem:s20], [sflag:$0x1F], $0x2800, $0x38;
	[tilespmem:$0x10E00] =	vst v63  }
0x52: {  	_ =	swait.ge [sflag:s23], $0x2800  }
0x53: {  	[sflag:s23] =	ssyncset.done $0x0  }
0x54: {  	[sflag:s23] =	ssyncadd.s32 $0xFFFFD800  }
0x55: {  	[spmem:s19] =	stream.linear.scatter [tilespmem:s20], [sflag:$0x1F], $0x2800, $0x38;
	[tilespmem:$0x10E00] =	vst v63  }
0x56: {  	_ =	swait.ge [sflag:s23], $0x2800  }
0x57: {  	[sflag:s23] =	ssyncset.done $0x0  }
0x58: {  	s17 =	simm.s32 $0x40;
	s21 =	simm.s32 $0x0;
	[sflag:s23] =	ssyncadd.s32 $0xFFFFD800  }
.LBB2_4:
0x59: {  	p0 =	sne.s32 s17, $0x18C0;
	[tilespmem:s21+$0xDFC0] =	vst v1;
	s21 =	smov.u32 s17;
	s17 =	sadd.s32 $0x40, s17  }
.Ltmp3:
0x5a: {  	(pc) =	sbr.rel @p0 .LBB2_4-.Ltmp3, $2  }
0x5b: {  	_ =	sdelay $0x2  }
0x5c: {  	s21 =	sshra.s32 s21, $0x2  }
0x5d: {  	[tilespmem:s21+$0xDFC0] =	vst v1;
	s17 =	simm.s32 $0x0;
	s1 =	rddreg [dreg:$0x6]  }
0x5e: {  	[tilespmem:s17], [sflag:$0x1F] =	stream.linear.gather [hbm4b:s1+s17], $0x28A0, $0x38;
	[tilespmem:$0x10E00] =	vst v63  }
0x5f: {  	_ =	swait.ge [sflag:s23], $0x28A0  }
0x60: {  	[sflag:s23] =	ssyncset.done $0x0  }
0x61: {  	s15 =	simm.s32 $0x28A0;
	s21 =	rddreg [dreg:$0x7];
	[sflag:s23] =	ssyncadd.s32 $0xFFFFD760  }
0x62: {  	[tilespmem:s15], [sflag:$0x1F] =	stream.linear.gather [hbm4b:s21+s17], $0x28A0, $0x38;
	[tilespmem:$0x10E00] =	vst v63  }
0x63: {  	_ =	swait.ge [sflag:s23], $0x28A0  }
0x64: {  	[sflag:s23] =	ssyncset.done $0x0  }
0x65: {  	s24 =	simm.s32 $0x5140;
	[sflag:s23] =	ssyncadd.s32 $0xFFFFD760  }
0x66: {  	[tilespmem:s24], [sflag:$0x1] =	stream.indirect.gather [hbm4b:s5+s16], $0x10, s17, s16, $0xb8;
	[tilespmem:$0x10E00] =	vst v63  }
0x67: {  	s28 =	simm.s32 $0x68;
	s30 =	simm.s32 $0x5780  }
0x68: {  	[tilespmem:s30], [sflag:$0x2] =	stream.indirect.gather [hbm4b:s5+s16], $0x10, s28, s16, $0xb8;
	[tilespmem:$0x10E00] =	vst v63  }
0x69: {  	s19 =	simm.s32 $0xD0;
	s20 =	simm.s32 $0x5DC0  }
0x6a: {  	[tilespmem:s20], [sflag:$0x3] =	stream.indirect.gather [hbm4b:s5+s16], $0x10, s19, s16, $0xb8;
	[tilespmem:$0x10E00] =	vst v63  }
0x6b: {  	s21 =	simm.s32 $0x138;
	s23 =	simm.s32 $0x6400  }
0x6c: {  	[tilespmem:s23], [sflag:$0x4] =	stream.indirect.gather [hbm4b:s5+s16], $0x10, s21, s16, $0xb8;
	[tilespmem:$0x10E00] =	vst v63  }
0x6d: {  	s24 =	simm.s32 $0x1A0  }
0x6e: {  	[tilespmem:s25], [sflag:$0x5] =	stream.indirect.gather [hbm4b:s5+s16], $0x10, s24, s16, $0xb8;
	[tilespmem:$0x10E00] =	vst v63  }
0x6f: {  	s28 =	simm.s32 $0x208;
	s30 =	simm.s32 $0x7080  }
0x70: {  	[tilespmem:s30], [sflag:$0x6] =	stream.indirect.gather [hbm4b:s5+s16], $0x10, s28, s16, $0xb8;
	[tilespmem:$0x10E00] =	vst v63  }
0x71: {  	s19 =	simm.s32 $0x270;
	s20 =	simm.s32 $0x76C0  }
0x72: {  	[tilespmem:s20], [sflag:$0x7] =	stream.indirect.gather [hbm4b:s5+s16], $0x10, s19, s16, $0xb8;
	[tilespmem:$0x10E00] =	vst v63  }
0x73: {  	s21 =	simm.s32 $0x2D8;
	s23 =	simm.s32 $0x7D00  }
0x74: {  	[tilespmem:s23], [sflag:$0x8] =	stream.indirect.gather [hbm4b:s5+s16], $0x10, s21, s16, $0xb8;
	[tilespmem:$0x10E00] =	vst v63  }
0x75: {  	s24 =	simm.s32 $0x340;
	s25 =	simm.s32 $0x8340  }
0x76: {  	[tilespmem:s25], [sflag:$0x9] =	stream.indirect.gather [hbm4b:s5+s16], $0x10, s24, s16, $0xb8;
	[tilespmem:$0x10E00] =	vst v63  }
0x77: {  	s28 =	simm.s32 $0x3A8;
	s30 =	simm.s32 $0x8980  }
0x78: {  	[tilespmem:s30], [sflag:$0xA] =	stream.indirect.gather [hbm4b:s5+s16], $0x10, s28, s16, $0xb8;
	[tilespmem:$0x10E00] =	vst v63  }
0x79: {  	s24 =	simm.s32 $0x6A40;
	[bflag:$0x0] =	sbarrier.arrive $0xFFFF  }
.LBB2_6:
0x7a: {  	s1 =	simm.s32 $0x1  }
0x7b: {  	_ =	swait.ge [sflag:s1], $0x640  }
0x7c: {  	s21 =	sshra.s32 s17, $0x2;
	[sflag:s1] =	ssyncset.done $0x0  }
0x7d: {  	s20 =	simm.s32 $0x5140;
	s28 =	sadd.s32 $0x28A0, s21;
	[sflag:s1] =	ssyncadd.s32 $0xFFFFF9C0  }
0x7e: {  	[spmem:s2] =	stream.indirect.scatter.add.f32 [tilespmem:s20], [sflag:$0xB], $0x10, s28, s16, $0xb8;
	[tilespmem:$0x10E00] =	vst v63  }
0x7f: {  	p0 =	seq.s32 s17, $0x0  }
0x80: {  	[spmem:s3] =	stream.indirect.scatter.add.f32 [tilespmem:s22], [sflag:$0x15], $0x10, s28, s16, $0xb8;
	[tilespmem:$0x10E00] =	vst v63  }
0x81: {  	s28 =	simm.s32 @p0 $0x2  }
0x82: {  	_ =	swait.ge @p0 [sflag:s28], $0x640  }
0x83: {  	s15 =	simm.s32 @p0 $0x64;
	s1 =	sshra.s32 @p0 s17, $0x2;
	[sflag:s28] =	ssyncset.done @p0 $0x0  }
0x84: {  	s30 =	simm.s32 @p0 $0x5780;
	[sflag:s28] =	ssyncadd.s32 @p0 $0xFFFFF9C0;
	s28 =	sadd.s32 @p0 $0x2908, s1  }
0x85: {  	[spmem:s2] =	stream.indirect.scatter.add.f32 @p0 [tilespmem:s30], [sflag:$0xC], $0x10, s28, s15, $0xb8;
	[tilespmem:$0x10E00] =	vst v63  }
0x86: {  	s19 =	simm.s32 @p0 $0xDFC0  }
0x87: {  	[spmem:s3] =	stream.indirect.scatter.add.f32 @p0 [tilespmem:s19], [sflag:$0x16], $0x10, s28, s15, $0xb8;
	[tilespmem:$0x10E00] =	vst v63  }
0x88: {  	s28 =	simm.s32 @!p0 $0x10  }
0x89: {  	_ =	swait.ge @!p0 [sflag:s28], $0x640  }
0x8a: {  	[sflag:s28] =	ssyncset.done @!p0 $0x0  }
0x8b: {  	[sflag:s28] =	ssyncadd.s32 @!p0 $0xFFFFF9C0;
	s28 =	simm.s32 @!p0 $0x1A  }
0x8c: {  	_ =	swait.ge @!p0 [sflag:s28], $0x640  }
0x8d: {  	[sflag:s28] =	ssyncset.done @!p0 $0x0  }
0x8e: {  	[sflag:s28] =	ssyncadd.s32 @!p0 $0xFFFFF9C0;
	s28 =	sshra.s32 @!p0 s17, $0x2  }
0x8f: {  	s20 =	simm.s32 @!p0 $0x7080;
	s30 =	simm.s32 @!p0 $0x64;
	s25 =	sadd.s32 @!p0 $0x208, s28  }
0x90: {  	[tilespmem:s20], [sflag:$0x6] =	stream.indirect.gather @!p0 [hbm4b:s5+s30], $0x10, s25, s30, $0xb8;
	[tilespmem:$0x10E00] =	vst v63  }
0x91: {  	s20 =	simm.s32 @!p0 $0x2  }
0x92: {  	_ =	swait.ge @!p0 [sflag:s20], $0x640  }
0x93: {  	[sflag:s20] =	ssyncset.done @!p0 $0x0  }
0x94: {  	s25 =	simm.s32 @!p0 $0x5780;
	[sflag:s20] =	ssyncadd.s32 @!p0 $0xFFFFF9C0;
	s20 =	sadd.s32 @!p0 $0x2908, s28  }
0x95: {  	[spmem:s2] =	stream.indirect.scatter.add.f32 @!p0 [tilespmem:s25], [sflag:$0xC], $0x10, s20, s30, $0xb8;
	[tilespmem:$0x10E00] =	vst v63  }
0x96: {  	s25 =	simm.s32 @!p0 $0xDFC0  }
0x97: {  	[spmem:s3] =	stream.indirect.scatter.add.f32 @!p0 [tilespmem:s25], [sflag:$0x16], $0x10, s20, s30, $0xb8;
	[tilespmem:$0x10E00] =	vst v63  }
0x98: {  	s20 =	simm.s32 @!p0 $0x11  }
0x99: {  	_ =	swait.ge @!p0 [sflag:s20], $0x640  }
0x9a: {  	[sflag:s20] =	ssyncset.done @!p0 $0x0  }
0x9b: {  	[sflag:s20] =	ssyncadd.s32 @!p0 $0xFFFFF9C0;
	s20 =	simm.s32 @!p0 $0x1B  }
0x9c: {  	_ =	swait.ge @!p0 [sflag:s20], $0x640  }
0x9d: {  	[sflag:s20] =	ssyncset.done @!p0 $0x0  }
0x9e: {  	s23 =	simm.s32 @!p0 $0x76C0;
	[sflag:s20] =	ssyncadd.s32 @!p0 $0xFFFFF9C0;
	s20 =	sadd.s32 @!p0 $0x270, s28  }
0x9f: {  	[tilespmem:s23], [sflag:$0x7] =	stream.indirect.gather @!p0 [hbm4b:s5+s30], $0x10, s20, s30, $0xb8;
	[tilespmem:$0x10E00] =	vst v63  }
0xa0: {  	s23 =	simm.s32 $0x3  }
0xa1: {  	_ =	swait.ge [sflag:s23], $0x640  }
0xa2: {  	[sflag:s23] =	ssyncset.done $0x0  }
0xa3: {  	s20 =	sadd.s32 $0x2970, s21;
	[sflag:s23] =	ssyncadd.s32 $0xFFFFF9C0;
	s23 =	simm.s32 $0x5DC0  }
0xa4: {  	[spmem:s2] =	stream.indirect.scatter.add.f32 [tilespmem:s23], [sflag:$0xD], $0x10, s20, s16, $0xb8;
	[tilespmem:$0x10E00] =	vst v63  }
0xa5: {  	_ = 	snop  }
0xa6: {  	[spmem:s3] =	stream.indirect.scatter.add.f32 [tilespmem:s22], [sflag:$0x17], $0x10, s20, s16, $0xb8;
	[tilespmem:$0x10E00] =	vst v63  }
0xa7: {  	s20 =	simm.s32 @p0 $0x4  }
0xa8: {  	_ =	swait.ge @p0 [sflag:s20], $0x640  }
0xa9: {  	[sflag:s20] =	ssyncset.done @p0 $0x0  }
0xaa: {  	s1 =	sadd.s32 @p0 $0x29D8, s1;
	[sflag:s20] =	ssyncadd.s32 @p0 $0xFFFFF9C0;
	s20 =	simm.s32 @p0 $0x6400  }
0xab: {  	[spmem:s2] =	stream.indirect.scatter.add.f32 @p0 [tilespmem:s20], [sflag:$0xE], $0x10, s1, s15, $0xb8;
	[tilespmem:$0x10E00] =	vst v63  }
0xac: {  	_ = 	snop  }
0xad: {  	[spmem:s3] =	stream.indirect.scatter.add.f32 @p0 [tilespmem:s19], [sflag:$0x18], $0x10, s1, s15, $0xb8;
	[tilespmem:$0x10E00] =	vst v63  }
0xae: {  	s1 =	simm.s32 @!p0 $0x12  }
0xaf: {  	_ =	swait.ge @!p0 [sflag:s1], $0x640  }
0xb0: {  	[sflag:s1] =	ssyncset.done @!p0 $0x0  }
0xb1: {  	[sflag:s1] =	ssyncadd.s32 @!p0 $0xFFFFF9C0;
	s1 =	simm.s32 @!p0 $0x1C  }
0xb2: {  	_ =	swait.ge @!p0 [sflag:s1], $0x640  }
0xb3: {  	[sflag:s1] =	ssyncset.done @!p0 $0x0  }
0xb4: {  	s15 =	simm.s32 @!p0 $0x7D00;
	[sflag:s1] =	ssyncadd.s32 @!p0 $0xFFFFF9C0;
	s1 =	sadd.s32 @!p0 $0x2D8, s28  }
0xb5: {  	[tilespmem:s15], [sflag:$0x8] =	stream.indirect.gather @!p0 [hbm4b:s5+s30], $0x10, s1, s30, $0xb8;
	[tilespmem:$0x10E00] =	vst v63  }
0xb6: {  	s1 =	simm.s32 @!p0 $0x4  }
0xb7: {  	_ =	swait.ge @!p0 [sflag:s1], $0x640  }
0xb8: {  	[sflag:s1] =	ssyncset.done @!p0 $0x0  }
0xb9: {  	s15 =	simm.s32 @!p0 $0x6400;
	[sflag:s1] =	ssyncadd.s32 @!p0 $0xFFFFF9C0;
	s1 =	sadd.s32 @!p0 $0x29D8, s28  }
0xba: {  	[spmem:s2] =	stream.indirect.scatter.add.f32 @!p0 [tilespmem:s15], [sflag:$0xE], $0x10, s1, s30, $0xb8;
	[tilespmem:$0x10E00] =	vst v63  }
0xbb: {  	_ = 	snop  }
0xbc: {  	[spmem:s3] =	stream.indirect.scatter.add.f32 @!p0 [tilespmem:s25], [sflag:$0x18], $0x10, s1, s30, $0xb8;
	[tilespmem:$0x10E00] =	vst v63  }
0xbd: {  	s1 =	simm.s32 @!p0 $0x13  }
0xbe: {  	_ =	swait.ge @!p0 [sflag:s1], $0x640  }
0xbf: {  	[sflag:s1] =	ssyncset.done @!p0 $0x0  }
0xc0: {  	[sflag:s1] =	ssyncadd.s32 @!p0 $0xFFFFF9C0;
	s1 =	simm.s32 @!p0 $0x1D  }
0xc1: {  	_ =	swait.ge @!p0 [sflag:s1], $0x640  }
0xc2: {  	s19 =	simm.s32 $0x5;
	[sflag:s1] =	ssyncset.done @!p0 $0x0  }
0xc3: {  	s15 =	simm.s32 @!p0 $0x8340;
	[sflag:s1] =	ssyncadd.s32 @!p0 $0xFFFFF9C0;
	s1 =	sadd.s32 @!p0 $0x340, s28  }
0xc4: {  	[tilespmem:s15], [sflag:$0x9] =	stream.indirect.gather @!p0 [hbm4b:s5+s30], $0x10, s1, s30, $0xb8;
	[tilespmem:$0x10E00] =	vst v63  }
0xc5: {  	_ =	swait.ge [sflag:s19], $0x640  }
0xc6: {  	[sflag:s19] =	ssyncset.done $0x0  }
0xc7: {  	s20 =	sadd.s32 $0x2A40, s21;
	[sflag:s19] =	ssyncadd.s32 $0xFFFFF9C0  }
0xc8: {  	[spmem:s2] =	stream.indirect.scatter.add.f32 [tilespmem:s24], [sflag:$0xF], $0x10, s20, s16, $0xb8;
	[tilespmem:$0x10E00] =	vst v63  }
0xc9: {  	s1 =	simm.s32 @!p0 $0x14  }
0xca: {  	[spmem:s3] =	stream.indirect.scatter.add.f32 [tilespmem:s22], [sflag:$0x19], $0x10, s20, s16, $0xb8;
	[tilespmem:$0x10E00] =	vst v63  }
0xcb: {  	_ =	swait.ge @!p0 [sflag:s1], $0x640  }
0xcc: {  	[sflag:s1] =	ssyncset.done @!p0 $0x0  }
0xcd: {  	[sflag:s1] =	ssyncadd.s32 @!p0 $0xFFFFF9C0;
	s1 =	simm.s32 @!p0 $0x1E  }
0xce: {  	_ =	swait.ge @!p0 [sflag:s1], $0x640  }
0xcf: {  	[sflag:s1] =	ssyncset.done @!p0 $0x0  }
0xd0: {  	s15 =	simm.s32 @!p0 $0x8980;
	[sflag:s1] =	ssyncadd.s32 @!p0 $0xFFFFF9C0;
	s1 =	sadd.s32 @!p0 $0x3A8, s28  }
0xd1: {  	[tilespmem:s15], [sflag:$0xA] =	stream.indirect.gather @!p0 [hbm4b:s5+s30], $0x10, s1, s30, $0xb8;
	[tilespmem:$0x10E00] =	vst v63  }
0xd2: {  	_ =	swait.ge [sflag:s26], $0x640  }
0xd3: {  	[sflag:s26] =	ssyncset.done $0x0  }
0xd4: {  	s23 =	sadd.s32 $0x2AA8, s21;
	s24 =	simm.s32 $0x7080;
	[sflag:s26] =	ssyncadd.s32 $0xFFFFF9C0  }
0xd5: {  	[spmem:s2] =	stream.indirect.scatter.add.f32 [tilespmem:s24], [sflag:$0x10], $0x10, s23, s16, $0xb8;
	[tilespmem:$0x10E00] =	vst v63  }
0xd6: {  	_ = 	snop  }
0xd7: {  	[spmem:s3] =	stream.indirect.scatter.add.f32 [tilespmem:s22], [sflag:$0x1A], $0x10, s23, s16, $0xb8;
	[tilespmem:$0x10E00] =	vst v63  }
0xd8: {  	_ =	swait.ge [sflag:s29], $0x640  }
0xd9: {  	[sflag:s29] =	ssyncset.done $0x0  }
0xda: {  	[sflag:s29] =	ssyncadd.s32 $0xFFFFF9C0  }
0xdb: {  	p0 =	seq.s32 s17, $0x9240;
	_ =	swait.ge [sflag:s31], $0x640  }
0xdc: {  	s1 =	sshra.s32 @!p0 s17, $0x2;
	s19 =	simm.s32 @!p0 $0x64;
	[sflag:s31] =	ssyncset.done $0x0  }
0xdd: {  	s20 =	simm.s32 @!p0 $0x5140;
	s15 =	sadd.s32 @!p0 $0x410, s1;
	[sflag:s31] =	ssyncadd.s32 $0xFFFFF9C0  }
0xde: {  	[tilespmem:s20], [sflag:$0x1] =	stream.indirect.gather @!p0 [hbm4b:s5+s19], $0x10, s15, s19, $0xb8;
	[tilespmem:$0x10E00] =	vst v63  }
0xdf: {  	_ =	swait.ge [sflag:s0], $0x640  }
0xe0: {  	[sflag:s0] =	ssyncset.done $0x0  }
0xe1: {  	s25 =	sadd.s32 $0x2B10, s21;
	s28 =	simm.s32 $0x76C0;
	[sflag:s0] =	ssyncadd.s32 $0xFFFFF9C0  }
0xe2: {  	[spmem:s2] =	stream.indirect.scatter.add.f32 [tilespmem:s28], [sflag:$0x11], $0x10, s25, s16, $0xb8;
	[tilespmem:$0x10E00] =	vst v63  }
0xe3: {  	_ = 	snop  }
0xe4: {  	[spmem:s3] =	stream.indirect.scatter.add.f32 [tilespmem:s22], [sflag:$0x1B], $0x10, s25, s16, $0xb8;
	[tilespmem:$0x10E00] =	vst v63  }
0xe5: {  	_ =	swait.ge [sflag:s18], $0x640  }
0xe6: {  	[sflag:s18] =	ssyncset.done $0x0  }
0xe7: {  	[sflag:s18] =	ssyncadd.s32 $0xFFFFF9C0  }
0xe8: {  	_ =	swait.ge [sflag:s4], $0x640  }
0xe9: {  	[sflag:s4] =	ssyncset.done $0x0  }
0xea: {  	s15 =	sadd.s32 @!p0 $0x478, s1;
	s20 =	simm.s32 @!p0 $0x5780;
	[sflag:s4] =	ssyncadd.s32 $0xFFFFF9C0  }
0xeb: {  	[tilespmem:s20], [sflag:$0x2] =	stream.indirect.gather @!p0 [hbm4b:s5+s19], $0x10, s15, s19, $0xb8;
	[tilespmem:$0x10E00] =	vst v63  }
0xec: {  	_ =	swait.ge [sflag:s8], $0x640  }
0xed: {  	[sflag:s8] =	ssyncset.done $0x0  }
0xee: {  	s30 =	sadd.s32 $0x2B78, s21;
	s23 =	simm.s32 $0x7D00;
	[sflag:s8] =	ssyncadd.s32 $0xFFFFF9C0  }
0xef: {  	[spmem:s2] =	stream.indirect.scatter.add.f32 [tilespmem:s23], [sflag:$0x12], $0x10, s30, s16, $0xb8;
	[tilespmem:$0x10E00] =	vst v63  }
0xf0: {  	_ = 	snop  }
0xf1: {  	[spmem:s3] =	stream.indirect.scatter.add.f32 [tilespmem:s22], [sflag:$0x1C], $0x10, s30, s16, $0xb8;
	[tilespmem:$0x10E00] =	vst v63  }
0xf2: {  	_ =	swait.ge [sflag:s9], $0x640  }
0xf3: {  	[sflag:s9] =	ssyncset.done $0x0  }
0xf4: {  	[sflag:s9] =	ssyncadd.s32 $0xFFFFF9C0  }
0xf5: {  	_ =	swait.ge [sflag:s10], $0x640  }
0xf6: {  	[sflag:s10] =	ssyncset.done $0x0  }
0xf7: {  	s15 =	sadd.s32 @!p0 $0x4E0, s1;
	s20 =	simm.s32 @!p0 $0x5DC0;
	[sflag:s10] =	ssyncadd.s32 $0xFFFFF9C0  }
0xf8: {  	[tilespmem:s20], [sflag:$0x3] =	stream.indirect.gather @!p0 [hbm4b:s5+s19], $0x10, s15, s19, $0xb8;
	[tilespmem:$0x10E00] =	vst v63  }
0xf9: {  	_ =	swait.ge [sflag:s11], $0x640  }
0xfa: {  	[sflag:s11] =	ssyncset.done $0x0  }
0xfb: {  	s24 =	sadd.s32 $0x2BE0, s21;
	s25 =	simm.s32 $0x8340;
	[sflag:s11] =	ssyncadd.s32 $0xFFFFF9C0  }
0xfc: {  	[spmem:s2] =	stream.indirect.scatter.add.f32 [tilespmem:s25], [sflag:$0x13], $0x10, s24, s16, $0xb8;
	[tilespmem:$0x10E00] =	vst v63  }
0xfd: {  	_ = 	snop  }
0xfe: {  	[spmem:s3] =	stream.indirect.scatter.add.f32 [tilespmem:s22], [sflag:$0x1D], $0x10, s24, s16, $0xb8;
	[tilespmem:$0x10E00] =	vst v63  }
0xff: {  	_ =	swait.ge [sflag:s12], $0x640  }
0x100: {  	[sflag:s12] =	ssyncset.done $0x0  }
0x101: {  	[sflag:s12] =	ssyncadd.s32 $0xFFFFF9C0  }
0x102: {  	_ =	swait.ge [sflag:s6], $0x640  }
0x103: {  	[sflag:s6] =	ssyncset.done $0x0  }
0x104: {  	s1 =	sadd.s32 @!p0 $0x548, s1;
	s15 =	simm.s32 @!p0 $0x6400;
	[sflag:s6] =	ssyncadd.s32 $0xFFFFF9C0  }
0x105: {  	[tilespmem:s15], [sflag:$0x4] =	stream.indirect.gather @!p0 [hbm4b:s5+s19], $0x10, s1, s19, $0xb8;
	[tilespmem:$0x10E00] =	vst v63  }
0x106: {  	_ =	swait.ge [sflag:s7], $0x640  }
0x107: {  	[sflag:s7] =	ssyncset.done $0x0  }
0x108: {  	s28 =	sadd.s32 $0x2C48, s21;
	s30 =	simm.s32 $0x8980;
	[sflag:s7] =	ssyncadd.s32 $0xFFFFF9C0  }
0x109: {  	[spmem:s2] =	stream.indirect.scatter.add.f32 [tilespmem:s30], [sflag:$0x14], $0x10, s28, s16, $0xb8;
	[tilespmem:$0x10E00] =	vst v63  }
0x10a: {  	_ = 	snop  }
0x10b: {  	[spmem:s3] =	stream.indirect.scatter.add.f32 [tilespmem:s22], [sflag:$0x1E], $0x10, s28, s16, $0xb8;
	[tilespmem:$0x10E00] =	vst v63  }
0x10c: {  	_ =	swait.ge [sflag:s13], $0x640  }
.Ltmp4:
0x10d: {  	[sflag:s13] =	ssyncset.done $0x0;
	(pc) =	sbr.rel @p0 .LBB2_8-.Ltmp4, $4  }
0x10e: {  	[sflag:s13] =	ssyncadd.s32 $0xFFFFF9C0  }
0x10f: {  	_ =	swait.ge [sflag:s14], $0x640  }
0x110: {  	[sflag:s14] =	ssyncset.done $0x0  }
0x111: {  	s25 =	simm.s32 $0x6A40;
	[sflag:s14] =	ssyncadd.s32 $0xFFFFF9C0  }
.Ltmp5:
0x112: {  	(pc) =	sbr.rel .LBB2_6-.Ltmp5, $3  }
0x113: {  	_ =	sdelay $0x1  }
0x114: {  	s1 =	sadd.s32 $0x5B0, s21;
	s17 =	sadd.s32 $0x1040, s17;
	s24 =	simm.s32 $0x6A40  }
0x115: {  	[tilespmem:s25], [sflag:$0x5] =	stream.indirect.gather [hbm4b:s5+s16], $0x10, s1, s16, $0xb8;
	[tilespmem:$0x10E00] =	vst v63  }
.LBB2_9:
0x116: {  	_ =	sfence.sel $0x180000  }
0x117: {  	[bflag:$0x0] =	sbarrier.arrive $0xFFFF  }
0x118: {  	_ =	strace $0x90000047  }
0x119: {  	s0 =	stileid.u32;
	[bflag:$0x2] =	sbarrier.arrive $0xFFFF  }
0x11a: {  	p0 =	sne.s32 s0, $0x0;
	s0 =	rddreg [dreg:$0x3]  }
0x11b: {  	s0 =	sadd.s32 @!p0 $0x100000, s0  }
0x11c: {  	[sflag:s0] =	ssyncadd.tile.s32 @!p0 $0x1;
	_ =	shalt  }
.Lfunc_end2:
_tile_overlayer_lowered:
.L_overlay_start_2:
0x11d: {  	(tag) =	ssettag $0x2  }
0x11e: {  	s0 =	rddreg [dreg:$0x0];
	s2 =	stileid.u32  }
0x11f: {  	s1 =	rddreg [dreg:$0x1];
	p0 =	sne.s32 s2, $0x0  }
0x120: {  	s3 =	rddreg [dreg:$0x2];
	[bflag:$0x3] =	sbarrier.arrive $0xFFFF;
	s2 =	simm.s32 @!p0 $0x1C1F  }
0x121: {  	[timem:s3], [sflag:s2] =	dma.local @!p0 [hbm:s0], s1  }
0x122: {  	s0 =	simm.s32 @!p0 $0x1F  }
0x123: {  	_ =	swait.ge @!p0 [sflag:s0], s1  }
0x124: {  	s1 =	ssub.s32 @!p0 $0x0, s1;
	[sflag:s0] =	ssyncset.done @!p0 $0x0  }
0x125: {  	[sflag:s0] =	ssyncadd.s32 @!p0 s1  }
0x126: {  	[bflag:$0x3] =	sbarrier.arrive $0xFFFF  }
0x127: {  	_ =	shalt  }

</sc_bundles>
